<compile_context>
chip_gen: v7x
topology: tpu7x:2x2x1
jax: 0.10.2.dev20260603
libtpu: 0.0.44.dev20260713+nightly
codegen_flags: <defaults>
</compile_context>

<pallas_src>
import functools

import jax
import jax.numpy as jnp
from jax import lax
from jax.experimental import pallas as pl
from jax.experimental.pallas import tpu as pltpu
from jax.experimental.pallas import tpu_sc as plsc

EMBED_DIM = 64
LANES = 16
NUM_CORES = 2
NUM_SUBCORES = 16
NUM_WORKERS = NUM_CORES * NUM_SUBCORES
WIN = 128
RING = 8
GRP = 16


def _rsqrt_newton(x):
    i = lax.bitcast_convert_type(x, jnp.int32)
    i = jnp.int32(0x5F3759DF) - lax.shift_right_logical(i, 1)
    y = lax.bitcast_convert_type(i, jnp.float32)
    for _ in range(3):
        y = y * (jnp.float32(1.5) - jnp.float32(0.5) * x * y * y)
    return y


def kernel(nodes, table):
    batch = nodes.shape[0]
    n_nodes = table.shape[0]
    b_per_w = batch // NUM_WORKERS
    table_t = table.T
    tail_lo = (n_nodes // WIN) * WIN
    tail_n = n_nodes - tail_lo
    tail_t = table_t[:, tail_lo:]

    mesh = plsc.VectorSubcoreMesh(core_axis_name="c", subcore_axis_name="s")

    @functools.partial(
        pl.kernel,
        mesh=mesh,
        out_type=jax.ShapeDtypeStruct((EMBED_DIM, batch), jnp.float32),
        scratch_types=[
            pltpu.VMEM((b_per_w + 2 * GRP,), jnp.int32),
            pltpu.VMEM((RING, EMBED_DIM, WIN), jnp.float32),
            pltpu.VMEM((EMBED_DIM, tail_n), jnp.float32),
            pltpu.VMEM((EMBED_DIM, b_per_w), jnp.float32),
            pltpu.SemaphoreType.DMA((RING,)),
        ],
        compiler_params=pltpu.CompilerParams(
            needs_layout_passes=False, use_tc_tiling_on_sc=True
        ),
    )
    def sc_kernel(
        nodes_hbm, table_hbm, tail_hbm, out_hbm, idx_vm, win_v, tail_v,
        cols_v, ring_sem,
    ):
        wid = lax.axis_index("s") * NUM_CORES + lax.axis_index("c")
        base = wid * b_per_w
        pltpu.sync_copy(nodes_hbm.at[pl.ds(base, b_per_w)],
                        idx_vm.at[pl.ds(0, b_per_w)])
        pltpu.sync_copy(tail_hbm, tail_v)

        lane = lax.iota(jnp.int32, LANES)

        def win_copy(n, slot):
            nc = jnp.minimum(n, jnp.int32(tail_lo - 1))
            w0 = (nc // WIN) * WIN
            return pltpu.async_copy(
                table_hbm.at[:, pl.ds(w0, WIN)], win_v.at[slot],
                ring_sem.at[slot],
            )

        head0 = idx_vm[pl.ds(0, LANES)]
        for j in range(RING):
            win_copy(head0[j], j)

        def pick_body(g, carry):
            vec = idx_vm[pl.ds(g * GRP, LANES)]
            nxt = idx_vm[pl.ds((g + 1) * GRP, LANES)]
            for j in range(GRP):
                n = vec[j]
                i = g * GRP + j
                slot = j % RING
                pltpu.make_async_copy(
                    table_hbm.at[:, pl.ds(0, WIN)], win_v.at[slot],
                    ring_sem.at[slot],
                ).wait()
                col = lax.broadcast(lax.rem(n, jnp.int32(WIN)), (LANES,))
                ivec = lax.broadcast(i, (LANES,))
                for k in range(EMBED_DIM // LANES):
                    d_idx = lane + k * LANES
                    v = plsc.load_gather(win_v.at[slot], [d_idx, col])
                    plsc.store_scatter(cols_v, [d_idx, ivec], v)

                @pl.when(n >= tail_lo)
                def _():
                    tcol = lax.broadcast(n - jnp.int32(tail_lo), (LANES,))
                    for k in range(EMBED_DIM // LANES):
                        d_idx = lane + k * LANES
                        v = plsc.load_gather(tail_v, [d_idx, tcol])
                        plsc.store_scatter(cols_v, [d_idx, ivec], v)

                n_pf = vec[j + RING] if j + RING < GRP else nxt[j + RING - GRP]

                @pl.when(i + RING < b_per_w)
                def _():
                    win_copy(n_pf, slot)

            return carry

        lax.fori_loop(0, b_per_w // GRP, pick_body, 0)

        def group_body(g, carry):
            sl = pl.ds(g * LANES, LANES)
            acc = jnp.zeros((LANES,), jnp.float32)
            for d in range(EMBED_DIM):
                v = cols_v[d, sl]
                acc = acc + v * v
            inv = _rsqrt_newton(jnp.maximum(acc, jnp.float32(1e-24)))
            for d in range(EMBED_DIM):
                cols_v[d, sl] = cols_v[d, sl] * inv
            return carry

        lax.fori_loop(0, b_per_w // LANES, group_body, 0)
        pltpu.sync_copy(cols_v, out_hbm.at[:, pl.ds(base, b_per_w)])

    out_t = sc_kernel(nodes, table_t, tail_t)
    return out_t.T

# --- scband reference (transcript-rebuilt; emitter-appended) ---
"""Pipeline reference for scband-pale-embedding-10780367913258 (READ-ONLY COPY).

The authoritative reference and input builder live on the scoring server;
editing this copy changes nothing except your own understanding.
"""

import jax, jax.numpy as jnp
import numpy as np

N_NODES = 1000000
EMBED_DIM = 64
BATCH = 16384


def setup_inputs(seed: int = 0) -> dict:
    key = jax.random.key(seed)
    k1, k2 = jax.random.split(key)
    nodes = jax.random.randint(k1, (BATCH,), 0, N_NODES, dtype=jnp.int32)
    # learned parameter: embedding table (nn.Embedding default init ~ N(0,1))
    table = jax.random.normal(k2, (N_NODES, EMBED_DIM), dtype=jnp.float32)
    return {"nodes": nodes, "table": table}


def reference(nodes, table):
    # node_output = self.node_embedding(nodes)
    node_output = jnp.take(table, nodes, axis=0)
    # F.normalize(node_output, dim=1): x / max(||x||_2, eps), eps=1e-12
    norm = jnp.linalg.norm(node_output, axis=1, keepdims=True)
    node_output = node_output / jnp.maximum(norm, 1e-12)
    return node_output

if __name__ == "__main__":
    import jax
    _d = setup_inputs()
    print(jax.jit(kernel)(*tuple(_d.values())))

</pallas_src>

<mosaic_0001>
#map = affine_map<(d0, d1) -> (0)>
#map1 = affine_map<(d0, d1) -> (0, 0)>
module attributes {stable_mosaic.version = 14 : i64} {
  func.func @sc_kernel(%arg0: i32, %arg1: i32, %arg2: memref<16384xi32, #tpu.memory_space<hbm>>, %arg3: memref<64x1000000xf32, #tpu.memory_space<hbm>>, %arg4: memref<64x64xf32, #tpu.memory_space<hbm>>, %arg5: memref<64x16384xf32, #tpu.memory_space<hbm>>, %arg6: memref<544xi32, #tpu.memory_space<vmem>>, %arg7: memref<8x64x128xf32, #tpu.memory_space<vmem>>, %arg8: memref<64x64xf32, #tpu.memory_space<vmem>>, %arg9: memref<64x512xf32, #tpu.memory_space<vmem>>, %arg10: memref<8x!tpu.dma_semaphore, #tpu.memory_space<semaphore_mem>>) attributes {dimension_semantics = [#tpu.dimension_semantics<core_parallel>, #tpu.dimension_semantics<subcore_parallel>], iteration_bounds = array<i64: 2, 16>, scalar_prefetch = 0 : i64, scratch_operands = 5 : i64, tpu.core_type = #tpu.core_type<sc_vector_subcore>, window_params = [{transform_indices = #map}, {transform_indices = #map1}, {transform_indices = #map1}, {transform_indices = #map1}]} {
    %mul3A = arith.constant 2 : i32
    %mul3A_0 = arith.muli %arg1, %mul3A : i32
    %add3A = arith.addi %mul3A_0, %arg0 : i32
    %mul3A_1 = arith.constant 512 : i32
    %mul3A_2 = arith.muli %add3A, %mul3A_1 : i32
    "tpu.region"() ({
      %run_scoped3A = tpu.sem_alloc : memref<!tpu.dma_semaphore, #tpu.memory_space<semaphore_mem>>
      %dma_start3A_371 = arith.constant 0 : i32
      %dma_start3A_372 = tpu.memref_slice %arg6[%dma_start3A_371] : memref<544xi32, #tpu.memory_space<vmem>> -> memref<512xi32, #tpu.memory_space<vmem>>
      %dma_start3A_373 = tpu.memref_slice %arg2[%mul3A_2] : memref<16384xi32, #tpu.memory_space<hbm>> -> memref<512xi32, #tpu.memory_space<hbm>>
      %dma_start3A_374 = arith.constant 0 : i32
      %dma_start3A_375 = tpu.memref_slice %arg6[%dma_start3A_374] : memref<544xi32, #tpu.memory_space<vmem>> -> memref<512xi32, #tpu.memory_space<vmem>>
      %dma_start3A_376 = tpu.memref_slice %arg2[%mul3A_2] : memref<16384xi32, #tpu.memory_space<hbm>> -> memref<512xi32, #tpu.memory_space<hbm>>
      tpu.enqueue_dma source(%dma_start3A_376 : memref<512xi32, #tpu.memory_space<hbm>>) target(%dma_start3A_375 : memref<512xi32, #tpu.memory_space<vmem>>) target_semaphore(%run_scoped3A : memref<!tpu.dma_semaphore, #tpu.memory_space<semaphore_mem>>)
      %dma_wait3A = arith.constant 0 : i32
      %dma_wait3A_377 = tpu.memref_slice %arg6[%dma_wait3A] : memref<544xi32, #tpu.memory_space<vmem>> -> memref<512xi32, #tpu.memory_space<vmem>>
      %dma_wait3A_378 = tpu.memref_slice %arg2[%mul3A_2] : memref<16384xi32, #tpu.memory_space<hbm>> -> memref<512xi32, #tpu.memory_space<hbm>>
      %dma_wait3A_379 = arith.constant 0 : i32
      %dma_wait3A_380 = tpu.memref_slice %arg6[%dma_wait3A_379] : memref<544xi32, #tpu.memory_space<vmem>> -> memref<512xi32, #tpu.memory_space<vmem>>
      %dma_wait3A_381 = tpu.memref_slice %arg2[%mul3A_2] : memref<16384xi32, #tpu.memory_space<hbm>> -> memref<512xi32, #tpu.memory_space<hbm>>
      tpu.wait_dma2 semaphore(%run_scoped3A : memref<!tpu.dma_semaphore, #tpu.memory_space<semaphore_mem>>) src(%dma_wait3A_381 : memref<512xi32, #tpu.memory_space<hbm>>) dst(%dma_wait3A_380 : memref<512xi32, #tpu.memory_space<vmem>>)
      tpu.yield
    }) : () -> ()
    "tpu.region"() ({
      %run_scoped3A = tpu.sem_alloc : memref<!tpu.dma_semaphore, #tpu.memory_space<semaphore_mem>>
      tpu.enqueue_dma source(%arg4 : memref<64x64xf32, #tpu.memory_space<hbm>>) target(%arg8 : memref<64x64xf32, #tpu.memory_space<vmem>>) target_semaphore(%run_scoped3A : memref<!tpu.dma_semaphore, #tpu.memory_space<semaphore_mem>>)
      tpu.wait_dma2 semaphore(%run_scoped3A : memref<!tpu.dma_semaphore, #tpu.memory_space<semaphore_mem>>) src(%arg4 : memref<64x64xf32, #tpu.memory_space<hbm>>) dst(%arg8 : memref<64x64xf32, #tpu.memory_space<vmem>>)
      tpu.yield
    }) : () -> ()
    %iota3A = tpu.iota {dimensions = array<i32: 0>} : vector<16xi32>
    %get3A = arith.constant 0 : index
    %get3A_3 = tpu.vector_load %arg6[%get3A] {strides = array<i32>} : memref<544xi32, #tpu.memory_space<vmem>>, vector<16xi32>,
    %slice3A = vector.extract_strided_slice %get3A_3 {offsets = [0], sizes = [1], strides = [1]} : vector<16xi32> to vector<1xi32>
    %squeeze3A = vector.extract %slice3A[0] : i32 from vector<1xi32>
    %min3A = arith.constant 999935 : i32
    %min3A_4 = arith.minsi %squeeze3A, %min3A : i32
    %jit3A = arith.constant 128 : i32
    %div3A = arith.divsi %min3A_4, %jit3A : i32
    %sign3A = arith.constant 0 : i32
    %sign3A_5 = arith.cmpi sgt, %min3A_4, %sign3A : i32
    %sign3A_6 = arith.extui %sign3A_5 : i1 to i32
    %sign3A_7 = arith.constant 0 : i32
    %sign3A_8 = arith.cmpi slt, %min3A_4, %sign3A_7 : i32
    %sign3A_9 = arith.extui %sign3A_8 : i1 to i32
    %sign3A_10 = arith.subi %sign3A_6, %sign3A_9 : i32
    %sign3A_11 = arith.constant 0 : i32
    %sign3A_12 = arith.cmpi sgt, %jit3A, %sign3A_11 : i32
    %sign3A_13 = arith.extui %sign3A_12 : i1 to i32
    %sign3A_14 = arith.constant 0 : i32
    %sign3A_15 = arith.cmpi slt, %jit3A, %sign3A_14 : i32
    %sign3A_16 = arith.extui %sign3A_15 : i1 to i32
    %sign3A_17 = arith.subi %sign3A_13, %sign3A_16 : i32
    %ne3A = arith.cmpi ne, %sign3A_10, %sign3A_17 : i32
    %rem3A = arith.remsi %min3A_4, %jit3A : i32
    %ne3A_18 = arith.constant 0 : i32
    %ne3A_19 = arith.cmpi ne, %rem3A, %ne3A_18 : i32
    %and3A = arith.andi %ne3A, %ne3A_19 : i1
    %sub3A = arith.constant 1 : i32
    %sub3A_20 = arith.subi %div3A, %sub3A : i32
    %select_n3A = arith.select %and3A, %sub3A_20, %div3A : i32
    %mul3A_21 = arith.constant 128 : i32
    %mul3A_22 = arith.muli %select_n3A, %mul3A_21 : i32
    %dma_start3A = arith.constant 0 : i32
    %dma_start3A_23 = arith.constant 0 : i32
    %dma_start3A_24 = arith.constant 0 : i32
    %dma_start3A_25 = arith.constant 0 : i32
    %dma_start3A_26 = tpu.memref_slice %arg7[%dma_start3A, %dma_start3A_24, %dma_start3A_25] : memref<8x64x128xf32, #tpu.memory_space<vmem>> -> memref<1x64x128xf32, #tpu.memory_space<vmem>>
    %dma_start3A_27 = tpu.memref_squeeze %dma_start3A_26 : memref<1x64x128xf32, #tpu.memory_space<vmem>> -> memref<64x128xf32, #tpu.memory_space<vmem>>
    %dma_start3A_28 = arith.constant 0 : i32
    %dma_start3A_29 = tpu.memref_slice %arg3[%dma_start3A_28, %mul3A_22] : memref<64x1000000xf32, #tpu.memory_space<hbm>> -> memref<64x128xf32, #tpu.memory_space<hbm>>
    %dma_start3A_30 = tpu.memref_slice %arg10[%dma_start3A_23] : memref<8x!tpu.dma_semaphore, #tpu.memory_space<semaphore_mem>> -> memref<1x!tpu.dma_semaphore, #tpu.memory_space<semaphore_mem>>
    %dma_start3A_31 = tpu.memref_squeeze %dma_start3A_30 : memref<1x!tpu.dma_semaphore, #tpu.memory_space<semaphore_mem>> -> memref<!tpu.dma_semaphore, #tpu.memory_space<semaphore_mem>>
    %dma_start3A_32 = arith.constant 0 : i32
    %dma_start3A_33 = arith.constant 0 : i32
    %dma_start3A_34 = tpu.memref_slice %arg7[%dma_start3A, %dma_start3A_32, %dma_start3A_33] : memref<8x64x128xf32, #tpu.memory_space<vmem>> -> memref<1x64x128xf32, #tpu.memory_space<vmem>>
    %dma_start3A_35 = tpu.memref_squeeze %dma_start3A_34 : memref<1x64x128xf32, #tpu.memory_space<vmem>> -> memref<64x128xf32, #tpu.memory_space<vmem>>
    %dma_start3A_36 = arith.constant 0 : i32
    %dma_start3A_37 = tpu.memref_slice %arg3[%dma_start3A_36, %mul3A_22] : memref<64x1000000xf32, #tpu.memory_space<hbm>> -> memref<64x128xf32, #tpu.memory_space<hbm>>
    tpu.enqueue_dma source(%dma_start3A_37 : memref<64x128xf32, #tpu.memory_space<hbm>>) target(%dma_start3A_35 : memref<64x128xf32, #tpu.memory_space<vmem>>) target_semaphore(%dma_start3A_31 : memref<!tpu.dma_semaphore, #tpu.memory_space<semaphore_mem>>)
    %slice3A_38 = vector.extract_strided_slice %get3A_3 {offsets = [1], sizes = [1], strides = [1]} : vector<16xi32> to vector<1xi32>
    %squeeze3A_39 = vector.extract %slice3A_38[0] : i32 from vector<1xi32>
    %min3A_40 = arith.constant 999935 : i32
    %min3A_41 = arith.minsi %squeeze3A_39, %min3A_40 : i32
    %jit3A_42 = arith.constant 128 : i32
    %div3A_43 = arith.divsi %min3A_41, %jit3A_42 : i32
    %sign3A_44 = arith.constant 0 : i32
    %sign3A_45 = arith.cmpi sgt, %min3A_41, %sign3A_44 : i32
    %sign3A_46 = arith.extui %sign3A_45 : i1 to i32
    %sign3A_47 = arith.constant 0 : i32
    %sign3A_48 = arith.cmpi slt, %min3A_41, %sign3A_47 : i32
    %sign3A_49 = arith.extui %sign3A_48 : i1 to i32
    %sign3A_50 = arith.subi %sign3A_46, %sign3A_49 : i32
    %sign3A_51 = arith.constant 0 : i32
    %sign3A_52 = arith.cmpi sgt, %jit3A_42, %sign3A_51 : i32
    %sign3A_53 = arith.extui %sign3A_52 : i1 to i32
    %sign3A_54 = arith.constant 0 : i32
    %sign3A_55 = arith.cmpi slt, %jit3A_42, %sign3A_54 : i32
    %sign3A_56 = arith.extui %sign3A_55 : i1 to i32
    %sign3A_57 = arith.subi %sign3A_53, %sign3A_56 : i32
    %ne3A_58 = arith.cmpi ne, %sign3A_50, %sign3A_57 : i32
    %rem3A_59 = arith.remsi %min3A_41, %jit3A_42 : i32
    %ne3A_60 = arith.constant 0 : i32
    %ne3A_61 = arith.cmpi ne, %rem3A_59, %ne3A_60 : i32
    %and3A_62 = arith.andi %ne3A_58, %ne3A_61 : i1
    %sub3A_63 = arith.constant 1 : i32
    %sub3A_64 = arith.subi %div3A_43, %sub3A_63 : i32
    %select_n3A_65 = arith.select %and3A_62, %sub3A_64, %div3A_43 : i32
    %mul3A_66 = arith.constant 128 : i32
    %mul3A_67 = arith.muli %select_n3A_65, %mul3A_66 : i32
    %dma_start3A_68 = arith.constant 1 : i32
    %dma_start3A_69 = arith.constant 1 : i32
    %dma_start3A_70 = arith.constant 0 : i32
    %dma_start3A_71 = arith.constant 0 : i32
    %dma_start3A_72 = tpu.memref_slice %arg7[%dma_start3A_68, %dma_start3A_70, %dma_start3A_71] : memref<8x64x128xf32, #tpu.memory_space<vmem>> -> memref<1x64x128xf32, #tpu.memory_space<vmem>>
    %dma_start3A_73 = tpu.memref_squeeze %dma_start3A_72 : memref<1x64x128xf32, #tpu.memory_space<vmem>> -> memref<64x128xf32, #tpu.memory_space<vmem>>
    %dma_start3A_74 = arith.constant 0 : i32
    %dma_start3A_75 = tpu.memref_slice %arg3[%dma_start3A_74, %mul3A_67] : memref<64x1000000xf32, #tpu.memory_space<hbm>> -> memref<64x128xf32, #tpu.memory_space<hbm>>
    %dma_start3A_76 = tpu.memref_slice %arg10[%dma_start3A_69] : memref<8x!tpu.dma_semaphore, #tpu.memory_space<semaphore_mem>> -> memref<1x!tpu.dma_semaphore, #tpu.memory_space<semaphore_mem>>
    %dma_start3A_77 = tpu.memref_squeeze %dma_start3A_76 : memref<1x!tpu.dma_semaphore, #tpu.memory_space<semaphore_mem>> -> memref<!tpu.dma_semaphore, #tpu.memory_space<semaphore_mem>>
    %dma_start3A_78 = arith.constant 0 : i32
    %dma_start3A_79 = arith.constant 0 : i32
    %dma_start3A_80 = tpu.memref_slice %arg7[%dma_start3A_68, %dma_start3A_78, %dma_start3A_79] : memref<8x64x128xf32, #tpu.memory_space<vmem>> -> memref<1x64x128xf32, #tpu.memory_space<vmem>>
    %dma_start3A_81 = tpu.memref_squeeze %dma_start3A_80 : memref<1x64x128xf32, #tpu.memory_space<vmem>> -> memref<64x128xf32, #tpu.memory_space<vmem>>
    %dma_start3A_82 = arith.constant 0 : i32
    %dma_start3A_83 = tpu.memref_slice %arg3[%dma_start3A_82, %mul3A_67] : memref<64x1000000xf32, #tpu.memory_space<hbm>> -> memref<64x128xf32, #tpu.memory_space<hbm>>
    tpu.enqueue_dma source(%dma_start3A_83 : memref<64x128xf32, #tpu.memory_space<hbm>>) target(%dma_start3A_81 : memref<64x128xf32, #tpu.memory_space<vmem>>) target_semaphore(%dma_start3A_77 : memref<!tpu.dma_semaphore, #tpu.memory_space<semaphore_mem>>)
    %slice3A_84 = vector.extract_strided_slice %get3A_3 {offsets = [2], sizes = [1], strides = [1]} : vector<16xi32> to vector<1xi32>
    %squeeze3A_85 = vector.extract %slice3A_84[0] : i32 from vector<1xi32>
    %min3A_86 = arith.constant 999935 : i32
    %min3A_87 = arith.minsi %squeeze3A_85, %min3A_86 : i32
    %jit3A_88 = arith.constant 128 : i32
    %div3A_89 = arith.divsi %min3A_87, %jit3A_88 : i32
    %sign3A_90 = arith.constant 0 : i32
    %sign3A_91 = arith.cmpi sgt, %min3A_87, %sign3A_90 : i32
    %sign3A_92 = arith.extui %sign3A_91 : i1 to i32
    %sign3A_93 = arith.constant 0 : i32
    %sign3A_94 = arith.cmpi slt, %min3A_87, %sign3A_93 : i32
    %sign3A_95 = arith.extui %sign3A_94 : i1 to i32
    %sign3A_96 = arith.subi %sign3A_92, %sign3A_95 : i32
    %sign3A_97 = arith.constant 0 : i32
    %sign3A_98 = arith.cmpi sgt, %jit3A_88, %sign3A_97 : i32
    %sign3A_99 = arith.extui %sign3A_98 : i1 to i32
    %sign3A_100 = arith.constant 0 : i32
    %sign3A_101 = arith.cmpi slt, %jit3A_88, %sign3A_100 : i32
    %sign3A_102 = arith.extui %sign3A_101 : i1 to i32
    %sign3A_103 = arith.subi %sign3A_99, %sign3A_102 : i32
    %ne3A_104 = arith.cmpi ne, %sign3A_96, %sign3A_103 : i32
    %rem3A_105 = arith.remsi %min3A_87, %jit3A_88 : i32
    %ne3A_106 = arith.constant 0 : i32
    %ne3A_107 = arith.cmpi ne, %rem3A_105, %ne3A_106 : i32
    %and3A_108 = arith.andi %ne3A_104, %ne3A_107 : i1
    %sub3A_109 = arith.constant 1 : i32
    %sub3A_110 = arith.subi %div3A_89, %sub3A_109 : i32
    %select_n3A_111 = arith.select %and3A_108, %sub3A_110, %div3A_89 : i32
    %mul3A_112 = arith.constant 128 : i32
    %mul3A_113 = arith.muli %select_n3A_111, %mul3A_112 : i32
    %dma_start3A_114 = arith.constant 2 : i32
    %dma_start3A_115 = arith.constant 2 : i32
    %dma_start3A_116 = arith.constant 0 : i32
    %dma_start3A_117 = arith.constant 0 : i32
    %dma_start3A_118 = tpu.memref_slice %arg7[%dma_start3A_114, %dma_start3A_116, %dma_start3A_117] : memref<8x64x128xf32, #tpu.memory_space<vmem>> -> memref<1x64x128xf32, #tpu.memory_space<vmem>>
    %dma_start3A_119 = tpu.memref_squeeze %dma_start3A_118 : memref<1x64x128xf32, #tpu.memory_space<vmem>> -> memref<64x128xf32, #tpu.memory_space<vmem>>
    %dma_start3A_120 = arith.constant 0 : i32
    %dma_start3A_121 = tpu.memref_slice %arg3[%dma_start3A_120, %mul3A_113] : memref<64x1000000xf32, #tpu.memory_space<hbm>> -> memref<64x128xf32, #tpu.memory_space<hbm>>
    %dma_start3A_122 = tpu.memref_slice %arg10[%dma_start3A_115] : memref<8x!tpu.dma_semaphore, #tpu.memory_space<semaphore_mem>> -> memref<1x!tpu.dma_semaphore, #tpu.memory_space<semaphore_mem>>
    %dma_start3A_123 = tpu.memref_squeeze %dma_start3A_122 : memref<1x!tpu.dma_semaphore, #tpu.memory_space<semaphore_mem>> -> memref<!tpu.dma_semaphore, #tpu.memory_space<semaphore_mem>>
    %dma_start3A_124 = arith.constant 0 : i32
    %dma_start3A_125 = arith.constant 0 : i32
    %dma_start3A_126 = tpu.memref_slice %arg7[%dma_start3A_114, %dma_start3A_124, %dma_start3A_125] : memref<8x64x128xf32, #tpu.memory_space<vmem>> -> memref<1x64x128xf32, #tpu.memory_space<vmem>>
    %dma_start3A_127 = tpu.memref_squeeze %dma_start3A_126 : memref<1x64x128xf32, #tpu.memory_space<vmem>> -> memref<64x128xf32, #tpu.memory_space<vmem>>
    %dma_start3A_128 = arith.constant 0 : i32
    %dma_start3A_129 = tpu.memref_slice %arg3[%dma_start3A_128, %mul3A_113] : memref<64x1000000xf32, #tpu.memory_space<hbm>> -> memref<64x128xf32, #tpu.memory_space<hbm>>
    tpu.enqueue_dma source(%dma_start3A_129 : memref<64x128xf32, #tpu.memory_space<hbm>>) target(%dma_start3A_127 : memref<64x128xf32, #tpu.memory_space<vmem>>) target_semaphore(%dma_start3A_123 : memref<!tpu.dma_semaphore, #tpu.memory_space<semaphore_mem>>)
    %slice3A_130 = vector.extract_strided_slice %get3A_3 {offsets = [3], sizes = [1], strides = [1]} : vector<16xi32> to vector<1xi32>
    %squeeze3A_131 = vector.extract %slice3A_130[0] : i32 from vector<1xi32>
    %min3A_132 = arith.constant 999935 : i32
    %min3A_133 = arith.minsi %squeeze3A_131, %min3A_132 : i32
    %jit3A_134 = arith.constant 128 : i32
    %div3A_135 = arith.divsi %min3A_133, %jit3A_134 : i32
    %sign3A_136 = arith.constant 0 : i32
    %sign3A_137 = arith.cmpi sgt, %min3A_133, %sign3A_136 : i32
    %sign3A_138 = arith.extui %sign3A_137 : i1 to i32
    %sign3A_139 = arith.constant 0 : i32
    %sign3A_140 = arith.cmpi slt, %min3A_133, %sign3A_139 : i32
    %sign3A_141 = arith.extui %sign3A_140 : i1 to i32
    %sign3A_142 = arith.subi %sign3A_138, %sign3A_141 : i32
    %sign3A_143 = arith.constant 0 : i32
    %sign3A_144 = arith.cmpi sgt, %jit3A_134, %sign3A_143 : i32
    %sign3A_145 = arith.extui %sign3A_144 : i1 to i32
    %sign3A_146 = arith.constant 0 : i32
    %sign3A_147 = arith.cmpi slt, %jit3A_134, %sign3A_146 : i32
    %sign3A_148 = arith.extui %sign3A_147 : i1 to i32
    %sign3A_149 = arith.subi %sign3A_145, %sign3A_148 : i32
    %ne3A_150 = arith.cmpi ne, %sign3A_142, %sign3A_149 : i32
    %rem3A_151 = arith.remsi %min3A_133, %jit3A_134 : i32
    %ne3A_152 = arith.constant 0 : i32
    %ne3A_153 = arith.cmpi ne, %rem3A_151, %ne3A_152 : i32
    %and3A_154 = arith.andi %ne3A_150, %ne3A_153 : i1
    %sub3A_155 = arith.constant 1 : i32
    %sub3A_156 = arith.subi %div3A_135, %sub3A_155 : i32
    %select_n3A_157 = arith.select %and3A_154, %sub3A_156, %div3A_135 : i32
    %mul3A_158 = arith.constant 128 : i32
    %mul3A_159 = arith.muli %select_n3A_157, %mul3A_158 : i32
    %dma_start3A_160 = arith.constant 3 : i32
    %dma_start3A_161 = arith.constant 3 : i32
    %dma_start3A_162 = arith.constant 0 : i32
    %dma_start3A_163 = arith.constant 0 : i32
    %dma_start3A_164 = tpu.memref_slice %arg7[%dma_start3A_160, %dma_start3A_162, %dma_start3A_163] : memref<8x64x128xf32, #tpu.memory_space<vmem>> -> memref<1x64x128xf32, #tpu.memory_space<vmem>>
    %dma_start3A_165 = tpu.memref_squeeze %dma_start3A_164 : memref<1x64x128xf32, #tpu.memory_space<vmem>> -> memref<64x128xf32, #tpu.memory_space<vmem>>
    %dma_start3A_166 = arith.constant 0 : i32
    %dma_start3A_167 = tpu.memref_slice %arg3[%dma_start3A_166, %mul3A_159] : memref<64x1000000xf32, #tpu.memory_space<hbm>> -> memref<64x128xf32, #tpu.memory_space<hbm>>
    %dma_start3A_168 = tpu.memref_slice %arg10[%dma_start3A_161] : memref<8x!tpu.dma_semaphore, #tpu.memory_space<semaphore_mem>> -> memref<1x!tpu.dma_semaphore, #tpu.memory_space<semaphore_mem>>
    %dma_start3A_169 = tpu.memref_squeeze %dma_start3A_168 : memref<1x!tpu.dma_semaphore, #tpu.memory_space<semaphore_mem>> -> memref<!tpu.dma_semaphore, #tpu.memory_space<semaphore_mem>>
    %dma_start3A_170 = arith.constant 0 : i32
    %dma_start3A_171 = arith.constant 0 : i32
    %dma_start3A_172 = tpu.memref_slice %arg7[%dma_start3A_160, %dma_start3A_170, %dma_start3A_171] : memref<8x64x128xf32, #tpu.memory_space<vmem>> -> memref<1x64x128xf32, #tpu.memory_space<vmem>>
    %dma_start3A_173 = tpu.memref_squeeze %dma_start3A_172 : memref<1x64x128xf32, #tpu.memory_space<vmem>> -> memref<64x128xf32, #tpu.memory_space<vmem>>
    %dma_start3A_174 = arith.constant 0 : i32
    %dma_start3A_175 = tpu.memref_slice %arg3[%dma_start3A_174, %mul3A_159] : memref<64x1000000xf32, #tpu.memory_space<hbm>> -> memref<64x128xf32, #tpu.memory_space<hbm>>
    tpu.enqueue_dma source(%dma_start3A_175 : memref<64x128xf32, #tpu.memory_space<hbm>>) target(%dma_start3A_173 : memref<64x128xf32, #tpu.memory_space<vmem>>) target_semaphore(%dma_start3A_169 : memref<!tpu.dma_semaphore, #tpu.memory_space<semaphore_mem>>)
    %slice3A_176 = vector.extract_strided_slice %get3A_3 {offsets = [4], sizes = [1], strides = [1]} : vector<16xi32> to vector<1xi32>
    %squeeze3A_177 = vector.extract %slice3A_176[0] : i32 from vector<1xi32>
    %min3A_178 = arith.constant 999935 : i32
    %min3A_179 = arith.minsi %squeeze3A_177, %min3A_178 : i32
    %jit3A_180 = arith.constant 128 : i32
    %div3A_181 = arith.divsi %min3A_179, %jit3A_180 : i32
    %sign3A_182 = arith.constant 0 : i32
    %sign3A_183 = arith.cmpi sgt, %min3A_179, %sign3A_182 : i32
    %sign3A_184 = arith.extui %sign3A_183 : i1 to i32
    %sign3A_185 = arith.constant 0 : i32
    %sign3A_186 = arith.cmpi slt, %min3A_179, %sign3A_185 : i32
    %sign3A_187 = arith.extui %sign3A_186 : i1 to i32
    %sign3A_188 = arith.subi %sign3A_184, %sign3A_187 : i32
    %sign3A_189 = arith.constant 0 : i32
    %sign3A_190 = arith.cmpi sgt, %jit3A_180, %sign3A_189 : i32
    %sign3A_191 = arith.extui %sign3A_190 : i1 to i32
    %sign3A_192 = arith.constant 0 : i32
    %sign3A_193 = arith.cmpi slt, %jit3A_180, %sign3A_192 : i32
    %sign3A_194 = arith.extui %sign3A_193 : i1 to i32
    %sign3A_195 = arith.subi %sign3A_191, %sign3A_194 : i32
    %ne3A_196 = arith.cmpi ne, %sign3A_188, %sign3A_195 : i32
    %rem3A_197 = arith.remsi %min3A_179, %jit3A_180 : i32
    %ne3A_198 = arith.constant 0 : i32
    %ne3A_199 = arith.cmpi ne, %rem3A_197, %ne3A_198 : i32
    %and3A_200 = arith.andi %ne3A_196, %ne3A_199 : i1
    %sub3A_201 = arith.constant 1 : i32
    %sub3A_202 = arith.subi %div3A_181, %sub3A_201 : i32
    %select_n3A_203 = arith.select %and3A_200, %sub3A_202, %div3A_181 : i32
    %mul3A_204 = arith.constant 128 : i32
    %mul3A_205 = arith.muli %select_n3A_203, %mul3A_204 : i32
    %dma_start3A_206 = arith.constant 4 : i32
    %dma_start3A_207 = arith.constant 4 : i32
    %dma_start3A_208 = arith.constant 0 : i32
    %dma_start3A_209 = arith.constant 0 : i32
    %dma_start3A_210 = tpu.memref_slice %arg7[%dma_start3A_206, %dma_start3A_208, %dma_start3A_209] : memref<8x64x128xf32, #tpu.memory_space<vmem>> -> memref<1x64x128xf32, #tpu.memory_space<vmem>>
    %dma_start3A_211 = tpu.memref_squeeze %dma_start3A_210 : memref<1x64x128xf32, #tpu.memory_space<vmem>> -> memref<64x128xf32, #tpu.memory_space<vmem>>
    %dma_start3A_212 = arith.constant 0 : i32
    %dma_start3A_213 = tpu.memref_slice %arg3[%dma_start3A_212, %mul3A_205] : memref<64x1000000xf32, #tpu.memory_space<hbm>> -> memref<64x128xf32, #tpu.memory_space<hbm>>
    %dma_start3A_214 = tpu.memref_slice %arg10[%dma_start3A_207] : memref<8x!tpu.dma_semaphore, #tpu.memory_space<semaphore_mem>> -> memref<1x!tpu.dma_semaphore, #tpu.memory_space<semaphore_mem>>
    %dma_start3A_215 = tpu.memref_squeeze %dma_start3A_214 : memref<1x!tpu.dma_semaphore, #tpu.memory_space<semaphore_mem>> -> memref<!tpu.dma_semaphore, #tpu.memory_space<semaphore_mem>>
    %dma_start3A_216 = arith.constant 0 : i32
    %dma_start3A_217 = arith.constant 0 : i32
    %dma_start3A_218 = tpu.memref_slice %arg7[%dma_start3A_206, %dma_start3A_216, %dma_start3A_217] : memref<8x64x128xf32, #tpu.memory_space<vmem>> -> memref<1x64x128xf32, #tpu.memory_space<vmem>>
    %dma_start3A_219 = tpu.memref_squeeze %dma_start3A_218 : memref<1x64x128xf32, #tpu.memory_space<vmem>> -> memref<64x128xf32, #tpu.memory_space<vmem>>
    %dma_start3A_220 = arith.constant 0 : i32
    %dma_start3A_221 = tpu.memref_slice %arg3[%dma_start3A_220, %mul3A_205] : memref<64x1000000xf32, #tpu.memory_space<hbm>> -> memref<64x128xf32, #tpu.memory_space<hbm>>
    tpu.enqueue_dma source(%dma_start3A_221 : memref<64x128xf32, #tpu.memory_space<hbm>>) target(%dma_start3A_219 : memref<64x128xf32, #tpu.memory_space<vmem>>) target_semaphore(%dma_start3A_215 : memref<!tpu.dma_semaphore, #tpu.memory_space<semaphore_mem>>)
    %slice3A_222 = vector.extract_strided_slice %get3A_3 {offsets = [5], sizes = [1], strides = [1]} : vector<16xi32> to vector<1xi32>
    %squeeze3A_223 = vector.extract %slice3A_222[0] : i32 from vector<1xi32>
    %min3A_224 = arith.constant 999935 : i32
    %min3A_225 = arith.minsi %squeeze3A_223, %min3A_224 : i32
    %jit3A_226 = arith.constant 128 : i32
    %div3A_227 = arith.divsi %min3A_225, %jit3A_226 : i32
    %sign3A_228 = arith.constant 0 : i32
    %sign3A_229 = arith.cmpi sgt, %min3A_225, %sign3A_228 : i32
    %sign3A_230 = arith.extui %sign3A_229 : i1 to i32
    %sign3A_231 = arith.constant 0 : i32
    %sign3A_232 = arith.cmpi slt, %min3A_225, %sign3A_231 : i32
    %sign3A_233 = arith.extui %sign3A_232 : i1 to i32
    %sign3A_234 = arith.subi %sign3A_230, %sign3A_233 : i32
    %sign3A_235 = arith.constant 0 : i32
    %sign3A_236 = arith.cmpi sgt, %jit3A_226, %sign3A_235 : i32
    %sign3A_237 = arith.extui %sign3A_236 : i1 to i32
    %sign3A_238 = arith.constant 0 : i32
    %sign3A_239 = arith.cmpi slt, %jit3A_226, %sign3A_238 : i32
    %sign3A_240 = arith.extui %sign3A_239 : i1 to i32
    %sign3A_241 = arith.subi %sign3A_237, %sign3A_240 : i32
    %ne3A_242 = arith.cmpi ne, %sign3A_234, %sign3A_241 : i32
    %rem3A_243 = arith.remsi %min3A_225, %jit3A_226 : i32
    %ne3A_244 = arith.constant 0 : i32
    %ne3A_245 = arith.cmpi ne, %rem3A_243, %ne3A_244 : i32
    %and3A_246 = arith.andi %ne3A_242, %ne3A_245 : i1
    %sub3A_247 = arith.constant 1 : i32
    %sub3A_248 = arith.subi %div3A_227, %sub3A_247 : i32
    %select_n3A_249 = arith.select %and3A_246, %sub3A_248, %div3A_227 : i32
    %mul3A_250 = arith.constant 128 : i32
    %mul3A_251 = arith.muli %select_n3A_249, %mul3A_250 : i32
    %dma_start3A_252 = arith.constant 5 : i32
    %dma_start3A_253 = arith.constant 5 : i32
    %dma_start3A_254 = arith.constant 0 : i32
    %dma_start3A_255 = arith.constant 0 : i32
    %dma_start3A_256 = tpu.memref_slice %arg7[%dma_start3A_252, %dma_start3A_254, %dma_start3A_255] : memref<8x64x128xf32, #tpu.memory_space<vmem>> -> memref<1x64x128xf32, #tpu.memory_space<vmem>>
    %dma_start3A_257 = tpu.memref_squeeze %dma_start3A_256 : memref<1x64x128xf32, #tpu.memory_space<vmem>> -> memref<64x128xf32, #tpu.memory_space<vmem>>
    %dma_start3A_258 = arith.constant 0 : i32
    %dma_start3A_259 = tpu.memref_slice %arg3[%dma_start3A_258, %mul3A_251] : memref<64x1000000xf32, #tpu.memory_space<hbm>> -> memref<64x128xf32, #tpu.memory_space<hbm>>
    %dma_start3A_260 = tpu.memref_slice %arg10[%dma_start3A_253] : memref<8x!tpu.dma_semaphore, #tpu.memory_space<semaphore_mem>> -> memref<1x!tpu.dma_semaphore, #tpu.memory_space<semaphore_mem>>
    %dma_start3A_261 = tpu.memref_squeeze %dma_start3A_260 : memref<1x!tpu.dma_semaphore, #tpu.memory_space<semaphore_mem>> -> memref<!tpu.dma_semaphore, #tpu.memory_space<semaphore_mem>>
    %dma_start3A_262 = arith.constant 0 : i32
    %dma_start3A_263 = arith.constant 0 : i32
    %dma_start3A_264 = tpu.memref_slice %arg7[%dma_start3A_252, %dma_start3A_262, %dma_start3A_263] : memref<8x64x128xf32, #tpu.memory_space<vmem>> -> memref<1x64x128xf32, #tpu.memory_space<vmem>>
    %dma_start3A_265 = tpu.memref_squeeze %dma_start3A_264 : memref<1x64x128xf32, #tpu.memory_space<vmem>> -> memref<64x128xf32, #tpu.memory_space<vmem>>
    %dma_start3A_266 = arith.constant 0 : i32
    %dma_start3A_267 = tpu.memref_slice %arg3[%dma_start3A_266, %mul3A_251] : memref<64x1000000xf32, #tpu.memory_space<hbm>> -> memref<64x128xf32, #tpu.memory_space<hbm>>
    tpu.enqueue_dma source(%dma_start3A_267 : memref<64x128xf32, #tpu.memory_space<hbm>>) target(%dma_start3A_265 : memref<64x128xf32, #tpu.memory_space<vmem>>) target_semaphore(%dma_start3A_261 : memref<!tpu.dma_semaphore, #tpu.memory_space<semaphore_mem>>)
    %slice3A_268 = vector.extract_strided_slice %get3A_3 {offsets = [6], sizes = [1], strides = [1]} : vector<16xi32> to vector<1xi32>
    %squeeze3A_269 = vector.extract %slice3A_268[0] : i32 from vector<1xi32>
    %min3A_270 = arith.constant 999935 : i32
    %min3A_271 = arith.minsi %squeeze3A_269, %min3A_270 : i32
    %jit3A_272 = arith.constant 128 : i32
    %div3A_273 = arith.divsi %min3A_271, %jit3A_272 : i32
    %sign3A_274 = arith.constant 0 : i32
    %sign3A_275 = arith.cmpi sgt, %min3A_271, %sign3A_274 : i32
    %sign3A_276 = arith.extui %sign3A_275 : i1 to i32
    %sign3A_277 = arith.constant 0 : i32
    %sign3A_278 = arith.cmpi slt, %min3A_271, %sign3A_277 : i32
    %sign3A_279 = arith.extui %sign3A_278 : i1 to i32
    %sign3A_280 = arith.subi %sign3A_276, %sign3A_279 : i32
    %sign3A_281 = arith.constant 0 : i32
    %sign3A_282 = arith.cmpi sgt, %jit3A_272, %sign3A_281 : i32
    %sign3A_283 = arith.extui %sign3A_282 : i1 to i32
    %sign3A_284 = arith.constant 0 : i32
    %sign3A_285 = arith.cmpi slt, %jit3A_272, %sign3A_284 : i32
    %sign3A_286 = arith.extui %sign3A_285 : i1 to i32
    %sign3A_287 = arith.subi %sign3A_283, %sign3A_286 : i32
    %ne3A_288 = arith.cmpi ne, %sign3A_280, %sign3A_287 : i32
    %rem3A_289 = arith.remsi %min3A_271, %jit3A_272 : i32
    %ne3A_290 = arith.constant 0 : i32
    %ne3A_291 = arith.cmpi ne, %rem3A_289, %ne3A_290 : i32
    %and3A_292 = arith.andi %ne3A_288, %ne3A_291 : i1
    %sub3A_293 = arith.constant 1 : i32
    %sub3A_294 = arith.subi %div3A_273, %sub3A_293 : i32
    %select_n3A_295 = arith.select %and3A_292, %sub3A_294, %div3A_273 : i32
    %mul3A_296 = arith.constant 128 : i32
    %mul3A_297 = arith.muli %select_n3A_295, %mul3A_296 : i32
    %dma_start3A_298 = arith.constant 6 : i32
    %dma_start3A_299 = arith.constant 6 : i32
    %dma_start3A_300 = arith.constant 0 : i32
    %dma_start3A_301 = arith.constant 0 : i32
    %dma_start3A_302 = tpu.memref_slice %arg7[%dma_start3A_298, %dma_start3A_300, %dma_start3A_301] : memref<8x64x128xf32, #tpu.memory_space<vmem>> -> memref<1x64x128xf32, #tpu.memory_space<vmem>>
    %dma_start3A_303 = tpu.memref_squeeze %dma_start3A_302 : memref<1x64x128xf32, #tpu.memory_space<vmem>> -> memref<64x128xf32, #tpu.memory_space<vmem>>
    %dma_start3A_304 = arith.constant 0 : i32
    %dma_start3A_305 = tpu.memref_slice %arg3[%dma_start3A_304, %mul3A_297] : memref<64x1000000xf32, #tpu.memory_space<hbm>> -> memref<64x128xf32, #tpu.memory_space<hbm>>
    %dma_start3A_306 = tpu.memref_slice %arg10[%dma_start3A_299] : memref<8x!tpu.dma_semaphore, #tpu.memory_space<semaphore_mem>> -> memref<1x!tpu.dma_semaphore, #tpu.memory_space<semaphore_mem>>
    %dma_start3A_307 = tpu.memref_squeeze %dma_start3A_306 : memref<1x!tpu.dma_semaphore, #tpu.memory_space<semaphore_mem>> -> memref<!tpu.dma_semaphore, #tpu.memory_space<semaphore_mem>>
    %dma_start3A_308 = arith.constant 0 : i32
    %dma_start3A_309 = arith.constant 0 : i32
    %dma_start3A_310 = tpu.memref_slice %arg7[%dma_start3A_298, %dma_start3A_308, %dma_start3A_309] : memref<8x64x128xf32, #tpu.memory_space<vmem>> -> memref<1x64x128xf32, #tpu.memory_space<vmem>>
    %dma_start3A_311 = tpu.memref_squeeze %dma_start3A_310 : memref<1x64x128xf32, #tpu.memory_space<vmem>> -> memref<64x128xf32, #tpu.memory_space<vmem>>
    %dma_start3A_312 = arith.constant 0 : i32
    %dma_start3A_313 = tpu.memref_slice %arg3[%dma_start3A_312, %mul3A_297] : memref<64x1000000xf32, #tpu.memory_space<hbm>> -> memref<64x128xf32, #tpu.memory_space<hbm>>
    tpu.enqueue_dma source(%dma_start3A_313 : memref<64x128xf32, #tpu.memory_space<hbm>>) target(%dma_start3A_311 : memref<64x128xf32, #tpu.memory_space<vmem>>) target_semaphore(%dma_start3A_307 : memref<!tpu.dma_semaphore, #tpu.memory_space<semaphore_mem>>)
    %slice3A_314 = vector.extract_strided_slice %get3A_3 {offsets = [7], sizes = [1], strides = [1]} : vector<16xi32> to vector<1xi32>
    %squeeze3A_315 = vector.extract %slice3A_314[0] : i32 from vector<1xi32>
    %min3A_316 = arith.constant 999935 : i32
    %min3A_317 = arith.minsi %squeeze3A_315, %min3A_316 : i32
    %jit3A_318 = arith.constant 128 : i32
    %div3A_319 = arith.divsi %min3A_317, %jit3A_318 : i32
    %sign3A_320 = arith.constant 0 : i32
    %sign3A_321 = arith.cmpi sgt, %min3A_317, %sign3A_320 : i32
    %sign3A_322 = arith.extui %sign3A_321 : i1 to i32
    %sign3A_323 = arith.constant 0 : i32
    %sign3A_324 = arith.cmpi slt, %min3A_317, %sign3A_323 : i32
    %sign3A_325 = arith.extui %sign3A_324 : i1 to i32
    %sign3A_326 = arith.subi %sign3A_322, %sign3A_325 : i32
    %sign3A_327 = arith.constant 0 : i32
    %sign3A_328 = arith.cmpi sgt, %jit3A_318, %sign3A_327 : i32
    %sign3A_329 = arith.extui %sign3A_328 : i1 to i32
    %sign3A_330 = arith.constant 0 : i32
    %sign3A_331 = arith.cmpi slt, %jit3A_318, %sign3A_330 : i32
    %sign3A_332 = arith.extui %sign3A_331 : i1 to i32
    %sign3A_333 = arith.subi %sign3A_329, %sign3A_332 : i32
    %ne3A_334 = arith.cmpi ne, %sign3A_326, %sign3A_333 : i32
    %rem3A_335 = arith.remsi %min3A_317, %jit3A_318 : i32
    %ne3A_336 = arith.constant 0 : i32
    %ne3A_337 = arith.cmpi ne, %rem3A_335, %ne3A_336 : i32
    %and3A_338 = arith.andi %ne3A_334, %ne3A_337 : i1
    %sub3A_339 = arith.constant 1 : i32
    %sub3A_340 = arith.subi %div3A_319, %sub3A_339 : i32
    %select_n3A_341 = arith.select %and3A_338, %sub3A_340, %div3A_319 : i32
    %mul3A_342 = arith.constant 128 : i32
    %mul3A_343 = arith.muli %select_n3A_341, %mul3A_342 : i32
    %dma_start3A_344 = arith.constant 7 : i32
    %dma_start3A_345 = arith.constant 7 : i32
    %dma_start3A_346 = arith.constant 0 : i32
    %dma_start3A_347 = arith.constant 0 : i32
    %dma_start3A_348 = tpu.memref_slice %arg7[%dma_start3A_344, %dma_start3A_346, %dma_start3A_347] : memref<8x64x128xf32, #tpu.memory_space<vmem>> -> memref<1x64x128xf32, #tpu.memory_space<vmem>>
    %dma_start3A_349 = tpu.memref_squeeze %dma_start3A_348 : memref<1x64x128xf32, #tpu.memory_space<vmem>> -> memref<64x128xf32, #tpu.memory_space<vmem>>
    %dma_start3A_350 = arith.constant 0 : i32
    %dma_start3A_351 = tpu.memref_slice %arg3[%dma_start3A_350, %mul3A_343] : memref<64x1000000xf32, #tpu.memory_space<hbm>> -> memref<64x128xf32, #tpu.memory_space<hbm>>
    %dma_start3A_352 = tpu.memref_slice %arg10[%dma_start3A_345] : memref<8x!tpu.dma_semaphore, #tpu.memory_space<semaphore_mem>> -> memref<1x!tpu.dma_semaphore, #tpu.memory_space<semaphore_mem>>
    %dma_start3A_353 = tpu.memref_squeeze %dma_start3A_352 : memref<1x!tpu.dma_semaphore, #tpu.memory_space<semaphore_mem>> -> memref<!tpu.dma_semaphore, #tpu.memory_space<semaphore_mem>>
    %dma_start3A_354 = arith.constant 0 : i32
    %dma_start3A_355 = arith.constant 0 : i32
    %dma_start3A_356 = tpu.memref_slice %arg7[%dma_start3A_344, %dma_start3A_354, %dma_start3A_355] : memref<8x64x128xf32, #tpu.memory_space<vmem>> -> memref<1x64x128xf32, #tpu.memory_space<vmem>>
    %dma_start3A_357 = tpu.memref_squeeze %dma_start3A_356 : memref<1x64x128xf32, #tpu.memory_space<vmem>> -> memref<64x128xf32, #tpu.memory_space<vmem>>
    %dma_start3A_358 = arith.constant 0 : i32
    %dma_start3A_359 = tpu.memref_slice %arg3[%dma_start3A_358, %mul3A_343] : memref<64x1000000xf32, #tpu.memory_space<hbm>> -> memref<64x128xf32, #tpu.memory_space<hbm>>
    tpu.enqueue_dma source(%dma_start3A_359 : memref<64x128xf32, #tpu.memory_space<hbm>>) target(%dma_start3A_357 : memref<64x128xf32, #tpu.memory_space<vmem>>) target_semaphore(%dma_start3A_353 : memref<!tpu.dma_semaphore, #tpu.memory_space<semaphore_mem>>)
    %scan3A = arith.constant 0 : i32
    %scan3A_360 = arith.constant 0 : i32
    %scan3A_361 = arith.constant 32 : i32
    %scan3A_362 = arith.addi %scan3A_360, %scan3A_361 : i32
    %scan3A_363 = arith.constant 1 : i32
    scf.for %scan3A_371 = %scan3A_360 to %scan3A_362 step %scan3A_363  : i32 {
      %mul3A_372 = arith.constant 16 : i32
      %mul3A_373 = arith.muli %scan3A_371, %mul3A_372 : i32
      %get3A_374 = arith.index_cast %mul3A_373 : i32 to index
      %get3A_375 = tpu.vector_load %arg6[%get3A_374] {strides = array<i32>} : memref<544xi32, #tpu.memory_space<vmem>>, vector<16xi32>,
      %add3A_376 = arith.constant 1 : i32
      %add3A_377 = arith.addi %scan3A_371, %add3A_376 : i32
      %mul3A_378 = arith.constant 16 : i32
      %mul3A_379 = arith.muli %add3A_377, %mul3A_378 : i32
      %get3A_380 = arith.index_cast %mul3A_379 : i32 to index
      %get3A_381 = tpu.vector_load %arg6[%get3A_380] {strides = array<i32>} : memref<544xi32, #tpu.memory_space<vmem>>, vector<16xi32>,
      %slice3A_382 = vector.extract_strided_slice %get3A_375 {offsets = [0], sizes = [1], strides = [1]} : vector<16xi32> to vector<1xi32>
      %squeeze3A_383 = vector.extract %slice3A_382[0] : i32 from vector<1xi32>
      %mul3A_384 = arith.constant 16 : i32
      %mul3A_385 = arith.muli %scan3A_371, %mul3A_384 : i32
      %add3A_386 = arith.constant 0 : i32
      %add3A_387 = arith.addi %mul3A_385, %add3A_386 : i32
      %dma_wait3A = arith.constant 0 : i32
      %dma_wait3A_388 = arith.constant 0 : i32
      %dma_wait3A_389 = arith.constant 0 : i32
      %dma_wait3A_390 = arith.constant 0 : i32
      %dma_wait3A_391 = tpu.memref_slice %arg7[%dma_wait3A, %dma_wait3A_389, %dma_wait3A_390] : memref<8x64x128xf32, #tpu.memory_space<vmem>> -> memref<1x64x128xf32, #tpu.memory_space<vmem>>
      %dma_wait3A_392 = tpu.memref_squeeze %dma_wait3A_391 : memref<1x64x128xf32, #tpu.memory_space<vmem>> -> memref<64x128xf32, #tpu.memory_space<vmem>>
      %dma_wait3A_393 = arith.constant 0 : i32
      %dma_wait3A_394 = arith.constant 0 : i32
      %dma_wait3A_395 = tpu.memref_slice %arg3[%dma_wait3A_393, %dma_wait3A_394] : memref<64x1000000xf32, #tpu.memory_space<hbm>> -> memref<64x128xf32, #tpu.memory_space<hbm>>
      %dma_wait3A_396 = tpu.memref_slice %arg10[%dma_wait3A_388] : memref<8x!tpu.dma_semaphore, #tpu.memory_space<semaphore_mem>> -> memref<1x!tpu.dma_semaphore, #tpu.memory_space<semaphore_mem>>
      %dma_wait3A_397 = tpu.memref_squeeze %dma_wait3A_396 : memref<1x!tpu.dma_semaphore, #tpu.memory_space<semaphore_mem>> -> memref<!tpu.dma_semaphore, #tpu.memory_space<semaphore_mem>>
      %dma_wait3A_398 = arith.constant 0 : i32
      %dma_wait3A_399 = arith.constant 0 : i32
      %dma_wait3A_400 = tpu.memref_slice %arg7[%dma_wait3A, %dma_wait3A_398, %dma_wait3A_399] : memref<8x64x128xf32, #tpu.memory_space<vmem>> -> memref<1x64x128xf32, #tpu.memory_space<vmem>>
      %dma_wait3A_401 = tpu.memref_squeeze %dma_wait3A_400 : memref<1x64x128xf32, #tpu.memory_space<vmem>> -> memref<64x128xf32, #tpu.memory_space<vmem>>
      %dma_wait3A_402 = arith.constant 0 : i32
      %dma_wait3A_403 = arith.constant 0 : i32
      %dma_wait3A_404 = tpu.memref_slice %arg3[%dma_wait3A_402, %dma_wait3A_403] : memref<64x1000000xf32, #tpu.memory_space<hbm>> -> memref<64x128xf32, #tpu.memory_space<hbm>>
      tpu.wait_dma2 semaphore(%dma_wait3A_397 : memref<!tpu.dma_semaphore, #tpu.memory_space<semaphore_mem>>) src(%dma_wait3A_404 : memref<64x128xf32, #tpu.memory_space<hbm>>) dst(%dma_wait3A_401 : memref<64x128xf32, #tpu.memory_space<vmem>>)
      %rem3A_405 = arith.constant 128 : i32
      %rem3A_406 = arith.remsi %squeeze3A_383, %rem3A_405 : i32
      %broadcast_in_dim3A = vector.broadcast %rem3A_406 : i32 to vector<16xi32>
      %broadcast_in_dim3A_407 = vector.broadcast %add3A_387 : i32 to vector<16xi32>
      %add3A_408 = arith.constant 0 : i32
      %add3A_409 = vector.broadcast %add3A_408 : i32 to vector<16xi32>
      %add3A_410 = arith.addi %iota3A, %add3A_409 : vector<16xi32>
      %gather3A = arith.constant 0 : i32
      %gather3A_411 = arith.constant 0 : i32
      %gather3A_412 = arith.constant 0 : i32
      %gather3A_413 = tpu.memref_slice %arg7[%gather3A, %gather3A_411, %gather3A_412] : memref<8x64x128xf32, #tpu.memory_space<vmem>> -> memref<1x64x128xf32, #tpu.memory_space<vmem>>
      %gather3A_414 = tpu.memref_squeeze %gather3A_413 : memref<1x64x128xf32, #tpu.memory_space<vmem>> -> memref<64x128xf32, #tpu.memory_space<vmem>>
      %gather3A_415 = tpu.vector_load_idx %gather3A_414[%add3A_410, %broadcast_in_dim3A] : memref<64x128xf32, #tpu.memory_space<vmem>>[vector<16xi32>, vector<16xi32>], vector<16xf32>,
      tpu.vector_store_idx %arg9[%add3A_410, %broadcast_in_dim3A_407], %gather3A_415 : memref<64x512xf32, #tpu.memory_space<vmem>>[vector<16xi32>, vector<16xi32>], vector<16xf32>,
      %add3A_416 = arith.constant 16 : i32
      %add3A_417 = vector.broadcast %add3A_416 : i32 to vector<16xi32>
      %add3A_418 = arith.addi %iota3A, %add3A_417 : vector<16xi32>
      %gather3A_419 = arith.constant 0 : i32
      %gather3A_420 = arith.constant 0 : i32
      %gather3A_421 = arith.constant 0 : i32
      %gather3A_422 = tpu.memref_slice %arg7[%gather3A_419, %gather3A_420, %gather3A_421] : memref<8x64x128xf32, #tpu.memory_space<vmem>> -> memref<1x64x128xf32, #tpu.memory_space<vmem>>
      %gather3A_423 = tpu.memref_squeeze %gather3A_422 : memref<1x64x128xf32, #tpu.memory_space<vmem>> -> memref<64x128xf32, #tpu.memory_space<vmem>>
      %gather3A_424 = tpu.vector_load_idx %gather3A_423[%add3A_418, %broadcast_in_dim3A] : memref<64x128xf32, #tpu.memory_space<vmem>>[vector<16xi32>, vector<16xi32>], vector<16xf32>,
      tpu.vector_store_idx %arg9[%add3A_418, %broadcast_in_dim3A_407], %gather3A_424 : memref<64x512xf32, #tpu.memory_space<vmem>>[vector<16xi32>, vector<16xi32>], vector<16xf32>,
      %add3A_425 = arith.constant 32 : i32
      %add3A_426 = vector.broadcast %add3A_425 : i32 to vector<16xi32>
      %add3A_427 = arith.addi %iota3A, %add3A_426 : vector<16xi32>
      %gather3A_428 = arith.constant 0 : i32
      %gather3A_429 = arith.constant 0 : i32
      %gather3A_430 = arith.constant 0 : i32
      %gather3A_431 = tpu.memref_slice %arg7[%gather3A_428, %gather3A_429, %gather3A_430] : memref<8x64x128xf32, #tpu.memory_space<vmem>> -> memref<1x64x128xf32, #tpu.memory_space<vmem>>
      %gather3A_432 = tpu.memref_squeeze %gather3A_431 : memref<1x64x128xf32, #tpu.memory_space<vmem>> -> memref<64x128xf32, #tpu.memory_space<vmem>>
      %gather3A_433 = tpu.vector_load_idx %gather3A_432[%add3A_427, %broadcast_in_dim3A] : memref<64x128xf32, #tpu.memory_space<vmem>>[vector<16xi32>, vector<16xi32>], vector<16xf32>,
      tpu.vector_store_idx %arg9[%add3A_427, %broadcast_in_dim3A_407], %gather3A_433 : memref<64x512xf32, #tpu.memory_space<vmem>>[vector<16xi32>, vector<16xi32>], vector<16xf32>,
      %add3A_434 = arith.constant 48 : i32
      %add3A_435 = vector.broadcast %add3A_434 : i32 to vector<16xi32>
      %add3A_436 = arith.addi %iota3A, %add3A_435 : vector<16xi32>
      %gather3A_437 = arith.constant 0 : i32
      %gather3A_438 = arith.constant 0 : i32
      %gather3A_439 = arith.constant 0 : i32
      %gather3A_440 = tpu.memref_slice %arg7[%gather3A_437, %gather3A_438, %gather3A_439] : memref<8x64x128xf32, #tpu.memory_space<vmem>> -> memref<1x64x128xf32, #tpu.memory_space<vmem>>
      %gather3A_441 = tpu.memref_squeeze %gather3A_440 : memref<1x64x128xf32, #tpu.memory_space<vmem>> -> memref<64x128xf32, #tpu.memory_space<vmem>>
      %gather3A_442 = tpu.vector_load_idx %gather3A_441[%add3A_436, %broadcast_in_dim3A] : memref<64x128xf32, #tpu.memory_space<vmem>>[vector<16xi32>, vector<16xi32>], vector<16xf32>,
      tpu.vector_store_idx %arg9[%add3A_436, %broadcast_in_dim3A_407], %gather3A_442 : memref<64x512xf32, #tpu.memory_space<vmem>>[vector<16xi32>, vector<16xi32>], vector<16xf32>,
      %ge3A = arith.constant 999936 : i32
      %ge3A_443 = arith.cmpi sge, %squeeze3A_383, %ge3A : i32
      %convert_element_type3A = arith.extui %ge3A_443 : i1 to i32
      %cond3A = arith.constant 0 : i32
      %cond3A_444 = arith.cmpi ne, %convert_element_type3A, %cond3A : i32
      scf.if %cond3A_444 {
        %sub3A_1623 = arith.constant 999936 : i32
        %sub3A_1624 = arith.subi %squeeze3A_383, %sub3A_1623 : i32
        %broadcast_in_dim3A_1625 = vector.broadcast %sub3A_1624 : i32 to vector<16xi32>
        %add3A_1626 = arith.constant 0 : i32
        %add3A_1627 = vector.broadcast %add3A_1626 : i32 to vector<16xi32>
        %add3A_1628 = arith.addi %iota3A, %add3A_1627 : vector<16xi32>
        %gather3A_1629 = tpu.vector_load_idx %arg8[%add3A_1628, %broadcast_in_dim3A_1625] : memref<64x64xf32, #tpu.memory_space<vmem>>[vector<16xi32>, vector<16xi32>], vector<16xf32>,
        tpu.vector_store_idx %arg9[%add3A_1628, %broadcast_in_dim3A_407], %gather3A_1629 : memref<64x512xf32, #tpu.memory_space<vmem>>[vector<16xi32>, vector<16xi32>], vector<16xf32>,
        %add3A_1630 = arith.constant 16 : i32
        %add3A_1631 = vector.broadcast %add3A_1630 : i32 to vector<16xi32>
        %add3A_1632 = arith.addi %iota3A, %add3A_1631 : vector<16xi32>
        %gather3A_1633 = tpu.vector_load_idx %arg8[%add3A_1632, %broadcast_in_dim3A_1625] : memref<64x64xf32, #tpu.memory_space<vmem>>[vector<16xi32>, vector<16xi32>], vector<16xf32>,
        tpu.vector_store_idx %arg9[%add3A_1632, %broadcast_in_dim3A_407], %gather3A_1633 : memref<64x512xf32, #tpu.memory_space<vmem>>[vector<16xi32>, vector<16xi32>], vector<16xf32>,
        %add3A_1634 = arith.constant 32 : i32
        %add3A_1635 = vector.broadcast %add3A_1634 : i32 to vector<16xi32>
        %add3A_1636 = arith.addi %iota3A, %add3A_1635 : vector<16xi32>
        %gather3A_1637 = tpu.vector_load_idx %arg8[%add3A_1636, %broadcast_in_dim3A_1625] : memref<64x64xf32, #tpu.memory_space<vmem>>[vector<16xi32>, vector<16xi32>], vector<16xf32>,
        tpu.vector_store_idx %arg9[%add3A_1636, %broadcast_in_dim3A_407], %gather3A_1637 : memref<64x512xf32, #tpu.memory_space<vmem>>[vector<16xi32>, vector<16xi32>], vector<16xf32>,
        %add3A_1638 = arith.constant 48 : i32
        %add3A_1639 = vector.broadcast %add3A_1638 : i32 to vector<16xi32>
        %add3A_1640 = arith.addi %iota3A, %add3A_1639 : vector<16xi32>
        %gather3A_1641 = tpu.vector_load_idx %arg8[%add3A_1640, %broadcast_in_dim3A_1625] : memref<64x64xf32, #tpu.memory_space<vmem>>[vector<16xi32>, vector<16xi32>], vector<16xf32>,
        tpu.vector_store_idx %arg9[%add3A_1640, %broadcast_in_dim3A_407], %gather3A_1641 : memref<64x512xf32, #tpu.memory_space<vmem>>[vector<16xi32>, vector<16xi32>], vector<16xf32>,
      } else {
      }
      %slice3A_445 = vector.extract_strided_slice %get3A_375 {offsets = [8], sizes = [1], strides = [1]} : vector<16xi32> to vector<1xi32>
      %squeeze3A_446 = vector.extract %slice3A_445[0] : i32 from vector<1xi32>
      %add3A_447 = arith.constant 8 : i32
      %add3A_448 = arith.addi %add3A_387, %add3A_447 : i32
      %lt3A = arith.constant 512 : i32
      %lt3A_449 = arith.cmpi slt, %add3A_448, %lt3A : i32
      %convert_element_type3A_450 = arith.extui %lt3A_449 : i1 to i32
      %cond3A_451 = arith.constant 0 : i32
      %cond3A_452 = arith.cmpi ne, %convert_element_type3A_450, %cond3A_451 : i32
      scf.if %cond3A_452 {
        %min3A_1623 = arith.constant 999935 : i32
        %min3A_1624 = arith.minsi %squeeze3A_446, %min3A_1623 : i32
        %jit3A_1625 = arith.constant 128 : i32
        %div3A_1626 = arith.divsi %min3A_1624, %jit3A_1625 : i32
        %sign3A_1627 = arith.constant 0 : i32
        %sign3A_1628 = arith.cmpi sgt, %min3A_1624, %sign3A_1627 : i32
        %sign3A_1629 = arith.extui %sign3A_1628 : i1 to i32
        %sign3A_1630 = arith.constant 0 : i32
        %sign3A_1631 = arith.cmpi slt, %min3A_1624, %sign3A_1630 : i32
        %sign3A_1632 = arith.extui %sign3A_1631 : i1 to i32
        %sign3A_1633 = arith.subi %sign3A_1629, %sign3A_1632 : i32
        %sign3A_1634 = arith.constant 0 : i32
        %sign3A_1635 = arith.cmpi sgt, %jit3A_1625, %sign3A_1634 : i32
        %sign3A_1636 = arith.extui %sign3A_1635 : i1 to i32
        %sign3A_1637 = arith.constant 0 : i32
        %sign3A_1638 = arith.cmpi slt, %jit3A_1625, %sign3A_1637 : i32
        %sign3A_1639 = arith.extui %sign3A_1638 : i1 to i32
        %sign3A_1640 = arith.subi %sign3A_1636, %sign3A_1639 : i32
        %ne3A_1641 = arith.cmpi ne, %sign3A_1633, %sign3A_1640 : i32
        %rem3A_1642 = arith.remsi %min3A_1624, %jit3A_1625 : i32
        %ne3A_1643 = arith.constant 0 : i32
        %ne3A_1644 = arith.cmpi ne, %rem3A_1642, %ne3A_1643 : i32
        %and3A_1645 = arith.andi %ne3A_1641, %ne3A_1644 : i1
        %sub3A_1646 = arith.constant 1 : i32
        %sub3A_1647 = arith.subi %div3A_1626, %sub3A_1646 : i32
        %select_n3A_1648 = arith.select %and3A_1645, %sub3A_1647, %div3A_1626 : i32
        %mul3A_1649 = arith.constant 128 : i32
        %mul3A_1650 = arith.muli %select_n3A_1648, %mul3A_1649 : i32
        %dma_start3A_1651 = arith.constant 0 : i32
        %dma_start3A_1652 = arith.constant 0 : i32
        %dma_start3A_1653 = arith.constant 0 : i32
        %dma_start3A_1654 = arith.constant 0 : i32
        %dma_start3A_1655 = tpu.memref_slice %arg7[%dma_start3A_1651, %dma_start3A_1653, %dma_start3A_1654] : memref<8x64x128xf32, #tpu.memory_space<vmem>> -> memref<1x64x128xf32, #tpu.memory_space<vmem>>
        %dma_start3A_1656 = tpu.memref_squeeze %dma_start3A_1655 : memref<1x64x128xf32, #tpu.memory_space<vmem>> -> memref<64x128xf32, #tpu.memory_space<vmem>>
        %dma_start3A_1657 = arith.constant 0 : i32
        %dma_start3A_1658 = tpu.memref_slice %arg3[%dma_start3A_1657, %mul3A_1650] : memref<64x1000000xf32, #tpu.memory_space<hbm>> -> memref<64x128xf32, #tpu.memory_space<hbm>>
        %dma_start3A_1659 = tpu.memref_slice %arg10[%dma_start3A_1652] : memref<8x!tpu.dma_semaphore, #tpu.memory_space<semaphore_mem>> -> memref<1x!tpu.dma_semaphore, #tpu.memory_space<semaphore_mem>>
        %dma_start3A_1660 = tpu.memref_squeeze %dma_start3A_1659 : memref<1x!tpu.dma_semaphore, #tpu.memory_space<semaphore_mem>> -> memref<!tpu.dma_semaphore, #tpu.memory_space<semaphore_mem>>
        %dma_start3A_1661 = arith.constant 0 : i32
        %dma_start3A_1662 = arith.constant 0 : i32
        %dma_start3A_1663 = tpu.memref_slice %arg7[%dma_start3A_1651, %dma_start3A_1661, %dma_start3A_1662] : memref<8x64x128xf32, #tpu.memory_space<vmem>> -> memref<1x64x128xf32, #tpu.memory_space<vmem>>
        %dma_start3A_1664 = tpu.memref_squeeze %dma_start3A_1663 : memref<1x64x128xf32, #tpu.memory_space<vmem>> -> memref<64x128xf32, #tpu.memory_space<vmem>>
        %dma_start3A_1665 = arith.constant 0 : i32
        %dma_start3A_1666 = tpu.memref_slice %arg3[%dma_start3A_1665, %mul3A_1650] : memref<64x1000000xf32, #tpu.memory_space<hbm>> -> memref<64x128xf32, #tpu.memory_space<hbm>>
        tpu.enqueue_dma source(%dma_start3A_1666 : memref<64x128xf32, #tpu.memory_space<hbm>>) target(%dma_start3A_1664 : memref<64x128xf32, #tpu.memory_space<vmem>>) target_semaphore(%dma_start3A_1660 : memref<!tpu.dma_semaphore, #tpu.memory_space<semaphore_mem>>)
      } else {
      }
      %slice3A_453 = vector.extract_strided_slice %get3A_375 {offsets = [1], sizes = [1], strides = [1]} : vector<16xi32> to vector<1xi32>
      %squeeze3A_454 = vector.extract %slice3A_453[0] : i32 from vector<1xi32>
      %mul3A_455 = arith.constant 16 : i32
      %mul3A_456 = arith.muli %scan3A_371, %mul3A_455 : i32
      %add3A_457 = arith.constant 1 : i32
      %add3A_458 = arith.addi %mul3A_456, %add3A_457 : i32
      %dma_wait3A_459 = arith.constant 1 : i32
      %dma_wait3A_460 = arith.constant 1 : i32
      %dma_wait3A_461 = arith.constant 0 : i32
      %dma_wait3A_462 = arith.constant 0 : i32
      %dma_wait3A_463 = tpu.memref_slice %arg7[%dma_wait3A_459, %dma_wait3A_461, %dma_wait3A_462] : memref<8x64x128xf32, #tpu.memory_space<vmem>> -> memref<1x64x128xf32, #tpu.memory_space<vmem>>
      %dma_wait3A_464 = tpu.memref_squeeze %dma_wait3A_463 : memref<1x64x128xf32, #tpu.memory_space<vmem>> -> memref<64x128xf32, #tpu.memory_space<vmem>>
      %dma_wait3A_465 = arith.constant 0 : i32
      %dma_wait3A_466 = arith.constant 0 : i32
      %dma_wait3A_467 = tpu.memref_slice %arg3[%dma_wait3A_465, %dma_wait3A_466] : memref<64x1000000xf32, #tpu.memory_space<hbm>> -> memref<64x128xf32, #tpu.memory_space<hbm>>
      %dma_wait3A_468 = tpu.memref_slice %arg10[%dma_wait3A_460] : memref<8x!tpu.dma_semaphore, #tpu.memory_space<semaphore_mem>> -> memref<1x!tpu.dma_semaphore, #tpu.memory_space<semaphore_mem>>
      %dma_wait3A_469 = tpu.memref_squeeze %dma_wait3A_468 : memref<1x!tpu.dma_semaphore, #tpu.memory_space<semaphore_mem>> -> memref<!tpu.dma_semaphore, #tpu.memory_space<semaphore_mem>>
      %dma_wait3A_470 = arith.constant 0 : i32
      %dma_wait3A_471 = arith.constant 0 : i32
      %dma_wait3A_472 = tpu.memref_slice %arg7[%dma_wait3A_459, %dma_wait3A_470, %dma_wait3A_471] : memref<8x64x128xf32, #tpu.memory_space<vmem>> -> memref<1x64x128xf32, #tpu.memory_space<vmem>>
      %dma_wait3A_473 = tpu.memref_squeeze %dma_wait3A_472 : memref<1x64x128xf32, #tpu.memory_space<vmem>> -> memref<64x128xf32, #tpu.memory_space<vmem>>
      %dma_wait3A_474 = arith.constant 0 : i32
      %dma_wait3A_475 = arith.constant 0 : i32
      %dma_wait3A_476 = tpu.memref_slice %arg3[%dma_wait3A_474, %dma_wait3A_475] : memref<64x1000000xf32, #tpu.memory_space<hbm>> -> memref<64x128xf32, #tpu.memory_space<hbm>>
      tpu.wait_dma2 semaphore(%dma_wait3A_469 : memref<!tpu.dma_semaphore, #tpu.memory_space<semaphore_mem>>) src(%dma_wait3A_476 : memref<64x128xf32, #tpu.memory_space<hbm>>) dst(%dma_wait3A_473 : memref<64x128xf32, #tpu.memory_space<vmem>>)
      %rem3A_477 = arith.constant 128 : i32
      %rem3A_478 = arith.remsi %squeeze3A_454, %rem3A_477 : i32
      %broadcast_in_dim3A_479 = vector.broadcast %rem3A_478 : i32 to vector<16xi32>
      %broadcast_in_dim3A_480 = vector.broadcast %add3A_458 : i32 to vector<16xi32>
      %add3A_481 = arith.constant 0 : i32
      %add3A_482 = vector.broadcast %add3A_481 : i32 to vector<16xi32>
      %add3A_483 = arith.addi %iota3A, %add3A_482 : vector<16xi32>
      %gather3A_484 = arith.constant 1 : i32
      %gather3A_485 = arith.constant 0 : i32
      %gather3A_486 = arith.constant 0 : i32
      %gather3A_487 = tpu.memref_slice %arg7[%gather3A_484, %gather3A_485, %gather3A_486] : memref<8x64x128xf32, #tpu.memory_space<vmem>> -> memref<1x64x128xf32, #tpu.memory_space<vmem>>
      %gather3A_488 = tpu.memref_squeeze %gather3A_487 : memref<1x64x128xf32, #tpu.memory_space<vmem>> -> memref<64x128xf32, #tpu.memory_space<vmem>>
      %gather3A_489 = tpu.vector_load_idx %gather3A_488[%add3A_483, %broadcast_in_dim3A_479] : memref<64x128xf32, #tpu.memory_space<vmem>>[vector<16xi32>, vector<16xi32>], vector<16xf32>,
      tpu.vector_store_idx %arg9[%add3A_483, %broadcast_in_dim3A_480], %gather3A_489 : memref<64x512xf32, #tpu.memory_space<vmem>>[vector<16xi32>, vector<16xi32>], vector<16xf32>,
      %add3A_490 = arith.constant 16 : i32
      %add3A_491 = vector.broadcast %add3A_490 : i32 to vector<16xi32>
      %add3A_492 = arith.addi %iota3A, %add3A_491 : vector<16xi32>
      %gather3A_493 = arith.constant 1 : i32
      %gather3A_494 = arith.constant 0 : i32
      %gather3A_495 = arith.constant 0 : i32
      %gather3A_496 = tpu.memref_slice %arg7[%gather3A_493, %gather3A_494, %gather3A_495] : memref<8x64x128xf32, #tpu.memory_space<vmem>> -> memref<1x64x128xf32, #tpu.memory_space<vmem>>
      %gather3A_497 = tpu.memref_squeeze %gather3A_496 : memref<1x64x128xf32, #tpu.memory_space<vmem>> -> memref<64x128xf32, #tpu.memory_space<vmem>>
      %gather3A_498 = tpu.vector_load_idx %gather3A_497[%add3A_492, %broadcast_in_dim3A_479] : memref<64x128xf32, #tpu.memory_space<vmem>>[vector<16xi32>, vector<16xi32>], vector<16xf32>,
      tpu.vector_store_idx %arg9[%add3A_492, %broadcast_in_dim3A_480], %gather3A_498 : memref<64x512xf32, #tpu.memory_space<vmem>>[vector<16xi32>, vector<16xi32>], vector<16xf32>,
      %add3A_499 = arith.constant 32 : i32
      %add3A_500 = vector.broadcast %add3A_499 : i32 to vector<16xi32>
      %add3A_501 = arith.addi %iota3A, %add3A_500 : vector<16xi32>
      %gather3A_502 = arith.constant 1 : i32
      %gather3A_503 = arith.constant 0 : i32
      %gather3A_504 = arith.constant 0 : i32
      %gather3A_505 = tpu.memref_slice %arg7[%gather3A_502, %gather3A_503, %gather3A_504] : memref<8x64x128xf32, #tpu.memory_space<vmem>> -> memref<1x64x128xf32, #tpu.memory_space<vmem>>
      %gather3A_506 = tpu.memref_squeeze %gather3A_505 : memref<1x64x128xf32, #tpu.memory_space<vmem>> -> memref<64x128xf32, #tpu.memory_space<vmem>>
      %gather3A_507 = tpu.vector_load_idx %gather3A_506[%add3A_501, %broadcast_in_dim3A_479] : memref<64x128xf32, #tpu.memory_space<vmem>>[vector<16xi32>, vector<16xi32>], vector<16xf32>,
      tpu.vector_store_idx %arg9[%add3A_501, %broadcast_in_dim3A_480], %gather3A_507 : memref<64x512xf32, #tpu.memory_space<vmem>>[vector<16xi32>, vector<16xi32>], vector<16xf32>,
      %add3A_508 = arith.constant 48 : i32
      %add3A_509 = vector.broadcast %add3A_508 : i32 to vector<16xi32>
      %add3A_510 = arith.addi %iota3A, %add3A_509 : vector<16xi32>
      %gather3A_511 = arith.constant 1 : i32
      %gather3A_512 = arith.constant 0 : i32
      %gather3A_513 = arith.constant 0 : i32
      %gather3A_514 = tpu.memref_slice %arg7[%gather3A_511, %gather3A_512, %gather3A_513] : memref<8x64x128xf32, #tpu.memory_space<vmem>> -> memref<1x64x128xf32, #tpu.memory_space<vmem>>
      %gather3A_515 = tpu.memref_squeeze %gather3A_514 : memref<1x64x128xf32, #tpu.memory_space<vmem>> -> memref<64x128xf32, #tpu.memory_space<vmem>>
      %gather3A_516 = tpu.vector_load_idx %gather3A_515[%add3A_510, %broadcast_in_dim3A_479] : memref<64x128xf32, #tpu.memory_space<vmem>>[vector<16xi32>, vector<16xi32>], vector<16xf32>,
      tpu.vector_store_idx %arg9[%add3A_510, %broadcast_in_dim3A_480], %gather3A_516 : memref<64x512xf32, #tpu.memory_space<vmem>>[vector<16xi32>, vector<16xi32>], vector<16xf32>,
      %ge3A_517 = arith.constant 999936 : i32
      %ge3A_518 = arith.cmpi sge, %squeeze3A_454, %ge3A_517 : i32
      %convert_element_type3A_519 = arith.extui %ge3A_518 : i1 to i32
      %cond3A_520 = arith.constant 0 : i32
      %cond3A_521 = arith.cmpi ne, %convert_element_type3A_519, %cond3A_520 : i32
      scf.if %cond3A_521 {
        %sub3A_1623 = arith.constant 999936 : i32
        %sub3A_1624 = arith.subi %squeeze3A_454, %sub3A_1623 : i32
        %broadcast_in_dim3A_1625 = vector.broadcast %sub3A_1624 : i32 to vector<16xi32>
        %add3A_1626 = arith.constant 0 : i32
        %add3A_1627 = vector.broadcast %add3A_1626 : i32 to vector<16xi32>
        %add3A_1628 = arith.addi %iota3A, %add3A_1627 : vector<16xi32>
        %gather3A_1629 = tpu.vector_load_idx %arg8[%add3A_1628, %broadcast_in_dim3A_1625] : memref<64x64xf32, #tpu.memory_space<vmem>>[vector<16xi32>, vector<16xi32>], vector<16xf32>,
        tpu.vector_store_idx %arg9[%add3A_1628, %broadcast_in_dim3A_480], %gather3A_1629 : memref<64x512xf32, #tpu.memory_space<vmem>>[vector<16xi32>, vector<16xi32>], vector<16xf32>,
        %add3A_1630 = arith.constant 16 : i32
        %add3A_1631 = vector.broadcast %add3A_1630 : i32 to vector<16xi32>
        %add3A_1632 = arith.addi %iota3A, %add3A_1631 : vector<16xi32>
        %gather3A_1633 = tpu.vector_load_idx %arg8[%add3A_1632, %broadcast_in_dim3A_1625] : memref<64x64xf32, #tpu.memory_space<vmem>>[vector<16xi32>, vector<16xi32>], vector<16xf32>,
        tpu.vector_store_idx %arg9[%add3A_1632, %broadcast_in_dim3A_480], %gather3A_1633 : memref<64x512xf32, #tpu.memory_space<vmem>>[vector<16xi32>, vector<16xi32>], vector<16xf32>,
        %add3A_1634 = arith.constant 32 : i32
        %add3A_1635 = vector.broadcast %add3A_1634 : i32 to vector<16xi32>
        %add3A_1636 = arith.addi %iota3A, %add3A_1635 : vector<16xi32>
        %gather3A_1637 = tpu.vector_load_idx %arg8[%add3A_1636, %broadcast_in_dim3A_1625] : memref<64x64xf32, #tpu.memory_space<vmem>>[vector<16xi32>, vector<16xi32>], vector<16xf32>,
        tpu.vector_store_idx %arg9[%add3A_1636, %broadcast_in_dim3A_480], %gather3A_1637 : memref<64x512xf32, #tpu.memory_space<vmem>>[vector<16xi32>, vector<16xi32>], vector<16xf32>,
        %add3A_1638 = arith.constant 48 : i32
        %add3A_1639 = vector.broadcast %add3A_1638 : i32 to vector<16xi32>
        %add3A_1640 = arith.addi %iota3A, %add3A_1639 : vector<16xi32>
        %gather3A_1641 = tpu.vector_load_idx %arg8[%add3A_1640, %broadcast_in_dim3A_1625] : memref<64x64xf32, #tpu.memory_space<vmem>>[vector<16xi32>, vector<16xi32>], vector<16xf32>,
        tpu.vector_store_idx %arg9[%add3A_1640, %broadcast_in_dim3A_480], %gather3A_1641 : memref<64x512xf32, #tpu.memory_space<vmem>>[vector<16xi32>, vector<16xi32>], vector<16xf32>,
      } else {
      }
      %slice3A_522 = vector.extract_strided_slice %get3A_375 {offsets = [9], sizes = [1], strides = [1]} : vector<16xi32> to vector<1xi32>
      %squeeze3A_523 = vector.extract %slice3A_522[0] : i32 from vector<1xi32>
      %add3A_524 = arith.constant 8 : i32
      %add3A_525 = arith.addi %add3A_458, %add3A_524 : i32
      %lt3A_526 = arith.constant 512 : i32
      %lt3A_527 = arith.cmpi slt, %add3A_525, %lt3A_526 : i32
      %convert_element_type3A_528 = arith.extui %lt3A_527 : i1 to i32
      %cond3A_529 = arith.constant 0 : i32
      %cond3A_530 = arith.cmpi ne, %convert_element_type3A_528, %cond3A_529 : i32
      scf.if %cond3A_530 {
        %min3A_1623 = arith.constant 999935 : i32
        %min3A_1624 = arith.minsi %squeeze3A_523, %min3A_1623 : i32
        %jit3A_1625 = arith.constant 128 : i32
        %div3A_1626 = arith.divsi %min3A_1624, %jit3A_1625 : i32
        %sign3A_1627 = arith.constant 0 : i32
        %sign3A_1628 = arith.cmpi sgt, %min3A_1624, %sign3A_1627 : i32
        %sign3A_1629 = arith.extui %sign3A_1628 : i1 to i32
        %sign3A_1630 = arith.constant 0 : i32
        %sign3A_1631 = arith.cmpi slt, %min3A_1624, %sign3A_1630 : i32
        %sign3A_1632 = arith.extui %sign3A_1631 : i1 to i32
        %sign3A_1633 = arith.subi %sign3A_1629, %sign3A_1632 : i32
        %sign3A_1634 = arith.constant 0 : i32
        %sign3A_1635 = arith.cmpi sgt, %jit3A_1625, %sign3A_1634 : i32
        %sign3A_1636 = arith.extui %sign3A_1635 : i1 to i32
        %sign3A_1637 = arith.constant 0 : i32
        %sign3A_1638 = arith.cmpi slt, %jit3A_1625, %sign3A_1637 : i32
        %sign3A_1639 = arith.extui %sign3A_1638 : i1 to i32
        %sign3A_1640 = arith.subi %sign3A_1636, %sign3A_1639 : i32
        %ne3A_1641 = arith.cmpi ne, %sign3A_1633, %sign3A_1640 : i32
        %rem3A_1642 = arith.remsi %min3A_1624, %jit3A_1625 : i32
        %ne3A_1643 = arith.constant 0 : i32
        %ne3A_1644 = arith.cmpi ne, %rem3A_1642, %ne3A_1643 : i32
        %and3A_1645 = arith.andi %ne3A_1641, %ne3A_1644 : i1
        %sub3A_1646 = arith.constant 1 : i32
        %sub3A_1647 = arith.subi %div3A_1626, %sub3A_1646 : i32
        %select_n3A_1648 = arith.select %and3A_1645, %sub3A_1647, %div3A_1626 : i32
        %mul3A_1649 = arith.constant 128 : i32
        %mul3A_1650 = arith.muli %select_n3A_1648, %mul3A_1649 : i32
        %dma_start3A_1651 = arith.constant 1 : i32
        %dma_start3A_1652 = arith.constant 1 : i32
        %dma_start3A_1653 = arith.constant 0 : i32
        %dma_start3A_1654 = arith.constant 0 : i32
        %dma_start3A_1655 = tpu.memref_slice %arg7[%dma_start3A_1651, %dma_start3A_1653, %dma_start3A_1654] : memref<8x64x128xf32, #tpu.memory_space<vmem>> -> memref<1x64x128xf32, #tpu.memory_space<vmem>>
        %dma_start3A_1656 = tpu.memref_squeeze %dma_start3A_1655 : memref<1x64x128xf32, #tpu.memory_space<vmem>> -> memref<64x128xf32, #tpu.memory_space<vmem>>
        %dma_start3A_1657 = arith.constant 0 : i32
        %dma_start3A_1658 = tpu.memref_slice %arg3[%dma_start3A_1657, %mul3A_1650] : memref<64x1000000xf32, #tpu.memory_space<hbm>> -> memref<64x128xf32, #tpu.memory_space<hbm>>
        %dma_start3A_1659 = tpu.memref_slice %arg10[%dma_start3A_1652] : memref<8x!tpu.dma_semaphore, #tpu.memory_space<semaphore_mem>> -> memref<1x!tpu.dma_semaphore, #tpu.memory_space<semaphore_mem>>
        %dma_start3A_1660 = tpu.memref_squeeze %dma_start3A_1659 : memref<1x!tpu.dma_semaphore, #tpu.memory_space<semaphore_mem>> -> memref<!tpu.dma_semaphore, #tpu.memory_space<semaphore_mem>>
        %dma_start3A_1661 = arith.constant 0 : i32
        %dma_start3A_1662 = arith.constant 0 : i32
        %dma_start3A_1663 = tpu.memref_slice %arg7[%dma_start3A_1651, %dma_start3A_1661, %dma_start3A_1662] : memref<8x64x128xf32, #tpu.memory_space<vmem>> -> memref<1x64x128xf32, #tpu.memory_space<vmem>>
        %dma_start3A_1664 = tpu.memref_squeeze %dma_start3A_1663 : memref<1x64x128xf32, #tpu.memory_space<vmem>> -> memref<64x128xf32, #tpu.memory_space<vmem>>
        %dma_start3A_1665 = arith.constant 0 : i32
        %dma_start3A_1666 = tpu.memref_slice %arg3[%dma_start3A_1665, %mul3A_1650] : memref<64x1000000xf32, #tpu.memory_space<hbm>> -> memref<64x128xf32, #tpu.memory_space<hbm>>
        tpu.enqueue_dma source(%dma_start3A_1666 : memref<64x128xf32, #tpu.memory_space<hbm>>) target(%dma_start3A_1664 : memref<64x128xf32, #tpu.memory_space<vmem>>) target_semaphore(%dma_start3A_1660 : memref<!tpu.dma_semaphore, #tpu.memory_space<semaphore_mem>>)
      } else {
      }
      %slice3A_531 = vector.extract_strided_slice %get3A_375 {offsets = [2], sizes = [1], strides = [1]} : vector<16xi32> to vector<1xi32>
      %squeeze3A_532 = vector.extract %slice3A_531[0] : i32 from vector<1xi32>
      %mul3A_533 = arith.constant 16 : i32
      %mul3A_534 = arith.muli %scan3A_371, %mul3A_533 : i32
      %add3A_535 = arith.constant 2 : i32
      %add3A_536 = arith.addi %mul3A_534, %add3A_535 : i32
      %dma_wait3A_537 = arith.constant 2 : i32
      %dma_wait3A_538 = arith.constant 2 : i32
      %dma_wait3A_539 = arith.constant 0 : i32
      %dma_wait3A_540 = arith.constant 0 : i32
      %dma_wait3A_541 = tpu.memref_slice %arg7[%dma_wait3A_537, %dma_wait3A_539, %dma_wait3A_540] : memref<8x64x128xf32, #tpu.memory_space<vmem>> -> memref<1x64x128xf32, #tpu.memory_space<vmem>>
      %dma_wait3A_542 = tpu.memref_squeeze %dma_wait3A_541 : memref<1x64x128xf32, #tpu.memory_space<vmem>> -> memref<64x128xf32, #tpu.memory_space<vmem>>
      %dma_wait3A_543 = arith.constant 0 : i32
      %dma_wait3A_544 = arith.constant 0 : i32
      %dma_wait3A_545 = tpu.memref_slice %arg3[%dma_wait3A_543, %dma_wait3A_544] : memref<64x1000000xf32, #tpu.memory_space<hbm>> -> memref<64x128xf32, #tpu.memory_space<hbm>>
      %dma_wait3A_546 = tpu.memref_slice %arg10[%dma_wait3A_538] : memref<8x!tpu.dma_semaphore, #tpu.memory_space<semaphore_mem>> -> memref<1x!tpu.dma_semaphore, #tpu.memory_space<semaphore_mem>>
      %dma_wait3A_547 = tpu.memref_squeeze %dma_wait3A_546 : memref<1x!tpu.dma_semaphore, #tpu.memory_space<semaphore_mem>> -> memref<!tpu.dma_semaphore, #tpu.memory_space<semaphore_mem>>
      %dma_wait3A_548 = arith.constant 0 : i32
      %dma_wait3A_549 = arith.constant 0 : i32
      %dma_wait3A_550 = tpu.memref_slice %arg7[%dma_wait3A_537, %dma_wait3A_548, %dma_wait3A_549] : memref<8x64x128xf32, #tpu.memory_space<vmem>> -> memref<1x64x128xf32, #tpu.memory_space<vmem>>
      %dma_wait3A_551 = tpu.memref_squeeze %dma_wait3A_550 : memref<1x64x128xf32, #tpu.memory_space<vmem>> -> memref<64x128xf32, #tpu.memory_space<vmem>>
      %dma_wait3A_552 = arith.constant 0 : i32
      %dma_wait3A_553 = arith.constant 0 : i32
      %dma_wait3A_554 = tpu.memref_slice %arg3[%dma_wait3A_552, %dma_wait3A_553] : memref<64x1000000xf32, #tpu.memory_space<hbm>> -> memref<64x128xf32, #tpu.memory_space<hbm>>
      tpu.wait_dma2 semaphore(%dma_wait3A_547 : memref<!tpu.dma_semaphore, #tpu.memory_space<semaphore_mem>>) src(%dma_wait3A_554 : memref<64x128xf32, #tpu.memory_space<hbm>>) dst(%dma_wait3A_551 : memref<64x128xf32, #tpu.memory_space<vmem>>)
      %rem3A_555 = arith.constant 128 : i32
      %rem3A_556 = arith.remsi %squeeze3A_532, %rem3A_555 : i32
      %broadcast_in_dim3A_557 = vector.broadcast %rem3A_556 : i32 to vector<16xi32>
      %broadcast_in_dim3A_558 = vector.broadcast %add3A_536 : i32 to vector<16xi32>
      %add3A_559 = arith.constant 0 : i32
      %add3A_560 = vector.broadcast %add3A_559 : i32 to vector<16xi32>
      %add3A_561 = arith.addi %iota3A, %add3A_560 : vector<16xi32>
      %gather3A_562 = arith.constant 2 : i32
      %gather3A_563 = arith.constant 0 : i32
      %gather3A_564 = arith.constant 0 : i32
      %gather3A_565 = tpu.memref_slice %arg7[%gather3A_562, %gather3A_563, %gather3A_564] : memref<8x64x128xf32, #tpu.memory_space<vmem>> -> memref<1x64x128xf32, #tpu.memory_space<vmem>>
      %gather3A_566 = tpu.memref_squeeze %gather3A_565 : memref<1x64x128xf32, #tpu.memory_space<vmem>> -> memref<64x128xf32, #tpu.memory_space<vmem>>
      %gather3A_567 = tpu.vector_load_idx %gather3A_566[%add3A_561, %broadcast_in_dim3A_557] : memref<64x128xf32, #tpu.memory_space<vmem>>[vector<16xi32>, vector<16xi32>], vector<16xf32>,
      tpu.vector_store_idx %arg9[%add3A_561, %broadcast_in_dim3A_558], %gather3A_567 : memref<64x512xf32, #tpu.memory_space<vmem>>[vector<16xi32>, vector<16xi32>], vector<16xf32>,
      %add3A_568 = arith.constant 16 : i32
      %add3A_569 = vector.broadcast %add3A_568 : i32 to vector<16xi32>
      %add3A_570 = arith.addi %iota3A, %add3A_569 : vector<16xi32>
      %gather3A_571 = arith.constant 2 : i32
      %gather3A_572 = arith.constant 0 : i32
      %gather3A_573 = arith.constant 0 : i32
      %gather3A_574 = tpu.memref_slice %arg7[%gather3A_571, %gather3A_572, %gather3A_573] : memref<8x64x128xf32, #tpu.memory_space<vmem>> -> memref<1x64x128xf32, #tpu.memory_space<vmem>>
      %gather3A_575 = tpu.memref_squeeze %gather3A_574 : memref<1x64x128xf32, #tpu.memory_space<vmem>> -> memref<64x128xf32, #tpu.memory_space<vmem>>
      %gather3A_576 = tpu.vector_load_idx %gather3A_575[%add3A_570, %broadcast_in_dim3A_557] : memref<64x128xf32, #tpu.memory_space<vmem>>[vector<16xi32>, vector<16xi32>], vector<16xf32>,
      tpu.vector_store_idx %arg9[%add3A_570, %broadcast_in_dim3A_558], %gather3A_576 : memref<64x512xf32, #tpu.memory_space<vmem>>[vector<16xi32>, vector<16xi32>], vector<16xf32>,
      %add3A_577 = arith.constant 32 : i32
      %add3A_578 = vector.broadcast %add3A_577 : i32 to vector<16xi32>
      %add3A_579 = arith.addi %iota3A, %add3A_578 : vector<16xi32>
      %gather3A_580 = arith.constant 2 : i32
      %gather3A_581 = arith.constant 0 : i32
      %gather3A_582 = arith.constant 0 : i32
      %gather3A_583 = tpu.memref_slice %arg7[%gather3A_580, %gather3A_581, %gather3A_582] : memref<8x64x128xf32, #tpu.memory_space<vmem>> -> memref<1x64x128xf32, #tpu.memory_space<vmem>>
      %gather3A_584 = tpu.memref_squeeze %gather3A_583 : memref<1x64x128xf32, #tpu.memory_space<vmem>> -> memref<64x128xf32, #tpu.memory_space<vmem>>
      %gather3A_585 = tpu.vector_load_idx %gather3A_584[%add3A_579, %broadcast_in_dim3A_557] : memref<64x128xf32, #tpu.memory_space<vmem>>[vector<16xi32>, vector<16xi32>], vector<16xf32>,
      tpu.vector_store_idx %arg9[%add3A_579, %broadcast_in_dim3A_558], %gather3A_585 : memref<64x512xf32, #tpu.memory_space<vmem>>[vector<16xi32>, vector<16xi32>], vector<16xf32>,
      %add3A_586 = arith.constant 48 : i32
      %add3A_587 = vector.broadcast %add3A_586 : i32 to vector<16xi32>
      %add3A_588 = arith.addi %iota3A, %add3A_587 : vector<16xi32>
      %gather3A_589 = arith.constant 2 : i32
      %gather3A_590 = arith.constant 0 : i32
      %gather3A_591 = arith.constant 0 : i32
      %gather3A_592 = tpu.memref_slice %arg7[%gather3A_589, %gather3A_590, %gather3A_591] : memref<8x64x128xf32, #tpu.memory_space<vmem>> -> memref<1x64x128xf32, #tpu.memory_space<vmem>>
      %gather3A_593 = tpu.memref_squeeze %gather3A_592 : memref<1x64x128xf32, #tpu.memory_space<vmem>> -> memref<64x128xf32, #tpu.memory_space<vmem>>
      %gather3A_594 = tpu.vector_load_idx %gather3A_593[%add3A_588, %broadcast_in_dim3A_557] : memref<64x128xf32, #tpu.memory_space<vmem>>[vector<16xi32>, vector<16xi32>], vector<16xf32>,
      tpu.vector_store_idx %arg9[%add3A_588, %broadcast_in_dim3A_558], %gather3A_594 : memref<64x512xf32, #tpu.memory_space<vmem>>[vector<16xi32>, vector<16xi32>], vector<16xf32>,
      %ge3A_595 = arith.constant 999936 : i32
      %ge3A_596 = arith.cmpi sge, %squeeze3A_532, %ge3A_595 : i32
      %convert_element_type3A_597 = arith.extui %ge3A_596 : i1 to i32
      %cond3A_598 = arith.constant 0 : i32
      %cond3A_599 = arith.cmpi ne, %convert_element_type3A_597, %cond3A_598 : i32
      scf.if %cond3A_599 {
        %sub3A_1623 = arith.constant 999936 : i32
        %sub3A_1624 = arith.subi %squeeze3A_532, %sub3A_1623 : i32
        %broadcast_in_dim3A_1625 = vector.broadcast %sub3A_1624 : i32 to vector<16xi32>
        %add3A_1626 = arith.constant 0 : i32
        %add3A_1627 = vector.broadcast %add3A_1626 : i32 to vector<16xi32>
        %add3A_1628 = arith.addi %iota3A, %add3A_1627 : vector<16xi32>
        %gather3A_1629 = tpu.vector_load_idx %arg8[%add3A_1628, %broadcast_in_dim3A_1625] : memref<64x64xf32, #tpu.memory_space<vmem>>[vector<16xi32>, vector<16xi32>], vector<16xf32>,
        tpu.vector_store_idx %arg9[%add3A_1628, %broadcast_in_dim3A_558], %gather3A_1629 : memref<64x512xf32, #tpu.memory_space<vmem>>[vector<16xi32>, vector<16xi32>], vector<16xf32>,
        %add3A_1630 = arith.constant 16 : i32
        %add3A_1631 = vector.broadcast %add3A_1630 : i32 to vector<16xi32>
        %add3A_1632 = arith.addi %iota3A, %add3A_1631 : vector<16xi32>
        %gather3A_1633 = tpu.vector_load_idx %arg8[%add3A_1632, %broadcast_in_dim3A_1625] : memref<64x64xf32, #tpu.memory_space<vmem>>[vector<16xi32>, vector<16xi32>], vector<16xf32>,
        tpu.vector_store_idx %arg9[%add3A_1632, %broadcast_in_dim3A_558], %gather3A_1633 : memref<64x512xf32, #tpu.memory_space<vmem>>[vector<16xi32>, vector<16xi32>], vector<16xf32>,
        %add3A_1634 = arith.constant 32 : i32
        %add3A_1635 = vector.broadcast %add3A_1634 : i32 to vector<16xi32>
        %add3A_1636 = arith.addi %iota3A, %add3A_1635 : vector<16xi32>
        %gather3A_1637 = tpu.vector_load_idx %arg8[%add3A_1636, %broadcast_in_dim3A_1625] : memref<64x64xf32, #tpu.memory_space<vmem>>[vector<16xi32>, vector<16xi32>], vector<16xf32>,
        tpu.vector_store_idx %arg9[%add3A_1636, %broadcast_in_dim3A_558], %gather3A_1637 : memref<64x512xf32, #tpu.memory_space<vmem>>[vector<16xi32>, vector<16xi32>], vector<16xf32>,
        %add3A_1638 = arith.constant 48 : i32
        %add3A_1639 = vector.broadcast %add3A_1638 : i32 to vector<16xi32>
        %add3A_1640 = arith.addi %iota3A, %add3A_1639 : vector<16xi32>
        %gather3A_1641 = tpu.vector_load_idx %arg8[%add3A_1640, %broadcast_in_dim3A_1625] : memref<64x64xf32, #tpu.memory_space<vmem>>[vector<16xi32>, vector<16xi32>], vector<16xf32>,
        tpu.vector_store_idx %arg9[%add3A_1640, %broadcast_in_dim3A_558], %gather3A_1641 : memref<64x512xf32, #tpu.memory_space<vmem>>[vector<16xi32>, vector<16xi32>], vector<16xf32>,
      } else {
      }
      %slice3A_600 = vector.extract_strided_slice %get3A_375 {offsets = [10], sizes = [1], strides = [1]} : vector<16xi32> to vector<1xi32>
      %squeeze3A_601 = vector.extract %slice3A_600[0] : i32 from vector<1xi32>
      %add3A_602 = arith.constant 8 : i32
      %add3A_603 = arith.addi %add3A_536, %add3A_602 : i32
      %lt3A_604 = arith.constant 512 : i32
      %lt3A_605 = arith.cmpi slt, %add3A_603, %lt3A_604 : i32
      %convert_element_type3A_606 = arith.extui %lt3A_605 : i1 to i32
      %cond3A_607 = arith.constant 0 : i32
      %cond3A_608 = arith.cmpi ne, %convert_element_type3A_606, %cond3A_607 : i32
      scf.if %cond3A_608 {
        %min3A_1623 = arith.constant 999935 : i32
        %min3A_1624 = arith.minsi %squeeze3A_601, %min3A_1623 : i32
        %jit3A_1625 = arith.constant 128 : i32
        %div3A_1626 = arith.divsi %min3A_1624, %jit3A_1625 : i32
        %sign3A_1627 = arith.constant 0 : i32
        %sign3A_1628 = arith.cmpi sgt, %min3A_1624, %sign3A_1627 : i32
        %sign3A_1629 = arith.extui %sign3A_1628 : i1 to i32
        %sign3A_1630 = arith.constant 0 : i32
        %sign3A_1631 = arith.cmpi slt, %min3A_1624, %sign3A_1630 : i32
        %sign3A_1632 = arith.extui %sign3A_1631 : i1 to i32
        %sign3A_1633 = arith.subi %sign3A_1629, %sign3A_1632 : i32
        %sign3A_1634 = arith.constant 0 : i32
        %sign3A_1635 = arith.cmpi sgt, %jit3A_1625, %sign3A_1634 : i32
        %sign3A_1636 = arith.extui %sign3A_1635 : i1 to i32
        %sign3A_1637 = arith.constant 0 : i32
        %sign3A_1638 = arith.cmpi slt, %jit3A_1625, %sign3A_1637 : i32
        %sign3A_1639 = arith.extui %sign3A_1638 : i1 to i32
        %sign3A_1640 = arith.subi %sign3A_1636, %sign3A_1639 : i32
        %ne3A_1641 = arith.cmpi ne, %sign3A_1633, %sign3A_1640 : i32
        %rem3A_1642 = arith.remsi %min3A_1624, %jit3A_1625 : i32
        %ne3A_1643 = arith.constant 0 : i32
        %ne3A_1644 = arith.cmpi ne, %rem3A_1642, %ne3A_1643 : i32
        %and3A_1645 = arith.andi %ne3A_1641, %ne3A_1644 : i1
        %sub3A_1646 = arith.constant 1 : i32
        %sub3A_1647 = arith.subi %div3A_1626, %sub3A_1646 : i32
        %select_n3A_1648 = arith.select %and3A_1645, %sub3A_1647, %div3A_1626 : i32
        %mul3A_1649 = arith.constant 128 : i32
        %mul3A_1650 = arith.muli %select_n3A_1648, %mul3A_1649 : i32
        %dma_start3A_1651 = arith.constant 2 : i32
        %dma_start3A_1652 = arith.constant 2 : i32
        %dma_start3A_1653 = arith.constant 0 : i32
        %dma_start3A_1654 = arith.constant 0 : i32
        %dma_start3A_1655 = tpu.memref_slice %arg7[%dma_start3A_1651, %dma_start3A_1653, %dma_start3A_1654] : memref<8x64x128xf32, #tpu.memory_space<vmem>> -> memref<1x64x128xf32, #tpu.memory_space<vmem>>
        %dma_start3A_1656 = tpu.memref_squeeze %dma_start3A_1655 : memref<1x64x128xf32, #tpu.memory_space<vmem>> -> memref<64x128xf32, #tpu.memory_space<vmem>>
        %dma_start3A_1657 = arith.constant 0 : i32
        %dma_start3A_1658 = tpu.memref_slice %arg3[%dma_start3A_1657, %mul3A_1650] : memref<64x1000000xf32, #tpu.memory_space<hbm>> -> memref<64x128xf32, #tpu.memory_space<hbm>>
        %dma_start3A_1659 = tpu.memref_slice %arg10[%dma_start3A_1652] : memref<8x!tpu.dma_semaphore, #tpu.memory_space<semaphore_mem>> -> memref<1x!tpu.dma_semaphore, #tpu.memory_space<semaphore_mem>>
        %dma_start3A_1660 = tpu.memref_squeeze %dma_start3A_1659 : memref<1x!tpu.dma_semaphore, #tpu.memory_space<semaphore_mem>> -> memref<!tpu.dma_semaphore, #tpu.memory_space<semaphore_mem>>
        %dma_start3A_1661 = arith.constant 0 : i32
        %dma_start3A_1662 = arith.constant 0 : i32
        %dma_start3A_1663 = tpu.memref_slice %arg7[%dma_start3A_1651, %dma_start3A_1661, %dma_start3A_1662] : memref<8x64x128xf32, #tpu.memory_space<vmem>> -> memref<1x64x128xf32, #tpu.memory_space<vmem>>
        %dma_start3A_1664 = tpu.memref_squeeze %dma_start3A_1663 : memref<1x64x128xf32, #tpu.memory_space<vmem>> -> memref<64x128xf32, #tpu.memory_space<vmem>>
        %dma_start3A_1665 = arith.constant 0 : i32
        %dma_start3A_1666 = tpu.memref_slice %arg3[%dma_start3A_1665, %mul3A_1650] : memref<64x1000000xf32, #tpu.memory_space<hbm>> -> memref<64x128xf32, #tpu.memory_space<hbm>>
        tpu.enqueue_dma source(%dma_start3A_1666 : memref<64x128xf32, #tpu.memory_space<hbm>>) target(%dma_start3A_1664 : memref<64x128xf32, #tpu.memory_space<vmem>>) target_semaphore(%dma_start3A_1660 : memref<!tpu.dma_semaphore, #tpu.memory_space<semaphore_mem>>)
      } else {
      }
      %slice3A_609 = vector.extract_strided_slice %get3A_375 {offsets = [3], sizes = [1], strides = [1]} : vector<16xi32> to vector<1xi32>
      %squeeze3A_610 = vector.extract %slice3A_609[0] : i32 from vector<1xi32>
      %mul3A_611 = arith.constant 16 : i32
      %mul3A_612 = arith.muli %scan3A_371, %mul3A_611 : i32
      %add3A_613 = arith.constant 3 : i32
      %add3A_614 = arith.addi %mul3A_612, %add3A_613 : i32
      %dma_wait3A_615 = arith.constant 3 : i32
      %dma_wait3A_616 = arith.constant 3 : i32
      %dma_wait3A_617 = arith.constant 0 : i32
      %dma_wait3A_618 = arith.constant 0 : i32
      %dma_wait3A_619 = tpu.memref_slice %arg7[%dma_wait3A_615, %dma_wait3A_617, %dma_wait3A_618] : memref<8x64x128xf32, #tpu.memory_space<vmem>> -> memref<1x64x128xf32, #tpu.memory_space<vmem>>
      %dma_wait3A_620 = tpu.memref_squeeze %dma_wait3A_619 : memref<1x64x128xf32, #tpu.memory_space<vmem>> -> memref<64x128xf32, #tpu.memory_space<vmem>>
      %dma_wait3A_621 = arith.constant 0 : i32
      %dma_wait3A_622 = arith.constant 0 : i32
      %dma_wait3A_623 = tpu.memref_slice %arg3[%dma_wait3A_621, %dma_wait3A_622] : memref<64x1000000xf32, #tpu.memory_space<hbm>> -> memref<64x128xf32, #tpu.memory_space<hbm>>
      %dma_wait3A_624 = tpu.memref_slice %arg10[%dma_wait3A_616] : memref<8x!tpu.dma_semaphore, #tpu.memory_space<semaphore_mem>> -> memref<1x!tpu.dma_semaphore, #tpu.memory_space<semaphore_mem>>
      %dma_wait3A_625 = tpu.memref_squeeze %dma_wait3A_624 : memref<1x!tpu.dma_semaphore, #tpu.memory_space<semaphore_mem>> -> memref<!tpu.dma_semaphore, #tpu.memory_space<semaphore_mem>>
      %dma_wait3A_626 = arith.constant 0 : i32
      %dma_wait3A_627 = arith.constant 0 : i32
      %dma_wait3A_628 = tpu.memref_slice %arg7[%dma_wait3A_615, %dma_wait3A_626, %dma_wait3A_627] : memref<8x64x128xf32, #tpu.memory_space<vmem>> -> memref<1x64x128xf32, #tpu.memory_space<vmem>>
      %dma_wait3A_629 = tpu.memref_squeeze %dma_wait3A_628 : memref<1x64x128xf32, #tpu.memory_space<vmem>> -> memref<64x128xf32, #tpu.memory_space<vmem>>
      %dma_wait3A_630 = arith.constant 0 : i32
      %dma_wait3A_631 = arith.constant 0 : i32
      %dma_wait3A_632 = tpu.memref_slice %arg3[%dma_wait3A_630, %dma_wait3A_631] : memref<64x1000000xf32, #tpu.memory_space<hbm>> -> memref<64x128xf32, #tpu.memory_space<hbm>>
      tpu.wait_dma2 semaphore(%dma_wait3A_625 : memref<!tpu.dma_semaphore, #tpu.memory_space<semaphore_mem>>) src(%dma_wait3A_632 : memref<64x128xf32, #tpu.memory_space<hbm>>) dst(%dma_wait3A_629 : memref<64x128xf32, #tpu.memory_space<vmem>>)
      %rem3A_633 = arith.constant 128 : i32
      %rem3A_634 = arith.remsi %squeeze3A_610, %rem3A_633 : i32
      %broadcast_in_dim3A_635 = vector.broadcast %rem3A_634 : i32 to vector<16xi32>
      %broadcast_in_dim3A_636 = vector.broadcast %add3A_614 : i32 to vector<16xi32>
      %add3A_637 = arith.constant 0 : i32
      %add3A_638 = vector.broadcast %add3A_637 : i32 to vector<16xi32>
      %add3A_639 = arith.addi %iota3A, %add3A_638 : vector<16xi32>
      %gather3A_640 = arith.constant 3 : i32
      %gather3A_641 = arith.constant 0 : i32
      %gather3A_642 = arith.constant 0 : i32
      %gather3A_643 = tpu.memref_slice %arg7[%gather3A_640, %gather3A_641, %gather3A_642] : memref<8x64x128xf32, #tpu.memory_space<vmem>> -> memref<1x64x128xf32, #tpu.memory_space<vmem>>
      %gather3A_644 = tpu.memref_squeeze %gather3A_643 : memref<1x64x128xf32, #tpu.memory_space<vmem>> -> memref<64x128xf32, #tpu.memory_space<vmem>>
      %gather3A_645 = tpu.vector_load_idx %gather3A_644[%add3A_639, %broadcast_in_dim3A_635] : memref<64x128xf32, #tpu.memory_space<vmem>>[vector<16xi32>, vector<16xi32>], vector<16xf32>,
      tpu.vector_store_idx %arg9[%add3A_639, %broadcast_in_dim3A_636], %gather3A_645 : memref<64x512xf32, #tpu.memory_space<vmem>>[vector<16xi32>, vector<16xi32>], vector<16xf32>,
      %add3A_646 = arith.constant 16 : i32
      %add3A_647 = vector.broadcast %add3A_646 : i32 to vector<16xi32>
      %add3A_648 = arith.addi %iota3A, %add3A_647 : vector<16xi32>
      %gather3A_649 = arith.constant 3 : i32
      %gather3A_650 = arith.constant 0 : i32
      %gather3A_651 = arith.constant 0 : i32
      %gather3A_652 = tpu.memref_slice %arg7[%gather3A_649, %gather3A_650, %gather3A_651] : memref<8x64x128xf32, #tpu.memory_space<vmem>> -> memref<1x64x128xf32, #tpu.memory_space<vmem>>
      %gather3A_653 = tpu.memref_squeeze %gather3A_652 : memref<1x64x128xf32, #tpu.memory_space<vmem>> -> memref<64x128xf32, #tpu.memory_space<vmem>>
      %gather3A_654 = tpu.vector_load_idx %gather3A_653[%add3A_648, %broadcast_in_dim3A_635] : memref<64x128xf32, #tpu.memory_space<vmem>>[vector<16xi32>, vector<16xi32>], vector<16xf32>,
      tpu.vector_store_idx %arg9[%add3A_648, %broadcast_in_dim3A_636], %gather3A_654 : memref<64x512xf32, #tpu.memory_space<vmem>>[vector<16xi32>, vector<16xi32>], vector<16xf32>,
      %add3A_655 = arith.constant 32 : i32
      %add3A_656 = vector.broadcast %add3A_655 : i32 to vector<16xi32>
      %add3A_657 = arith.addi %iota3A, %add3A_656 : vector<16xi32>
      %gather3A_658 = arith.constant 3 : i32
      %gather3A_659 = arith.constant 0 : i32
      %gather3A_660 = arith.constant 0 : i32
      %gather3A_661 = tpu.memref_slice %arg7[%gather3A_658, %gather3A_659, %gather3A_660] : memref<8x64x128xf32, #tpu.memory_space<vmem>> -> memref<1x64x128xf32, #tpu.memory_space<vmem>>
      %gather3A_662 = tpu.memref_squeeze %gather3A_661 : memref<1x64x128xf32, #tpu.memory_space<vmem>> -> memref<64x128xf32, #tpu.memory_space<vmem>>
      %gather3A_663 = tpu.vector_load_idx %gather3A_662[%add3A_657, %broadcast_in_dim3A_635] : memref<64x128xf32, #tpu.memory_space<vmem>>[vector<16xi32>, vector<16xi32>], vector<16xf32>,
      tpu.vector_store_idx %arg9[%add3A_657, %broadcast_in_dim3A_636], %gather3A_663 : memref<64x512xf32, #tpu.memory_space<vmem>>[vector<16xi32>, vector<16xi32>], vector<16xf32>,
      %add3A_664 = arith.constant 48 : i32
      %add3A_665 = vector.broadcast %add3A_664 : i32 to vector<16xi32>
      %add3A_666 = arith.addi %iota3A, %add3A_665 : vector<16xi32>
      %gather3A_667 = arith.constant 3 : i32
      %gather3A_668 = arith.constant 0 : i32
      %gather3A_669 = arith.constant 0 : i32
      %gather3A_670 = tpu.memref_slice %arg7[%gather3A_667, %gather3A_668, %gather3A_669] : memref<8x64x128xf32, #tpu.memory_space<vmem>> -> memref<1x64x128xf32, #tpu.memory_space<vmem>>
      %gather3A_671 = tpu.memref_squeeze %gather3A_670 : memref<1x64x128xf32, #tpu.memory_space<vmem>> -> memref<64x128xf32, #tpu.memory_space<vmem>>
      %gather3A_672 = tpu.vector_load_idx %gather3A_671[%add3A_666, %broadcast_in_dim3A_635] : memref<64x128xf32, #tpu.memory_space<vmem>>[vector<16xi32>, vector<16xi32>], vector<16xf32>,
      tpu.vector_store_idx %arg9[%add3A_666, %broadcast_in_dim3A_636], %gather3A_672 : memref<64x512xf32, #tpu.memory_space<vmem>>[vector<16xi32>, vector<16xi32>], vector<16xf32>,
      %ge3A_673 = arith.constant 999936 : i32
      %ge3A_674 = arith.cmpi sge, %squeeze3A_610, %ge3A_673 : i32
      %convert_element_type3A_675 = arith.extui %ge3A_674 : i1 to i32
      %cond3A_676 = arith.constant 0 : i32
      %cond3A_677 = arith.cmpi ne, %convert_element_type3A_675, %cond3A_676 : i32
      scf.if %cond3A_677 {
        %sub3A_1623 = arith.constant 999936 : i32
        %sub3A_1624 = arith.subi %squeeze3A_610, %sub3A_1623 : i32
        %broadcast_in_dim3A_1625 = vector.broadcast %sub3A_1624 : i32 to vector<16xi32>
        %add3A_1626 = arith.constant 0 : i32
        %add3A_1627 = vector.broadcast %add3A_1626 : i32 to vector<16xi32>
        %add3A_1628 = arith.addi %iota3A, %add3A_1627 : vector<16xi32>
        %gather3A_1629 = tpu.vector_load_idx %arg8[%add3A_1628, %broadcast_in_dim3A_1625] : memref<64x64xf32, #tpu.memory_space<vmem>>[vector<16xi32>, vector<16xi32>], vector<16xf32>,
        tpu.vector_store_idx %arg9[%add3A_1628, %broadcast_in_dim3A_636], %gather3A_1629 : memref<64x512xf32, #tpu.memory_space<vmem>>[vector<16xi32>, vector<16xi32>], vector<16xf32>,
        %add3A_1630 = arith.constant 16 : i32
        %add3A_1631 = vector.broadcast %add3A_1630 : i32 to vector<16xi32>
        %add3A_1632 = arith.addi %iota3A, %add3A_1631 : vector<16xi32>
        %gather3A_1633 = tpu.vector_load_idx %arg8[%add3A_1632, %broadcast_in_dim3A_1625] : memref<64x64xf32, #tpu.memory_space<vmem>>[vector<16xi32>, vector<16xi32>], vector<16xf32>,
        tpu.vector_store_idx %arg9[%add3A_1632, %broadcast_in_dim3A_636], %gather3A_1633 : memref<64x512xf32, #tpu.memory_space<vmem>>[vector<16xi32>, vector<16xi32>], vector<16xf32>,
        %add3A_1634 = arith.constant 32 : i32
        %add3A_1635 = vector.broadcast %add3A_1634 : i32 to vector<16xi32>
        %add3A_1636 = arith.addi %iota3A, %add3A_1635 : vector<16xi32>
        %gather3A_1637 = tpu.vector_load_idx %arg8[%add3A_1636, %broadcast_in_dim3A_1625] : memref<64x64xf32, #tpu.memory_space<vmem>>[vector<16xi32>, vector<16xi32>], vector<16xf32>,
        tpu.vector_store_idx %arg9[%add3A_1636, %broadcast_in_dim3A_636], %gather3A_1637 : memref<64x512xf32, #tpu.memory_space<vmem>>[vector<16xi32>, vector<16xi32>], vector<16xf32>,
        %add3A_1638 = arith.constant 48 : i32
        %add3A_1639 = vector.broadcast %add3A_1638 : i32 to vector<16xi32>
        %add3A_1640 = arith.addi %iota3A, %add3A_1639 : vector<16xi32>
        %gather3A_1641 = tpu.vector_load_idx %arg8[%add3A_1640, %broadcast_in_dim3A_1625] : memref<64x64xf32, #tpu.memory_space<vmem>>[vector<16xi32>, vector<16xi32>], vector<16xf32>,
        tpu.vector_store_idx %arg9[%add3A_1640, %broadcast_in_dim3A_636], %gather3A_1641 : memref<64x512xf32, #tpu.memory_space<vmem>>[vector<16xi32>, vector<16xi32>], vector<16xf32>,
      } else {
      }
      %slice3A_678 = vector.extract_strided_slice %get3A_375 {offsets = [11], sizes = [1], strides = [1]} : vector<16xi32> to vector<1xi32>
      %squeeze3A_679 = vector.extract %slice3A_678[0] : i32 from vector<1xi32>
      %add3A_680 = arith.constant 8 : i32
      %add3A_681 = arith.addi %add3A_614, %add3A_680 : i32
      %lt3A_682 = arith.constant 512 : i32
      %lt3A_683 = arith.cmpi slt, %add3A_681, %lt3A_682 : i32
      %convert_element_type3A_684 = arith.extui %lt3A_683 : i1 to i32
      %cond3A_685 = arith.constant 0 : i32
      %cond3A_686 = arith.cmpi ne, %convert_element_type3A_684, %cond3A_685 : i32
      scf.if %cond3A_686 {
        %min3A_1623 = arith.constant 999935 : i32
        %min3A_1624 = arith.minsi %squeeze3A_679, %min3A_1623 : i32
        %jit3A_1625 = arith.constant 128 : i32
        %div3A_1626 = arith.divsi %min3A_1624, %jit3A_1625 : i32
        %sign3A_1627 = arith.constant 0 : i32
        %sign3A_1628 = arith.cmpi sgt, %min3A_1624, %sign3A_1627 : i32
        %sign3A_1629 = arith.extui %sign3A_1628 : i1 to i32
        %sign3A_1630 = arith.constant 0 : i32
        %sign3A_1631 = arith.cmpi slt, %min3A_1624, %sign3A_1630 : i32
        %sign3A_1632 = arith.extui %sign3A_1631 : i1 to i32
        %sign3A_1633 = arith.subi %sign3A_1629, %sign3A_1632 : i32
        %sign3A_1634 = arith.constant 0 : i32
        %sign3A_1635 = arith.cmpi sgt, %jit3A_1625, %sign3A_1634 : i32
        %sign3A_1636 = arith.extui %sign3A_1635 : i1 to i32
        %sign3A_1637 = arith.constant 0 : i32
        %sign3A_1638 = arith.cmpi slt, %jit3A_1625, %sign3A_1637 : i32
        %sign3A_1639 = arith.extui %sign3A_1638 : i1 to i32
        %sign3A_1640 = arith.subi %sign3A_1636, %sign3A_1639 : i32
        %ne3A_1641 = arith.cmpi ne, %sign3A_1633, %sign3A_1640 : i32
        %rem3A_1642 = arith.remsi %min3A_1624, %jit3A_1625 : i32
        %ne3A_1643 = arith.constant 0 : i32
        %ne3A_1644 = arith.cmpi ne, %rem3A_1642, %ne3A_1643 : i32
        %and3A_1645 = arith.andi %ne3A_1641, %ne3A_1644 : i1
        %sub3A_1646 = arith.constant 1 : i32
        %sub3A_1647 = arith.subi %div3A_1626, %sub3A_1646 : i32
        %select_n3A_1648 = arith.select %and3A_1645, %sub3A_1647, %div3A_1626 : i32
        %mul3A_1649 = arith.constant 128 : i32
        %mul3A_1650 = arith.muli %select_n3A_1648, %mul3A_1649 : i32
        %dma_start3A_1651 = arith.constant 3 : i32
        %dma_start3A_1652 = arith.constant 3 : i32
        %dma_start3A_1653 = arith.constant 0 : i32
        %dma_start3A_1654 = arith.constant 0 : i32
        %dma_start3A_1655 = tpu.memref_slice %arg7[%dma_start3A_1651, %dma_start3A_1653, %dma_start3A_1654] : memref<8x64x128xf32, #tpu.memory_space<vmem>> -> memref<1x64x128xf32, #tpu.memory_space<vmem>>
        %dma_start3A_1656 = tpu.memref_squeeze %dma_start3A_1655 : memref<1x64x128xf32, #tpu.memory_space<vmem>> -> memref<64x128xf32, #tpu.memory_space<vmem>>
        %dma_start3A_1657 = arith.constant 0 : i32
        %dma_start3A_1658 = tpu.memref_slice %arg3[%dma_start3A_1657, %mul3A_1650] : memref<64x1000000xf32, #tpu.memory_space<hbm>> -> memref<64x128xf32, #tpu.memory_space<hbm>>
        %dma_start3A_1659 = tpu.memref_slice %arg10[%dma_start3A_1652] : memref<8x!tpu.dma_semaphore, #tpu.memory_space<semaphore_mem>> -> memref<1x!tpu.dma_semaphore, #tpu.memory_space<semaphore_mem>>
        %dma_start3A_1660 = tpu.memref_squeeze %dma_start3A_1659 : memref<1x!tpu.dma_semaphore, #tpu.memory_space<semaphore_mem>> -> memref<!tpu.dma_semaphore, #tpu.memory_space<semaphore_mem>>
        %dma_start3A_1661 = arith.constant 0 : i32
        %dma_start3A_1662 = arith.constant 0 : i32
        %dma_start3A_1663 = tpu.memref_slice %arg7[%dma_start3A_1651, %dma_start3A_1661, %dma_start3A_1662] : memref<8x64x128xf32, #tpu.memory_space<vmem>> -> memref<1x64x128xf32, #tpu.memory_space<vmem>>
        %dma_start3A_1664 = tpu.memref_squeeze %dma_start3A_1663 : memref<1x64x128xf32, #tpu.memory_space<vmem>> -> memref<64x128xf32, #tpu.memory_space<vmem>>
        %dma_start3A_1665 = arith.constant 0 : i32
        %dma_start3A_1666 = tpu.memref_slice %arg3[%dma_start3A_1665, %mul3A_1650] : memref<64x1000000xf32, #tpu.memory_space<hbm>> -> memref<64x128xf32, #tpu.memory_space<hbm>>
        tpu.enqueue_dma source(%dma_start3A_1666 : memref<64x128xf32, #tpu.memory_space<hbm>>) target(%dma_start3A_1664 : memref<64x128xf32, #tpu.memory_space<vmem>>) target_semaphore(%dma_start3A_1660 : memref<!tpu.dma_semaphore, #tpu.memory_space<semaphore_mem>>)
      } else {
      }
      %slice3A_687 = vector.extract_strided_slice %get3A_375 {offsets = [4], sizes = [1], strides = [1]} : vector<16xi32> to vector<1xi32>
      %squeeze3A_688 = vector.extract %slice3A_687[0] : i32 from vector<1xi32>
      %mul3A_689 = arith.constant 16 : i32
      %mul3A_690 = arith.muli %scan3A_371, %mul3A_689 : i32
      %add3A_691 = arith.constant 4 : i32
      %add3A_692 = arith.addi %mul3A_690, %add3A_691 : i32
      %dma_wait3A_693 = arith.constant 4 : i32
      %dma_wait3A_694 = arith.constant 4 : i32
      %dma_wait3A_695 = arith.constant 0 : i32
      %dma_wait3A_696 = arith.constant 0 : i32
      %dma_wait3A_697 = tpu.memref_slice %arg7[%dma_wait3A_693, %dma_wait3A_695, %dma_wait3A_696] : memref<8x64x128xf32, #tpu.memory_space<vmem>> -> memref<1x64x128xf32, #tpu.memory_space<vmem>>
      %dma_wait3A_698 = tpu.memref_squeeze %dma_wait3A_697 : memref<1x64x128xf32, #tpu.memory_space<vmem>> -> memref<64x128xf32, #tpu.memory_space<vmem>>
      %dma_wait3A_699 = arith.constant 0 : i32
      %dma_wait3A_700 = arith.constant 0 : i32
      %dma_wait3A_701 = tpu.memref_slice %arg3[%dma_wait3A_699, %dma_wait3A_700] : memref<64x1000000xf32, #tpu.memory_space<hbm>> -> memref<64x128xf32, #tpu.memory_space<hbm>>
      %dma_wait3A_702 = tpu.memref_slice %arg10[%dma_wait3A_694] : memref<8x!tpu.dma_semaphore, #tpu.memory_space<semaphore_mem>> -> memref<1x!tpu.dma_semaphore, #tpu.memory_space<semaphore_mem>>
      %dma_wait3A_703 = tpu.memref_squeeze %dma_wait3A_702 : memref<1x!tpu.dma_semaphore, #tpu.memory_space<semaphore_mem>> -> memref<!tpu.dma_semaphore, #tpu.memory_space<semaphore_mem>>
      %dma_wait3A_704 = arith.constant 0 : i32
      %dma_wait3A_705 = arith.constant 0 : i32
      %dma_wait3A_706 = tpu.memref_slice %arg7[%dma_wait3A_693, %dma_wait3A_704, %dma_wait3A_705] : memref<8x64x128xf32, #tpu.memory_space<vmem>> -> memref<1x64x128xf32, #tpu.memory_space<vmem>>
      %dma_wait3A_707 = tpu.memref_squeeze %dma_wait3A_706 : memref<1x64x128xf32, #tpu.memory_space<vmem>> -> memref<64x128xf32, #tpu.memory_space<vmem>>
      %dma_wait3A_708 = arith.constant 0 : i32
      %dma_wait3A_709 = arith.constant 0 : i32
      %dma_wait3A_710 = tpu.memref_slice %arg3[%dma_wait3A_708, %dma_wait3A_709] : memref<64x1000000xf32, #tpu.memory_space<hbm>> -> memref<64x128xf32, #tpu.memory_space<hbm>>
      tpu.wait_dma2 semaphore(%dma_wait3A_703 : memref<!tpu.dma_semaphore, #tpu.memory_space<semaphore_mem>>) src(%dma_wait3A_710 : memref<64x128xf32, #tpu.memory_space<hbm>>) dst(%dma_wait3A_707 : memref<64x128xf32, #tpu.memory_space<vmem>>)
      %rem3A_711 = arith.constant 128 : i32
      %rem3A_712 = arith.remsi %squeeze3A_688, %rem3A_711 : i32
      %broadcast_in_dim3A_713 = vector.broadcast %rem3A_712 : i32 to vector<16xi32>
      %broadcast_in_dim3A_714 = vector.broadcast %add3A_692 : i32 to vector<16xi32>
      %add3A_715 = arith.constant 0 : i32
      %add3A_716 = vector.broadcast %add3A_715 : i32 to vector<16xi32>
      %add3A_717 = arith.addi %iota3A, %add3A_716 : vector<16xi32>
      %gather3A_718 = arith.constant 4 : i32
      %gather3A_719 = arith.constant 0 : i32
      %gather3A_720 = arith.constant 0 : i32
      %gather3A_721 = tpu.memref_slice %arg7[%gather3A_718, %gather3A_719, %gather3A_720] : memref<8x64x128xf32, #tpu.memory_space<vmem>> -> memref<1x64x128xf32, #tpu.memory_space<vmem>>
      %gather3A_722 = tpu.memref_squeeze %gather3A_721 : memref<1x64x128xf32, #tpu.memory_space<vmem>> -> memref<64x128xf32, #tpu.memory_space<vmem>>
      %gather3A_723 = tpu.vector_load_idx %gather3A_722[%add3A_717, %broadcast_in_dim3A_713] : memref<64x128xf32, #tpu.memory_space<vmem>>[vector<16xi32>, vector<16xi32>], vector<16xf32>,
      tpu.vector_store_idx %arg9[%add3A_717, %broadcast_in_dim3A_714], %gather3A_723 : memref<64x512xf32, #tpu.memory_space<vmem>>[vector<16xi32>, vector<16xi32>], vector<16xf32>,
      %add3A_724 = arith.constant 16 : i32
      %add3A_725 = vector.broadcast %add3A_724 : i32 to vector<16xi32>
      %add3A_726 = arith.addi %iota3A, %add3A_725 : vector<16xi32>
      %gather3A_727 = arith.constant 4 : i32
      %gather3A_728 = arith.constant 0 : i32
      %gather3A_729 = arith.constant 0 : i32
      %gather3A_730 = tpu.memref_slice %arg7[%gather3A_727, %gather3A_728, %gather3A_729] : memref<8x64x128xf32, #tpu.memory_space<vmem>> -> memref<1x64x128xf32, #tpu.memory_space<vmem>>
      %gather3A_731 = tpu.memref_squeeze %gather3A_730 : memref<1x64x128xf32, #tpu.memory_space<vmem>> -> memref<64x128xf32, #tpu.memory_space<vmem>>
      %gather3A_732 = tpu.vector_load_idx %gather3A_731[%add3A_726, %broadcast_in_dim3A_713] : memref<64x128xf32, #tpu.memory_space<vmem>>[vector<16xi32>, vector<16xi32>], vector<16xf32>,
      tpu.vector_store_idx %arg9[%add3A_726, %broadcast_in_dim3A_714], %gather3A_732 : memref<64x512xf32, #tpu.memory_space<vmem>>[vector<16xi32>, vector<16xi32>], vector<16xf32>,
      %add3A_733 = arith.constant 32 : i32
      %add3A_734 = vector.broadcast %add3A_733 : i32 to vector<16xi32>
      %add3A_735 = arith.addi %iota3A, %add3A_734 : vector<16xi32>
      %gather3A_736 = arith.constant 4 : i32
      %gather3A_737 = arith.constant 0 : i32
      %gather3A_738 = arith.constant 0 : i32
      %gather3A_739 = tpu.memref_slice %arg7[%gather3A_736, %gather3A_737, %gather3A_738] : memref<8x64x128xf32, #tpu.memory_space<vmem>> -> memref<1x64x128xf32, #tpu.memory_space<vmem>>
      %gather3A_740 = tpu.memref_squeeze %gather3A_739 : memref<1x64x128xf32, #tpu.memory_space<vmem>> -> memref<64x128xf32, #tpu.memory_space<vmem>>
      %gather3A_741 = tpu.vector_load_idx %gather3A_740[%add3A_735, %broadcast_in_dim3A_713] : memref<64x128xf32, #tpu.memory_space<vmem>>[vector<16xi32>, vector<16xi32>], vector<16xf32>,
      tpu.vector_store_idx %arg9[%add3A_735, %broadcast_in_dim3A_714], %gather3A_741 : memref<64x512xf32, #tpu.memory_space<vmem>>[vector<16xi32>, vector<16xi32>], vector<16xf32>,
      %add3A_742 = arith.constant 48 : i32
      %add3A_743 = vector.broadcast %add3A_742 : i32 to vector<16xi32>
      %add3A_744 = arith.addi %iota3A, %add3A_743 : vector<16xi32>
      %gather3A_745 = arith.constant 4 : i32
      %gather3A_746 = arith.constant 0 : i32
      %gather3A_747 = arith.constant 0 : i32
      %gather3A_748 = tpu.memref_slice %arg7[%gather3A_745, %gather3A_746, %gather3A_747] : memref<8x64x128xf32, #tpu.memory_space<vmem>> -> memref<1x64x128xf32, #tpu.memory_space<vmem>>
      %gather3A_749 = tpu.memref_squeeze %gather3A_748 : memref<1x64x128xf32, #tpu.memory_space<vmem>> -> memref<64x128xf32, #tpu.memory_space<vmem>>
      %gather3A_750 = tpu.vector_load_idx %gather3A_749[%add3A_744, %broadcast_in_dim3A_713] : memref<64x128xf32, #tpu.memory_space<vmem>>[vector<16xi32>, vector<16xi32>], vector<16xf32>,
      tpu.vector_store_idx %arg9[%add3A_744, %broadcast_in_dim3A_714], %gather3A_750 : memref<64x512xf32, #tpu.memory_space<vmem>>[vector<16xi32>, vector<16xi32>], vector<16xf32>,
      %ge3A_751 = arith.constant 999936 : i32
      %ge3A_752 = arith.cmpi sge, %squeeze3A_688, %ge3A_751 : i32
      %convert_element_type3A_753 = arith.extui %ge3A_752 : i1 to i32
      %cond3A_754 = arith.constant 0 : i32
      %cond3A_755 = arith.cmpi ne, %convert_element_type3A_753, %cond3A_754 : i32
      scf.if %cond3A_755 {
        %sub3A_1623 = arith.constant 999936 : i32
        %sub3A_1624 = arith.subi %squeeze3A_688, %sub3A_1623 : i32
        %broadcast_in_dim3A_1625 = vector.broadcast %sub3A_1624 : i32 to vector<16xi32>
        %add3A_1626 = arith.constant 0 : i32
        %add3A_1627 = vector.broadcast %add3A_1626 : i32 to vector<16xi32>
        %add3A_1628 = arith.addi %iota3A, %add3A_1627 : vector<16xi32>
        %gather3A_1629 = tpu.vector_load_idx %arg8[%add3A_1628, %broadcast_in_dim3A_1625] : memref<64x64xf32, #tpu.memory_space<vmem>>[vector<16xi32>, vector<16xi32>], vector<16xf32>,
        tpu.vector_store_idx %arg9[%add3A_1628, %broadcast_in_dim3A_714], %gather3A_1629 : memref<64x512xf32, #tpu.memory_space<vmem>>[vector<16xi32>, vector<16xi32>], vector<16xf32>,
        %add3A_1630 = arith.constant 16 : i32
        %add3A_1631 = vector.broadcast %add3A_1630 : i32 to vector<16xi32>
        %add3A_1632 = arith.addi %iota3A, %add3A_1631 : vector<16xi32>
        %gather3A_1633 = tpu.vector_load_idx %arg8[%add3A_1632, %broadcast_in_dim3A_1625] : memref<64x64xf32, #tpu.memory_space<vmem>>[vector<16xi32>, vector<16xi32>], vector<16xf32>,
        tpu.vector_store_idx %arg9[%add3A_1632, %broadcast_in_dim3A_714], %gather3A_1633 : memref<64x512xf32, #tpu.memory_space<vmem>>[vector<16xi32>, vector<16xi32>], vector<16xf32>,
        %add3A_1634 = arith.constant 32 : i32
        %add3A_1635 = vector.broadcast %add3A_1634 : i32 to vector<16xi32>
        %add3A_1636 = arith.addi %iota3A, %add3A_1635 : vector<16xi32>
        %gather3A_1637 = tpu.vector_load_idx %arg8[%add3A_1636, %broadcast_in_dim3A_1625] : memref<64x64xf32, #tpu.memory_space<vmem>>[vector<16xi32>, vector<16xi32>], vector<16xf32>,
        tpu.vector_store_idx %arg9[%add3A_1636, %broadcast_in_dim3A_714], %gather3A_1637 : memref<64x512xf32, #tpu.memory_space<vmem>>[vector<16xi32>, vector<16xi32>], vector<16xf32>,
        %add3A_1638 = arith.constant 48 : i32
        %add3A_1639 = vector.broadcast %add3A_1638 : i32 to vector<16xi32>
        %add3A_1640 = arith.addi %iota3A, %add3A_1639 : vector<16xi32>
        %gather3A_1641 = tpu.vector_load_idx %arg8[%add3A_1640, %broadcast_in_dim3A_1625] : memref<64x64xf32, #tpu.memory_space<vmem>>[vector<16xi32>, vector<16xi32>], vector<16xf32>,
        tpu.vector_store_idx %arg9[%add3A_1640, %broadcast_in_dim3A_714], %gather3A_1641 : memref<64x512xf32, #tpu.memory_space<vmem>>[vector<16xi32>, vector<16xi32>], vector<16xf32>,
      } else {
      }
      %slice3A_756 = vector.extract_strided_slice %get3A_375 {offsets = [12], sizes = [1], strides = [1]} : vector<16xi32> to vector<1xi32>
      %squeeze3A_757 = vector.extract %slice3A_756[0] : i32 from vector<1xi32>
      %add3A_758 = arith.constant 8 : i32
      %add3A_759 = arith.addi %add3A_692, %add3A_758 : i32
      %lt3A_760 = arith.constant 512 : i32
      %lt3A_761 = arith.cmpi slt, %add3A_759, %lt3A_760 : i32
      %convert_element_type3A_762 = arith.extui %lt3A_761 : i1 to i32
      %cond3A_763 = arith.constant 0 : i32
      %cond3A_764 = arith.cmpi ne, %convert_element_type3A_762, %cond3A_763 : i32
      scf.if %cond3A_764 {
        %min3A_1623 = arith.constant 999935 : i32
        %min3A_1624 = arith.minsi %squeeze3A_757, %min3A_1623 : i32
        %jit3A_1625 = arith.constant 128 : i32
        %div3A_1626 = arith.divsi %min3A_1624, %jit3A_1625 : i32
        %sign3A_1627 = arith.constant 0 : i32
        %sign3A_1628 = arith.cmpi sgt, %min3A_1624, %sign3A_1627 : i32
        %sign3A_1629 = arith.extui %sign3A_1628 : i1 to i32
        %sign3A_1630 = arith.constant 0 : i32
        %sign3A_1631 = arith.cmpi slt, %min3A_1624, %sign3A_1630 : i32
        %sign3A_1632 = arith.extui %sign3A_1631 : i1 to i32
        %sign3A_1633 = arith.subi %sign3A_1629, %sign3A_1632 : i32
        %sign3A_1634 = arith.constant 0 : i32
        %sign3A_1635 = arith.cmpi sgt, %jit3A_1625, %sign3A_1634 : i32
        %sign3A_1636 = arith.extui %sign3A_1635 : i1 to i32
        %sign3A_1637 = arith.constant 0 : i32
        %sign3A_1638 = arith.cmpi slt, %jit3A_1625, %sign3A_1637 : i32
        %sign3A_1639 = arith.extui %sign3A_1638 : i1 to i32
        %sign3A_1640 = arith.subi %sign3A_1636, %sign3A_1639 : i32
        %ne3A_1641 = arith.cmpi ne, %sign3A_1633, %sign3A_1640 : i32
        %rem3A_1642 = arith.remsi %min3A_1624, %jit3A_1625 : i32
        %ne3A_1643 = arith.constant 0 : i32
        %ne3A_1644 = arith.cmpi ne, %rem3A_1642, %ne3A_1643 : i32
        %and3A_1645 = arith.andi %ne3A_1641, %ne3A_1644 : i1
        %sub3A_1646 = arith.constant 1 : i32
        %sub3A_1647 = arith.subi %div3A_1626, %sub3A_1646 : i32
        %select_n3A_1648 = arith.select %and3A_1645, %sub3A_1647, %div3A_1626 : i32
        %mul3A_1649 = arith.constant 128 : i32
        %mul3A_1650 = arith.muli %select_n3A_1648, %mul3A_1649 : i32
        %dma_start3A_1651 = arith.constant 4 : i32
        %dma_start3A_1652 = arith.constant 4 : i32
        %dma_start3A_1653 = arith.constant 0 : i32
        %dma_start3A_1654 = arith.constant 0 : i32
        %dma_start3A_1655 = tpu.memref_slice %arg7[%dma_start3A_1651, %dma_start3A_1653, %dma_start3A_1654] : memref<8x64x128xf32, #tpu.memory_space<vmem>> -> memref<1x64x128xf32, #tpu.memory_space<vmem>>
        %dma_start3A_1656 = tpu.memref_squeeze %dma_start3A_1655 : memref<1x64x128xf32, #tpu.memory_space<vmem>> -> memref<64x128xf32, #tpu.memory_space<vmem>>
        %dma_start3A_1657 = arith.constant 0 : i32
        %dma_start3A_1658 = tpu.memref_slice %arg3[%dma_start3A_1657, %mul3A_1650] : memref<64x1000000xf32, #tpu.memory_space<hbm>> -> memref<64x128xf32, #tpu.memory_space<hbm>>
        %dma_start3A_1659 = tpu.memref_slice %arg10[%dma_start3A_1652] : memref<8x!tpu.dma_semaphore, #tpu.memory_space<semaphore_mem>> -> memref<1x!tpu.dma_semaphore, #tpu.memory_space<semaphore_mem>>
        %dma_start3A_1660 = tpu.memref_squeeze %dma_start3A_1659 : memref<1x!tpu.dma_semaphore, #tpu.memory_space<semaphore_mem>> -> memref<!tpu.dma_semaphore, #tpu.memory_space<semaphore_mem>>
        %dma_start3A_1661 = arith.constant 0 : i32
        %dma_start3A_1662 = arith.constant 0 : i32
        %dma_start3A_1663 = tpu.memref_slice %arg7[%dma_start3A_1651, %dma_start3A_1661, %dma_start3A_1662] : memref<8x64x128xf32, #tpu.memory_space<vmem>> -> memref<1x64x128xf32, #tpu.memory_space<vmem>>
        %dma_start3A_1664 = tpu.memref_squeeze %dma_start3A_1663 : memref<1x64x128xf32, #tpu.memory_space<vmem>> -> memref<64x128xf32, #tpu.memory_space<vmem>>
        %dma_start3A_1665 = arith.constant 0 : i32
        %dma_start3A_1666 = tpu.memref_slice %arg3[%dma_start3A_1665, %mul3A_1650] : memref<64x1000000xf32, #tpu.memory_space<hbm>> -> memref<64x128xf32, #tpu.memory_space<hbm>>
        tpu.enqueue_dma source(%dma_start3A_1666 : memref<64x128xf32, #tpu.memory_space<hbm>>) target(%dma_start3A_1664 : memref<64x128xf32, #tpu.memory_space<vmem>>) target_semaphore(%dma_start3A_1660 : memref<!tpu.dma_semaphore, #tpu.memory_space<semaphore_mem>>)
      } else {
      }
      %slice3A_765 = vector.extract_strided_slice %get3A_375 {offsets = [5], sizes = [1], strides = [1]} : vector<16xi32> to vector<1xi32>
      %squeeze3A_766 = vector.extract %slice3A_765[0] : i32 from vector<1xi32>
      %mul3A_767 = arith.constant 16 : i32
      %mul3A_768 = arith.muli %scan3A_371, %mul3A_767 : i32
      %add3A_769 = arith.constant 5 : i32
      %add3A_770 = arith.addi %mul3A_768, %add3A_769 : i32
      %dma_wait3A_771 = arith.constant 5 : i32
      %dma_wait3A_772 = arith.constant 5 : i32
      %dma_wait3A_773 = arith.constant 0 : i32
      %dma_wait3A_774 = arith.constant 0 : i32
      %dma_wait3A_775 = tpu.memref_slice %arg7[%dma_wait3A_771, %dma_wait3A_773, %dma_wait3A_774] : memref<8x64x128xf32, #tpu.memory_space<vmem>> -> memref<1x64x128xf32, #tpu.memory_space<vmem>>
      %dma_wait3A_776 = tpu.memref_squeeze %dma_wait3A_775 : memref<1x64x128xf32, #tpu.memory_space<vmem>> -> memref<64x128xf32, #tpu.memory_space<vmem>>
      %dma_wait3A_777 = arith.constant 0 : i32
      %dma_wait3A_778 = arith.constant 0 : i32
      %dma_wait3A_779 = tpu.memref_slice %arg3[%dma_wait3A_777, %dma_wait3A_778] : memref<64x1000000xf32, #tpu.memory_space<hbm>> -> memref<64x128xf32, #tpu.memory_space<hbm>>
      %dma_wait3A_780 = tpu.memref_slice %arg10[%dma_wait3A_772] : memref<8x!tpu.dma_semaphore, #tpu.memory_space<semaphore_mem>> -> memref<1x!tpu.dma_semaphore, #tpu.memory_space<semaphore_mem>>
      %dma_wait3A_781 = tpu.memref_squeeze %dma_wait3A_780 : memref<1x!tpu.dma_semaphore, #tpu.memory_space<semaphore_mem>> -> memref<!tpu.dma_semaphore, #tpu.memory_space<semaphore_mem>>
      %dma_wait3A_782 = arith.constant 0 : i32
      %dma_wait3A_783 = arith.constant 0 : i32
      %dma_wait3A_784 = tpu.memref_slice %arg7[%dma_wait3A_771, %dma_wait3A_782, %dma_wait3A_783] : memref<8x64x128xf32, #tpu.memory_space<vmem>> -> memref<1x64x128xf32, #tpu.memory_space<vmem>>
      %dma_wait3A_785 = tpu.memref_squeeze %dma_wait3A_784 : memref<1x64x128xf32, #tpu.memory_space<vmem>> -> memref<64x128xf32, #tpu.memory_space<vmem>>
      %dma_wait3A_786 = arith.constant 0 : i32
      %dma_wait3A_787 = arith.constant 0 : i32
      %dma_wait3A_788 = tpu.memref_slice %arg3[%dma_wait3A_786, %dma_wait3A_787] : memref<64x1000000xf32, #tpu.memory_space<hbm>> -> memref<64x128xf32, #tpu.memory_space<hbm>>
      tpu.wait_dma2 semaphore(%dma_wait3A_781 : memref<!tpu.dma_semaphore, #tpu.memory_space<semaphore_mem>>) src(%dma_wait3A_788 : memref<64x128xf32, #tpu.memory_space<hbm>>) dst(%dma_wait3A_785 : memref<64x128xf32, #tpu.memory_space<vmem>>)
      %rem3A_789 = arith.constant 128 : i32
      %rem3A_790 = arith.remsi %squeeze3A_766, %rem3A_789 : i32
      %broadcast_in_dim3A_791 = vector.broadcast %rem3A_790 : i32 to vector<16xi32>
      %broadcast_in_dim3A_792 = vector.broadcast %add3A_770 : i32 to vector<16xi32>
      %add3A_793 = arith.constant 0 : i32
      %add3A_794 = vector.broadcast %add3A_793 : i32 to vector<16xi32>
      %add3A_795 = arith.addi %iota3A, %add3A_794 : vector<16xi32>
      %gather3A_796 = arith.constant 5 : i32
      %gather3A_797 = arith.constant 0 : i32
      %gather3A_798 = arith.constant 0 : i32
      %gather3A_799 = tpu.memref_slice %arg7[%gather3A_796, %gather3A_797, %gather3A_798] : memref<8x64x128xf32, #tpu.memory_space<vmem>> -> memref<1x64x128xf32, #tpu.memory_space<vmem>>
      %gather3A_800 = tpu.memref_squeeze %gather3A_799 : memref<1x64x128xf32, #tpu.memory_space<vmem>> -> memref<64x128xf32, #tpu.memory_space<vmem>>
      %gather3A_801 = tpu.vector_load_idx %gather3A_800[%add3A_795, %broadcast_in_dim3A_791] : memref<64x128xf32, #tpu.memory_space<vmem>>[vector<16xi32>, vector<16xi32>], vector<16xf32>,
      tpu.vector_store_idx %arg9[%add3A_795, %broadcast_in_dim3A_792], %gather3A_801 : memref<64x512xf32, #tpu.memory_space<vmem>>[vector<16xi32>, vector<16xi32>], vector<16xf32>,
      %add3A_802 = arith.constant 16 : i32
      %add3A_803 = vector.broadcast %add3A_802 : i32 to vector<16xi32>
      %add3A_804 = arith.addi %iota3A, %add3A_803 : vector<16xi32>
      %gather3A_805 = arith.constant 5 : i32
      %gather3A_806 = arith.constant 0 : i32
      %gather3A_807 = arith.constant 0 : i32
      %gather3A_808 = tpu.memref_slice %arg7[%gather3A_805, %gather3A_806, %gather3A_807] : memref<8x64x128xf32, #tpu.memory_space<vmem>> -> memref<1x64x128xf32, #tpu.memory_space<vmem>>
      %gather3A_809 = tpu.memref_squeeze %gather3A_808 : memref<1x64x128xf32, #tpu.memory_space<vmem>> -> memref<64x128xf32, #tpu.memory_space<vmem>>
      %gather3A_810 = tpu.vector_load_idx %gather3A_809[%add3A_804, %broadcast_in_dim3A_791] : memref<64x128xf32, #tpu.memory_space<vmem>>[vector<16xi32>, vector<16xi32>], vector<16xf32>,
      tpu.vector_store_idx %arg9[%add3A_804, %broadcast_in_dim3A_792], %gather3A_810 : memref<64x512xf32, #tpu.memory_space<vmem>>[vector<16xi32>, vector<16xi32>], vector<16xf32>,
      %add3A_811 = arith.constant 32 : i32
      %add3A_812 = vector.broadcast %add3A_811 : i32 to vector<16xi32>
      %add3A_813 = arith.addi %iota3A, %add3A_812 : vector<16xi32>
      %gather3A_814 = arith.constant 5 : i32
      %gather3A_815 = arith.constant 0 : i32
      %gather3A_816 = arith.constant 0 : i32
      %gather3A_817 = tpu.memref_slice %arg7[%gather3A_814, %gather3A_815, %gather3A_816] : memref<8x64x128xf32, #tpu.memory_space<vmem>> -> memref<1x64x128xf32, #tpu.memory_space<vmem>>
      %gather3A_818 = tpu.memref_squeeze %gather3A_817 : memref<1x64x128xf32, #tpu.memory_space<vmem>> -> memref<64x128xf32, #tpu.memory_space<vmem>>
      %gather3A_819 = tpu.vector_load_idx %gather3A_818[%add3A_813, %broadcast_in_dim3A_791] : memref<64x128xf32, #tpu.memory_space<vmem>>[vector<16xi32>, vector<16xi32>], vector<16xf32>,
      tpu.vector_store_idx %arg9[%add3A_813, %broadcast_in_dim3A_792], %gather3A_819 : memref<64x512xf32, #tpu.memory_space<vmem>>[vector<16xi32>, vector<16xi32>], vector<16xf32>,
      %add3A_820 = arith.constant 48 : i32
      %add3A_821 = vector.broadcast %add3A_820 : i32 to vector<16xi32>
      %add3A_822 = arith.addi %iota3A, %add3A_821 : vector<16xi32>
      %gather3A_823 = arith.constant 5 : i32
      %gather3A_824 = arith.constant 0 : i32
      %gather3A_825 = arith.constant 0 : i32
      %gather3A_826 = tpu.memref_slice %arg7[%gather3A_823, %gather3A_824, %gather3A_825] : memref<8x64x128xf32, #tpu.memory_space<vmem>> -> memref<1x64x128xf32, #tpu.memory_space<vmem>>
      %gather3A_827 = tpu.memref_squeeze %gather3A_826 : memref<1x64x128xf32, #tpu.memory_space<vmem>> -> memref<64x128xf32, #tpu.memory_space<vmem>>
      %gather3A_828 = tpu.vector_load_idx %gather3A_827[%add3A_822, %broadcast_in_dim3A_791] : memref<64x128xf32, #tpu.memory_space<vmem>>[vector<16xi32>, vector<16xi32>], vector<16xf32>,
      tpu.vector_store_idx %arg9[%add3A_822, %broadcast_in_dim3A_792], %gather3A_828 : memref<64x512xf32, #tpu.memory_space<vmem>>[vector<16xi32>, vector<16xi32>], vector<16xf32>,
      %ge3A_829 = arith.constant 999936 : i32
      %ge3A_830 = arith.cmpi sge, %squeeze3A_766, %ge3A_829 : i32
      %convert_element_type3A_831 = arith.extui %ge3A_830 : i1 to i32
      %cond3A_832 = arith.constant 0 : i32
      %cond3A_833 = arith.cmpi ne, %convert_element_type3A_831, %cond3A_832 : i32
      scf.if %cond3A_833 {
        %sub3A_1623 = arith.constant 999936 : i32
        %sub3A_1624 = arith.subi %squeeze3A_766, %sub3A_1623 : i32
        %broadcast_in_dim3A_1625 = vector.broadcast %sub3A_1624 : i32 to vector<16xi32>
        %add3A_1626 = arith.constant 0 : i32
        %add3A_1627 = vector.broadcast %add3A_1626 : i32 to vector<16xi32>
        %add3A_1628 = arith.addi %iota3A, %add3A_1627 : vector<16xi32>
        %gather3A_1629 = tpu.vector_load_idx %arg8[%add3A_1628, %broadcast_in_dim3A_1625] : memref<64x64xf32, #tpu.memory_space<vmem>>[vector<16xi32>, vector<16xi32>], vector<16xf32>,
        tpu.vector_store_idx %arg9[%add3A_1628, %broadcast_in_dim3A_792], %gather3A_1629 : memref<64x512xf32, #tpu.memory_space<vmem>>[vector<16xi32>, vector<16xi32>], vector<16xf32>,
        %add3A_1630 = arith.constant 16 : i32
        %add3A_1631 = vector.broadcast %add3A_1630 : i32 to vector<16xi32>
        %add3A_1632 = arith.addi %iota3A, %add3A_1631 : vector<16xi32>
        %gather3A_1633 = tpu.vector_load_idx %arg8[%add3A_1632, %broadcast_in_dim3A_1625] : memref<64x64xf32, #tpu.memory_space<vmem>>[vector<16xi32>, vector<16xi32>], vector<16xf32>,
        tpu.vector_store_idx %arg9[%add3A_1632, %broadcast_in_dim3A_792], %gather3A_1633 : memref<64x512xf32, #tpu.memory_space<vmem>>[vector<16xi32>, vector<16xi32>], vector<16xf32>,
        %add3A_1634 = arith.constant 32 : i32
        %add3A_1635 = vector.broadcast %add3A_1634 : i32 to vector<16xi32>
        %add3A_1636 = arith.addi %iota3A, %add3A_1635 : vector<16xi32>
        %gather3A_1637 = tpu.vector_load_idx %arg8[%add3A_1636, %broadcast_in_dim3A_1625] : memref<64x64xf32, #tpu.memory_space<vmem>>[vector<16xi32>, vector<16xi32>], vector<16xf32>,
        tpu.vector_store_idx %arg9[%add3A_1636, %broadcast_in_dim3A_792], %gather3A_1637 : memref<64x512xf32, #tpu.memory_space<vmem>>[vector<16xi32>, vector<16xi32>], vector<16xf32>,
        %add3A_1638 = arith.constant 48 : i32
        %add3A_1639 = vector.broadcast %add3A_1638 : i32 to vector<16xi32>
        %add3A_1640 = arith.addi %iota3A, %add3A_1639 : vector<16xi32>
        %gather3A_1641 = tpu.vector_load_idx %arg8[%add3A_1640, %broadcast_in_dim3A_1625] : memref<64x64xf32, #tpu.memory_space<vmem>>[vector<16xi32>, vector<16xi32>], vector<16xf32>,
        tpu.vector_store_idx %arg9[%add3A_1640, %broadcast_in_dim3A_792], %gather3A_1641 : memref<64x512xf32, #tpu.memory_space<vmem>>[vector<16xi32>, vector<16xi32>], vector<16xf32>,
      } else {
      }
      %slice3A_834 = vector.extract_strided_slice %get3A_375 {offsets = [13], sizes = [1], strides = [1]} : vector<16xi32> to vector<1xi32>
      %squeeze3A_835 = vector.extract %slice3A_834[0] : i32 from vector<1xi32>
      %add3A_836 = arith.constant 8 : i32
      %add3A_837 = arith.addi %add3A_770, %add3A_836 : i32
      %lt3A_838 = arith.constant 512 : i32
      %lt3A_839 = arith.cmpi slt, %add3A_837, %lt3A_838 : i32
      %convert_element_type3A_840 = arith.extui %lt3A_839 : i1 to i32
      %cond3A_841 = arith.constant 0 : i32
      %cond3A_842 = arith.cmpi ne, %convert_element_type3A_840, %cond3A_841 : i32
      scf.if %cond3A_842 {
        %min3A_1623 = arith.constant 999935 : i32
        %min3A_1624 = arith.minsi %squeeze3A_835, %min3A_1623 : i32
        %jit3A_1625 = arith.constant 128 : i32
        %div3A_1626 = arith.divsi %min3A_1624, %jit3A_1625 : i32
        %sign3A_1627 = arith.constant 0 : i32
        %sign3A_1628 = arith.cmpi sgt, %min3A_1624, %sign3A_1627 : i32
        %sign3A_1629 = arith.extui %sign3A_1628 : i1 to i32
        %sign3A_1630 = arith.constant 0 : i32
        %sign3A_1631 = arith.cmpi slt, %min3A_1624, %sign3A_1630 : i32
        %sign3A_1632 = arith.extui %sign3A_1631 : i1 to i32
        %sign3A_1633 = arith.subi %sign3A_1629, %sign3A_1632 : i32
        %sign3A_1634 = arith.constant 0 : i32
        %sign3A_1635 = arith.cmpi sgt, %jit3A_1625, %sign3A_1634 : i32
        %sign3A_1636 = arith.extui %sign3A_1635 : i1 to i32
        %sign3A_1637 = arith.constant 0 : i32
        %sign3A_1638 = arith.cmpi slt, %jit3A_1625, %sign3A_1637 : i32
        %sign3A_1639 = arith.extui %sign3A_1638 : i1 to i32
        %sign3A_1640 = arith.subi %sign3A_1636, %sign3A_1639 : i32
        %ne3A_1641 = arith.cmpi ne, %sign3A_1633, %sign3A_1640 : i32
        %rem3A_1642 = arith.remsi %min3A_1624, %jit3A_1625 : i32
        %ne3A_1643 = arith.constant 0 : i32
        %ne3A_1644 = arith.cmpi ne, %rem3A_1642, %ne3A_1643 : i32
        %and3A_1645 = arith.andi %ne3A_1641, %ne3A_1644 : i1
        %sub3A_1646 = arith.constant 1 : i32
        %sub3A_1647 = arith.subi %div3A_1626, %sub3A_1646 : i32
        %select_n3A_1648 = arith.select %and3A_1645, %sub3A_1647, %div3A_1626 : i32
        %mul3A_1649 = arith.constant 128 : i32
        %mul3A_1650 = arith.muli %select_n3A_1648, %mul3A_1649 : i32
        %dma_start3A_1651 = arith.constant 5 : i32
        %dma_start3A_1652 = arith.constant 5 : i32
        %dma_start3A_1653 = arith.constant 0 : i32
        %dma_start3A_1654 = arith.constant 0 : i32
        %dma_start3A_1655 = tpu.memref_slice %arg7[%dma_start3A_1651, %dma_start3A_1653, %dma_start3A_1654] : memref<8x64x128xf32, #tpu.memory_space<vmem>> -> memref<1x64x128xf32, #tpu.memory_space<vmem>>
        %dma_start3A_1656 = tpu.memref_squeeze %dma_start3A_1655 : memref<1x64x128xf32, #tpu.memory_space<vmem>> -> memref<64x128xf32, #tpu.memory_space<vmem>>
        %dma_start3A_1657 = arith.constant 0 : i32
        %dma_start3A_1658 = tpu.memref_slice %arg3[%dma_start3A_1657, %mul3A_1650] : memref<64x1000000xf32, #tpu.memory_space<hbm>> -> memref<64x128xf32, #tpu.memory_space<hbm>>
        %dma_start3A_1659 = tpu.memref_slice %arg10[%dma_start3A_1652] : memref<8x!tpu.dma_semaphore, #tpu.memory_space<semaphore_mem>> -> memref<1x!tpu.dma_semaphore, #tpu.memory_space<semaphore_mem>>
        %dma_start3A_1660 = tpu.memref_squeeze %dma_start3A_1659 : memref<1x!tpu.dma_semaphore, #tpu.memory_space<semaphore_mem>> -> memref<!tpu.dma_semaphore, #tpu.memory_space<semaphore_mem>>
        %dma_start3A_1661 = arith.constant 0 : i32
        %dma_start3A_1662 = arith.constant 0 : i32
        %dma_start3A_1663 = tpu.memref_slice %arg7[%dma_start3A_1651, %dma_start3A_1661, %dma_start3A_1662] : memref<8x64x128xf32, #tpu.memory_space<vmem>> -> memref<1x64x128xf32, #tpu.memory_space<vmem>>
        %dma_start3A_1664 = tpu.memref_squeeze %dma_start3A_1663 : memref<1x64x128xf32, #tpu.memory_space<vmem>> -> memref<64x128xf32, #tpu.memory_space<vmem>>
        %dma_start3A_1665 = arith.constant 0 : i32
        %dma_start3A_1666 = tpu.memref_slice %arg3[%dma_start3A_1665, %mul3A_1650] : memref<64x1000000xf32, #tpu.memory_space<hbm>> -> memref<64x128xf32, #tpu.memory_space<hbm>>
        tpu.enqueue_dma source(%dma_start3A_1666 : memref<64x128xf32, #tpu.memory_space<hbm>>) target(%dma_start3A_1664 : memref<64x128xf32, #tpu.memory_space<vmem>>) target_semaphore(%dma_start3A_1660 : memref<!tpu.dma_semaphore, #tpu.memory_space<semaphore_mem>>)
      } else {
      }
      %slice3A_843 = vector.extract_strided_slice %get3A_375 {offsets = [6], sizes = [1], strides = [1]} : vector<16xi32> to vector<1xi32>
      %squeeze3A_844 = vector.extract %slice3A_843[0] : i32 from vector<1xi32>
      %mul3A_845 = arith.constant 16 : i32
      %mul3A_846 = arith.muli %scan3A_371, %mul3A_845 : i32
      %add3A_847 = arith.constant 6 : i32
      %add3A_848 = arith.addi %mul3A_846, %add3A_847 : i32
      %dma_wait3A_849 = arith.constant 6 : i32
      %dma_wait3A_850 = arith.constant 6 : i32
      %dma_wait3A_851 = arith.constant 0 : i32
      %dma_wait3A_852 = arith.constant 0 : i32
      %dma_wait3A_853 = tpu.memref_slice %arg7[%dma_wait3A_849, %dma_wait3A_851, %dma_wait3A_852] : memref<8x64x128xf32, #tpu.memory_space<vmem>> -> memref<1x64x128xf32, #tpu.memory_space<vmem>>
      %dma_wait3A_854 = tpu.memref_squeeze %dma_wait3A_853 : memref<1x64x128xf32, #tpu.memory_space<vmem>> -> memref<64x128xf32, #tpu.memory_space<vmem>>
      %dma_wait3A_855 = arith.constant 0 : i32
      %dma_wait3A_856 = arith.constant 0 : i32
      %dma_wait3A_857 = tpu.memref_slice %arg3[%dma_wait3A_855, %dma_wait3A_856] : memref<64x1000000xf32, #tpu.memory_space<hbm>> -> memref<64x128xf32, #tpu.memory_space<hbm>>
      %dma_wait3A_858 = tpu.memref_slice %arg10[%dma_wait3A_850] : memref<8x!tpu.dma_semaphore, #tpu.memory_space<semaphore_mem>> -> memref<1x!tpu.dma_semaphore, #tpu.memory_space<semaphore_mem>>
      %dma_wait3A_859 = tpu.memref_squeeze %dma_wait3A_858 : memref<1x!tpu.dma_semaphore, #tpu.memory_space<semaphore_mem>> -> memref<!tpu.dma_semaphore, #tpu.memory_space<semaphore_mem>>
      %dma_wait3A_860 = arith.constant 0 : i32
      %dma_wait3A_861 = arith.constant 0 : i32
      %dma_wait3A_862 = tpu.memref_slice %arg7[%dma_wait3A_849, %dma_wait3A_860, %dma_wait3A_861] : memref<8x64x128xf32, #tpu.memory_space<vmem>> -> memref<1x64x128xf32, #tpu.memory_space<vmem>>
      %dma_wait3A_863 = tpu.memref_squeeze %dma_wait3A_862 : memref<1x64x128xf32, #tpu.memory_space<vmem>> -> memref<64x128xf32, #tpu.memory_space<vmem>>
      %dma_wait3A_864 = arith.constant 0 : i32
      %dma_wait3A_865 = arith.constant 0 : i32
      %dma_wait3A_866 = tpu.memref_slice %arg3[%dma_wait3A_864, %dma_wait3A_865] : memref<64x1000000xf32, #tpu.memory_space<hbm>> -> memref<64x128xf32, #tpu.memory_space<hbm>>
      tpu.wait_dma2 semaphore(%dma_wait3A_859 : memref<!tpu.dma_semaphore, #tpu.memory_space<semaphore_mem>>) src(%dma_wait3A_866 : memref<64x128xf32, #tpu.memory_space<hbm>>) dst(%dma_wait3A_863 : memref<64x128xf32, #tpu.memory_space<vmem>>)
      %rem3A_867 = arith.constant 128 : i32
      %rem3A_868 = arith.remsi %squeeze3A_844, %rem3A_867 : i32
      %broadcast_in_dim3A_869 = vector.broadcast %rem3A_868 : i32 to vector<16xi32>
      %broadcast_in_dim3A_870 = vector.broadcast %add3A_848 : i32 to vector<16xi32>
      %add3A_871 = arith.constant 0 : i32
      %add3A_872 = vector.broadcast %add3A_871 : i32 to vector<16xi32>
      %add3A_873 = arith.addi %iota3A, %add3A_872 : vector<16xi32>
      %gather3A_874 = arith.constant 6 : i32
      %gather3A_875 = arith.constant 0 : i32
      %gather3A_876 = arith.constant 0 : i32
      %gather3A_877 = tpu.memref_slice %arg7[%gather3A_874, %gather3A_875, %gather3A_876] : memref<8x64x128xf32, #tpu.memory_space<vmem>> -> memref<1x64x128xf32, #tpu.memory_space<vmem>>
      %gather3A_878 = tpu.memref_squeeze %gather3A_877 : memref<1x64x128xf32, #tpu.memory_space<vmem>> -> memref<64x128xf32, #tpu.memory_space<vmem>>
      %gather3A_879 = tpu.vector_load_idx %gather3A_878[%add3A_873, %broadcast_in_dim3A_869] : memref<64x128xf32, #tpu.memory_space<vmem>>[vector<16xi32>, vector<16xi32>], vector<16xf32>,
      tpu.vector_store_idx %arg9[%add3A_873, %broadcast_in_dim3A_870], %gather3A_879 : memref<64x512xf32, #tpu.memory_space<vmem>>[vector<16xi32>, vector<16xi32>], vector<16xf32>,
      %add3A_880 = arith.constant 16 : i32
      %add3A_881 = vector.broadcast %add3A_880 : i32 to vector<16xi32>
      %add3A_882 = arith.addi %iota3A, %add3A_881 : vector<16xi32>
      %gather3A_883 = arith.constant 6 : i32
      %gather3A_884 = arith.constant 0 : i32
      %gather3A_885 = arith.constant 0 : i32
      %gather3A_886 = tpu.memref_slice %arg7[%gather3A_883, %gather3A_884, %gather3A_885] : memref<8x64x128xf32, #tpu.memory_space<vmem>> -> memref<1x64x128xf32, #tpu.memory_space<vmem>>
      %gather3A_887 = tpu.memref_squeeze %gather3A_886 : memref<1x64x128xf32, #tpu.memory_space<vmem>> -> memref<64x128xf32, #tpu.memory_space<vmem>>
      %gather3A_888 = tpu.vector_load_idx %gather3A_887[%add3A_882, %broadcast_in_dim3A_869] : memref<64x128xf32, #tpu.memory_space<vmem>>[vector<16xi32>, vector<16xi32>], vector<16xf32>,
      tpu.vector_store_idx %arg9[%add3A_882, %broadcast_in_dim3A_870], %gather3A_888 : memref<64x512xf32, #tpu.memory_space<vmem>>[vector<16xi32>, vector<16xi32>], vector<16xf32>,
      %add3A_889 = arith.constant 32 : i32
      %add3A_890 = vector.broadcast %add3A_889 : i32 to vector<16xi32>
      %add3A_891 = arith.addi %iota3A, %add3A_890 : vector<16xi32>
      %gather3A_892 = arith.constant 6 : i32
      %gather3A_893 = arith.constant 0 : i32
      %gather3A_894 = arith.constant 0 : i32
      %gather3A_895 = tpu.memref_slice %arg7[%gather3A_892, %gather3A_893, %gather3A_894] : memref<8x64x128xf32, #tpu.memory_space<vmem>> -> memref<1x64x128xf32, #tpu.memory_space<vmem>>
      %gather3A_896 = tpu.memref_squeeze %gather3A_895 : memref<1x64x128xf32, #tpu.memory_space<vmem>> -> memref<64x128xf32, #tpu.memory_space<vmem>>
      %gather3A_897 = tpu.vector_load_idx %gather3A_896[%add3A_891, %broadcast_in_dim3A_869] : memref<64x128xf32, #tpu.memory_space<vmem>>[vector<16xi32>, vector<16xi32>], vector<16xf32>,
      tpu.vector_store_idx %arg9[%add3A_891, %broadcast_in_dim3A_870], %gather3A_897 : memref<64x512xf32, #tpu.memory_space<vmem>>[vector<16xi32>, vector<16xi32>], vector<16xf32>,
      %add3A_898 = arith.constant 48 : i32
      %add3A_899 = vector.broadcast %add3A_898 : i32 to vector<16xi32>
      %add3A_900 = arith.addi %iota3A, %add3A_899 : vector<16xi32>
      %gather3A_901 = arith.constant 6 : i32
      %gather3A_902 = arith.constant 0 : i32
      %gather3A_903 = arith.constant 0 : i32
      %gather3A_904 = tpu.memref_slice %arg7[%gather3A_901, %gather3A_902, %gather3A_903] : memref<8x64x128xf32, #tpu.memory_space<vmem>> -> memref<1x64x128xf32, #tpu.memory_space<vmem>>
      %gather3A_905 = tpu.memref_squeeze %gather3A_904 : memref<1x64x128xf32, #tpu.memory_space<vmem>> -> memref<64x128xf32, #tpu.memory_space<vmem>>
      %gather3A_906 = tpu.vector_load_idx %gather3A_905[%add3A_900, %broadcast_in_dim3A_869] : memref<64x128xf32, #tpu.memory_space<vmem>>[vector<16xi32>, vector<16xi32>], vector<16xf32>,
      tpu.vector_store_idx %arg9[%add3A_900, %broadcast_in_dim3A_870], %gather3A_906 : memref<64x512xf32, #tpu.memory_space<vmem>>[vector<16xi32>, vector<16xi32>], vector<16xf32>,
      %ge3A_907 = arith.constant 999936 : i32
      %ge3A_908 = arith.cmpi sge, %squeeze3A_844, %ge3A_907 : i32
      %convert_element_type3A_909 = arith.extui %ge3A_908 : i1 to i32
      %cond3A_910 = arith.constant 0 : i32
      %cond3A_911 = arith.cmpi ne, %convert_element_type3A_909, %cond3A_910 : i32
      scf.if %cond3A_911 {
        %sub3A_1623 = arith.constant 999936 : i32
        %sub3A_1624 = arith.subi %squeeze3A_844, %sub3A_1623 : i32
        %broadcast_in_dim3A_1625 = vector.broadcast %sub3A_1624 : i32 to vector<16xi32>
        %add3A_1626 = arith.constant 0 : i32
        %add3A_1627 = vector.broadcast %add3A_1626 : i32 to vector<16xi32>
        %add3A_1628 = arith.addi %iota3A, %add3A_1627 : vector<16xi32>
        %gather3A_1629 = tpu.vector_load_idx %arg8[%add3A_1628, %broadcast_in_dim3A_1625] : memref<64x64xf32, #tpu.memory_space<vmem>>[vector<16xi32>, vector<16xi32>], vector<16xf32>,
        tpu.vector_store_idx %arg9[%add3A_1628, %broadcast_in_dim3A_870], %gather3A_1629 : memref<64x512xf32, #tpu.memory_space<vmem>>[vector<16xi32>, vector<16xi32>], vector<16xf32>,
        %add3A_1630 = arith.constant 16 : i32
        %add3A_1631 = vector.broadcast %add3A_1630 : i32 to vector<16xi32>
        %add3A_1632 = arith.addi %iota3A, %add3A_1631 : vector<16xi32>
        %gather3A_1633 = tpu.vector_load_idx %arg8[%add3A_1632, %broadcast_in_dim3A_1625] : memref<64x64xf32, #tpu.memory_space<vmem>>[vector<16xi32>, vector<16xi32>], vector<16xf32>,
        tpu.vector_store_idx %arg9[%add3A_1632, %broadcast_in_dim3A_870], %gather3A_1633 : memref<64x512xf32, #tpu.memory_space<vmem>>[vector<16xi32>, vector<16xi32>], vector<16xf32>,
        %add3A_1634 = arith.constant 32 : i32
        %add3A_1635 = vector.broadcast %add3A_1634 : i32 to vector<16xi32>
        %add3A_1636 = arith.addi %iota3A, %add3A_1635 : vector<16xi32>
        %gather3A_1637 = tpu.vector_load_idx %arg8[%add3A_1636, %broadcast_in_dim3A_1625] : memref<64x64xf32, #tpu.memory_space<vmem>>[vector<16xi32>, vector<16xi32>], vector<16xf32>,
        tpu.vector_store_idx %arg9[%add3A_1636, %broadcast_in_dim3A_870], %gather3A_1637 : memref<64x512xf32, #tpu.memory_space<vmem>>[vector<16xi32>, vector<16xi32>], vector<16xf32>,
        %add3A_1638 = arith.constant 48 : i32
        %add3A_1639 = vector.broadcast %add3A_1638 : i32 to vector<16xi32>
        %add3A_1640 = arith.addi %iota3A, %add3A_1639 : vector<16xi32>
        %gather3A_1641 = tpu.vector_load_idx %arg8[%add3A_1640, %broadcast_in_dim3A_1625] : memref<64x64xf32, #tpu.memory_space<vmem>>[vector<16xi32>, vector<16xi32>], vector<16xf32>,
        tpu.vector_store_idx %arg9[%add3A_1640, %broadcast_in_dim3A_870], %gather3A_1641 : memref<64x512xf32, #tpu.memory_space<vmem>>[vector<16xi32>, vector<16xi32>], vector<16xf32>,
      } else {
      }
      %slice3A_912 = vector.extract_strided_slice %get3A_375 {offsets = [14], sizes = [1], strides = [1]} : vector<16xi32> to vector<1xi32>
      %squeeze3A_913 = vector.extract %slice3A_912[0] : i32 from vector<1xi32>
      %add3A_914 = arith.constant 8 : i32
      %add3A_915 = arith.addi %add3A_848, %add3A_914 : i32
      %lt3A_916 = arith.constant 512 : i32
      %lt3A_917 = arith.cmpi slt, %add3A_915, %lt3A_916 : i32
      %convert_element_type3A_918 = arith.extui %lt3A_917 : i1 to i32
      %cond3A_919 = arith.constant 0 : i32
      %cond3A_920 = arith.cmpi ne, %convert_element_type3A_918, %cond3A_919 : i32
      scf.if %cond3A_920 {
        %min3A_1623 = arith.constant 999935 : i32
        %min3A_1624 = arith.minsi %squeeze3A_913, %min3A_1623 : i32
        %jit3A_1625 = arith.constant 128 : i32
        %div3A_1626 = arith.divsi %min3A_1624, %jit3A_1625 : i32
        %sign3A_1627 = arith.constant 0 : i32
        %sign3A_1628 = arith.cmpi sgt, %min3A_1624, %sign3A_1627 : i32
        %sign3A_1629 = arith.extui %sign3A_1628 : i1 to i32
        %sign3A_1630 = arith.constant 0 : i32
        %sign3A_1631 = arith.cmpi slt, %min3A_1624, %sign3A_1630 : i32
        %sign3A_1632 = arith.extui %sign3A_1631 : i1 to i32
        %sign3A_1633 = arith.subi %sign3A_1629, %sign3A_1632 : i32
        %sign3A_1634 = arith.constant 0 : i32
        %sign3A_1635 = arith.cmpi sgt, %jit3A_1625, %sign3A_1634 : i32
        %sign3A_1636 = arith.extui %sign3A_1635 : i1 to i32
        %sign3A_1637 = arith.constant 0 : i32
        %sign3A_1638 = arith.cmpi slt, %jit3A_1625, %sign3A_1637 : i32
        %sign3A_1639 = arith.extui %sign3A_1638 : i1 to i32
        %sign3A_1640 = arith.subi %sign3A_1636, %sign3A_1639 : i32
        %ne3A_1641 = arith.cmpi ne, %sign3A_1633, %sign3A_1640 : i32
        %rem3A_1642 = arith.remsi %min3A_1624, %jit3A_1625 : i32
        %ne3A_1643 = arith.constant 0 : i32
        %ne3A_1644 = arith.cmpi ne, %rem3A_1642, %ne3A_1643 : i32
        %and3A_1645 = arith.andi %ne3A_1641, %ne3A_1644 : i1
        %sub3A_1646 = arith.constant 1 : i32
        %sub3A_1647 = arith.subi %div3A_1626, %sub3A_1646 : i32
        %select_n3A_1648 = arith.select %and3A_1645, %sub3A_1647, %div3A_1626 : i32
        %mul3A_1649 = arith.constant 128 : i32
        %mul3A_1650 = arith.muli %select_n3A_1648, %mul3A_1649 : i32
        %dma_start3A_1651 = arith.constant 6 : i32
        %dma_start3A_1652 = arith.constant 6 : i32
        %dma_start3A_1653 = arith.constant 0 : i32
        %dma_start3A_1654 = arith.constant 0 : i32
        %dma_start3A_1655 = tpu.memref_slice %arg7[%dma_start3A_1651, %dma_start3A_1653, %dma_start3A_1654] : memref<8x64x128xf32, #tpu.memory_space<vmem>> -> memref<1x64x128xf32, #tpu.memory_space<vmem>>
        %dma_start3A_1656 = tpu.memref_squeeze %dma_start3A_1655 : memref<1x64x128xf32, #tpu.memory_space<vmem>> -> memref<64x128xf32, #tpu.memory_space<vmem>>
        %dma_start3A_1657 = arith.constant 0 : i32
        %dma_start3A_1658 = tpu.memref_slice %arg3[%dma_start3A_1657, %mul3A_1650] : memref<64x1000000xf32, #tpu.memory_space<hbm>> -> memref<64x128xf32, #tpu.memory_space<hbm>>
        %dma_start3A_1659 = tpu.memref_slice %arg10[%dma_start3A_1652] : memref<8x!tpu.dma_semaphore, #tpu.memory_space<semaphore_mem>> -> memref<1x!tpu.dma_semaphore, #tpu.memory_space<semaphore_mem>>
        %dma_start3A_1660 = tpu.memref_squeeze %dma_start3A_1659 : memref<1x!tpu.dma_semaphore, #tpu.memory_space<semaphore_mem>> -> memref<!tpu.dma_semaphore, #tpu.memory_space<semaphore_mem>>
        %dma_start3A_1661 = arith.constant 0 : i32
        %dma_start3A_1662 = arith.constant 0 : i32
        %dma_start3A_1663 = tpu.memref_slice %arg7[%dma_start3A_1651, %dma_start3A_1661, %dma_start3A_1662] : memref<8x64x128xf32, #tpu.memory_space<vmem>> -> memref<1x64x128xf32, #tpu.memory_space<vmem>>
        %dma_start3A_1664 = tpu.memref_squeeze %dma_start3A_1663 : memref<1x64x128xf32, #tpu.memory_space<vmem>> -> memref<64x128xf32, #tpu.memory_space<vmem>>
        %dma_start3A_1665 = arith.constant 0 : i32
        %dma_start3A_1666 = tpu.memref_slice %arg3[%dma_start3A_1665, %mul3A_1650] : memref<64x1000000xf32, #tpu.memory_space<hbm>> -> memref<64x128xf32, #tpu.memory_space<hbm>>
        tpu.enqueue_dma source(%dma_start3A_1666 : memref<64x128xf32, #tpu.memory_space<hbm>>) target(%dma_start3A_1664 : memref<64x128xf32, #tpu.memory_space<vmem>>) target_semaphore(%dma_start3A_1660 : memref<!tpu.dma_semaphore, #tpu.memory_space<semaphore_mem>>)
      } else {
      }
      %slice3A_921 = vector.extract_strided_slice %get3A_375 {offsets = [7], sizes = [1], strides = [1]} : vector<16xi32> to vector<1xi32>
      %squeeze3A_922 = vector.extract %slice3A_921[0] : i32 from vector<1xi32>
      %mul3A_923 = arith.constant 16 : i32
      %mul3A_924 = arith.muli %scan3A_371, %mul3A_923 : i32
      %add3A_925 = arith.constant 7 : i32
      %add3A_926 = arith.addi %mul3A_924, %add3A_925 : i32
      %dma_wait3A_927 = arith.constant 7 : i32
      %dma_wait3A_928 = arith.constant 7 : i32
      %dma_wait3A_929 = arith.constant 0 : i32
      %dma_wait3A_930 = arith.constant 0 : i32
      %dma_wait3A_931 = tpu.memref_slice %arg7[%dma_wait3A_927, %dma_wait3A_929, %dma_wait3A_930] : memref<8x64x128xf32, #tpu.memory_space<vmem>> -> memref<1x64x128xf32, #tpu.memory_space<vmem>>
      %dma_wait3A_932 = tpu.memref_squeeze %dma_wait3A_931 : memref<1x64x128xf32, #tpu.memory_space<vmem>> -> memref<64x128xf32, #tpu.memory_space<vmem>>
      %dma_wait3A_933 = arith.constant 0 : i32
      %dma_wait3A_934 = arith.constant 0 : i32
      %dma_wait3A_935 = tpu.memref_slice %arg3[%dma_wait3A_933, %dma_wait3A_934] : memref<64x1000000xf32, #tpu.memory_space<hbm>> -> memref<64x128xf32, #tpu.memory_space<hbm>>
      %dma_wait3A_936 = tpu.memref_slice %arg10[%dma_wait3A_928] : memref<8x!tpu.dma_semaphore, #tpu.memory_space<semaphore_mem>> -> memref<1x!tpu.dma_semaphore, #tpu.memory_space<semaphore_mem>>
      %dma_wait3A_937 = tpu.memref_squeeze %dma_wait3A_936 : memref<1x!tpu.dma_semaphore, #tpu.memory_space<semaphore_mem>> -> memref<!tpu.dma_semaphore, #tpu.memory_space<semaphore_mem>>
      %dma_wait3A_938 = arith.constant 0 : i32
      %dma_wait3A_939 = arith.constant 0 : i32
      %dma_wait3A_940 = tpu.memref_slice %arg7[%dma_wait3A_927, %dma_wait3A_938, %dma_wait3A_939] : memref<8x64x128xf32, #tpu.memory_space<vmem>> -> memref<1x64x128xf32, #tpu.memory_space<vmem>>
      %dma_wait3A_941 = tpu.memref_squeeze %dma_wait3A_940 : memref<1x64x128xf32, #tpu.memory_space<vmem>> -> memref<64x128xf32, #tpu.memory_space<vmem>>
      %dma_wait3A_942 = arith.constant 0 : i32
      %dma_wait3A_943 = arith.constant 0 : i32
      %dma_wait3A_944 = tpu.memref_slice %arg3[%dma_wait3A_942, %dma_wait3A_943] : memref<64x1000000xf32, #tpu.memory_space<hbm>> -> memref<64x128xf32, #tpu.memory_space<hbm>>
      tpu.wait_dma2 semaphore(%dma_wait3A_937 : memref<!tpu.dma_semaphore, #tpu.memory_space<semaphore_mem>>) src(%dma_wait3A_944 : memref<64x128xf32, #tpu.memory_space<hbm>>) dst(%dma_wait3A_941 : memref<64x128xf32, #tpu.memory_space<vmem>>)
      %rem3A_945 = arith.constant 128 : i32
      %rem3A_946 = arith.remsi %squeeze3A_922, %rem3A_945 : i32
      %broadcast_in_dim3A_947 = vector.broadcast %rem3A_946 : i32 to vector<16xi32>
      %broadcast_in_dim3A_948 = vector.broadcast %add3A_926 : i32 to vector<16xi32>
      %add3A_949 = arith.constant 0 : i32
      %add3A_950 = vector.broadcast %add3A_949 : i32 to vector<16xi32>
      %add3A_951 = arith.addi %iota3A, %add3A_950 : vector<16xi32>
      %gather3A_952 = arith.constant 7 : i32
      %gather3A_953 = arith.constant 0 : i32
      %gather3A_954 = arith.constant 0 : i32
      %gather3A_955 = tpu.memref_slice %arg7[%gather3A_952, %gather3A_953, %gather3A_954] : memref<8x64x128xf32, #tpu.memory_space<vmem>> -> memref<1x64x128xf32, #tpu.memory_space<vmem>>
      %gather3A_956 = tpu.memref_squeeze %gather3A_955 : memref<1x64x128xf32, #tpu.memory_space<vmem>> -> memref<64x128xf32, #tpu.memory_space<vmem>>
      %gather3A_957 = tpu.vector_load_idx %gather3A_956[%add3A_951, %broadcast_in_dim3A_947] : memref<64x128xf32, #tpu.memory_space<vmem>>[vector<16xi32>, vector<16xi32>], vector<16xf32>,
      tpu.vector_store_idx %arg9[%add3A_951, %broadcast_in_dim3A_948], %gather3A_957 : memref<64x512xf32, #tpu.memory_space<vmem>>[vector<16xi32>, vector<16xi32>], vector<16xf32>,
      %add3A_958 = arith.constant 16 : i32
      %add3A_959 = vector.broadcast %add3A_958 : i32 to vector<16xi32>
      %add3A_960 = arith.addi %iota3A, %add3A_959 : vector<16xi32>
      %gather3A_961 = arith.constant 7 : i32
      %gather3A_962 = arith.constant 0 : i32
      %gather3A_963 = arith.constant 0 : i32
      %gather3A_964 = tpu.memref_slice %arg7[%gather3A_961, %gather3A_962, %gather3A_963] : memref<8x64x128xf32, #tpu.memory_space<vmem>> -> memref<1x64x128xf32, #tpu.memory_space<vmem>>
      %gather3A_965 = tpu.memref_squeeze %gather3A_964 : memref<1x64x128xf32, #tpu.memory_space<vmem>> -> memref<64x128xf32, #tpu.memory_space<vmem>>
      %gather3A_966 = tpu.vector_load_idx %gather3A_965[%add3A_960, %broadcast_in_dim3A_947] : memref<64x128xf32, #tpu.memory_space<vmem>>[vector<16xi32>, vector<16xi32>], vector<16xf32>,
      tpu.vector_store_idx %arg9[%add3A_960, %broadcast_in_dim3A_948], %gather3A_966 : memref<64x512xf32, #tpu.memory_space<vmem>>[vector<16xi32>, vector<16xi32>], vector<16xf32>,
      %add3A_967 = arith.constant 32 : i32
      %add3A_968 = vector.broadcast %add3A_967 : i32 to vector<16xi32>
      %add3A_969 = arith.addi %iota3A, %add3A_968 : vector<16xi32>
      %gather3A_970 = arith.constant 7 : i32
      %gather3A_971 = arith.constant 0 : i32
      %gather3A_972 = arith.constant 0 : i32
      %gather3A_973 = tpu.memref_slice %arg7[%gather3A_970, %gather3A_971, %gather3A_972] : memref<8x64x128xf32, #tpu.memory_space<vmem>> -> memref<1x64x128xf32, #tpu.memory_space<vmem>>
      %gather3A_974 = tpu.memref_squeeze %gather3A_973 : memref<1x64x128xf32, #tpu.memory_space<vmem>> -> memref<64x128xf32, #tpu.memory_space<vmem>>
      %gather3A_975 = tpu.vector_load_idx %gather3A_974[%add3A_969, %broadcast_in_dim3A_947] : memref<64x128xf32, #tpu.memory_space<vmem>>[vector<16xi32>, vector<16xi32>], vector<16xf32>,
      tpu.vector_store_idx %arg9[%add3A_969, %broadcast_in_dim3A_948], %gather3A_975 : memref<64x512xf32, #tpu.memory_space<vmem>>[vector<16xi32>, vector<16xi32>], vector<16xf32>,
      %add3A_976 = arith.constant 48 : i32
      %add3A_977 = vector.broadcast %add3A_976 : i32 to vector<16xi32>
      %add3A_978 = arith.addi %iota3A, %add3A_977 : vector<16xi32>
      %gather3A_979 = arith.constant 7 : i32
      %gather3A_980 = arith.constant 0 : i32
      %gather3A_981 = arith.constant 0 : i32
      %gather3A_982 = tpu.memref_slice %arg7[%gather3A_979, %gather3A_980, %gather3A_981] : memref<8x64x128xf32, #tpu.memory_space<vmem>> -> memref<1x64x128xf32, #tpu.memory_space<vmem>>
      %gather3A_983 = tpu.memref_squeeze %gather3A_982 : memref<1x64x128xf32, #tpu.memory_space<vmem>> -> memref<64x128xf32, #tpu.memory_space<vmem>>
      %gather3A_984 = tpu.vector_load_idx %gather3A_983[%add3A_978, %broadcast_in_dim3A_947] : memref<64x128xf32, #tpu.memory_space<vmem>>[vector<16xi32>, vector<16xi32>], vector<16xf32>,
      tpu.vector_store_idx %arg9[%add3A_978, %broadcast_in_dim3A_948], %gather3A_984 : memref<64x512xf32, #tpu.memory_space<vmem>>[vector<16xi32>, vector<16xi32>], vector<16xf32>,
      %ge3A_985 = arith.constant 999936 : i32
      %ge3A_986 = arith.cmpi sge, %squeeze3A_922, %ge3A_985 : i32
      %convert_element_type3A_987 = arith.extui %ge3A_986 : i1 to i32
      %cond3A_988 = arith.constant 0 : i32
      %cond3A_989 = arith.cmpi ne, %convert_element_type3A_987, %cond3A_988 : i32
      scf.if %cond3A_989 {
        %sub3A_1623 = arith.constant 999936 : i32
        %sub3A_1624 = arith.subi %squeeze3A_922, %sub3A_1623 : i32
        %broadcast_in_dim3A_1625 = vector.broadcast %sub3A_1624 : i32 to vector<16xi32>
        %add3A_1626 = arith.constant 0 : i32
        %add3A_1627 = vector.broadcast %add3A_1626 : i32 to vector<16xi32>
        %add3A_1628 = arith.addi %iota3A, %add3A_1627 : vector<16xi32>
        %gather3A_1629 = tpu.vector_load_idx %arg8[%add3A_1628, %broadcast_in_dim3A_1625] : memref<64x64xf32, #tpu.memory_space<vmem>>[vector<16xi32>, vector<16xi32>], vector<16xf32>,
        tpu.vector_store_idx %arg9[%add3A_1628, %broadcast_in_dim3A_948], %gather3A_1629 : memref<64x512xf32, #tpu.memory_space<vmem>>[vector<16xi32>, vector<16xi32>], vector<16xf32>,
        %add3A_1630 = arith.constant 16 : i32
        %add3A_1631 = vector.broadcast %add3A_1630 : i32 to vector<16xi32>
        %add3A_1632 = arith.addi %iota3A, %add3A_1631 : vector<16xi32>
        %gather3A_1633 = tpu.vector_load_idx %arg8[%add3A_1632, %broadcast_in_dim3A_1625] : memref<64x64xf32, #tpu.memory_space<vmem>>[vector<16xi32>, vector<16xi32>], vector<16xf32>,
        tpu.vector_store_idx %arg9[%add3A_1632, %broadcast_in_dim3A_948], %gather3A_1633 : memref<64x512xf32, #tpu.memory_space<vmem>>[vector<16xi32>, vector<16xi32>], vector<16xf32>,
        %add3A_1634 = arith.constant 32 : i32
        %add3A_1635 = vector.broadcast %add3A_1634 : i32 to vector<16xi32>
        %add3A_1636 = arith.addi %iota3A, %add3A_1635 : vector<16xi32>
        %gather3A_1637 = tpu.vector_load_idx %arg8[%add3A_1636, %broadcast_in_dim3A_1625] : memref<64x64xf32, #tpu.memory_space<vmem>>[vector<16xi32>, vector<16xi32>], vector<16xf32>,
        tpu.vector_store_idx %arg9[%add3A_1636, %broadcast_in_dim3A_948], %gather3A_1637 : memref<64x512xf32, #tpu.memory_space<vmem>>[vector<16xi32>, vector<16xi32>], vector<16xf32>,
        %add3A_1638 = arith.constant 48 : i32
        %add3A_1639 = vector.broadcast %add3A_1638 : i32 to vector<16xi32>
        %add3A_1640 = arith.addi %iota3A, %add3A_1639 : vector<16xi32>
        %gather3A_1641 = tpu.vector_load_idx %arg8[%add3A_1640, %broadcast_in_dim3A_1625] : memref<64x64xf32, #tpu.memory_space<vmem>>[vector<16xi32>, vector<16xi32>], vector<16xf32>,
        tpu.vector_store_idx %arg9[%add3A_1640, %broadcast_in_dim3A_948], %gather3A_1641 : memref<64x512xf32, #tpu.memory_space<vmem>>[vector<16xi32>, vector<16xi32>], vector<16xf32>,
      } else {
      }
      %slice3A_990 = vector.extract_strided_slice %get3A_375 {offsets = [15], sizes = [1], strides = [1]} : vector<16xi32> to vector<1xi32>
      %squeeze3A_991 = vector.extract %slice3A_990[0] : i32 from vector<1xi32>
      %add3A_992 = arith.constant 8 : i32
      %add3A_993 = arith.addi %add3A_926, %add3A_992 : i32
      %lt3A_994 = arith.constant 512 : i32
      %lt3A_995 = arith.cmpi slt, %add3A_993, %lt3A_994 : i32
      %convert_element_type3A_996 = arith.extui %lt3A_995 : i1 to i32
      %cond3A_997 = arith.constant 0 : i32
      %cond3A_998 = arith.cmpi ne, %convert_element_type3A_996, %cond3A_997 : i32
      scf.if %cond3A_998 {
        %min3A_1623 = arith.constant 999935 : i32
        %min3A_1624 = arith.minsi %squeeze3A_991, %min3A_1623 : i32
        %jit3A_1625 = arith.constant 128 : i32
        %div3A_1626 = arith.divsi %min3A_1624, %jit3A_1625 : i32
        %sign3A_1627 = arith.constant 0 : i32
        %sign3A_1628 = arith.cmpi sgt, %min3A_1624, %sign3A_1627 : i32
        %sign3A_1629 = arith.extui %sign3A_1628 : i1 to i32
        %sign3A_1630 = arith.constant 0 : i32
        %sign3A_1631 = arith.cmpi slt, %min3A_1624, %sign3A_1630 : i32
        %sign3A_1632 = arith.extui %sign3A_1631 : i1 to i32
        %sign3A_1633 = arith.subi %sign3A_1629, %sign3A_1632 : i32
        %sign3A_1634 = arith.constant 0 : i32
        %sign3A_1635 = arith.cmpi sgt, %jit3A_1625, %sign3A_1634 : i32
        %sign3A_1636 = arith.extui %sign3A_1635 : i1 to i32
        %sign3A_1637 = arith.constant 0 : i32
        %sign3A_1638 = arith.cmpi slt, %jit3A_1625, %sign3A_1637 : i32
        %sign3A_1639 = arith.extui %sign3A_1638 : i1 to i32
        %sign3A_1640 = arith.subi %sign3A_1636, %sign3A_1639 : i32
        %ne3A_1641 = arith.cmpi ne, %sign3A_1633, %sign3A_1640 : i32
        %rem3A_1642 = arith.remsi %min3A_1624, %jit3A_1625 : i32
        %ne3A_1643 = arith.constant 0 : i32
        %ne3A_1644 = arith.cmpi ne, %rem3A_1642, %ne3A_1643 : i32
        %and3A_1645 = arith.andi %ne3A_1641, %ne3A_1644 : i1
        %sub3A_1646 = arith.constant 1 : i32
        %sub3A_1647 = arith.subi %div3A_1626, %sub3A_1646 : i32
        %select_n3A_1648 = arith.select %and3A_1645, %sub3A_1647, %div3A_1626 : i32
        %mul3A_1649 = arith.constant 128 : i32
        %mul3A_1650 = arith.muli %select_n3A_1648, %mul3A_1649 : i32
        %dma_start3A_1651 = arith.constant 7 : i32
        %dma_start3A_1652 = arith.constant 7 : i32
        %dma_start3A_1653 = arith.constant 0 : i32
        %dma_start3A_1654 = arith.constant 0 : i32
        %dma_start3A_1655 = tpu.memref_slice %arg7[%dma_start3A_1651, %dma_start3A_1653, %dma_start3A_1654] : memref<8x64x128xf32, #tpu.memory_space<vmem>> -> memref<1x64x128xf32, #tpu.memory_space<vmem>>
        %dma_start3A_1656 = tpu.memref_squeeze %dma_start3A_1655 : memref<1x64x128xf32, #tpu.memory_space<vmem>> -> memref<64x128xf32, #tpu.memory_space<vmem>>
        %dma_start3A_1657 = arith.constant 0 : i32
        %dma_start3A_1658 = tpu.memref_slice %arg3[%dma_start3A_1657, %mul3A_1650] : memref<64x1000000xf32, #tpu.memory_space<hbm>> -> memref<64x128xf32, #tpu.memory_space<hbm>>
        %dma_start3A_1659 = tpu.memref_slice %arg10[%dma_start3A_1652] : memref<8x!tpu.dma_semaphore, #tpu.memory_space<semaphore_mem>> -> memref<1x!tpu.dma_semaphore, #tpu.memory_space<semaphore_mem>>
        %dma_start3A_1660 = tpu.memref_squeeze %dma_start3A_1659 : memref<1x!tpu.dma_semaphore, #tpu.memory_space<semaphore_mem>> -> memref<!tpu.dma_semaphore, #tpu.memory_space<semaphore_mem>>
        %dma_start3A_1661 = arith.constant 0 : i32
        %dma_start3A_1662 = arith.constant 0 : i32
        %dma_start3A_1663 = tpu.memref_slice %arg7[%dma_start3A_1651, %dma_start3A_1661, %dma_start3A_1662] : memref<8x64x128xf32, #tpu.memory_space<vmem>> -> memref<1x64x128xf32, #tpu.memory_space<vmem>>
        %dma_start3A_1664 = tpu.memref_squeeze %dma_start3A_1663 : memref<1x64x128xf32, #tpu.memory_space<vmem>> -> memref<64x128xf32, #tpu.memory_space<vmem>>
        %dma_start3A_1665 = arith.constant 0 : i32
        %dma_start3A_1666 = tpu.memref_slice %arg3[%dma_start3A_1665, %mul3A_1650] : memref<64x1000000xf32, #tpu.memory_space<hbm>> -> memref<64x128xf32, #tpu.memory_space<hbm>>
        tpu.enqueue_dma source(%dma_start3A_1666 : memref<64x128xf32, #tpu.memory_space<hbm>>) target(%dma_start3A_1664 : memref<64x128xf32, #tpu.memory_space<vmem>>) target_semaphore(%dma_start3A_1660 : memref<!tpu.dma_semaphore, #tpu.memory_space<semaphore_mem>>)
      } else {
      }
      %slice3A_999 = vector.extract_strided_slice %get3A_375 {offsets = [8], sizes = [1], strides = [1]} : vector<16xi32> to vector<1xi32>
      %squeeze3A_1000 = vector.extract %slice3A_999[0] : i32 from vector<1xi32>
      %mul3A_1001 = arith.constant 16 : i32
      %mul3A_1002 = arith.muli %scan3A_371, %mul3A_1001 : i32
      %add3A_1003 = arith.constant 8 : i32
      %add3A_1004 = arith.addi %mul3A_1002, %add3A_1003 : i32
      %dma_wait3A_1005 = arith.constant 0 : i32
      %dma_wait3A_1006 = arith.constant 0 : i32
      %dma_wait3A_1007 = arith.constant 0 : i32
      %dma_wait3A_1008 = arith.constant 0 : i32
      %dma_wait3A_1009 = tpu.memref_slice %arg7[%dma_wait3A_1005, %dma_wait3A_1007, %dma_wait3A_1008] : memref<8x64x128xf32, #tpu.memory_space<vmem>> -> memref<1x64x128xf32, #tpu.memory_space<vmem>>
      %dma_wait3A_1010 = tpu.memref_squeeze %dma_wait3A_1009 : memref<1x64x128xf32, #tpu.memory_space<vmem>> -> memref<64x128xf32, #tpu.memory_space<vmem>>
      %dma_wait3A_1011 = arith.constant 0 : i32
      %dma_wait3A_1012 = arith.constant 0 : i32
      %dma_wait3A_1013 = tpu.memref_slice %arg3[%dma_wait3A_1011, %dma_wait3A_1012] : memref<64x1000000xf32, #tpu.memory_space<hbm>> -> memref<64x128xf32, #tpu.memory_space<hbm>>
      %dma_wait3A_1014 = tpu.memref_slice %arg10[%dma_wait3A_1006] : memref<8x!tpu.dma_semaphore, #tpu.memory_space<semaphore_mem>> -> memref<1x!tpu.dma_semaphore, #tpu.memory_space<semaphore_mem>>
      %dma_wait3A_1015 = tpu.memref_squeeze %dma_wait3A_1014 : memref<1x!tpu.dma_semaphore, #tpu.memory_space<semaphore_mem>> -> memref<!tpu.dma_semaphore, #tpu.memory_space<semaphore_mem>>
      %dma_wait3A_1016 = arith.constant 0 : i32
      %dma_wait3A_1017 = arith.constant 0 : i32
      %dma_wait3A_1018 = tpu.memref_slice %arg7[%dma_wait3A_1005, %dma_wait3A_1016, %dma_wait3A_1017] : memref<8x64x128xf32, #tpu.memory_space<vmem>> -> memref<1x64x128xf32, #tpu.memory_space<vmem>>
      %dma_wait3A_1019 = tpu.memref_squeeze %dma_wait3A_1018 : memref<1x64x128xf32, #tpu.memory_space<vmem>> -> memref<64x128xf32, #tpu.memory_space<vmem>>
      %dma_wait3A_1020 = arith.constant 0 : i32
      %dma_wait3A_1021 = arith.constant 0 : i32
      %dma_wait3A_1022 = tpu.memref_slice %arg3[%dma_wait3A_1020, %dma_wait3A_1021] : memref<64x1000000xf32, #tpu.memory_space<hbm>> -> memref<64x128xf32, #tpu.memory_space<hbm>>
      tpu.wait_dma2 semaphore(%dma_wait3A_1015 : memref<!tpu.dma_semaphore, #tpu.memory_space<semaphore_mem>>) src(%dma_wait3A_1022 : memref<64x128xf32, #tpu.memory_space<hbm>>) dst(%dma_wait3A_1019 : memref<64x128xf32, #tpu.memory_space<vmem>>)
      %rem3A_1023 = arith.constant 128 : i32
      %rem3A_1024 = arith.remsi %squeeze3A_1000, %rem3A_1023 : i32
      %broadcast_in_dim3A_1025 = vector.broadcast %rem3A_1024 : i32 to vector<16xi32>
      %broadcast_in_dim3A_1026 = vector.broadcast %add3A_1004 : i32 to vector<16xi32>
      %add3A_1027 = arith.constant 0 : i32
      %add3A_1028 = vector.broadcast %add3A_1027 : i32 to vector<16xi32>
      %add3A_1029 = arith.addi %iota3A, %add3A_1028 : vector<16xi32>
      %gather3A_1030 = arith.constant 0 : i32
      %gather3A_1031 = arith.constant 0 : i32
      %gather3A_1032 = arith.constant 0 : i32
      %gather3A_1033 = tpu.memref_slice %arg7[%gather3A_1030, %gather3A_1031, %gather3A_1032] : memref<8x64x128xf32, #tpu.memory_space<vmem>> -> memref<1x64x128xf32, #tpu.memory_space<vmem>>
      %gather3A_1034 = tpu.memref_squeeze %gather3A_1033 : memref<1x64x128xf32, #tpu.memory_space<vmem>> -> memref<64x128xf32, #tpu.memory_space<vmem>>
      %gather3A_1035 = tpu.vector_load_idx %gather3A_1034[%add3A_1029, %broadcast_in_dim3A_1025] : memref<64x128xf32, #tpu.memory_space<vmem>>[vector<16xi32>, vector<16xi32>], vector<16xf32>,
      tpu.vector_store_idx %arg9[%add3A_1029, %broadcast_in_dim3A_1026], %gather3A_1035 : memref<64x512xf32, #tpu.memory_space<vmem>>[vector<16xi32>, vector<16xi32>], vector<16xf32>,
      %add3A_1036 = arith.constant 16 : i32
      %add3A_1037 = vector.broadcast %add3A_1036 : i32 to vector<16xi32>
      %add3A_1038 = arith.addi %iota3A, %add3A_1037 : vector<16xi32>
      %gather3A_1039 = arith.constant 0 : i32
      %gather3A_1040 = arith.constant 0 : i32
      %gather3A_1041 = arith.constant 0 : i32
      %gather3A_1042 = tpu.memref_slice %arg7[%gather3A_1039, %gather3A_1040, %gather3A_1041] : memref<8x64x128xf32, #tpu.memory_space<vmem>> -> memref<1x64x128xf32, #tpu.memory_space<vmem>>
      %gather3A_1043 = tpu.memref_squeeze %gather3A_1042 : memref<1x64x128xf32, #tpu.memory_space<vmem>> -> memref<64x128xf32, #tpu.memory_space<vmem>>
      %gather3A_1044 = tpu.vector_load_idx %gather3A_1043[%add3A_1038, %broadcast_in_dim3A_1025] : memref<64x128xf32, #tpu.memory_space<vmem>>[vector<16xi32>, vector<16xi32>], vector<16xf32>,
      tpu.vector_store_idx %arg9[%add3A_1038, %broadcast_in_dim3A_1026], %gather3A_1044 : memref<64x512xf32, #tpu.memory_space<vmem>>[vector<16xi32>, vector<16xi32>], vector<16xf32>,
      %add3A_1045 = arith.constant 32 : i32
      %add3A_1046 = vector.broadcast %add3A_1045 : i32 to vector<16xi32>
      %add3A_1047 = arith.addi %iota3A, %add3A_1046 : vector<16xi32>
      %gather3A_1048 = arith.constant 0 : i32
      %gather3A_1049 = arith.constant 0 : i32
      %gather3A_1050 = arith.constant 0 : i32
      %gather3A_1051 = tpu.memref_slice %arg7[%gather3A_1048, %gather3A_1049, %gather3A_1050] : memref<8x64x128xf32, #tpu.memory_space<vmem>> -> memref<1x64x128xf32, #tpu.memory_space<vmem>>
      %gather3A_1052 = tpu.memref_squeeze %gather3A_1051 : memref<1x64x128xf32, #tpu.memory_space<vmem>> -> memref<64x128xf32, #tpu.memory_space<vmem>>
      %gather3A_1053 = tpu.vector_load_idx %gather3A_1052[%add3A_1047, %broadcast_in_dim3A_1025] : memref<64x128xf32, #tpu.memory_space<vmem>>[vector<16xi32>, vector<16xi32>], vector<16xf32>,
      tpu.vector_store_idx %arg9[%add3A_1047, %broadcast_in_dim3A_1026], %gather3A_1053 : memref<64x512xf32, #tpu.memory_space<vmem>>[vector<16xi32>, vector<16xi32>], vector<16xf32>,
      %add3A_1054 = arith.constant 48 : i32
      %add3A_1055 = vector.broadcast %add3A_1054 : i32 to vector<16xi32>
      %add3A_1056 = arith.addi %iota3A, %add3A_1055 : vector<16xi32>
      %gather3A_1057 = arith.constant 0 : i32
      %gather3A_1058 = arith.constant 0 : i32
      %gather3A_1059 = arith.constant 0 : i32
      %gather3A_1060 = tpu.memref_slice %arg7[%gather3A_1057, %gather3A_1058, %gather3A_1059] : memref<8x64x128xf32, #tpu.memory_space<vmem>> -> memref<1x64x128xf32, #tpu.memory_space<vmem>>
      %gather3A_1061 = tpu.memref_squeeze %gather3A_1060 : memref<1x64x128xf32, #tpu.memory_space<vmem>> -> memref<64x128xf32, #tpu.memory_space<vmem>>
      %gather3A_1062 = tpu.vector_load_idx %gather3A_1061[%add3A_1056, %broadcast_in_dim3A_1025] : memref<64x128xf32, #tpu.memory_space<vmem>>[vector<16xi32>, vector<16xi32>], vector<16xf32>,
      tpu.vector_store_idx %arg9[%add3A_1056, %broadcast_in_dim3A_1026], %gather3A_1062 : memref<64x512xf32, #tpu.memory_space<vmem>>[vector<16xi32>, vector<16xi32>], vector<16xf32>,
      %ge3A_1063 = arith.constant 999936 : i32
      %ge3A_1064 = arith.cmpi sge, %squeeze3A_1000, %ge3A_1063 : i32
      %convert_element_type3A_1065 = arith.extui %ge3A_1064 : i1 to i32
      %cond3A_1066 = arith.constant 0 : i32
      %cond3A_1067 = arith.cmpi ne, %convert_element_type3A_1065, %cond3A_1066 : i32
      scf.if %cond3A_1067 {
        %sub3A_1623 = arith.constant 999936 : i32
        %sub3A_1624 = arith.subi %squeeze3A_1000, %sub3A_1623 : i32
        %broadcast_in_dim3A_1625 = vector.broadcast %sub3A_1624 : i32 to vector<16xi32>
        %add3A_1626 = arith.constant 0 : i32
        %add3A_1627 = vector.broadcast %add3A_1626 : i32 to vector<16xi32>
        %add3A_1628 = arith.addi %iota3A, %add3A_1627 : vector<16xi32>
        %gather3A_1629 = tpu.vector_load_idx %arg8[%add3A_1628, %broadcast_in_dim3A_1625] : memref<64x64xf32, #tpu.memory_space<vmem>>[vector<16xi32>, vector<16xi32>], vector<16xf32>,
        tpu.vector_store_idx %arg9[%add3A_1628, %broadcast_in_dim3A_1026], %gather3A_1629 : memref<64x512xf32, #tpu.memory_space<vmem>>[vector<16xi32>, vector<16xi32>], vector<16xf32>,
        %add3A_1630 = arith.constant 16 : i32
        %add3A_1631 = vector.broadcast %add3A_1630 : i32 to vector<16xi32>
        %add3A_1632 = arith.addi %iota3A, %add3A_1631 : vector<16xi32>
        %gather3A_1633 = tpu.vector_load_idx %arg8[%add3A_1632, %broadcast_in_dim3A_1625] : memref<64x64xf32, #tpu.memory_space<vmem>>[vector<16xi32>, vector<16xi32>], vector<16xf32>,
        tpu.vector_store_idx %arg9[%add3A_1632, %broadcast_in_dim3A_1026], %gather3A_1633 : memref<64x512xf32, #tpu.memory_space<vmem>>[vector<16xi32>, vector<16xi32>], vector<16xf32>,
        %add3A_1634 = arith.constant 32 : i32
        %add3A_1635 = vector.broadcast %add3A_1634 : i32 to vector<16xi32>
        %add3A_1636 = arith.addi %iota3A, %add3A_1635 : vector<16xi32>
        %gather3A_1637 = tpu.vector_load_idx %arg8[%add3A_1636, %broadcast_in_dim3A_1625] : memref<64x64xf32, #tpu.memory_space<vmem>>[vector<16xi32>, vector<16xi32>], vector<16xf32>,
        tpu.vector_store_idx %arg9[%add3A_1636, %broadcast_in_dim3A_1026], %gather3A_1637 : memref<64x512xf32, #tpu.memory_space<vmem>>[vector<16xi32>, vector<16xi32>], vector<16xf32>,
        %add3A_1638 = arith.constant 48 : i32
        %add3A_1639 = vector.broadcast %add3A_1638 : i32 to vector<16xi32>
        %add3A_1640 = arith.addi %iota3A, %add3A_1639 : vector<16xi32>
        %gather3A_1641 = tpu.vector_load_idx %arg8[%add3A_1640, %broadcast_in_dim3A_1625] : memref<64x64xf32, #tpu.memory_space<vmem>>[vector<16xi32>, vector<16xi32>], vector<16xf32>,
        tpu.vector_store_idx %arg9[%add3A_1640, %broadcast_in_dim3A_1026], %gather3A_1641 : memref<64x512xf32, #tpu.memory_space<vmem>>[vector<16xi32>, vector<16xi32>], vector<16xf32>,
      } else {
      }
      %slice3A_1068 = vector.extract_strided_slice %get3A_381 {offsets = [0], sizes = [1], strides = [1]} : vector<16xi32> to vector<1xi32>
      %squeeze3A_1069 = vector.extract %slice3A_1068[0] : i32 from vector<1xi32>
      %add3A_1070 = arith.constant 8 : i32
      %add3A_1071 = arith.addi %add3A_1004, %add3A_1070 : i32
      %lt3A_1072 = arith.constant 512 : i32
      %lt3A_1073 = arith.cmpi slt, %add3A_1071, %lt3A_1072 : i32
      %convert_element_type3A_1074 = arith.extui %lt3A_1073 : i1 to i32
      %cond3A_1075 = arith.constant 0 : i32
      %cond3A_1076 = arith.cmpi ne, %convert_element_type3A_1074, %cond3A_1075 : i32
      scf.if %cond3A_1076 {
        %min3A_1623 = arith.constant 999935 : i32
        %min3A_1624 = arith.minsi %squeeze3A_1069, %min3A_1623 : i32
        %jit3A_1625 = arith.constant 128 : i32
        %div3A_1626 = arith.divsi %min3A_1624, %jit3A_1625 : i32
        %sign3A_1627 = arith.constant 0 : i32
        %sign3A_1628 = arith.cmpi sgt, %min3A_1624, %sign3A_1627 : i32
        %sign3A_1629 = arith.extui %sign3A_1628 : i1 to i32
        %sign3A_1630 = arith.constant 0 : i32
        %sign3A_1631 = arith.cmpi slt, %min3A_1624, %sign3A_1630 : i32
        %sign3A_1632 = arith.extui %sign3A_1631 : i1 to i32
        %sign3A_1633 = arith.subi %sign3A_1629, %sign3A_1632 : i32
        %sign3A_1634 = arith.constant 0 : i32
        %sign3A_1635 = arith.cmpi sgt, %jit3A_1625, %sign3A_1634 : i32
        %sign3A_1636 = arith.extui %sign3A_1635 : i1 to i32
        %sign3A_1637 = arith.constant 0 : i32
        %sign3A_1638 = arith.cmpi slt, %jit3A_1625, %sign3A_1637 : i32
        %sign3A_1639 = arith.extui %sign3A_1638 : i1 to i32
        %sign3A_1640 = arith.subi %sign3A_1636, %sign3A_1639 : i32
        %ne3A_1641 = arith.cmpi ne, %sign3A_1633, %sign3A_1640 : i32
        %rem3A_1642 = arith.remsi %min3A_1624, %jit3A_1625 : i32
        %ne3A_1643 = arith.constant 0 : i32
        %ne3A_1644 = arith.cmpi ne, %rem3A_1642, %ne3A_1643 : i32
        %and3A_1645 = arith.andi %ne3A_1641, %ne3A_1644 : i1
        %sub3A_1646 = arith.constant 1 : i32
        %sub3A_1647 = arith.subi %div3A_1626, %sub3A_1646 : i32
        %select_n3A_1648 = arith.select %and3A_1645, %sub3A_1647, %div3A_1626 : i32
        %mul3A_1649 = arith.constant 128 : i32
        %mul3A_1650 = arith.muli %select_n3A_1648, %mul3A_1649 : i32
        %dma_start3A_1651 = arith.constant 0 : i32
        %dma_start3A_1652 = arith.constant 0 : i32
        %dma_start3A_1653 = arith.constant 0 : i32
        %dma_start3A_1654 = arith.constant 0 : i32
        %dma_start3A_1655 = tpu.memref_slice %arg7[%dma_start3A_1651, %dma_start3A_1653, %dma_start3A_1654] : memref<8x64x128xf32, #tpu.memory_space<vmem>> -> memref<1x64x128xf32, #tpu.memory_space<vmem>>
        %dma_start3A_1656 = tpu.memref_squeeze %dma_start3A_1655 : memref<1x64x128xf32, #tpu.memory_space<vmem>> -> memref<64x128xf32, #tpu.memory_space<vmem>>
        %dma_start3A_1657 = arith.constant 0 : i32
        %dma_start3A_1658 = tpu.memref_slice %arg3[%dma_start3A_1657, %mul3A_1650] : memref<64x1000000xf32, #tpu.memory_space<hbm>> -> memref<64x128xf32, #tpu.memory_space<hbm>>
        %dma_start3A_1659 = tpu.memref_slice %arg10[%dma_start3A_1652] : memref<8x!tpu.dma_semaphore, #tpu.memory_space<semaphore_mem>> -> memref<1x!tpu.dma_semaphore, #tpu.memory_space<semaphore_mem>>
        %dma_start3A_1660 = tpu.memref_squeeze %dma_start3A_1659 : memref<1x!tpu.dma_semaphore, #tpu.memory_space<semaphore_mem>> -> memref<!tpu.dma_semaphore, #tpu.memory_space<semaphore_mem>>
        %dma_start3A_1661 = arith.constant 0 : i32
        %dma_start3A_1662 = arith.constant 0 : i32
        %dma_start3A_1663 = tpu.memref_slice %arg7[%dma_start3A_1651, %dma_start3A_1661, %dma_start3A_1662] : memref<8x64x128xf32, #tpu.memory_space<vmem>> -> memref<1x64x128xf32, #tpu.memory_space<vmem>>
        %dma_start3A_1664 = tpu.memref_squeeze %dma_start3A_1663 : memref<1x64x128xf32, #tpu.memory_space<vmem>> -> memref<64x128xf32, #tpu.memory_space<vmem>>
        %dma_start3A_1665 = arith.constant 0 : i32
        %dma_start3A_1666 = tpu.memref_slice %arg3[%dma_start3A_1665, %mul3A_1650] : memref<64x1000000xf32, #tpu.memory_space<hbm>> -> memref<64x128xf32, #tpu.memory_space<hbm>>
        tpu.enqueue_dma source(%dma_start3A_1666 : memref<64x128xf32, #tpu.memory_space<hbm>>) target(%dma_start3A_1664 : memref<64x128xf32, #tpu.memory_space<vmem>>) target_semaphore(%dma_start3A_1660 : memref<!tpu.dma_semaphore, #tpu.memory_space<semaphore_mem>>)
      } else {
      }
      %slice3A_1077 = vector.extract_strided_slice %get3A_375 {offsets = [9], sizes = [1], strides = [1]} : vector<16xi32> to vector<1xi32>
      %squeeze3A_1078 = vector.extract %slice3A_1077[0] : i32 from vector<1xi32>
      %mul3A_1079 = arith.constant 16 : i32
      %mul3A_1080 = arith.muli %scan3A_371, %mul3A_1079 : i32
      %add3A_1081 = arith.constant 9 : i32
      %add3A_1082 = arith.addi %mul3A_1080, %add3A_1081 : i32
      %dma_wait3A_1083 = arith.constant 1 : i32
      %dma_wait3A_1084 = arith.constant 1 : i32
      %dma_wait3A_1085 = arith.constant 0 : i32
      %dma_wait3A_1086 = arith.constant 0 : i32
      %dma_wait3A_1087 = tpu.memref_slice %arg7[%dma_wait3A_1083, %dma_wait3A_1085, %dma_wait3A_1086] : memref<8x64x128xf32, #tpu.memory_space<vmem>> -> memref<1x64x128xf32, #tpu.memory_space<vmem>>
      %dma_wait3A_1088 = tpu.memref_squeeze %dma_wait3A_1087 : memref<1x64x128xf32, #tpu.memory_space<vmem>> -> memref<64x128xf32, #tpu.memory_space<vmem>>
      %dma_wait3A_1089 = arith.constant 0 : i32
      %dma_wait3A_1090 = arith.constant 0 : i32
      %dma_wait3A_1091 = tpu.memref_slice %arg3[%dma_wait3A_1089, %dma_wait3A_1090] : memref<64x1000000xf32, #tpu.memory_space<hbm>> -> memref<64x128xf32, #tpu.memory_space<hbm>>
      %dma_wait3A_1092 = tpu.memref_slice %arg10[%dma_wait3A_1084] : memref<8x!tpu.dma_semaphore, #tpu.memory_space<semaphore_mem>> -> memref<1x!tpu.dma_semaphore, #tpu.memory_space<semaphore_mem>>
      %dma_wait3A_1093 = tpu.memref_squeeze %dma_wait3A_1092 : memref<1x!tpu.dma_semaphore, #tpu.memory_space<semaphore_mem>> -> memref<!tpu.dma_semaphore, #tpu.memory_space<semaphore_mem>>
      %dma_wait3A_1094 = arith.constant 0 : i32
      %dma_wait3A_1095 = arith.constant 0 : i32
      %dma_wait3A_1096 = tpu.memref_slice %arg7[%dma_wait3A_1083, %dma_wait3A_1094, %dma_wait3A_1095] : memref<8x64x128xf32, #tpu.memory_space<vmem>> -> memref<1x64x128xf32, #tpu.memory_space<vmem>>
      %dma_wait3A_1097 = tpu.memref_squeeze %dma_wait3A_1096 : memref<1x64x128xf32, #tpu.memory_space<vmem>> -> memref<64x128xf32, #tpu.memory_space<vmem>>
      %dma_wait3A_1098 = arith.constant 0 : i32
      %dma_wait3A_1099 = arith.constant 0 : i32
      %dma_wait3A_1100 = tpu.memref_slice %arg3[%dma_wait3A_1098, %dma_wait3A_1099] : memref<64x1000000xf32, #tpu.memory_space<hbm>> -> memref<64x128xf32, #tpu.memory_space<hbm>>
      tpu.wait_dma2 semaphore(%dma_wait3A_1093 : memref<!tpu.dma_semaphore, #tpu.memory_space<semaphore_mem>>) src(%dma_wait3A_1100 : memref<64x128xf32, #tpu.memory_space<hbm>>) dst(%dma_wait3A_1097 : memref<64x128xf32, #tpu.memory_space<vmem>>)
      %rem3A_1101 = arith.constant 128 : i32
      %rem3A_1102 = arith.remsi %squeeze3A_1078, %rem3A_1101 : i32
      %broadcast_in_dim3A_1103 = vector.broadcast %rem3A_1102 : i32 to vector<16xi32>
      %broadcast_in_dim3A_1104 = vector.broadcast %add3A_1082 : i32 to vector<16xi32>
      %add3A_1105 = arith.constant 0 : i32
      %add3A_1106 = vector.broadcast %add3A_1105 : i32 to vector<16xi32>
      %add3A_1107 = arith.addi %iota3A, %add3A_1106 : vector<16xi32>
      %gather3A_1108 = arith.constant 1 : i32
      %gather3A_1109 = arith.constant 0 : i32
      %gather3A_1110 = arith.constant 0 : i32
      %gather3A_1111 = tpu.memref_slice %arg7[%gather3A_1108, %gather3A_1109, %gather3A_1110] : memref<8x64x128xf32, #tpu.memory_space<vmem>> -> memref<1x64x128xf32, #tpu.memory_space<vmem>>
      %gather3A_1112 = tpu.memref_squeeze %gather3A_1111 : memref<1x64x128xf32, #tpu.memory_space<vmem>> -> memref<64x128xf32, #tpu.memory_space<vmem>>
      %gather3A_1113 = tpu.vector_load_idx %gather3A_1112[%add3A_1107, %broadcast_in_dim3A_1103] : memref<64x128xf32, #tpu.memory_space<vmem>>[vector<16xi32>, vector<16xi32>], vector<16xf32>,
      tpu.vector_store_idx %arg9[%add3A_1107, %broadcast_in_dim3A_1104], %gather3A_1113 : memref<64x512xf32, #tpu.memory_space<vmem>>[vector<16xi32>, vector<16xi32>], vector<16xf32>,
      %add3A_1114 = arith.constant 16 : i32
      %add3A_1115 = vector.broadcast %add3A_1114 : i32 to vector<16xi32>
      %add3A_1116 = arith.addi %iota3A, %add3A_1115 : vector<16xi32>
      %gather3A_1117 = arith.constant 1 : i32
      %gather3A_1118 = arith.constant 0 : i32
      %gather3A_1119 = arith.constant 0 : i32
      %gather3A_1120 = tpu.memref_slice %arg7[%gather3A_1117, %gather3A_1118, %gather3A_1119] : memref<8x64x128xf32, #tpu.memory_space<vmem>> -> memref<1x64x128xf32, #tpu.memory_space<vmem>>
      %gather3A_1121 = tpu.memref_squeeze %gather3A_1120 : memref<1x64x128xf32, #tpu.memory_space<vmem>> -> memref<64x128xf32, #tpu.memory_space<vmem>>
      %gather3A_1122 = tpu.vector_load_idx %gather3A_1121[%add3A_1116, %broadcast_in_dim3A_1103] : memref<64x128xf32, #tpu.memory_space<vmem>>[vector<16xi32>, vector<16xi32>], vector<16xf32>,
      tpu.vector_store_idx %arg9[%add3A_1116, %broadcast_in_dim3A_1104], %gather3A_1122 : memref<64x512xf32, #tpu.memory_space<vmem>>[vector<16xi32>, vector<16xi32>], vector<16xf32>,
      %add3A_1123 = arith.constant 32 : i32
      %add3A_1124 = vector.broadcast %add3A_1123 : i32 to vector<16xi32>
      %add3A_1125 = arith.addi %iota3A, %add3A_1124 : vector<16xi32>
      %gather3A_1126 = arith.constant 1 : i32
      %gather3A_1127 = arith.constant 0 : i32
      %gather3A_1128 = arith.constant 0 : i32
      %gather3A_1129 = tpu.memref_slice %arg7[%gather3A_1126, %gather3A_1127, %gather3A_1128] : memref<8x64x128xf32, #tpu.memory_space<vmem>> -> memref<1x64x128xf32, #tpu.memory_space<vmem>>
      %gather3A_1130 = tpu.memref_squeeze %gather3A_1129 : memref<1x64x128xf32, #tpu.memory_space<vmem>> -> memref<64x128xf32, #tpu.memory_space<vmem>>
      %gather3A_1131 = tpu.vector_load_idx %gather3A_1130[%add3A_1125, %broadcast_in_dim3A_1103] : memref<64x128xf32, #tpu.memory_space<vmem>>[vector<16xi32>, vector<16xi32>], vector<16xf32>,
      tpu.vector_store_idx %arg9[%add3A_1125, %broadcast_in_dim3A_1104], %gather3A_1131 : memref<64x512xf32, #tpu.memory_space<vmem>>[vector<16xi32>, vector<16xi32>], vector<16xf32>,
      %add3A_1132 = arith.constant 48 : i32
      %add3A_1133 = vector.broadcast %add3A_1132 : i32 to vector<16xi32>
      %add3A_1134 = arith.addi %iota3A, %add3A_1133 : vector<16xi32>
      %gather3A_1135 = arith.constant 1 : i32
      %gather3A_1136 = arith.constant 0 : i32
      %gather3A_1137 = arith.constant 0 : i32
      %gather3A_1138 = tpu.memref_slice %arg7[%gather3A_1135, %gather3A_1136, %gather3A_1137] : memref<8x64x128xf32, #tpu.memory_space<vmem>> -> memref<1x64x128xf32, #tpu.memory_space<vmem>>
      %gather3A_1139 = tpu.memref_squeeze %gather3A_1138 : memref<1x64x128xf32, #tpu.memory_space<vmem>> -> memref<64x128xf32, #tpu.memory_space<vmem>>
      %gather3A_1140 = tpu.vector_load_idx %gather3A_1139[%add3A_1134, %broadcast_in_dim3A_1103] : memref<64x128xf32, #tpu.memory_space<vmem>>[vector<16xi32>, vector<16xi32>], vector<16xf32>,
      tpu.vector_store_idx %arg9[%add3A_1134, %broadcast_in_dim3A_1104], %gather3A_1140 : memref<64x512xf32, #tpu.memory_space<vmem>>[vector<16xi32>, vector<16xi32>], vector<16xf32>,
      %ge3A_1141 = arith.constant 999936 : i32
      %ge3A_1142 = arith.cmpi sge, %squeeze3A_1078, %ge3A_1141 : i32
      %convert_element_type3A_1143 = arith.extui %ge3A_1142 : i1 to i32
      %cond3A_1144 = arith.constant 0 : i32
      %cond3A_1145 = arith.cmpi ne, %convert_element_type3A_1143, %cond3A_1144 : i32
      scf.if %cond3A_1145 {
        %sub3A_1623 = arith.constant 999936 : i32
        %sub3A_1624 = arith.subi %squeeze3A_1078, %sub3A_1623 : i32
        %broadcast_in_dim3A_1625 = vector.broadcast %sub3A_1624 : i32 to vector<16xi32>
        %add3A_1626 = arith.constant 0 : i32
        %add3A_1627 = vector.broadcast %add3A_1626 : i32 to vector<16xi32>
        %add3A_1628 = arith.addi %iota3A, %add3A_1627 : vector<16xi32>
        %gather3A_1629 = tpu.vector_load_idx %arg8[%add3A_1628, %broadcast_in_dim3A_1625] : memref<64x64xf32, #tpu.memory_space<vmem>>[vector<16xi32>, vector<16xi32>], vector<16xf32>,
        tpu.vector_store_idx %arg9[%add3A_1628, %broadcast_in_dim3A_1104], %gather3A_1629 : memref<64x512xf32, #tpu.memory_space<vmem>>[vector<16xi32>, vector<16xi32>], vector<16xf32>,
        %add3A_1630 = arith.constant 16 : i32
        %add3A_1631 = vector.broadcast %add3A_1630 : i32 to vector<16xi32>
        %add3A_1632 = arith.addi %iota3A, %add3A_1631 : vector<16xi32>
        %gather3A_1633 = tpu.vector_load_idx %arg8[%add3A_1632, %broadcast_in_dim3A_1625] : memref<64x64xf32, #tpu.memory_space<vmem>>[vector<16xi32>, vector<16xi32>], vector<16xf32>,
        tpu.vector_store_idx %arg9[%add3A_1632, %broadcast_in_dim3A_1104], %gather3A_1633 : memref<64x512xf32, #tpu.memory_space<vmem>>[vector<16xi32>, vector<16xi32>], vector<16xf32>,
        %add3A_1634 = arith.constant 32 : i32
        %add3A_1635 = vector.broadcast %add3A_1634 : i32 to vector<16xi32>
        %add3A_1636 = arith.addi %iota3A, %add3A_1635 : vector<16xi32>
        %gather3A_1637 = tpu.vector_load_idx %arg8[%add3A_1636, %broadcast_in_dim3A_1625] : memref<64x64xf32, #tpu.memory_space<vmem>>[vector<16xi32>, vector<16xi32>], vector<16xf32>,
        tpu.vector_store_idx %arg9[%add3A_1636, %broadcast_in_dim3A_1104], %gather3A_1637 : memref<64x512xf32, #tpu.memory_space<vmem>>[vector<16xi32>, vector<16xi32>], vector<16xf32>,
        %add3A_1638 = arith.constant 48 : i32
        %add3A_1639 = vector.broadcast %add3A_1638 : i32 to vector<16xi32>
        %add3A_1640 = arith.addi %iota3A, %add3A_1639 : vector<16xi32>
        %gather3A_1641 = tpu.vector_load_idx %arg8[%add3A_1640, %broadcast_in_dim3A_1625] : memref<64x64xf32, #tpu.memory_space<vmem>>[vector<16xi32>, vector<16xi32>], vector<16xf32>,
        tpu.vector_store_idx %arg9[%add3A_1640, %broadcast_in_dim3A_1104], %gather3A_1641 : memref<64x512xf32, #tpu.memory_space<vmem>>[vector<16xi32>, vector<16xi32>], vector<16xf32>,
      } else {
      }
      %slice3A_1146 = vector.extract_strided_slice %get3A_381 {offsets = [1], sizes = [1], strides = [1]} : vector<16xi32> to vector<1xi32>
      %squeeze3A_1147 = vector.extract %slice3A_1146[0] : i32 from vector<1xi32>
      %add3A_1148 = arith.constant 8 : i32
      %add3A_1149 = arith.addi %add3A_1082, %add3A_1148 : i32
      %lt3A_1150 = arith.constant 512 : i32
      %lt3A_1151 = arith.cmpi slt, %add3A_1149, %lt3A_1150 : i32
      %convert_element_type3A_1152 = arith.extui %lt3A_1151 : i1 to i32
      %cond3A_1153 = arith.constant 0 : i32
      %cond3A_1154 = arith.cmpi ne, %convert_element_type3A_1152, %cond3A_1153 : i32
      scf.if %cond3A_1154 {
        %min3A_1623 = arith.constant 999935 : i32
        %min3A_1624 = arith.minsi %squeeze3A_1147, %min3A_1623 : i32
        %jit3A_1625 = arith.constant 128 : i32
        %div3A_1626 = arith.divsi %min3A_1624, %jit3A_1625 : i32
        %sign3A_1627 = arith.constant 0 : i32
        %sign3A_1628 = arith.cmpi sgt, %min3A_1624, %sign3A_1627 : i32
        %sign3A_1629 = arith.extui %sign3A_1628 : i1 to i32
        %sign3A_1630 = arith.constant 0 : i32
        %sign3A_1631 = arith.cmpi slt, %min3A_1624, %sign3A_1630 : i32
        %sign3A_1632 = arith.extui %sign3A_1631 : i1 to i32
        %sign3A_1633 = arith.subi %sign3A_1629, %sign3A_1632 : i32
        %sign3A_1634 = arith.constant 0 : i32
        %sign3A_1635 = arith.cmpi sgt, %jit3A_1625, %sign3A_1634 : i32
        %sign3A_1636 = arith.extui %sign3A_1635 : i1 to i32
        %sign3A_1637 = arith.constant 0 : i32
        %sign3A_1638 = arith.cmpi slt, %jit3A_1625, %sign3A_1637 : i32
        %sign3A_1639 = arith.extui %sign3A_1638 : i1 to i32
        %sign3A_1640 = arith.subi %sign3A_1636, %sign3A_1639 : i32
        %ne3A_1641 = arith.cmpi ne, %sign3A_1633, %sign3A_1640 : i32
        %rem3A_1642 = arith.remsi %min3A_1624, %jit3A_1625 : i32
        %ne3A_1643 = arith.constant 0 : i32
        %ne3A_1644 = arith.cmpi ne, %rem3A_1642, %ne3A_1643 : i32
        %and3A_1645 = arith.andi %ne3A_1641, %ne3A_1644 : i1
        %sub3A_1646 = arith.constant 1 : i32
        %sub3A_1647 = arith.subi %div3A_1626, %sub3A_1646 : i32
        %select_n3A_1648 = arith.select %and3A_1645, %sub3A_1647, %div3A_1626 : i32
        %mul3A_1649 = arith.constant 128 : i32
        %mul3A_1650 = arith.muli %select_n3A_1648, %mul3A_1649 : i32
        %dma_start3A_1651 = arith.constant 1 : i32
        %dma_start3A_1652 = arith.constant 1 : i32
        %dma_start3A_1653 = arith.constant 0 : i32
        %dma_start3A_1654 = arith.constant 0 : i32
        %dma_start3A_1655 = tpu.memref_slice %arg7[%dma_start3A_1651, %dma_start3A_1653, %dma_start3A_1654] : memref<8x64x128xf32, #tpu.memory_space<vmem>> -> memref<1x64x128xf32, #tpu.memory_space<vmem>>
        %dma_start3A_1656 = tpu.memref_squeeze %dma_start3A_1655 : memref<1x64x128xf32, #tpu.memory_space<vmem>> -> memref<64x128xf32, #tpu.memory_space<vmem>>
        %dma_start3A_1657 = arith.constant 0 : i32
        %dma_start3A_1658 = tpu.memref_slice %arg3[%dma_start3A_1657, %mul3A_1650] : memref<64x1000000xf32, #tpu.memory_space<hbm>> -> memref<64x128xf32, #tpu.memory_space<hbm>>
        %dma_start3A_1659 = tpu.memref_slice %arg10[%dma_start3A_1652] : memref<8x!tpu.dma_semaphore, #tpu.memory_space<semaphore_mem>> -> memref<1x!tpu.dma_semaphore, #tpu.memory_space<semaphore_mem>>
        %dma_start3A_1660 = tpu.memref_squeeze %dma_start3A_1659 : memref<1x!tpu.dma_semaphore, #tpu.memory_space<semaphore_mem>> -> memref<!tpu.dma_semaphore, #tpu.memory_space<semaphore_mem>>
        %dma_start3A_1661 = arith.constant 0 : i32
        %dma_start3A_1662 = arith.constant 0 : i32
        %dma_start3A_1663 = tpu.memref_slice %arg7[%dma_start3A_1651, %dma_start3A_1661, %dma_start3A_1662] : memref<8x64x128xf32, #tpu.memory_space<vmem>> -> memref<1x64x128xf32, #tpu.memory_space<vmem>>
        %dma_start3A_1664 = tpu.memref_squeeze %dma_start3A_1663 : memref<1x64x128xf32, #tpu.memory_space<vmem>> -> memref<64x128xf32, #tpu.memory_space<vmem>>
        %dma_start3A_1665 = arith.constant 0 : i32
        %dma_start3A_1666 = tpu.memref_slice %arg3[%dma_start3A_1665, %mul3A_1650] : memref<64x1000000xf32, #tpu.memory_space<hbm>> -> memref<64x128xf32, #tpu.memory_space<hbm>>
        tpu.enqueue_dma source(%dma_start3A_1666 : memref<64x128xf32, #tpu.memory_space<hbm>>) target(%dma_start3A_1664 : memref<64x128xf32, #tpu.memory_space<vmem>>) target_semaphore(%dma_start3A_1660 : memref<!tpu.dma_semaphore, #tpu.memory_space<semaphore_mem>>)
      } else {
      }
      %slice3A_1155 = vector.extract_strided_slice %get3A_375 {offsets = [10], sizes = [1], strides = [1]} : vector<16xi32> to vector<1xi32>
      %squeeze3A_1156 = vector.extract %slice3A_1155[0] : i32 from vector<1xi32>
      %mul3A_1157 = arith.constant 16 : i32
      %mul3A_1158 = arith.muli %scan3A_371, %mul3A_1157 : i32
      %add3A_1159 = arith.constant 10 : i32
      %add3A_1160 = arith.addi %mul3A_1158, %add3A_1159 : i32
      %dma_wait3A_1161 = arith.constant 2 : i32
      %dma_wait3A_1162 = arith.constant 2 : i32
      %dma_wait3A_1163 = arith.constant 0 : i32
      %dma_wait3A_1164 = arith.constant 0 : i32
      %dma_wait3A_1165 = tpu.memref_slice %arg7[%dma_wait3A_1161, %dma_wait3A_1163, %dma_wait3A_1164] : memref<8x64x128xf32, #tpu.memory_space<vmem>> -> memref<1x64x128xf32, #tpu.memory_space<vmem>>
      %dma_wait3A_1166 = tpu.memref_squeeze %dma_wait3A_1165 : memref<1x64x128xf32, #tpu.memory_space<vmem>> -> memref<64x128xf32, #tpu.memory_space<vmem>>
      %dma_wait3A_1167 = arith.constant 0 : i32
      %dma_wait3A_1168 = arith.constant 0 : i32
      %dma_wait3A_1169 = tpu.memref_slice %arg3[%dma_wait3A_1167, %dma_wait3A_1168] : memref<64x1000000xf32, #tpu.memory_space<hbm>> -> memref<64x128xf32, #tpu.memory_space<hbm>>
      %dma_wait3A_1170 = tpu.memref_slice %arg10[%dma_wait3A_1162] : memref<8x!tpu.dma_semaphore, #tpu.memory_space<semaphore_mem>> -> memref<1x!tpu.dma_semaphore, #tpu.memory_space<semaphore_mem>>
      %dma_wait3A_1171 = tpu.memref_squeeze %dma_wait3A_1170 : memref<1x!tpu.dma_semaphore, #tpu.memory_space<semaphore_mem>> -> memref<!tpu.dma_semaphore, #tpu.memory_space<semaphore_mem>>
      %dma_wait3A_1172 = arith.constant 0 : i32
      %dma_wait3A_1173 = arith.constant 0 : i32
      %dma_wait3A_1174 = tpu.memref_slice %arg7[%dma_wait3A_1161, %dma_wait3A_1172, %dma_wait3A_1173] : memref<8x64x128xf32, #tpu.memory_space<vmem>> -> memref<1x64x128xf32, #tpu.memory_space<vmem>>
      %dma_wait3A_1175 = tpu.memref_squeeze %dma_wait3A_1174 : memref<1x64x128xf32, #tpu.memory_space<vmem>> -> memref<64x128xf32, #tpu.memory_space<vmem>>
      %dma_wait3A_1176 = arith.constant 0 : i32
      %dma_wait3A_1177 = arith.constant 0 : i32
      %dma_wait3A_1178 = tpu.memref_slice %arg3[%dma_wait3A_1176, %dma_wait3A_1177] : memref<64x1000000xf32, #tpu.memory_space<hbm>> -> memref<64x128xf32, #tpu.memory_space<hbm>>
      tpu.wait_dma2 semaphore(%dma_wait3A_1171 : memref<!tpu.dma_semaphore, #tpu.memory_space<semaphore_mem>>) src(%dma_wait3A_1178 : memref<64x128xf32, #tpu.memory_space<hbm>>) dst(%dma_wait3A_1175 : memref<64x128xf32, #tpu.memory_space<vmem>>)
      %rem3A_1179 = arith.constant 128 : i32
      %rem3A_1180 = arith.remsi %squeeze3A_1156, %rem3A_1179 : i32
      %broadcast_in_dim3A_1181 = vector.broadcast %rem3A_1180 : i32 to vector<16xi32>
      %broadcast_in_dim3A_1182 = vector.broadcast %add3A_1160 : i32 to vector<16xi32>
      %add3A_1183 = arith.constant 0 : i32
      %add3A_1184 = vector.broadcast %add3A_1183 : i32 to vector<16xi32>
      %add3A_1185 = arith.addi %iota3A, %add3A_1184 : vector<16xi32>
      %gather3A_1186 = arith.constant 2 : i32
      %gather3A_1187 = arith.constant 0 : i32
      %gather3A_1188 = arith.constant 0 : i32
      %gather3A_1189 = tpu.memref_slice %arg7[%gather3A_1186, %gather3A_1187, %gather3A_1188] : memref<8x64x128xf32, #tpu.memory_space<vmem>> -> memref<1x64x128xf32, #tpu.memory_space<vmem>>
      %gather3A_1190 = tpu.memref_squeeze %gather3A_1189 : memref<1x64x128xf32, #tpu.memory_space<vmem>> -> memref<64x128xf32, #tpu.memory_space<vmem>>
      %gather3A_1191 = tpu.vector_load_idx %gather3A_1190[%add3A_1185, %broadcast_in_dim3A_1181] : memref<64x128xf32, #tpu.memory_space<vmem>>[vector<16xi32>, vector<16xi32>], vector<16xf32>,
      tpu.vector_store_idx %arg9[%add3A_1185, %broadcast_in_dim3A_1182], %gather3A_1191 : memref<64x512xf32, #tpu.memory_space<vmem>>[vector<16xi32>, vector<16xi32>], vector<16xf32>,
      %add3A_1192 = arith.constant 16 : i32
      %add3A_1193 = vector.broadcast %add3A_1192 : i32 to vector<16xi32>
      %add3A_1194 = arith.addi %iota3A, %add3A_1193 : vector<16xi32>
      %gather3A_1195 = arith.constant 2 : i32
      %gather3A_1196 = arith.constant 0 : i32
      %gather3A_1197 = arith.constant 0 : i32
      %gather3A_1198 = tpu.memref_slice %arg7[%gather3A_1195, %gather3A_1196, %gather3A_1197] : memref<8x64x128xf32, #tpu.memory_space<vmem>> -> memref<1x64x128xf32, #tpu.memory_space<vmem>>
      %gather3A_1199 = tpu.memref_squeeze %gather3A_1198 : memref<1x64x128xf32, #tpu.memory_space<vmem>> -> memref<64x128xf32, #tpu.memory_space<vmem>>
      %gather3A_1200 = tpu.vector_load_idx %gather3A_1199[%add3A_1194, %broadcast_in_dim3A_1181] : memref<64x128xf32, #tpu.memory_space<vmem>>[vector<16xi32>, vector<16xi32>], vector<16xf32>,
      tpu.vector_store_idx %arg9[%add3A_1194, %broadcast_in_dim3A_1182], %gather3A_1200 : memref<64x512xf32, #tpu.memory_space<vmem>>[vector<16xi32>, vector<16xi32>], vector<16xf32>,
      %add3A_1201 = arith.constant 32 : i32
      %add3A_1202 = vector.broadcast %add3A_1201 : i32 to vector<16xi32>
      %add3A_1203 = arith.addi %iota3A, %add3A_1202 : vector<16xi32>
      %gather3A_1204 = arith.constant 2 : i32
      %gather3A_1205 = arith.constant 0 : i32
      %gather3A_1206 = arith.constant 0 : i32
      %gather3A_1207 = tpu.memref_slice %arg7[%gather3A_1204, %gather3A_1205, %gather3A_1206] : memref<8x64x128xf32, #tpu.memory_space<vmem>> -> memref<1x64x128xf32, #tpu.memory_space<vmem>>
      %gather3A_1208 = tpu.memref_squeeze %gather3A_1207 : memref<1x64x128xf32, #tpu.memory_space<vmem>> -> memref<64x128xf32, #tpu.memory_space<vmem>>
      %gather3A_1209 = tpu.vector_load_idx %gather3A_1208[%add3A_1203, %broadcast_in_dim3A_1181] : memref<64x128xf32, #tpu.memory_space<vmem>>[vector<16xi32>, vector<16xi32>], vector<16xf32>,
      tpu.vector_store_idx %arg9[%add3A_1203, %broadcast_in_dim3A_1182], %gather3A_1209 : memref<64x512xf32, #tpu.memory_space<vmem>>[vector<16xi32>, vector<16xi32>], vector<16xf32>,
      %add3A_1210 = arith.constant 48 : i32
      %add3A_1211 = vector.broadcast %add3A_1210 : i32 to vector<16xi32>
      %add3A_1212 = arith.addi %iota3A, %add3A_1211 : vector<16xi32>
      %gather3A_1213 = arith.constant 2 : i32
      %gather3A_1214 = arith.constant 0 : i32
      %gather3A_1215 = arith.constant 0 : i32
      %gather3A_1216 = tpu.memref_slice %arg7[%gather3A_1213, %gather3A_1214, %gather3A_1215] : memref<8x64x128xf32, #tpu.memory_space<vmem>> -> memref<1x64x128xf32, #tpu.memory_space<vmem>>
      %gather3A_1217 = tpu.memref_squeeze %gather3A_1216 : memref<1x64x128xf32, #tpu.memory_space<vmem>> -> memref<64x128xf32, #tpu.memory_space<vmem>>
      %gather3A_1218 = tpu.vector_load_idx %gather3A_1217[%add3A_1212, %broadcast_in_dim3A_1181] : memref<64x128xf32, #tpu.memory_space<vmem>>[vector<16xi32>, vector<16xi32>], vector<16xf32>,
      tpu.vector_store_idx %arg9[%add3A_1212, %broadcast_in_dim3A_1182], %gather3A_1218 : memref<64x512xf32, #tpu.memory_space<vmem>>[vector<16xi32>, vector<16xi32>], vector<16xf32>,
      %ge3A_1219 = arith.constant 999936 : i32
      %ge3A_1220 = arith.cmpi sge, %squeeze3A_1156, %ge3A_1219 : i32
      %convert_element_type3A_1221 = arith.extui %ge3A_1220 : i1 to i32
      %cond3A_1222 = arith.constant 0 : i32
      %cond3A_1223 = arith.cmpi ne, %convert_element_type3A_1221, %cond3A_1222 : i32
      scf.if %cond3A_1223 {
        %sub3A_1623 = arith.constant 999936 : i32
        %sub3A_1624 = arith.subi %squeeze3A_1156, %sub3A_1623 : i32
        %broadcast_in_dim3A_1625 = vector.broadcast %sub3A_1624 : i32 to vector<16xi32>
        %add3A_1626 = arith.constant 0 : i32
        %add3A_1627 = vector.broadcast %add3A_1626 : i32 to vector<16xi32>
        %add3A_1628 = arith.addi %iota3A, %add3A_1627 : vector<16xi32>
        %gather3A_1629 = tpu.vector_load_idx %arg8[%add3A_1628, %broadcast_in_dim3A_1625] : memref<64x64xf32, #tpu.memory_space<vmem>>[vector<16xi32>, vector<16xi32>], vector<16xf32>,
        tpu.vector_store_idx %arg9[%add3A_1628, %broadcast_in_dim3A_1182], %gather3A_1629 : memref<64x512xf32, #tpu.memory_space<vmem>>[vector<16xi32>, vector<16xi32>], vector<16xf32>,
        %add3A_1630 = arith.constant 16 : i32
        %add3A_1631 = vector.broadcast %add3A_1630 : i32 to vector<16xi32>
        %add3A_1632 = arith.addi %iota3A, %add3A_1631 : vector<16xi32>
        %gather3A_1633 = tpu.vector_load_idx %arg8[%add3A_1632, %broadcast_in_dim3A_1625] : memref<64x64xf32, #tpu.memory_space<vmem>>[vector<16xi32>, vector<16xi32>], vector<16xf32>,
        tpu.vector_store_idx %arg9[%add3A_1632, %broadcast_in_dim3A_1182], %gather3A_1633 : memref<64x512xf32, #tpu.memory_space<vmem>>[vector<16xi32>, vector<16xi32>], vector<16xf32>,
        %add3A_1634 = arith.constant 32 : i32
        %add3A_1635 = vector.broadcast %add3A_1634 : i32 to vector<16xi32>
        %add3A_1636 = arith.addi %iota3A, %add3A_1635 : vector<16xi32>
        %gather3A_1637 = tpu.vector_load_idx %arg8[%add3A_1636, %broadcast_in_dim3A_1625] : memref<64x64xf32, #tpu.memory_space<vmem>>[vector<16xi32>, vector<16xi32>], vector<16xf32>,
        tpu.vector_store_idx %arg9[%add3A_1636, %broadcast_in_dim3A_1182], %gather3A_1637 : memref<64x512xf32, #tpu.memory_space<vmem>>[vector<16xi32>, vector<16xi32>], vector<16xf32>,
        %add3A_1638 = arith.constant 48 : i32
        %add3A_1639 = vector.broadcast %add3A_1638 : i32 to vector<16xi32>
        %add3A_1640 = arith.addi %iota3A, %add3A_1639 : vector<16xi32>
        %gather3A_1641 = tpu.vector_load_idx %arg8[%add3A_1640, %broadcast_in_dim3A_1625] : memref<64x64xf32, #tpu.memory_space<vmem>>[vector<16xi32>, vector<16xi32>], vector<16xf32>,
        tpu.vector_store_idx %arg9[%add3A_1640, %broadcast_in_dim3A_1182], %gather3A_1641 : memref<64x512xf32, #tpu.memory_space<vmem>>[vector<16xi32>, vector<16xi32>], vector<16xf32>,
      } else {
      }
      %slice3A_1224 = vector.extract_strided_slice %get3A_381 {offsets = [2], sizes = [1], strides = [1]} : vector<16xi32> to vector<1xi32>
      %squeeze3A_1225 = vector.extract %slice3A_1224[0] : i32 from vector<1xi32>
      %add3A_1226 = arith.constant 8 : i32
      %add3A_1227 = arith.addi %add3A_1160, %add3A_1226 : i32
      %lt3A_1228 = arith.constant 512 : i32
      %lt3A_1229 = arith.cmpi slt, %add3A_1227, %lt3A_1228 : i32
      %convert_element_type3A_1230 = arith.extui %lt3A_1229 : i1 to i32
      %cond3A_1231 = arith.constant 0 : i32
      %cond3A_1232 = arith.cmpi ne, %convert_element_type3A_1230, %cond3A_1231 : i32
      scf.if %cond3A_1232 {
        %min3A_1623 = arith.constant 999935 : i32
        %min3A_1624 = arith.minsi %squeeze3A_1225, %min3A_1623 : i32
        %jit3A_1625 = arith.constant 128 : i32
        %div3A_1626 = arith.divsi %min3A_1624, %jit3A_1625 : i32
        %sign3A_1627 = arith.constant 0 : i32
        %sign3A_1628 = arith.cmpi sgt, %min3A_1624, %sign3A_1627 : i32
        %sign3A_1629 = arith.extui %sign3A_1628 : i1 to i32
        %sign3A_1630 = arith.constant 0 : i32
        %sign3A_1631 = arith.cmpi slt, %min3A_1624, %sign3A_1630 : i32
        %sign3A_1632 = arith.extui %sign3A_1631 : i1 to i32
        %sign3A_1633 = arith.subi %sign3A_1629, %sign3A_1632 : i32
        %sign3A_1634 = arith.constant 0 : i32
        %sign3A_1635 = arith.cmpi sgt, %jit3A_1625, %sign3A_1634 : i32
        %sign3A_1636 = arith.extui %sign3A_1635 : i1 to i32
        %sign3A_1637 = arith.constant 0 : i32
        %sign3A_1638 = arith.cmpi slt, %jit3A_1625, %sign3A_1637 : i32
        %sign3A_1639 = arith.extui %sign3A_1638 : i1 to i32
        %sign3A_1640 = arith.subi %sign3A_1636, %sign3A_1639 : i32
        %ne3A_1641 = arith.cmpi ne, %sign3A_1633, %sign3A_1640 : i32
        %rem3A_1642 = arith.remsi %min3A_1624, %jit3A_1625 : i32
        %ne3A_1643 = arith.constant 0 : i32
        %ne3A_1644 = arith.cmpi ne, %rem3A_1642, %ne3A_1643 : i32
        %and3A_1645 = arith.andi %ne3A_1641, %ne3A_1644 : i1
        %sub3A_1646 = arith.constant 1 : i32
        %sub3A_1647 = arith.subi %div3A_1626, %sub3A_1646 : i32
        %select_n3A_1648 = arith.select %and3A_1645, %sub3A_1647, %div3A_1626 : i32
        %mul3A_1649 = arith.constant 128 : i32
        %mul3A_1650 = arith.muli %select_n3A_1648, %mul3A_1649 : i32
        %dma_start3A_1651 = arith.constant 2 : i32
        %dma_start3A_1652 = arith.constant 2 : i32
        %dma_start3A_1653 = arith.constant 0 : i32
        %dma_start3A_1654 = arith.constant 0 : i32
        %dma_start3A_1655 = tpu.memref_slice %arg7[%dma_start3A_1651, %dma_start3A_1653, %dma_start3A_1654] : memref<8x64x128xf32, #tpu.memory_space<vmem>> -> memref<1x64x128xf32, #tpu.memory_space<vmem>>
        %dma_start3A_1656 = tpu.memref_squeeze %dma_start3A_1655 : memref<1x64x128xf32, #tpu.memory_space<vmem>> -> memref<64x128xf32, #tpu.memory_space<vmem>>
        %dma_start3A_1657 = arith.constant 0 : i32
        %dma_start3A_1658 = tpu.memref_slice %arg3[%dma_start3A_1657, %mul3A_1650] : memref<64x1000000xf32, #tpu.memory_space<hbm>> -> memref<64x128xf32, #tpu.memory_space<hbm>>
        %dma_start3A_1659 = tpu.memref_slice %arg10[%dma_start3A_1652] : memref<8x!tpu.dma_semaphore, #tpu.memory_space<semaphore_mem>> -> memref<1x!tpu.dma_semaphore, #tpu.memory_space<semaphore_mem>>
        %dma_start3A_1660 = tpu.memref_squeeze %dma_start3A_1659 : memref<1x!tpu.dma_semaphore, #tpu.memory_space<semaphore_mem>> -> memref<!tpu.dma_semaphore, #tpu.memory_space<semaphore_mem>>
        %dma_start3A_1661 = arith.constant 0 : i32
        %dma_start3A_1662 = arith.constant 0 : i32
        %dma_start3A_1663 = tpu.memref_slice %arg7[%dma_start3A_1651, %dma_start3A_1661, %dma_start3A_1662] : memref<8x64x128xf32, #tpu.memory_space<vmem>> -> memref<1x64x128xf32, #tpu.memory_space<vmem>>
        %dma_start3A_1664 = tpu.memref_squeeze %dma_start3A_1663 : memref<1x64x128xf32, #tpu.memory_space<vmem>> -> memref<64x128xf32, #tpu.memory_space<vmem>>
        %dma_start3A_1665 = arith.constant 0 : i32
        %dma_start3A_1666 = tpu.memref_slice %arg3[%dma_start3A_1665, %mul3A_1650] : memref<64x1000000xf32, #tpu.memory_space<hbm>> -> memref<64x128xf32, #tpu.memory_space<hbm>>
        tpu.enqueue_dma source(%dma_start3A_1666 : memref<64x128xf32, #tpu.memory_space<hbm>>) target(%dma_start3A_1664 : memref<64x128xf32, #tpu.memory_space<vmem>>) target_semaphore(%dma_start3A_1660 : memref<!tpu.dma_semaphore, #tpu.memory_space<semaphore_mem>>)
      } else {
      }
      %slice3A_1233 = vector.extract_strided_slice %get3A_375 {offsets = [11], sizes = [1], strides = [1]} : vector<16xi32> to vector<1xi32>
      %squeeze3A_1234 = vector.extract %slice3A_1233[0] : i32 from vector<1xi32>
      %mul3A_1235 = arith.constant 16 : i32
      %mul3A_1236 = arith.muli %scan3A_371, %mul3A_1235 : i32
      %add3A_1237 = arith.constant 11 : i32
      %add3A_1238 = arith.addi %mul3A_1236, %add3A_1237 : i32
      %dma_wait3A_1239 = arith.constant 3 : i32
      %dma_wait3A_1240 = arith.constant 3 : i32
      %dma_wait3A_1241 = arith.constant 0 : i32
      %dma_wait3A_1242 = arith.constant 0 : i32
      %dma_wait3A_1243 = tpu.memref_slice %arg7[%dma_wait3A_1239, %dma_wait3A_1241, %dma_wait3A_1242] : memref<8x64x128xf32, #tpu.memory_space<vmem>> -> memref<1x64x128xf32, #tpu.memory_space<vmem>>
      %dma_wait3A_1244 = tpu.memref_squeeze %dma_wait3A_1243 : memref<1x64x128xf32, #tpu.memory_space<vmem>> -> memref<64x128xf32, #tpu.memory_space<vmem>>
      %dma_wait3A_1245 = arith.constant 0 : i32
      %dma_wait3A_1246 = arith.constant 0 : i32
      %dma_wait3A_1247 = tpu.memref_slice %arg3[%dma_wait3A_1245, %dma_wait3A_1246] : memref<64x1000000xf32, #tpu.memory_space<hbm>> -> memref<64x128xf32, #tpu.memory_space<hbm>>
      %dma_wait3A_1248 = tpu.memref_slice %arg10[%dma_wait3A_1240] : memref<8x!tpu.dma_semaphore, #tpu.memory_space<semaphore_mem>> -> memref<1x!tpu.dma_semaphore, #tpu.memory_space<semaphore_mem>>
      %dma_wait3A_1249 = tpu.memref_squeeze %dma_wait3A_1248 : memref<1x!tpu.dma_semaphore, #tpu.memory_space<semaphore_mem>> -> memref<!tpu.dma_semaphore, #tpu.memory_space<semaphore_mem>>
      %dma_wait3A_1250 = arith.constant 0 : i32
      %dma_wait3A_1251 = arith.constant 0 : i32
      %dma_wait3A_1252 = tpu.memref_slice %arg7[%dma_wait3A_1239, %dma_wait3A_1250, %dma_wait3A_1251] : memref<8x64x128xf32, #tpu.memory_space<vmem>> -> memref<1x64x128xf32, #tpu.memory_space<vmem>>
      %dma_wait3A_1253 = tpu.memref_squeeze %dma_wait3A_1252 : memref<1x64x128xf32, #tpu.memory_space<vmem>> -> memref<64x128xf32, #tpu.memory_space<vmem>>
      %dma_wait3A_1254 = arith.constant 0 : i32
      %dma_wait3A_1255 = arith.constant 0 : i32
      %dma_wait3A_1256 = tpu.memref_slice %arg3[%dma_wait3A_1254, %dma_wait3A_1255] : memref<64x1000000xf32, #tpu.memory_space<hbm>> -> memref<64x128xf32, #tpu.memory_space<hbm>>
      tpu.wait_dma2 semaphore(%dma_wait3A_1249 : memref<!tpu.dma_semaphore, #tpu.memory_space<semaphore_mem>>) src(%dma_wait3A_1256 : memref<64x128xf32, #tpu.memory_space<hbm>>) dst(%dma_wait3A_1253 : memref<64x128xf32, #tpu.memory_space<vmem>>)
      %rem3A_1257 = arith.constant 128 : i32
      %rem3A_1258 = arith.remsi %squeeze3A_1234, %rem3A_1257 : i32
      %broadcast_in_dim3A_1259 = vector.broadcast %rem3A_1258 : i32 to vector<16xi32>
      %broadcast_in_dim3A_1260 = vector.broadcast %add3A_1238 : i32 to vector<16xi32>
      %add3A_1261 = arith.constant 0 : i32
      %add3A_1262 = vector.broadcast %add3A_1261 : i32 to vector<16xi32>
      %add3A_1263 = arith.addi %iota3A, %add3A_1262 : vector<16xi32>
      %gather3A_1264 = arith.constant 3 : i32
      %gather3A_1265 = arith.constant 0 : i32
      %gather3A_1266 = arith.constant 0 : i32
      %gather3A_1267 = tpu.memref_slice %arg7[%gather3A_1264, %gather3A_1265, %gather3A_1266] : memref<8x64x128xf32, #tpu.memory_space<vmem>> -> memref<1x64x128xf32, #tpu.memory_space<vmem>>
      %gather3A_1268 = tpu.memref_squeeze %gather3A_1267 : memref<1x64x128xf32, #tpu.memory_space<vmem>> -> memref<64x128xf32, #tpu.memory_space<vmem>>
      %gather3A_1269 = tpu.vector_load_idx %gather3A_1268[%add3A_1263, %broadcast_in_dim3A_1259] : memref<64x128xf32, #tpu.memory_space<vmem>>[vector<16xi32>, vector<16xi32>], vector<16xf32>,
      tpu.vector_store_idx %arg9[%add3A_1263, %broadcast_in_dim3A_1260], %gather3A_1269 : memref<64x512xf32, #tpu.memory_space<vmem>>[vector<16xi32>, vector<16xi32>], vector<16xf32>,
      %add3A_1270 = arith.constant 16 : i32
      %add3A_1271 = vector.broadcast %add3A_1270 : i32 to vector<16xi32>
      %add3A_1272 = arith.addi %iota3A, %add3A_1271 : vector<16xi32>
      %gather3A_1273 = arith.constant 3 : i32
      %gather3A_1274 = arith.constant 0 : i32
      %gather3A_1275 = arith.constant 0 : i32
      %gather3A_1276 = tpu.memref_slice %arg7[%gather3A_1273, %gather3A_1274, %gather3A_1275] : memref<8x64x128xf32, #tpu.memory_space<vmem>> -> memref<1x64x128xf32, #tpu.memory_space<vmem>>
      %gather3A_1277 = tpu.memref_squeeze %gather3A_1276 : memref<1x64x128xf32, #tpu.memory_space<vmem>> -> memref<64x128xf32, #tpu.memory_space<vmem>>
      %gather3A_1278 = tpu.vector_load_idx %gather3A_1277[%add3A_1272, %broadcast_in_dim3A_1259] : memref<64x128xf32, #tpu.memory_space<vmem>>[vector<16xi32>, vector<16xi32>], vector<16xf32>,
      tpu.vector_store_idx %arg9[%add3A_1272, %broadcast_in_dim3A_1260], %gather3A_1278 : memref<64x512xf32, #tpu.memory_space<vmem>>[vector<16xi32>, vector<16xi32>], vector<16xf32>,
      %add3A_1279 = arith.constant 32 : i32
      %add3A_1280 = vector.broadcast %add3A_1279 : i32 to vector<16xi32>
      %add3A_1281 = arith.addi %iota3A, %add3A_1280 : vector<16xi32>
      %gather3A_1282 = arith.constant 3 : i32
      %gather3A_1283 = arith.constant 0 : i32
      %gather3A_1284 = arith.constant 0 : i32
      %gather3A_1285 = tpu.memref_slice %arg7[%gather3A_1282, %gather3A_1283, %gather3A_1284] : memref<8x64x128xf32, #tpu.memory_space<vmem>> -> memref<1x64x128xf32, #tpu.memory_space<vmem>>
      %gather3A_1286 = tpu.memref_squeeze %gather3A_1285 : memref<1x64x128xf32, #tpu.memory_space<vmem>> -> memref<64x128xf32, #tpu.memory_space<vmem>>
      %gather3A_1287 = tpu.vector_load_idx %gather3A_1286[%add3A_1281, %broadcast_in_dim3A_1259] : memref<64x128xf32, #tpu.memory_space<vmem>>[vector<16xi32>, vector<16xi32>], vector<16xf32>,
      tpu.vector_store_idx %arg9[%add3A_1281, %broadcast_in_dim3A_1260], %gather3A_1287 : memref<64x512xf32, #tpu.memory_space<vmem>>[vector<16xi32>, vector<16xi32>], vector<16xf32>,
      %add3A_1288 = arith.constant 48 : i32
      %add3A_1289 = vector.broadcast %add3A_1288 : i32 to vector<16xi32>
      %add3A_1290 = arith.addi %iota3A, %add3A_1289 : vector<16xi32>
      %gather3A_1291 = arith.constant 3 : i32
      %gather3A_1292 = arith.constant 0 : i32
      %gather3A_1293 = arith.constant 0 : i32
      %gather3A_1294 = tpu.memref_slice %arg7[%gather3A_1291, %gather3A_1292, %gather3A_1293] : memref<8x64x128xf32, #tpu.memory_space<vmem>> -> memref<1x64x128xf32, #tpu.memory_space<vmem>>
      %gather3A_1295 = tpu.memref_squeeze %gather3A_1294 : memref<1x64x128xf32, #tpu.memory_space<vmem>> -> memref<64x128xf32, #tpu.memory_space<vmem>>
      %gather3A_1296 = tpu.vector_load_idx %gather3A_1295[%add3A_1290, %broadcast_in_dim3A_1259] : memref<64x128xf32, #tpu.memory_space<vmem>>[vector<16xi32>, vector<16xi32>], vector<16xf32>,
      tpu.vector_store_idx %arg9[%add3A_1290, %broadcast_in_dim3A_1260], %gather3A_1296 : memref<64x512xf32, #tpu.memory_space<vmem>>[vector<16xi32>, vector<16xi32>], vector<16xf32>,
      %ge3A_1297 = arith.constant 999936 : i32
      %ge3A_1298 = arith.cmpi sge, %squeeze3A_1234, %ge3A_1297 : i32
      %convert_element_type3A_1299 = arith.extui %ge3A_1298 : i1 to i32
      %cond3A_1300 = arith.constant 0 : i32
      %cond3A_1301 = arith.cmpi ne, %convert_element_type3A_1299, %cond3A_1300 : i32
      scf.if %cond3A_1301 {
        %sub3A_1623 = arith.constant 999936 : i32
        %sub3A_1624 = arith.subi %squeeze3A_1234, %sub3A_1623 : i32
        %broadcast_in_dim3A_1625 = vector.broadcast %sub3A_1624 : i32 to vector<16xi32>
        %add3A_1626 = arith.constant 0 : i32
        %add3A_1627 = vector.broadcast %add3A_1626 : i32 to vector<16xi32>
        %add3A_1628 = arith.addi %iota3A, %add3A_1627 : vector<16xi32>
        %gather3A_1629 = tpu.vector_load_idx %arg8[%add3A_1628, %broadcast_in_dim3A_1625] : memref<64x64xf32, #tpu.memory_space<vmem>>[vector<16xi32>, vector<16xi32>], vector<16xf32>,
        tpu.vector_store_idx %arg9[%add3A_1628, %broadcast_in_dim3A_1260], %gather3A_1629 : memref<64x512xf32, #tpu.memory_space<vmem>>[vector<16xi32>, vector<16xi32>], vector<16xf32>,
        %add3A_1630 = arith.constant 16 : i32
        %add3A_1631 = vector.broadcast %add3A_1630 : i32 to vector<16xi32>
        %add3A_1632 = arith.addi %iota3A, %add3A_1631 : vector<16xi32>
        %gather3A_1633 = tpu.vector_load_idx %arg8[%add3A_1632, %broadcast_in_dim3A_1625] : memref<64x64xf32, #tpu.memory_space<vmem>>[vector<16xi32>, vector<16xi32>], vector<16xf32>,
        tpu.vector_store_idx %arg9[%add3A_1632, %broadcast_in_dim3A_1260], %gather3A_1633 : memref<64x512xf32, #tpu.memory_space<vmem>>[vector<16xi32>, vector<16xi32>], vector<16xf32>,
        %add3A_1634 = arith.constant 32 : i32
        %add3A_1635 = vector.broadcast %add3A_1634 : i32 to vector<16xi32>
        %add3A_1636 = arith.addi %iota3A, %add3A_1635 : vector<16xi32>
        %gather3A_1637 = tpu.vector_load_idx %arg8[%add3A_1636, %broadcast_in_dim3A_1625] : memref<64x64xf32, #tpu.memory_space<vmem>>[vector<16xi32>, vector<16xi32>], vector<16xf32>,
        tpu.vector_store_idx %arg9[%add3A_1636, %broadcast_in_dim3A_1260], %gather3A_1637 : memref<64x512xf32, #tpu.memory_space<vmem>>[vector<16xi32>, vector<16xi32>], vector<16xf32>,
        %add3A_1638 = arith.constant 48 : i32
        %add3A_1639 = vector.broadcast %add3A_1638 : i32 to vector<16xi32>
        %add3A_1640 = arith.addi %iota3A, %add3A_1639 : vector<16xi32>
        %gather3A_1641 = tpu.vector_load_idx %arg8[%add3A_1640, %broadcast_in_dim3A_1625] : memref<64x64xf32, #tpu.memory_space<vmem>>[vector<16xi32>, vector<16xi32>], vector<16xf32>,
        tpu.vector_store_idx %arg9[%add3A_1640, %broadcast_in_dim3A_1260], %gather3A_1641 : memref<64x512xf32, #tpu.memory_space<vmem>>[vector<16xi32>, vector<16xi32>], vector<16xf32>,
      } else {
      }
      %slice3A_1302 = vector.extract_strided_slice %get3A_381 {offsets = [3], sizes = [1], strides = [1]} : vector<16xi32> to vector<1xi32>
      %squeeze3A_1303 = vector.extract %slice3A_1302[0] : i32 from vector<1xi32>
      %add3A_1304 = arith.constant 8 : i32
      %add3A_1305 = arith.addi %add3A_1238, %add3A_1304 : i32
      %lt3A_1306 = arith.constant 512 : i32
      %lt3A_1307 = arith.cmpi slt, %add3A_1305, %lt3A_1306 : i32
      %convert_element_type3A_1308 = arith.extui %lt3A_1307 : i1 to i32
      %cond3A_1309 = arith.constant 0 : i32
      %cond3A_1310 = arith.cmpi ne, %convert_element_type3A_1308, %cond3A_1309 : i32
      scf.if %cond3A_1310 {
        %min3A_1623 = arith.constant 999935 : i32
        %min3A_1624 = arith.minsi %squeeze3A_1303, %min3A_1623 : i32
        %jit3A_1625 = arith.constant 128 : i32
        %div3A_1626 = arith.divsi %min3A_1624, %jit3A_1625 : i32
        %sign3A_1627 = arith.constant 0 : i32
        %sign3A_1628 = arith.cmpi sgt, %min3A_1624, %sign3A_1627 : i32
        %sign3A_1629 = arith.extui %sign3A_1628 : i1 to i32
        %sign3A_1630 = arith.constant 0 : i32
        %sign3A_1631 = arith.cmpi slt, %min3A_1624, %sign3A_1630 : i32
        %sign3A_1632 = arith.extui %sign3A_1631 : i1 to i32
        %sign3A_1633 = arith.subi %sign3A_1629, %sign3A_1632 : i32
        %sign3A_1634 = arith.constant 0 : i32
        %sign3A_1635 = arith.cmpi sgt, %jit3A_1625, %sign3A_1634 : i32
        %sign3A_1636 = arith.extui %sign3A_1635 : i1 to i32
        %sign3A_1637 = arith.constant 0 : i32
        %sign3A_1638 = arith.cmpi slt, %jit3A_1625, %sign3A_1637 : i32
        %sign3A_1639 = arith.extui %sign3A_1638 : i1 to i32
        %sign3A_1640 = arith.subi %sign3A_1636, %sign3A_1639 : i32
        %ne3A_1641 = arith.cmpi ne, %sign3A_1633, %sign3A_1640 : i32
        %rem3A_1642 = arith.remsi %min3A_1624, %jit3A_1625 : i32
        %ne3A_1643 = arith.constant 0 : i32
        %ne3A_1644 = arith.cmpi ne, %rem3A_1642, %ne3A_1643 : i32
        %and3A_1645 = arith.andi %ne3A_1641, %ne3A_1644 : i1
        %sub3A_1646 = arith.constant 1 : i32
        %sub3A_1647 = arith.subi %div3A_1626, %sub3A_1646 : i32
        %select_n3A_1648 = arith.select %and3A_1645, %sub3A_1647, %div3A_1626 : i32
        %mul3A_1649 = arith.constant 128 : i32
        %mul3A_1650 = arith.muli %select_n3A_1648, %mul3A_1649 : i32
        %dma_start3A_1651 = arith.constant 3 : i32
        %dma_start3A_1652 = arith.constant 3 : i32
        %dma_start3A_1653 = arith.constant 0 : i32
        %dma_start3A_1654 = arith.constant 0 : i32
        %dma_start3A_1655 = tpu.memref_slice %arg7[%dma_start3A_1651, %dma_start3A_1653, %dma_start3A_1654] : memref<8x64x128xf32, #tpu.memory_space<vmem>> -> memref<1x64x128xf32, #tpu.memory_space<vmem>>
        %dma_start3A_1656 = tpu.memref_squeeze %dma_start3A_1655 : memref<1x64x128xf32, #tpu.memory_space<vmem>> -> memref<64x128xf32, #tpu.memory_space<vmem>>
        %dma_start3A_1657 = arith.constant 0 : i32
        %dma_start3A_1658 = tpu.memref_slice %arg3[%dma_start3A_1657, %mul3A_1650] : memref<64x1000000xf32, #tpu.memory_space<hbm>> -> memref<64x128xf32, #tpu.memory_space<hbm>>
        %dma_start3A_1659 = tpu.memref_slice %arg10[%dma_start3A_1652] : memref<8x!tpu.dma_semaphore, #tpu.memory_space<semaphore_mem>> -> memref<1x!tpu.dma_semaphore, #tpu.memory_space<semaphore_mem>>
        %dma_start3A_1660 = tpu.memref_squeeze %dma_start3A_1659 : memref<1x!tpu.dma_semaphore, #tpu.memory_space<semaphore_mem>> -> memref<!tpu.dma_semaphore, #tpu.memory_space<semaphore_mem>>
        %dma_start3A_1661 = arith.constant 0 : i32
        %dma_start3A_1662 = arith.constant 0 : i32
        %dma_start3A_1663 = tpu.memref_slice %arg7[%dma_start3A_1651, %dma_start3A_1661, %dma_start3A_1662] : memref<8x64x128xf32, #tpu.memory_space<vmem>> -> memref<1x64x128xf32, #tpu.memory_space<vmem>>
        %dma_start3A_1664 = tpu.memref_squeeze %dma_start3A_1663 : memref<1x64x128xf32, #tpu.memory_space<vmem>> -> memref<64x128xf32, #tpu.memory_space<vmem>>
        %dma_start3A_1665 = arith.constant 0 : i32
        %dma_start3A_1666 = tpu.memref_slice %arg3[%dma_start3A_1665, %mul3A_1650] : memref<64x1000000xf32, #tpu.memory_space<hbm>> -> memref<64x128xf32, #tpu.memory_space<hbm>>
        tpu.enqueue_dma source(%dma_start3A_1666 : memref<64x128xf32, #tpu.memory_space<hbm>>) target(%dma_start3A_1664 : memref<64x128xf32, #tpu.memory_space<vmem>>) target_semaphore(%dma_start3A_1660 : memref<!tpu.dma_semaphore, #tpu.memory_space<semaphore_mem>>)
      } else {
      }
      %slice3A_1311 = vector.extract_strided_slice %get3A_375 {offsets = [12], sizes = [1], strides = [1]} : vector<16xi32> to vector<1xi32>
      %squeeze3A_1312 = vector.extract %slice3A_1311[0] : i32 from vector<1xi32>
      %mul3A_1313 = arith.constant 16 : i32
      %mul3A_1314 = arith.muli %scan3A_371, %mul3A_1313 : i32
      %add3A_1315 = arith.constant 12 : i32
      %add3A_1316 = arith.addi %mul3A_1314, %add3A_1315 : i32
      %dma_wait3A_1317 = arith.constant 4 : i32
      %dma_wait3A_1318 = arith.constant 4 : i32
      %dma_wait3A_1319 = arith.constant 0 : i32
      %dma_wait3A_1320 = arith.constant 0 : i32
      %dma_wait3A_1321 = tpu.memref_slice %arg7[%dma_wait3A_1317, %dma_wait3A_1319, %dma_wait3A_1320] : memref<8x64x128xf32, #tpu.memory_space<vmem>> -> memref<1x64x128xf32, #tpu.memory_space<vmem>>
      %dma_wait3A_1322 = tpu.memref_squeeze %dma_wait3A_1321 : memref<1x64x128xf32, #tpu.memory_space<vmem>> -> memref<64x128xf32, #tpu.memory_space<vmem>>
      %dma_wait3A_1323 = arith.constant 0 : i32
      %dma_wait3A_1324 = arith.constant 0 : i32
      %dma_wait3A_1325 = tpu.memref_slice %arg3[%dma_wait3A_1323, %dma_wait3A_1324] : memref<64x1000000xf32, #tpu.memory_space<hbm>> -> memref<64x128xf32, #tpu.memory_space<hbm>>
      %dma_wait3A_1326 = tpu.memref_slice %arg10[%dma_wait3A_1318] : memref<8x!tpu.dma_semaphore, #tpu.memory_space<semaphore_mem>> -> memref<1x!tpu.dma_semaphore, #tpu.memory_space<semaphore_mem>>
      %dma_wait3A_1327 = tpu.memref_squeeze %dma_wait3A_1326 : memref<1x!tpu.dma_semaphore, #tpu.memory_space<semaphore_mem>> -> memref<!tpu.dma_semaphore, #tpu.memory_space<semaphore_mem>>
      %dma_wait3A_1328 = arith.constant 0 : i32
      %dma_wait3A_1329 = arith.constant 0 : i32
      %dma_wait3A_1330 = tpu.memref_slice %arg7[%dma_wait3A_1317, %dma_wait3A_1328, %dma_wait3A_1329] : memref<8x64x128xf32, #tpu.memory_space<vmem>> -> memref<1x64x128xf32, #tpu.memory_space<vmem>>
      %dma_wait3A_1331 = tpu.memref_squeeze %dma_wait3A_1330 : memref<1x64x128xf32, #tpu.memory_space<vmem>> -> memref<64x128xf32, #tpu.memory_space<vmem>>
      %dma_wait3A_1332 = arith.constant 0 : i32
      %dma_wait3A_1333 = arith.constant 0 : i32
      %dma_wait3A_1334 = tpu.memref_slice %arg3[%dma_wait3A_1332, %dma_wait3A_1333] : memref<64x1000000xf32, #tpu.memory_space<hbm>> -> memref<64x128xf32, #tpu.memory_space<hbm>>
      tpu.wait_dma2 semaphore(%dma_wait3A_1327 : memref<!tpu.dma_semaphore, #tpu.memory_space<semaphore_mem>>) src(%dma_wait3A_1334 : memref<64x128xf32, #tpu.memory_space<hbm>>) dst(%dma_wait3A_1331 : memref<64x128xf32, #tpu.memory_space<vmem>>)
      %rem3A_1335 = arith.constant 128 : i32
      %rem3A_1336 = arith.remsi %squeeze3A_1312, %rem3A_1335 : i32
      %broadcast_in_dim3A_1337 = vector.broadcast %rem3A_1336 : i32 to vector<16xi32>
      %broadcast_in_dim3A_1338 = vector.broadcast %add3A_1316 : i32 to vector<16xi32>
      %add3A_1339 = arith.constant 0 : i32
      %add3A_1340 = vector.broadcast %add3A_1339 : i32 to vector<16xi32>
      %add3A_1341 = arith.addi %iota3A, %add3A_1340 : vector<16xi32>
      %gather3A_1342 = arith.constant 4 : i32
      %gather3A_1343 = arith.constant 0 : i32
      %gather3A_1344 = arith.constant 0 : i32
      %gather3A_1345 = tpu.memref_slice %arg7[%gather3A_1342, %gather3A_1343, %gather3A_1344] : memref<8x64x128xf32, #tpu.memory_space<vmem>> -> memref<1x64x128xf32, #tpu.memory_space<vmem>>
      %gather3A_1346 = tpu.memref_squeeze %gather3A_1345 : memref<1x64x128xf32, #tpu.memory_space<vmem>> -> memref<64x128xf32, #tpu.memory_space<vmem>>
      %gather3A_1347 = tpu.vector_load_idx %gather3A_1346[%add3A_1341, %broadcast_in_dim3A_1337] : memref<64x128xf32, #tpu.memory_space<vmem>>[vector<16xi32>, vector<16xi32>], vector<16xf32>,
      tpu.vector_store_idx %arg9[%add3A_1341, %broadcast_in_dim3A_1338], %gather3A_1347 : memref<64x512xf32, #tpu.memory_space<vmem>>[vector<16xi32>, vector<16xi32>], vector<16xf32>,
      %add3A_1348 = arith.constant 16 : i32
      %add3A_1349 = vector.broadcast %add3A_1348 : i32 to vector<16xi32>
      %add3A_1350 = arith.addi %iota3A, %add3A_1349 : vector<16xi32>
      %gather3A_1351 = arith.constant 4 : i32
      %gather3A_1352 = arith.constant 0 : i32
      %gather3A_1353 = arith.constant 0 : i32
      %gather3A_1354 = tpu.memref_slice %arg7[%gather3A_1351, %gather3A_1352, %gather3A_1353] : memref<8x64x128xf32, #tpu.memory_space<vmem>> -> memref<1x64x128xf32, #tpu.memory_space<vmem>>
      %gather3A_1355 = tpu.memref_squeeze %gather3A_1354 : memref<1x64x128xf32, #tpu.memory_space<vmem>> -> memref<64x128xf32, #tpu.memory_space<vmem>>
      %gather3A_1356 = tpu.vector_load_idx %gather3A_1355[%add3A_1350, %broadcast_in_dim3A_1337] : memref<64x128xf32, #tpu.memory_space<vmem>>[vector<16xi32>, vector<16xi32>], vector<16xf32>,
      tpu.vector_store_idx %arg9[%add3A_1350, %broadcast_in_dim3A_1338], %gather3A_1356 : memref<64x512xf32, #tpu.memory_space<vmem>>[vector<16xi32>, vector<16xi32>], vector<16xf32>,
      %add3A_1357 = arith.constant 32 : i32
      %add3A_1358 = vector.broadcast %add3A_1357 : i32 to vector<16xi32>
      %add3A_1359 = arith.addi %iota3A, %add3A_1358 : vector<16xi32>
      %gather3A_1360 = arith.constant 4 : i32
      %gather3A_1361 = arith.constant 0 : i32
      %gather3A_1362 = arith.constant 0 : i32
      %gather3A_1363 = tpu.memref_slice %arg7[%gather3A_1360, %gather3A_1361, %gather3A_1362] : memref<8x64x128xf32, #tpu.memory_space<vmem>> -> memref<1x64x128xf32, #tpu.memory_space<vmem>>
      %gather3A_1364 = tpu.memref_squeeze %gather3A_1363 : memref<1x64x128xf32, #tpu.memory_space<vmem>> -> memref<64x128xf32, #tpu.memory_space<vmem>>
      %gather3A_1365 = tpu.vector_load_idx %gather3A_1364[%add3A_1359, %broadcast_in_dim3A_1337] : memref<64x128xf32, #tpu.memory_space<vmem>>[vector<16xi32>, vector<16xi32>], vector<16xf32>,
      tpu.vector_store_idx %arg9[%add3A_1359, %broadcast_in_dim3A_1338], %gather3A_1365 : memref<64x512xf32, #tpu.memory_space<vmem>>[vector<16xi32>, vector<16xi32>], vector<16xf32>,
      %add3A_1366 = arith.constant 48 : i32
      %add3A_1367 = vector.broadcast %add3A_1366 : i32 to vector<16xi32>
      %add3A_1368 = arith.addi %iota3A, %add3A_1367 : vector<16xi32>
      %gather3A_1369 = arith.constant 4 : i32
      %gather3A_1370 = arith.constant 0 : i32
      %gather3A_1371 = arith.constant 0 : i32
      %gather3A_1372 = tpu.memref_slice %arg7[%gather3A_1369, %gather3A_1370, %gather3A_1371] : memref<8x64x128xf32, #tpu.memory_space<vmem>> -> memref<1x64x128xf32, #tpu.memory_space<vmem>>
      %gather3A_1373 = tpu.memref_squeeze %gather3A_1372 : memref<1x64x128xf32, #tpu.memory_space<vmem>> -> memref<64x128xf32, #tpu.memory_space<vmem>>
      %gather3A_1374 = tpu.vector_load_idx %gather3A_1373[%add3A_1368, %broadcast_in_dim3A_1337] : memref<64x128xf32, #tpu.memory_space<vmem>>[vector<16xi32>, vector<16xi32>], vector<16xf32>,
      tpu.vector_store_idx %arg9[%add3A_1368, %broadcast_in_dim3A_1338], %gather3A_1374 : memref<64x512xf32, #tpu.memory_space<vmem>>[vector<16xi32>, vector<16xi32>], vector<16xf32>,
      %ge3A_1375 = arith.constant 999936 : i32
      %ge3A_1376 = arith.cmpi sge, %squeeze3A_1312, %ge3A_1375 : i32
      %convert_element_type3A_1377 = arith.extui %ge3A_1376 : i1 to i32
      %cond3A_1378 = arith.constant 0 : i32
      %cond3A_1379 = arith.cmpi ne, %convert_element_type3A_1377, %cond3A_1378 : i32
      scf.if %cond3A_1379 {
        %sub3A_1623 = arith.constant 999936 : i32
        %sub3A_1624 = arith.subi %squeeze3A_1312, %sub3A_1623 : i32
        %broadcast_in_dim3A_1625 = vector.broadcast %sub3A_1624 : i32 to vector<16xi32>
        %add3A_1626 = arith.constant 0 : i32
        %add3A_1627 = vector.broadcast %add3A_1626 : i32 to vector<16xi32>
        %add3A_1628 = arith.addi %iota3A, %add3A_1627 : vector<16xi32>
        %gather3A_1629 = tpu.vector_load_idx %arg8[%add3A_1628, %broadcast_in_dim3A_1625] : memref<64x64xf32, #tpu.memory_space<vmem>>[vector<16xi32>, vector<16xi32>], vector<16xf32>,
        tpu.vector_store_idx %arg9[%add3A_1628, %broadcast_in_dim3A_1338], %gather3A_1629 : memref<64x512xf32, #tpu.memory_space<vmem>>[vector<16xi32>, vector<16xi32>], vector<16xf32>,
        %add3A_1630 = arith.constant 16 : i32
        %add3A_1631 = vector.broadcast %add3A_1630 : i32 to vector<16xi32>
        %add3A_1632 = arith.addi %iota3A, %add3A_1631 : vector<16xi32>
        %gather3A_1633 = tpu.vector_load_idx %arg8[%add3A_1632, %broadcast_in_dim3A_1625] : memref<64x64xf32, #tpu.memory_space<vmem>>[vector<16xi32>, vector<16xi32>], vector<16xf32>,
        tpu.vector_store_idx %arg9[%add3A_1632, %broadcast_in_dim3A_1338], %gather3A_1633 : memref<64x512xf32, #tpu.memory_space<vmem>>[vector<16xi32>, vector<16xi32>], vector<16xf32>,
        %add3A_1634 = arith.constant 32 : i32
        %add3A_1635 = vector.broadcast %add3A_1634 : i32 to vector<16xi32>
        %add3A_1636 = arith.addi %iota3A, %add3A_1635 : vector<16xi32>
        %gather3A_1637 = tpu.vector_load_idx %arg8[%add3A_1636, %broadcast_in_dim3A_1625] : memref<64x64xf32, #tpu.memory_space<vmem>>[vector<16xi32>, vector<16xi32>], vector<16xf32>,
        tpu.vector_store_idx %arg9[%add3A_1636, %broadcast_in_dim3A_1338], %gather3A_1637 : memref<64x512xf32, #tpu.memory_space<vmem>>[vector<16xi32>, vector<16xi32>], vector<16xf32>,
        %add3A_1638 = arith.constant 48 : i32
        %add3A_1639 = vector.broadcast %add3A_1638 : i32 to vector<16xi32>
        %add3A_1640 = arith.addi %iota3A, %add3A_1639 : vector<16xi32>
        %gather3A_1641 = tpu.vector_load_idx %arg8[%add3A_1640, %broadcast_in_dim3A_1625] : memref<64x64xf32, #tpu.memory_space<vmem>>[vector<16xi32>, vector<16xi32>], vector<16xf32>,
        tpu.vector_store_idx %arg9[%add3A_1640, %broadcast_in_dim3A_1338], %gather3A_1641 : memref<64x512xf32, #tpu.memory_space<vmem>>[vector<16xi32>, vector<16xi32>], vector<16xf32>,
      } else {
      }
      %slice3A_1380 = vector.extract_strided_slice %get3A_381 {offsets = [4], sizes = [1], strides = [1]} : vector<16xi32> to vector<1xi32>
      %squeeze3A_1381 = vector.extract %slice3A_1380[0] : i32 from vector<1xi32>
      %add3A_1382 = arith.constant 8 : i32
      %add3A_1383 = arith.addi %add3A_1316, %add3A_1382 : i32
      %lt3A_1384 = arith.constant 512 : i32
      %lt3A_1385 = arith.cmpi slt, %add3A_1383, %lt3A_1384 : i32
      %convert_element_type3A_1386 = arith.extui %lt3A_1385 : i1 to i32
      %cond3A_1387 = arith.constant 0 : i32
      %cond3A_1388 = arith.cmpi ne, %convert_element_type3A_1386, %cond3A_1387 : i32
      scf.if %cond3A_1388 {
        %min3A_1623 = arith.constant 999935 : i32
        %min3A_1624 = arith.minsi %squeeze3A_1381, %min3A_1623 : i32
        %jit3A_1625 = arith.constant 128 : i32
        %div3A_1626 = arith.divsi %min3A_1624, %jit3A_1625 : i32
        %sign3A_1627 = arith.constant 0 : i32
        %sign3A_1628 = arith.cmpi sgt, %min3A_1624, %sign3A_1627 : i32
        %sign3A_1629 = arith.extui %sign3A_1628 : i1 to i32
        %sign3A_1630 = arith.constant 0 : i32
        %sign3A_1631 = arith.cmpi slt, %min3A_1624, %sign3A_1630 : i32
        %sign3A_1632 = arith.extui %sign3A_1631 : i1 to i32
        %sign3A_1633 = arith.subi %sign3A_1629, %sign3A_1632 : i32
        %sign3A_1634 = arith.constant 0 : i32
        %sign3A_1635 = arith.cmpi sgt, %jit3A_1625, %sign3A_1634 : i32
        %sign3A_1636 = arith.extui %sign3A_1635 : i1 to i32
        %sign3A_1637 = arith.constant 0 : i32
        %sign3A_1638 = arith.cmpi slt, %jit3A_1625, %sign3A_1637 : i32
        %sign3A_1639 = arith.extui %sign3A_1638 : i1 to i32
        %sign3A_1640 = arith.subi %sign3A_1636, %sign3A_1639 : i32
        %ne3A_1641 = arith.cmpi ne, %sign3A_1633, %sign3A_1640 : i32
        %rem3A_1642 = arith.remsi %min3A_1624, %jit3A_1625 : i32
        %ne3A_1643 = arith.constant 0 : i32
        %ne3A_1644 = arith.cmpi ne, %rem3A_1642, %ne3A_1643 : i32
        %and3A_1645 = arith.andi %ne3A_1641, %ne3A_1644 : i1
        %sub3A_1646 = arith.constant 1 : i32
        %sub3A_1647 = arith.subi %div3A_1626, %sub3A_1646 : i32
        %select_n3A_1648 = arith.select %and3A_1645, %sub3A_1647, %div3A_1626 : i32
        %mul3A_1649 = arith.constant 128 : i32
        %mul3A_1650 = arith.muli %select_n3A_1648, %mul3A_1649 : i32
        %dma_start3A_1651 = arith.constant 4 : i32
        %dma_start3A_1652 = arith.constant 4 : i32
        %dma_start3A_1653 = arith.constant 0 : i32
        %dma_start3A_1654 = arith.constant 0 : i32
        %dma_start3A_1655 = tpu.memref_slice %arg7[%dma_start3A_1651, %dma_start3A_1653, %dma_start3A_1654] : memref<8x64x128xf32, #tpu.memory_space<vmem>> -> memref<1x64x128xf32, #tpu.memory_space<vmem>>
        %dma_start3A_1656 = tpu.memref_squeeze %dma_start3A_1655 : memref<1x64x128xf32, #tpu.memory_space<vmem>> -> memref<64x128xf32, #tpu.memory_space<vmem>>
        %dma_start3A_1657 = arith.constant 0 : i32
        %dma_start3A_1658 = tpu.memref_slice %arg3[%dma_start3A_1657, %mul3A_1650] : memref<64x1000000xf32, #tpu.memory_space<hbm>> -> memref<64x128xf32, #tpu.memory_space<hbm>>
        %dma_start3A_1659 = tpu.memref_slice %arg10[%dma_start3A_1652] : memref<8x!tpu.dma_semaphore, #tpu.memory_space<semaphore_mem>> -> memref<1x!tpu.dma_semaphore, #tpu.memory_space<semaphore_mem>>
        %dma_start3A_1660 = tpu.memref_squeeze %dma_start3A_1659 : memref<1x!tpu.dma_semaphore, #tpu.memory_space<semaphore_mem>> -> memref<!tpu.dma_semaphore, #tpu.memory_space<semaphore_mem>>
        %dma_start3A_1661 = arith.constant 0 : i32
        %dma_start3A_1662 = arith.constant 0 : i32
        %dma_start3A_1663 = tpu.memref_slice %arg7[%dma_start3A_1651, %dma_start3A_1661, %dma_start3A_1662] : memref<8x64x128xf32, #tpu.memory_space<vmem>> -> memref<1x64x128xf32, #tpu.memory_space<vmem>>
        %dma_start3A_1664 = tpu.memref_squeeze %dma_start3A_1663 : memref<1x64x128xf32, #tpu.memory_space<vmem>> -> memref<64x128xf32, #tpu.memory_space<vmem>>
        %dma_start3A_1665 = arith.constant 0 : i32
        %dma_start3A_1666 = tpu.memref_slice %arg3[%dma_start3A_1665, %mul3A_1650] : memref<64x1000000xf32, #tpu.memory_space<hbm>> -> memref<64x128xf32, #tpu.memory_space<hbm>>
        tpu.enqueue_dma source(%dma_start3A_1666 : memref<64x128xf32, #tpu.memory_space<hbm>>) target(%dma_start3A_1664 : memref<64x128xf32, #tpu.memory_space<vmem>>) target_semaphore(%dma_start3A_1660 : memref<!tpu.dma_semaphore, #tpu.memory_space<semaphore_mem>>)
      } else {
      }
      %slice3A_1389 = vector.extract_strided_slice %get3A_375 {offsets = [13], sizes = [1], strides = [1]} : vector<16xi32> to vector<1xi32>
      %squeeze3A_1390 = vector.extract %slice3A_1389[0] : i32 from vector<1xi32>
      %mul3A_1391 = arith.constant 16 : i32
      %mul3A_1392 = arith.muli %scan3A_371, %mul3A_1391 : i32
      %add3A_1393 = arith.constant 13 : i32
      %add3A_1394 = arith.addi %mul3A_1392, %add3A_1393 : i32
      %dma_wait3A_1395 = arith.constant 5 : i32
      %dma_wait3A_1396 = arith.constant 5 : i32
      %dma_wait3A_1397 = arith.constant 0 : i32
      %dma_wait3A_1398 = arith.constant 0 : i32
      %dma_wait3A_1399 = tpu.memref_slice %arg7[%dma_wait3A_1395, %dma_wait3A_1397, %dma_wait3A_1398] : memref<8x64x128xf32, #tpu.memory_space<vmem>> -> memref<1x64x128xf32, #tpu.memory_space<vmem>>
      %dma_wait3A_1400 = tpu.memref_squeeze %dma_wait3A_1399 : memref<1x64x128xf32, #tpu.memory_space<vmem>> -> memref<64x128xf32, #tpu.memory_space<vmem>>
      %dma_wait3A_1401 = arith.constant 0 : i32
      %dma_wait3A_1402 = arith.constant 0 : i32
      %dma_wait3A_1403 = tpu.memref_slice %arg3[%dma_wait3A_1401, %dma_wait3A_1402] : memref<64x1000000xf32, #tpu.memory_space<hbm>> -> memref<64x128xf32, #tpu.memory_space<hbm>>
      %dma_wait3A_1404 = tpu.memref_slice %arg10[%dma_wait3A_1396] : memref<8x!tpu.dma_semaphore, #tpu.memory_space<semaphore_mem>> -> memref<1x!tpu.dma_semaphore, #tpu.memory_space<semaphore_mem>>
      %dma_wait3A_1405 = tpu.memref_squeeze %dma_wait3A_1404 : memref<1x!tpu.dma_semaphore, #tpu.memory_space<semaphore_mem>> -> memref<!tpu.dma_semaphore, #tpu.memory_space<semaphore_mem>>
      %dma_wait3A_1406 = arith.constant 0 : i32
      %dma_wait3A_1407 = arith.constant 0 : i32
      %dma_wait3A_1408 = tpu.memref_slice %arg7[%dma_wait3A_1395, %dma_wait3A_1406, %dma_wait3A_1407] : memref<8x64x128xf32, #tpu.memory_space<vmem>> -> memref<1x64x128xf32, #tpu.memory_space<vmem>>
      %dma_wait3A_1409 = tpu.memref_squeeze %dma_wait3A_1408 : memref<1x64x128xf32, #tpu.memory_space<vmem>> -> memref<64x128xf32, #tpu.memory_space<vmem>>
      %dma_wait3A_1410 = arith.constant 0 : i32
      %dma_wait3A_1411 = arith.constant 0 : i32
      %dma_wait3A_1412 = tpu.memref_slice %arg3[%dma_wait3A_1410, %dma_wait3A_1411] : memref<64x1000000xf32, #tpu.memory_space<hbm>> -> memref<64x128xf32, #tpu.memory_space<hbm>>
      tpu.wait_dma2 semaphore(%dma_wait3A_1405 : memref<!tpu.dma_semaphore, #tpu.memory_space<semaphore_mem>>) src(%dma_wait3A_1412 : memref<64x128xf32, #tpu.memory_space<hbm>>) dst(%dma_wait3A_1409 : memref<64x128xf32, #tpu.memory_space<vmem>>)
      %rem3A_1413 = arith.constant 128 : i32
      %rem3A_1414 = arith.remsi %squeeze3A_1390, %rem3A_1413 : i32
      %broadcast_in_dim3A_1415 = vector.broadcast %rem3A_1414 : i32 to vector<16xi32>
      %broadcast_in_dim3A_1416 = vector.broadcast %add3A_1394 : i32 to vector<16xi32>
      %add3A_1417 = arith.constant 0 : i32
      %add3A_1418 = vector.broadcast %add3A_1417 : i32 to vector<16xi32>
      %add3A_1419 = arith.addi %iota3A, %add3A_1418 : vector<16xi32>
      %gather3A_1420 = arith.constant 5 : i32
      %gather3A_1421 = arith.constant 0 : i32
      %gather3A_1422 = arith.constant 0 : i32
      %gather3A_1423 = tpu.memref_slice %arg7[%gather3A_1420, %gather3A_1421, %gather3A_1422] : memref<8x64x128xf32, #tpu.memory_space<vmem>> -> memref<1x64x128xf32, #tpu.memory_space<vmem>>
      %gather3A_1424 = tpu.memref_squeeze %gather3A_1423 : memref<1x64x128xf32, #tpu.memory_space<vmem>> -> memref<64x128xf32, #tpu.memory_space<vmem>>
      %gather3A_1425 = tpu.vector_load_idx %gather3A_1424[%add3A_1419, %broadcast_in_dim3A_1415] : memref<64x128xf32, #tpu.memory_space<vmem>>[vector<16xi32>, vector<16xi32>], vector<16xf32>,
      tpu.vector_store_idx %arg9[%add3A_1419, %broadcast_in_dim3A_1416], %gather3A_1425 : memref<64x512xf32, #tpu.memory_space<vmem>>[vector<16xi32>, vector<16xi32>], vector<16xf32>,
      %add3A_1426 = arith.constant 16 : i32
      %add3A_1427 = vector.broadcast %add3A_1426 : i32 to vector<16xi32>
      %add3A_1428 = arith.addi %iota3A, %add3A_1427 : vector<16xi32>
      %gather3A_1429 = arith.constant 5 : i32
      %gather3A_1430 = arith.constant 0 : i32
      %gather3A_1431 = arith.constant 0 : i32
      %gather3A_1432 = tpu.memref_slice %arg7[%gather3A_1429, %gather3A_1430, %gather3A_1431] : memref<8x64x128xf32, #tpu.memory_space<vmem>> -> memref<1x64x128xf32, #tpu.memory_space<vmem>>
      %gather3A_1433 = tpu.memref_squeeze %gather3A_1432 : memref<1x64x128xf32, #tpu.memory_space<vmem>> -> memref<64x128xf32, #tpu.memory_space<vmem>>
      %gather3A_1434 = tpu.vector_load_idx %gather3A_1433[%add3A_1428, %broadcast_in_dim3A_1415] : memref<64x128xf32, #tpu.memory_space<vmem>>[vector<16xi32>, vector<16xi32>], vector<16xf32>,
      tpu.vector_store_idx %arg9[%add3A_1428, %broadcast_in_dim3A_1416], %gather3A_1434 : memref<64x512xf32, #tpu.memory_space<vmem>>[vector<16xi32>, vector<16xi32>], vector<16xf32>,
      %add3A_1435 = arith.constant 32 : i32
      %add3A_1436 = vector.broadcast %add3A_1435 : i32 to vector<16xi32>
      %add3A_1437 = arith.addi %iota3A, %add3A_1436 : vector<16xi32>
      %gather3A_1438 = arith.constant 5 : i32
      %gather3A_1439 = arith.constant 0 : i32
      %gather3A_1440 = arith.constant 0 : i32
      %gather3A_1441 = tpu.memref_slice %arg7[%gather3A_1438, %gather3A_1439, %gather3A_1440] : memref<8x64x128xf32, #tpu.memory_space<vmem>> -> memref<1x64x128xf32, #tpu.memory_space<vmem>>
      %gather3A_1442 = tpu.memref_squeeze %gather3A_1441 : memref<1x64x128xf32, #tpu.memory_space<vmem>> -> memref<64x128xf32, #tpu.memory_space<vmem>>
      %gather3A_1443 = tpu.vector_load_idx %gather3A_1442[%add3A_1437, %broadcast_in_dim3A_1415] : memref<64x128xf32, #tpu.memory_space<vmem>>[vector<16xi32>, vector<16xi32>], vector<16xf32>,
      tpu.vector_store_idx %arg9[%add3A_1437, %broadcast_in_dim3A_1416], %gather3A_1443 : memref<64x512xf32, #tpu.memory_space<vmem>>[vector<16xi32>, vector<16xi32>], vector<16xf32>,
      %add3A_1444 = arith.constant 48 : i32
      %add3A_1445 = vector.broadcast %add3A_1444 : i32 to vector<16xi32>
      %add3A_1446 = arith.addi %iota3A, %add3A_1445 : vector<16xi32>
      %gather3A_1447 = arith.constant 5 : i32
      %gather3A_1448 = arith.constant 0 : i32
      %gather3A_1449 = arith.constant 0 : i32
      %gather3A_1450 = tpu.memref_slice %arg7[%gather3A_1447, %gather3A_1448, %gather3A_1449] : memref<8x64x128xf32, #tpu.memory_space<vmem>> -> memref<1x64x128xf32, #tpu.memory_space<vmem>>
      %gather3A_1451 = tpu.memref_squeeze %gather3A_1450 : memref<1x64x128xf32, #tpu.memory_space<vmem>> -> memref<64x128xf32, #tpu.memory_space<vmem>>
      %gather3A_1452 = tpu.vector_load_idx %gather3A_1451[%add3A_1446, %broadcast_in_dim3A_1415] : memref<64x128xf32, #tpu.memory_space<vmem>>[vector<16xi32>, vector<16xi32>], vector<16xf32>,
      tpu.vector_store_idx %arg9[%add3A_1446, %broadcast_in_dim3A_1416], %gather3A_1452 : memref<64x512xf32, #tpu.memory_space<vmem>>[vector<16xi32>, vector<16xi32>], vector<16xf32>,
      %ge3A_1453 = arith.constant 999936 : i32
      %ge3A_1454 = arith.cmpi sge, %squeeze3A_1390, %ge3A_1453 : i32
      %convert_element_type3A_1455 = arith.extui %ge3A_1454 : i1 to i32
      %cond3A_1456 = arith.constant 0 : i32
      %cond3A_1457 = arith.cmpi ne, %convert_element_type3A_1455, %cond3A_1456 : i32
      scf.if %cond3A_1457 {
        %sub3A_1623 = arith.constant 999936 : i32
        %sub3A_1624 = arith.subi %squeeze3A_1390, %sub3A_1623 : i32
        %broadcast_in_dim3A_1625 = vector.broadcast %sub3A_1624 : i32 to vector<16xi32>
        %add3A_1626 = arith.constant 0 : i32
        %add3A_1627 = vector.broadcast %add3A_1626 : i32 to vector<16xi32>
        %add3A_1628 = arith.addi %iota3A, %add3A_1627 : vector<16xi32>
        %gather3A_1629 = tpu.vector_load_idx %arg8[%add3A_1628, %broadcast_in_dim3A_1625] : memref<64x64xf32, #tpu.memory_space<vmem>>[vector<16xi32>, vector<16xi32>], vector<16xf32>,
        tpu.vector_store_idx %arg9[%add3A_1628, %broadcast_in_dim3A_1416], %gather3A_1629 : memref<64x512xf32, #tpu.memory_space<vmem>>[vector<16xi32>, vector<16xi32>], vector<16xf32>,
        %add3A_1630 = arith.constant 16 : i32
        %add3A_1631 = vector.broadcast %add3A_1630 : i32 to vector<16xi32>
        %add3A_1632 = arith.addi %iota3A, %add3A_1631 : vector<16xi32>
        %gather3A_1633 = tpu.vector_load_idx %arg8[%add3A_1632, %broadcast_in_dim3A_1625] : memref<64x64xf32, #tpu.memory_space<vmem>>[vector<16xi32>, vector<16xi32>], vector<16xf32>,
        tpu.vector_store_idx %arg9[%add3A_1632, %broadcast_in_dim3A_1416], %gather3A_1633 : memref<64x512xf32, #tpu.memory_space<vmem>>[vector<16xi32>, vector<16xi32>], vector<16xf32>,
        %add3A_1634 = arith.constant 32 : i32
        %add3A_1635 = vector.broadcast %add3A_1634 : i32 to vector<16xi32>
        %add3A_1636 = arith.addi %iota3A, %add3A_1635 : vector<16xi32>
        %gather3A_1637 = tpu.vector_load_idx %arg8[%add3A_1636, %broadcast_in_dim3A_1625] : memref<64x64xf32, #tpu.memory_space<vmem>>[vector<16xi32>, vector<16xi32>], vector<16xf32>,
        tpu.vector_store_idx %arg9[%add3A_1636, %broadcast_in_dim3A_1416], %gather3A_1637 : memref<64x512xf32, #tpu.memory_space<vmem>>[vector<16xi32>, vector<16xi32>], vector<16xf32>,
        %add3A_1638 = arith.constant 48 : i32
        %add3A_1639 = vector.broadcast %add3A_1638 : i32 to vector<16xi32>
        %add3A_1640 = arith.addi %iota3A, %add3A_1639 : vector<16xi32>
        %gather3A_1641 = tpu.vector_load_idx %arg8[%add3A_1640, %broadcast_in_dim3A_1625] : memref<64x64xf32, #tpu.memory_space<vmem>>[vector<16xi32>, vector<16xi32>], vector<16xf32>,
        tpu.vector_store_idx %arg9[%add3A_1640, %broadcast_in_dim3A_1416], %gather3A_1641 : memref<64x512xf32, #tpu.memory_space<vmem>>[vector<16xi32>, vector<16xi32>], vector<16xf32>,
      } else {
      }
      %slice3A_1458 = vector.extract_strided_slice %get3A_381 {offsets = [5], sizes = [1], strides = [1]} : vector<16xi32> to vector<1xi32>
      %squeeze3A_1459 = vector.extract %slice3A_1458[0] : i32 from vector<1xi32>
      %add3A_1460 = arith.constant 8 : i32
      %add3A_1461 = arith.addi %add3A_1394, %add3A_1460 : i32
      %lt3A_1462 = arith.constant 512 : i32
      %lt3A_1463 = arith.cmpi slt, %add3A_1461, %lt3A_1462 : i32
      %convert_element_type3A_1464 = arith.extui %lt3A_1463 : i1 to i32
      %cond3A_1465 = arith.constant 0 : i32
      %cond3A_1466 = arith.cmpi ne, %convert_element_type3A_1464, %cond3A_1465 : i32
      scf.if %cond3A_1466 {
        %min3A_1623 = arith.constant 999935 : i32
        %min3A_1624 = arith.minsi %squeeze3A_1459, %min3A_1623 : i32
        %jit3A_1625 = arith.constant 128 : i32
        %div3A_1626 = arith.divsi %min3A_1624, %jit3A_1625 : i32
        %sign3A_1627 = arith.constant 0 : i32
        %sign3A_1628 = arith.cmpi sgt, %min3A_1624, %sign3A_1627 : i32
        %sign3A_1629 = arith.extui %sign3A_1628 : i1 to i32
        %sign3A_1630 = arith.constant 0 : i32
        %sign3A_1631 = arith.cmpi slt, %min3A_1624, %sign3A_1630 : i32
        %sign3A_1632 = arith.extui %sign3A_1631 : i1 to i32
        %sign3A_1633 = arith.subi %sign3A_1629, %sign3A_1632 : i32
        %sign3A_1634 = arith.constant 0 : i32
        %sign3A_1635 = arith.cmpi sgt, %jit3A_1625, %sign3A_1634 : i32
        %sign3A_1636 = arith.extui %sign3A_1635 : i1 to i32
        %sign3A_1637 = arith.constant 0 : i32
        %sign3A_1638 = arith.cmpi slt, %jit3A_1625, %sign3A_1637 : i32
        %sign3A_1639 = arith.extui %sign3A_1638 : i1 to i32
        %sign3A_1640 = arith.subi %sign3A_1636, %sign3A_1639 : i32
        %ne3A_1641 = arith.cmpi ne, %sign3A_1633, %sign3A_1640 : i32
        %rem3A_1642 = arith.remsi %min3A_1624, %jit3A_1625 : i32
        %ne3A_1643 = arith.constant 0 : i32
        %ne3A_1644 = arith.cmpi ne, %rem3A_1642, %ne3A_1643 : i32
        %and3A_1645 = arith.andi %ne3A_1641, %ne3A_1644 : i1
        %sub3A_1646 = arith.constant 1 : i32
        %sub3A_1647 = arith.subi %div3A_1626, %sub3A_1646 : i32
        %select_n3A_1648 = arith.select %and3A_1645, %sub3A_1647, %div3A_1626 : i32
        %mul3A_1649 = arith.constant 128 : i32
        %mul3A_1650 = arith.muli %select_n3A_1648, %mul3A_1649 : i32
        %dma_start3A_1651 = arith.constant 5 : i32
        %dma_start3A_1652 = arith.constant 5 : i32
        %dma_start3A_1653 = arith.constant 0 : i32
        %dma_start3A_1654 = arith.constant 0 : i32
        %dma_start3A_1655 = tpu.memref_slice %arg7[%dma_start3A_1651, %dma_start3A_1653, %dma_start3A_1654] : memref<8x64x128xf32, #tpu.memory_space<vmem>> -> memref<1x64x128xf32, #tpu.memory_space<vmem>>
        %dma_start3A_1656 = tpu.memref_squeeze %dma_start3A_1655 : memref<1x64x128xf32, #tpu.memory_space<vmem>> -> memref<64x128xf32, #tpu.memory_space<vmem>>
        %dma_start3A_1657 = arith.constant 0 : i32
        %dma_start3A_1658 = tpu.memref_slice %arg3[%dma_start3A_1657, %mul3A_1650] : memref<64x1000000xf32, #tpu.memory_space<hbm>> -> memref<64x128xf32, #tpu.memory_space<hbm>>
        %dma_start3A_1659 = tpu.memref_slice %arg10[%dma_start3A_1652] : memref<8x!tpu.dma_semaphore, #tpu.memory_space<semaphore_mem>> -> memref<1x!tpu.dma_semaphore, #tpu.memory_space<semaphore_mem>>
        %dma_start3A_1660 = tpu.memref_squeeze %dma_start3A_1659 : memref<1x!tpu.dma_semaphore, #tpu.memory_space<semaphore_mem>> -> memref<!tpu.dma_semaphore, #tpu.memory_space<semaphore_mem>>
        %dma_start3A_1661 = arith.constant 0 : i32
        %dma_start3A_1662 = arith.constant 0 : i32
        %dma_start3A_1663 = tpu.memref_slice %arg7[%dma_start3A_1651, %dma_start3A_1661, %dma_start3A_1662] : memref<8x64x128xf32, #tpu.memory_space<vmem>> -> memref<1x64x128xf32, #tpu.memory_space<vmem>>
        %dma_start3A_1664 = tpu.memref_squeeze %dma_start3A_1663 : memref<1x64x128xf32, #tpu.memory_space<vmem>> -> memref<64x128xf32, #tpu.memory_space<vmem>>
        %dma_start3A_1665 = arith.constant 0 : i32
        %dma_start3A_1666 = tpu.memref_slice %arg3[%dma_start3A_1665, %mul3A_1650] : memref<64x1000000xf32, #tpu.memory_space<hbm>> -> memref<64x128xf32, #tpu.memory_space<hbm>>
        tpu.enqueue_dma source(%dma_start3A_1666 : memref<64x128xf32, #tpu.memory_space<hbm>>) target(%dma_start3A_1664 : memref<64x128xf32, #tpu.memory_space<vmem>>) target_semaphore(%dma_start3A_1660 : memref<!tpu.dma_semaphore, #tpu.memory_space<semaphore_mem>>)
      } else {
      }
      %slice3A_1467 = vector.extract_strided_slice %get3A_375 {offsets = [14], sizes = [1], strides = [1]} : vector<16xi32> to vector<1xi32>
      %squeeze3A_1468 = vector.extract %slice3A_1467[0] : i32 from vector<1xi32>
      %mul3A_1469 = arith.constant 16 : i32
      %mul3A_1470 = arith.muli %scan3A_371, %mul3A_1469 : i32
      %add3A_1471 = arith.constant 14 : i32
      %add3A_1472 = arith.addi %mul3A_1470, %add3A_1471 : i32
      %dma_wait3A_1473 = arith.constant 6 : i32
      %dma_wait3A_1474 = arith.constant 6 : i32
      %dma_wait3A_1475 = arith.constant 0 : i32
      %dma_wait3A_1476 = arith.constant 0 : i32
      %dma_wait3A_1477 = tpu.memref_slice %arg7[%dma_wait3A_1473, %dma_wait3A_1475, %dma_wait3A_1476] : memref<8x64x128xf32, #tpu.memory_space<vmem>> -> memref<1x64x128xf32, #tpu.memory_space<vmem>>
      %dma_wait3A_1478 = tpu.memref_squeeze %dma_wait3A_1477 : memref<1x64x128xf32, #tpu.memory_space<vmem>> -> memref<64x128xf32, #tpu.memory_space<vmem>>
      %dma_wait3A_1479 = arith.constant 0 : i32
      %dma_wait3A_1480 = arith.constant 0 : i32
      %dma_wait3A_1481 = tpu.memref_slice %arg3[%dma_wait3A_1479, %dma_wait3A_1480] : memref<64x1000000xf32, #tpu.memory_space<hbm>> -> memref<64x128xf32, #tpu.memory_space<hbm>>
      %dma_wait3A_1482 = tpu.memref_slice %arg10[%dma_wait3A_1474] : memref<8x!tpu.dma_semaphore, #tpu.memory_space<semaphore_mem>> -> memref<1x!tpu.dma_semaphore, #tpu.memory_space<semaphore_mem>>
      %dma_wait3A_1483 = tpu.memref_squeeze %dma_wait3A_1482 : memref<1x!tpu.dma_semaphore, #tpu.memory_space<semaphore_mem>> -> memref<!tpu.dma_semaphore, #tpu.memory_space<semaphore_mem>>
      %dma_wait3A_1484 = arith.constant 0 : i32
      %dma_wait3A_1485 = arith.constant 0 : i32
      %dma_wait3A_1486 = tpu.memref_slice %arg7[%dma_wait3A_1473, %dma_wait3A_1484, %dma_wait3A_1485] : memref<8x64x128xf32, #tpu.memory_space<vmem>> -> memref<1x64x128xf32, #tpu.memory_space<vmem>>
      %dma_wait3A_1487 = tpu.memref_squeeze %dma_wait3A_1486 : memref<1x64x128xf32, #tpu.memory_space<vmem>> -> memref<64x128xf32, #tpu.memory_space<vmem>>
      %dma_wait3A_1488 = arith.constant 0 : i32
      %dma_wait3A_1489 = arith.constant 0 : i32
      %dma_wait3A_1490 = tpu.memref_slice %arg3[%dma_wait3A_1488, %dma_wait3A_1489] : memref<64x1000000xf32, #tpu.memory_space<hbm>> -> memref<64x128xf32, #tpu.memory_space<hbm>>
      tpu.wait_dma2 semaphore(%dma_wait3A_1483 : memref<!tpu.dma_semaphore, #tpu.memory_space<semaphore_mem>>) src(%dma_wait3A_1490 : memref<64x128xf32, #tpu.memory_space<hbm>>) dst(%dma_wait3A_1487 : memref<64x128xf32, #tpu.memory_space<vmem>>)
      %rem3A_1491 = arith.constant 128 : i32
      %rem3A_1492 = arith.remsi %squeeze3A_1468, %rem3A_1491 : i32
      %broadcast_in_dim3A_1493 = vector.broadcast %rem3A_1492 : i32 to vector<16xi32>
      %broadcast_in_dim3A_1494 = vector.broadcast %add3A_1472 : i32 to vector<16xi32>
      %add3A_1495 = arith.constant 0 : i32
      %add3A_1496 = vector.broadcast %add3A_1495 : i32 to vector<16xi32>
      %add3A_1497 = arith.addi %iota3A, %add3A_1496 : vector<16xi32>
      %gather3A_1498 = arith.constant 6 : i32
      %gather3A_1499 = arith.constant 0 : i32
      %gather3A_1500 = arith.constant 0 : i32
      %gather3A_1501 = tpu.memref_slice %arg7[%gather3A_1498, %gather3A_1499, %gather3A_1500] : memref<8x64x128xf32, #tpu.memory_space<vmem>> -> memref<1x64x128xf32, #tpu.memory_space<vmem>>
      %gather3A_1502 = tpu.memref_squeeze %gather3A_1501 : memref<1x64x128xf32, #tpu.memory_space<vmem>> -> memref<64x128xf32, #tpu.memory_space<vmem>>
      %gather3A_1503 = tpu.vector_load_idx %gather3A_1502[%add3A_1497, %broadcast_in_dim3A_1493] : memref<64x128xf32, #tpu.memory_space<vmem>>[vector<16xi32>, vector<16xi32>], vector<16xf32>,
      tpu.vector_store_idx %arg9[%add3A_1497, %broadcast_in_dim3A_1494], %gather3A_1503 : memref<64x512xf32, #tpu.memory_space<vmem>>[vector<16xi32>, vector<16xi32>], vector<16xf32>,
      %add3A_1504 = arith.constant 16 : i32
      %add3A_1505 = vector.broadcast %add3A_1504 : i32 to vector<16xi32>
      %add3A_1506 = arith.addi %iota3A, %add3A_1505 : vector<16xi32>
      %gather3A_1507 = arith.constant 6 : i32
      %gather3A_1508 = arith.constant 0 : i32
      %gather3A_1509 = arith.constant 0 : i32
      %gather3A_1510 = tpu.memref_slice %arg7[%gather3A_1507, %gather3A_1508, %gather3A_1509] : memref<8x64x128xf32, #tpu.memory_space<vmem>> -> memref<1x64x128xf32, #tpu.memory_space<vmem>>
      %gather3A_1511 = tpu.memref_squeeze %gather3A_1510 : memref<1x64x128xf32, #tpu.memory_space<vmem>> -> memref<64x128xf32, #tpu.memory_space<vmem>>
      %gather3A_1512 = tpu.vector_load_idx %gather3A_1511[%add3A_1506, %broadcast_in_dim3A_1493] : memref<64x128xf32, #tpu.memory_space<vmem>>[vector<16xi32>, vector<16xi32>], vector<16xf32>,
      tpu.vector_store_idx %arg9[%add3A_1506, %broadcast_in_dim3A_1494], %gather3A_1512 : memref<64x512xf32, #tpu.memory_space<vmem>>[vector<16xi32>, vector<16xi32>], vector<16xf32>,
      %add3A_1513 = arith.constant 32 : i32
      %add3A_1514 = vector.broadcast %add3A_1513 : i32 to vector<16xi32>
      %add3A_1515 = arith.addi %iota3A, %add3A_1514 : vector<16xi32>
      %gather3A_1516 = arith.constant 6 : i32
      %gather3A_1517 = arith.constant 0 : i32
      %gather3A_1518 = arith.constant 0 : i32
      %gather3A_1519 = tpu.memref_slice %arg7[%gather3A_1516, %gather3A_1517, %gather3A_1518] : memref<8x64x128xf32, #tpu.memory_space<vmem>> -> memref<1x64x128xf32, #tpu.memory_space<vmem>>
      %gather3A_1520 = tpu.memref_squeeze %gather3A_1519 : memref<1x64x128xf32, #tpu.memory_space<vmem>> -> memref<64x128xf32, #tpu.memory_space<vmem>>
      %gather3A_1521 = tpu.vector_load_idx %gather3A_1520[%add3A_1515, %broadcast_in_dim3A_1493] : memref<64x128xf32, #tpu.memory_space<vmem>>[vector<16xi32>, vector<16xi32>], vector<16xf32>,
      tpu.vector_store_idx %arg9[%add3A_1515, %broadcast_in_dim3A_1494], %gather3A_1521 : memref<64x512xf32, #tpu.memory_space<vmem>>[vector<16xi32>, vector<16xi32>], vector<16xf32>,
      %add3A_1522 = arith.constant 48 : i32
      %add3A_1523 = vector.broadcast %add3A_1522 : i32 to vector<16xi32>
      %add3A_1524 = arith.addi %iota3A, %add3A_1523 : vector<16xi32>
      %gather3A_1525 = arith.constant 6 : i32
      %gather3A_1526 = arith.constant 0 : i32
      %gather3A_1527 = arith.constant 0 : i32
      %gather3A_1528 = tpu.memref_slice %arg7[%gather3A_1525, %gather3A_1526, %gather3A_1527] : memref<8x64x128xf32, #tpu.memory_space<vmem>> -> memref<1x64x128xf32, #tpu.memory_space<vmem>>
      %gather3A_1529 = tpu.memref_squeeze %gather3A_1528 : memref<1x64x128xf32, #tpu.memory_space<vmem>> -> memref<64x128xf32, #tpu.memory_space<vmem>>
      %gather3A_1530 = tpu.vector_load_idx %gather3A_1529[%add3A_1524, %broadcast_in_dim3A_1493] : memref<64x128xf32, #tpu.memory_space<vmem>>[vector<16xi32>, vector<16xi32>], vector<16xf32>,
      tpu.vector_store_idx %arg9[%add3A_1524, %broadcast_in_dim3A_1494], %gather3A_1530 : memref<64x512xf32, #tpu.memory_space<vmem>>[vector<16xi32>, vector<16xi32>], vector<16xf32>,
      %ge3A_1531 = arith.constant 999936 : i32
      %ge3A_1532 = arith.cmpi sge, %squeeze3A_1468, %ge3A_1531 : i32
      %convert_element_type3A_1533 = arith.extui %ge3A_1532 : i1 to i32
      %cond3A_1534 = arith.constant 0 : i32
      %cond3A_1535 = arith.cmpi ne, %convert_element_type3A_1533, %cond3A_1534 : i32
      scf.if %cond3A_1535 {
        %sub3A_1623 = arith.constant 999936 : i32
        %sub3A_1624 = arith.subi %squeeze3A_1468, %sub3A_1623 : i32
        %broadcast_in_dim3A_1625 = vector.broadcast %sub3A_1624 : i32 to vector<16xi32>
        %add3A_1626 = arith.constant 0 : i32
        %add3A_1627 = vector.broadcast %add3A_1626 : i32 to vector<16xi32>
        %add3A_1628 = arith.addi %iota3A, %add3A_1627 : vector<16xi32>
        %gather3A_1629 = tpu.vector_load_idx %arg8[%add3A_1628, %broadcast_in_dim3A_1625] : memref<64x64xf32, #tpu.memory_space<vmem>>[vector<16xi32>, vector<16xi32>], vector<16xf32>,
        tpu.vector_store_idx %arg9[%add3A_1628, %broadcast_in_dim3A_1494], %gather3A_1629 : memref<64x512xf32, #tpu.memory_space<vmem>>[vector<16xi32>, vector<16xi32>], vector<16xf32>,
        %add3A_1630 = arith.constant 16 : i32
        %add3A_1631 = vector.broadcast %add3A_1630 : i32 to vector<16xi32>
        %add3A_1632 = arith.addi %iota3A, %add3A_1631 : vector<16xi32>
        %gather3A_1633 = tpu.vector_load_idx %arg8[%add3A_1632, %broadcast_in_dim3A_1625] : memref<64x64xf32, #tpu.memory_space<vmem>>[vector<16xi32>, vector<16xi32>], vector<16xf32>,
        tpu.vector_store_idx %arg9[%add3A_1632, %broadcast_in_dim3A_1494], %gather3A_1633 : memref<64x512xf32, #tpu.memory_space<vmem>>[vector<16xi32>, vector<16xi32>], vector<16xf32>,
        %add3A_1634 = arith.constant 32 : i32
        %add3A_1635 = vector.broadcast %add3A_1634 : i32 to vector<16xi32>
        %add3A_1636 = arith.addi %iota3A, %add3A_1635 : vector<16xi32>
        %gather3A_1637 = tpu.vector_load_idx %arg8[%add3A_1636, %broadcast_in_dim3A_1625] : memref<64x64xf32, #tpu.memory_space<vmem>>[vector<16xi32>, vector<16xi32>], vector<16xf32>,
        tpu.vector_store_idx %arg9[%add3A_1636, %broadcast_in_dim3A_1494], %gather3A_1637 : memref<64x512xf32, #tpu.memory_space<vmem>>[vector<16xi32>, vector<16xi32>], vector<16xf32>,
        %add3A_1638 = arith.constant 48 : i32
        %add3A_1639 = vector.broadcast %add3A_1638 : i32 to vector<16xi32>
        %add3A_1640 = arith.addi %iota3A, %add3A_1639 : vector<16xi32>
        %gather3A_1641 = tpu.vector_load_idx %arg8[%add3A_1640, %broadcast_in_dim3A_1625] : memref<64x64xf32, #tpu.memory_space<vmem>>[vector<16xi32>, vector<16xi32>], vector<16xf32>,
        tpu.vector_store_idx %arg9[%add3A_1640, %broadcast_in_dim3A_1494], %gather3A_1641 : memref<64x512xf32, #tpu.memory_space<vmem>>[vector<16xi32>, vector<16xi32>], vector<16xf32>,
      } else {
      }
      %slice3A_1536 = vector.extract_strided_slice %get3A_381 {offsets = [6], sizes = [1], strides = [1]} : vector<16xi32> to vector<1xi32>
      %squeeze3A_1537 = vector.extract %slice3A_1536[0] : i32 from vector<1xi32>
      %add3A_1538 = arith.constant 8 : i32
      %add3A_1539 = arith.addi %add3A_1472, %add3A_1538 : i32
      %lt3A_1540 = arith.constant 512 : i32
      %lt3A_1541 = arith.cmpi slt, %add3A_1539, %lt3A_1540 : i32
      %convert_element_type3A_1542 = arith.extui %lt3A_1541 : i1 to i32
      %cond3A_1543 = arith.constant 0 : i32
      %cond3A_1544 = arith.cmpi ne, %convert_element_type3A_1542, %cond3A_1543 : i32
      scf.if %cond3A_1544 {
        %min3A_1623 = arith.constant 999935 : i32
        %min3A_1624 = arith.minsi %squeeze3A_1537, %min3A_1623 : i32
        %jit3A_1625 = arith.constant 128 : i32
        %div3A_1626 = arith.divsi %min3A_1624, %jit3A_1625 : i32
        %sign3A_1627 = arith.constant 0 : i32
        %sign3A_1628 = arith.cmpi sgt, %min3A_1624, %sign3A_1627 : i32
        %sign3A_1629 = arith.extui %sign3A_1628 : i1 to i32
        %sign3A_1630 = arith.constant 0 : i32
        %sign3A_1631 = arith.cmpi slt, %min3A_1624, %sign3A_1630 : i32
        %sign3A_1632 = arith.extui %sign3A_1631 : i1 to i32
        %sign3A_1633 = arith.subi %sign3A_1629, %sign3A_1632 : i32
        %sign3A_1634 = arith.constant 0 : i32
        %sign3A_1635 = arith.cmpi sgt, %jit3A_1625, %sign3A_1634 : i32
        %sign3A_1636 = arith.extui %sign3A_1635 : i1 to i32
        %sign3A_1637 = arith.constant 0 : i32
        %sign3A_1638 = arith.cmpi slt, %jit3A_1625, %sign3A_1637 : i32
        %sign3A_1639 = arith.extui %sign3A_1638 : i1 to i32
        %sign3A_1640 = arith.subi %sign3A_1636, %sign3A_1639 : i32
        %ne3A_1641 = arith.cmpi ne, %sign3A_1633, %sign3A_1640 : i32
        %rem3A_1642 = arith.remsi %min3A_1624, %jit3A_1625 : i32
        %ne3A_1643 = arith.constant 0 : i32
        %ne3A_1644 = arith.cmpi ne, %rem3A_1642, %ne3A_1643 : i32
        %and3A_1645 = arith.andi %ne3A_1641, %ne3A_1644 : i1
        %sub3A_1646 = arith.constant 1 : i32
        %sub3A_1647 = arith.subi %div3A_1626, %sub3A_1646 : i32
        %select_n3A_1648 = arith.select %and3A_1645, %sub3A_1647, %div3A_1626 : i32
        %mul3A_1649 = arith.constant 128 : i32
        %mul3A_1650 = arith.muli %select_n3A_1648, %mul3A_1649 : i32
        %dma_start3A_1651 = arith.constant 6 : i32
        %dma_start3A_1652 = arith.constant 6 : i32
        %dma_start3A_1653 = arith.constant 0 : i32
        %dma_start3A_1654 = arith.constant 0 : i32
        %dma_start3A_1655 = tpu.memref_slice %arg7[%dma_start3A_1651, %dma_start3A_1653, %dma_start3A_1654] : memref<8x64x128xf32, #tpu.memory_space<vmem>> -> memref<1x64x128xf32, #tpu.memory_space<vmem>>
        %dma_start3A_1656 = tpu.memref_squeeze %dma_start3A_1655 : memref<1x64x128xf32, #tpu.memory_space<vmem>> -> memref<64x128xf32, #tpu.memory_space<vmem>>
        %dma_start3A_1657 = arith.constant 0 : i32
        %dma_start3A_1658 = tpu.memref_slice %arg3[%dma_start3A_1657, %mul3A_1650] : memref<64x1000000xf32, #tpu.memory_space<hbm>> -> memref<64x128xf32, #tpu.memory_space<hbm>>
        %dma_start3A_1659 = tpu.memref_slice %arg10[%dma_start3A_1652] : memref<8x!tpu.dma_semaphore, #tpu.memory_space<semaphore_mem>> -> memref<1x!tpu.dma_semaphore, #tpu.memory_space<semaphore_mem>>
        %dma_start3A_1660 = tpu.memref_squeeze %dma_start3A_1659 : memref<1x!tpu.dma_semaphore, #tpu.memory_space<semaphore_mem>> -> memref<!tpu.dma_semaphore, #tpu.memory_space<semaphore_mem>>
        %dma_start3A_1661 = arith.constant 0 : i32
        %dma_start3A_1662 = arith.constant 0 : i32
        %dma_start3A_1663 = tpu.memref_slice %arg7[%dma_start3A_1651, %dma_start3A_1661, %dma_start3A_1662] : memref<8x64x128xf32, #tpu.memory_space<vmem>> -> memref<1x64x128xf32, #tpu.memory_space<vmem>>
        %dma_start3A_1664 = tpu.memref_squeeze %dma_start3A_1663 : memref<1x64x128xf32, #tpu.memory_space<vmem>> -> memref<64x128xf32, #tpu.memory_space<vmem>>
        %dma_start3A_1665 = arith.constant 0 : i32
        %dma_start3A_1666 = tpu.memref_slice %arg3[%dma_start3A_1665, %mul3A_1650] : memref<64x1000000xf32, #tpu.memory_space<hbm>> -> memref<64x128xf32, #tpu.memory_space<hbm>>
        tpu.enqueue_dma source(%dma_start3A_1666 : memref<64x128xf32, #tpu.memory_space<hbm>>) target(%dma_start3A_1664 : memref<64x128xf32, #tpu.memory_space<vmem>>) target_semaphore(%dma_start3A_1660 : memref<!tpu.dma_semaphore, #tpu.memory_space<semaphore_mem>>)
      } else {
      }
      %slice3A_1545 = vector.extract_strided_slice %get3A_375 {offsets = [15], sizes = [1], strides = [1]} : vector<16xi32> to vector<1xi32>
      %squeeze3A_1546 = vector.extract %slice3A_1545[0] : i32 from vector<1xi32>
      %mul3A_1547 = arith.constant 16 : i32
      %mul3A_1548 = arith.muli %scan3A_371, %mul3A_1547 : i32
      %add3A_1549 = arith.constant 15 : i32
      %add3A_1550 = arith.addi %mul3A_1548, %add3A_1549 : i32
      %dma_wait3A_1551 = arith.constant 7 : i32
      %dma_wait3A_1552 = arith.constant 7 : i32
      %dma_wait3A_1553 = arith.constant 0 : i32
      %dma_wait3A_1554 = arith.constant 0 : i32
      %dma_wait3A_1555 = tpu.memref_slice %arg7[%dma_wait3A_1551, %dma_wait3A_1553, %dma_wait3A_1554] : memref<8x64x128xf32, #tpu.memory_space<vmem>> -> memref<1x64x128xf32, #tpu.memory_space<vmem>>
      %dma_wait3A_1556 = tpu.memref_squeeze %dma_wait3A_1555 : memref<1x64x128xf32, #tpu.memory_space<vmem>> -> memref<64x128xf32, #tpu.memory_space<vmem>>
      %dma_wait3A_1557 = arith.constant 0 : i32
      %dma_wait3A_1558 = arith.constant 0 : i32
      %dma_wait3A_1559 = tpu.memref_slice %arg3[%dma_wait3A_1557, %dma_wait3A_1558] : memref<64x1000000xf32, #tpu.memory_space<hbm>> -> memref<64x128xf32, #tpu.memory_space<hbm>>
      %dma_wait3A_1560 = tpu.memref_slice %arg10[%dma_wait3A_1552] : memref<8x!tpu.dma_semaphore, #tpu.memory_space<semaphore_mem>> -> memref<1x!tpu.dma_semaphore, #tpu.memory_space<semaphore_mem>>
      %dma_wait3A_1561 = tpu.memref_squeeze %dma_wait3A_1560 : memref<1x!tpu.dma_semaphore, #tpu.memory_space<semaphore_mem>> -> memref<!tpu.dma_semaphore, #tpu.memory_space<semaphore_mem>>
      %dma_wait3A_1562 = arith.constant 0 : i32
      %dma_wait3A_1563 = arith.constant 0 : i32
      %dma_wait3A_1564 = tpu.memref_slice %arg7[%dma_wait3A_1551, %dma_wait3A_1562, %dma_wait3A_1563] : memref<8x64x128xf32, #tpu.memory_space<vmem>> -> memref<1x64x128xf32, #tpu.memory_space<vmem>>
      %dma_wait3A_1565 = tpu.memref_squeeze %dma_wait3A_1564 : memref<1x64x128xf32, #tpu.memory_space<vmem>> -> memref<64x128xf32, #tpu.memory_space<vmem>>
      %dma_wait3A_1566 = arith.constant 0 : i32
      %dma_wait3A_1567 = arith.constant 0 : i32
      %dma_wait3A_1568 = tpu.memref_slice %arg3[%dma_wait3A_1566, %dma_wait3A_1567] : memref<64x1000000xf32, #tpu.memory_space<hbm>> -> memref<64x128xf32, #tpu.memory_space<hbm>>
      tpu.wait_dma2 semaphore(%dma_wait3A_1561 : memref<!tpu.dma_semaphore, #tpu.memory_space<semaphore_mem>>) src(%dma_wait3A_1568 : memref<64x128xf32, #tpu.memory_space<hbm>>) dst(%dma_wait3A_1565 : memref<64x128xf32, #tpu.memory_space<vmem>>)
      %rem3A_1569 = arith.constant 128 : i32
      %rem3A_1570 = arith.remsi %squeeze3A_1546, %rem3A_1569 : i32
      %broadcast_in_dim3A_1571 = vector.broadcast %rem3A_1570 : i32 to vector<16xi32>
      %broadcast_in_dim3A_1572 = vector.broadcast %add3A_1550 : i32 to vector<16xi32>
      %add3A_1573 = arith.constant 0 : i32
      %add3A_1574 = vector.broadcast %add3A_1573 : i32 to vector<16xi32>
      %add3A_1575 = arith.addi %iota3A, %add3A_1574 : vector<16xi32>
      %gather3A_1576 = arith.constant 7 : i32
      %gather3A_1577 = arith.constant 0 : i32
      %gather3A_1578 = arith.constant 0 : i32
      %gather3A_1579 = tpu.memref_slice %arg7[%gather3A_1576, %gather3A_1577, %gather3A_1578] : memref<8x64x128xf32, #tpu.memory_space<vmem>> -> memref<1x64x128xf32, #tpu.memory_space<vmem>>
      %gather3A_1580 = tpu.memref_squeeze %gather3A_1579 : memref<1x64x128xf32, #tpu.memory_space<vmem>> -> memref<64x128xf32, #tpu.memory_space<vmem>>
      %gather3A_1581 = tpu.vector_load_idx %gather3A_1580[%add3A_1575, %broadcast_in_dim3A_1571] : memref<64x128xf32, #tpu.memory_space<vmem>>[vector<16xi32>, vector<16xi32>], vector<16xf32>,
      tpu.vector_store_idx %arg9[%add3A_1575, %broadcast_in_dim3A_1572], %gather3A_1581 : memref<64x512xf32, #tpu.memory_space<vmem>>[vector<16xi32>, vector<16xi32>], vector<16xf32>,
      %add3A_1582 = arith.constant 16 : i32
      %add3A_1583 = vector.broadcast %add3A_1582 : i32 to vector<16xi32>
      %add3A_1584 = arith.addi %iota3A, %add3A_1583 : vector<16xi32>
      %gather3A_1585 = arith.constant 7 : i32
      %gather3A_1586 = arith.constant 0 : i32
      %gather3A_1587 = arith.constant 0 : i32
      %gather3A_1588 = tpu.memref_slice %arg7[%gather3A_1585, %gather3A_1586, %gather3A_1587] : memref<8x64x128xf32, #tpu.memory_space<vmem>> -> memref<1x64x128xf32, #tpu.memory_space<vmem>>
      %gather3A_1589 = tpu.memref_squeeze %gather3A_1588 : memref<1x64x128xf32, #tpu.memory_space<vmem>> -> memref<64x128xf32, #tpu.memory_space<vmem>>
      %gather3A_1590 = tpu.vector_load_idx %gather3A_1589[%add3A_1584, %broadcast_in_dim3A_1571] : memref<64x128xf32, #tpu.memory_space<vmem>>[vector<16xi32>, vector<16xi32>], vector<16xf32>,
      tpu.vector_store_idx %arg9[%add3A_1584, %broadcast_in_dim3A_1572], %gather3A_1590 : memref<64x512xf32, #tpu.memory_space<vmem>>[vector<16xi32>, vector<16xi32>], vector<16xf32>,
      %add3A_1591 = arith.constant 32 : i32
      %add3A_1592 = vector.broadcast %add3A_1591 : i32 to vector<16xi32>
      %add3A_1593 = arith.addi %iota3A, %add3A_1592 : vector<16xi32>
      %gather3A_1594 = arith.constant 7 : i32
      %gather3A_1595 = arith.constant 0 : i32
      %gather3A_1596 = arith.constant 0 : i32
      %gather3A_1597 = tpu.memref_slice %arg7[%gather3A_1594, %gather3A_1595, %gather3A_1596] : memref<8x64x128xf32, #tpu.memory_space<vmem>> -> memref<1x64x128xf32, #tpu.memory_space<vmem>>
      %gather3A_1598 = tpu.memref_squeeze %gather3A_1597 : memref<1x64x128xf32, #tpu.memory_space<vmem>> -> memref<64x128xf32, #tpu.memory_space<vmem>>
      %gather3A_1599 = tpu.vector_load_idx %gather3A_1598[%add3A_1593, %broadcast_in_dim3A_1571] : memref<64x128xf32, #tpu.memory_space<vmem>>[vector<16xi32>, vector<16xi32>], vector<16xf32>,
      tpu.vector_store_idx %arg9[%add3A_1593, %broadcast_in_dim3A_1572], %gather3A_1599 : memref<64x512xf32, #tpu.memory_space<vmem>>[vector<16xi32>, vector<16xi32>], vector<16xf32>,
      %add3A_1600 = arith.constant 48 : i32
      %add3A_1601 = vector.broadcast %add3A_1600 : i32 to vector<16xi32>
      %add3A_1602 = arith.addi %iota3A, %add3A_1601 : vector<16xi32>
      %gather3A_1603 = arith.constant 7 : i32
      %gather3A_1604 = arith.constant 0 : i32
      %gather3A_1605 = arith.constant 0 : i32
      %gather3A_1606 = tpu.memref_slice %arg7[%gather3A_1603, %gather3A_1604, %gather3A_1605] : memref<8x64x128xf32, #tpu.memory_space<vmem>> -> memref<1x64x128xf32, #tpu.memory_space<vmem>>
      %gather3A_1607 = tpu.memref_squeeze %gather3A_1606 : memref<1x64x128xf32, #tpu.memory_space<vmem>> -> memref<64x128xf32, #tpu.memory_space<vmem>>
      %gather3A_1608 = tpu.vector_load_idx %gather3A_1607[%add3A_1602, %broadcast_in_dim3A_1571] : memref<64x128xf32, #tpu.memory_space<vmem>>[vector<16xi32>, vector<16xi32>], vector<16xf32>,
      tpu.vector_store_idx %arg9[%add3A_1602, %broadcast_in_dim3A_1572], %gather3A_1608 : memref<64x512xf32, #tpu.memory_space<vmem>>[vector<16xi32>, vector<16xi32>], vector<16xf32>,
      %ge3A_1609 = arith.constant 999936 : i32
      %ge3A_1610 = arith.cmpi sge, %squeeze3A_1546, %ge3A_1609 : i32
      %convert_element_type3A_1611 = arith.extui %ge3A_1610 : i1 to i32
      %cond3A_1612 = arith.constant 0 : i32
      %cond3A_1613 = arith.cmpi ne, %convert_element_type3A_1611, %cond3A_1612 : i32
      scf.if %cond3A_1613 {
        %sub3A_1623 = arith.constant 999936 : i32
        %sub3A_1624 = arith.subi %squeeze3A_1546, %sub3A_1623 : i32
        %broadcast_in_dim3A_1625 = vector.broadcast %sub3A_1624 : i32 to vector<16xi32>
        %add3A_1626 = arith.constant 0 : i32
        %add3A_1627 = vector.broadcast %add3A_1626 : i32 to vector<16xi32>
        %add3A_1628 = arith.addi %iota3A, %add3A_1627 : vector<16xi32>
        %gather3A_1629 = tpu.vector_load_idx %arg8[%add3A_1628, %broadcast_in_dim3A_1625] : memref<64x64xf32, #tpu.memory_space<vmem>>[vector<16xi32>, vector<16xi32>], vector<16xf32>,
        tpu.vector_store_idx %arg9[%add3A_1628, %broadcast_in_dim3A_1572], %gather3A_1629 : memref<64x512xf32, #tpu.memory_space<vmem>>[vector<16xi32>, vector<16xi32>], vector<16xf32>,
        %add3A_1630 = arith.constant 16 : i32
        %add3A_1631 = vector.broadcast %add3A_1630 : i32 to vector<16xi32>
        %add3A_1632 = arith.addi %iota3A, %add3A_1631 : vector<16xi32>
        %gather3A_1633 = tpu.vector_load_idx %arg8[%add3A_1632, %broadcast_in_dim3A_1625] : memref<64x64xf32, #tpu.memory_space<vmem>>[vector<16xi32>, vector<16xi32>], vector<16xf32>,
        tpu.vector_store_idx %arg9[%add3A_1632, %broadcast_in_dim3A_1572], %gather3A_1633 : memref<64x512xf32, #tpu.memory_space<vmem>>[vector<16xi32>, vector<16xi32>], vector<16xf32>,
        %add3A_1634 = arith.constant 32 : i32
        %add3A_1635 = vector.broadcast %add3A_1634 : i32 to vector<16xi32>
        %add3A_1636 = arith.addi %iota3A, %add3A_1635 : vector<16xi32>
        %gather3A_1637 = tpu.vector_load_idx %arg8[%add3A_1636, %broadcast_in_dim3A_1625] : memref<64x64xf32, #tpu.memory_space<vmem>>[vector<16xi32>, vector<16xi32>], vector<16xf32>,
        tpu.vector_store_idx %arg9[%add3A_1636, %broadcast_in_dim3A_1572], %gather3A_1637 : memref<64x512xf32, #tpu.memory_space<vmem>>[vector<16xi32>, vector<16xi32>], vector<16xf32>,
        %add3A_1638 = arith.constant 48 : i32
        %add3A_1639 = vector.broadcast %add3A_1638 : i32 to vector<16xi32>
        %add3A_1640 = arith.addi %iota3A, %add3A_1639 : vector<16xi32>
        %gather3A_1641 = tpu.vector_load_idx %arg8[%add3A_1640, %broadcast_in_dim3A_1625] : memref<64x64xf32, #tpu.memory_space<vmem>>[vector<16xi32>, vector<16xi32>], vector<16xf32>,
        tpu.vector_store_idx %arg9[%add3A_1640, %broadcast_in_dim3A_1572], %gather3A_1641 : memref<64x512xf32, #tpu.memory_space<vmem>>[vector<16xi32>, vector<16xi32>], vector<16xf32>,
      } else {
      }
      %slice3A_1614 = vector.extract_strided_slice %get3A_381 {offsets = [7], sizes = [1], strides = [1]} : vector<16xi32> to vector<1xi32>
      %squeeze3A_1615 = vector.extract %slice3A_1614[0] : i32 from vector<1xi32>
      %add3A_1616 = arith.constant 8 : i32
      %add3A_1617 = arith.addi %add3A_1550, %add3A_1616 : i32
      %lt3A_1618 = arith.constant 512 : i32
      %lt3A_1619 = arith.cmpi slt, %add3A_1617, %lt3A_1618 : i32
      %convert_element_type3A_1620 = arith.extui %lt3A_1619 : i1 to i32
      %cond3A_1621 = arith.constant 0 : i32
      %cond3A_1622 = arith.cmpi ne, %convert_element_type3A_1620, %cond3A_1621 : i32
      scf.if %cond3A_1622 {
        %min3A_1623 = arith.constant 999935 : i32
        %min3A_1624 = arith.minsi %squeeze3A_1615, %min3A_1623 : i32
        %jit3A_1625 = arith.constant 128 : i32
        %div3A_1626 = arith.divsi %min3A_1624, %jit3A_1625 : i32
        %sign3A_1627 = arith.constant 0 : i32
        %sign3A_1628 = arith.cmpi sgt, %min3A_1624, %sign3A_1627 : i32
        %sign3A_1629 = arith.extui %sign3A_1628 : i1 to i32
        %sign3A_1630 = arith.constant 0 : i32
        %sign3A_1631 = arith.cmpi slt, %min3A_1624, %sign3A_1630 : i32
        %sign3A_1632 = arith.extui %sign3A_1631 : i1 to i32
        %sign3A_1633 = arith.subi %sign3A_1629, %sign3A_1632 : i32
        %sign3A_1634 = arith.constant 0 : i32
        %sign3A_1635 = arith.cmpi sgt, %jit3A_1625, %sign3A_1634 : i32
        %sign3A_1636 = arith.extui %sign3A_1635 : i1 to i32
        %sign3A_1637 = arith.constant 0 : i32
        %sign3A_1638 = arith.cmpi slt, %jit3A_1625, %sign3A_1637 : i32
        %sign3A_1639 = arith.extui %sign3A_1638 : i1 to i32
        %sign3A_1640 = arith.subi %sign3A_1636, %sign3A_1639 : i32
        %ne3A_1641 = arith.cmpi ne, %sign3A_1633, %sign3A_1640 : i32
        %rem3A_1642 = arith.remsi %min3A_1624, %jit3A_1625 : i32
        %ne3A_1643 = arith.constant 0 : i32
        %ne3A_1644 = arith.cmpi ne, %rem3A_1642, %ne3A_1643 : i32
        %and3A_1645 = arith.andi %ne3A_1641, %ne3A_1644 : i1
        %sub3A_1646 = arith.constant 1 : i32
        %sub3A_1647 = arith.subi %div3A_1626, %sub3A_1646 : i32
        %select_n3A_1648 = arith.select %and3A_1645, %sub3A_1647, %div3A_1626 : i32
        %mul3A_1649 = arith.constant 128 : i32
        %mul3A_1650 = arith.muli %select_n3A_1648, %mul3A_1649 : i32
        %dma_start3A_1651 = arith.constant 7 : i32
        %dma_start3A_1652 = arith.constant 7 : i32
        %dma_start3A_1653 = arith.constant 0 : i32
        %dma_start3A_1654 = arith.constant 0 : i32
        %dma_start3A_1655 = tpu.memref_slice %arg7[%dma_start3A_1651, %dma_start3A_1653, %dma_start3A_1654] : memref<8x64x128xf32, #tpu.memory_space<vmem>> -> memref<1x64x128xf32, #tpu.memory_space<vmem>>
        %dma_start3A_1656 = tpu.memref_squeeze %dma_start3A_1655 : memref<1x64x128xf32, #tpu.memory_space<vmem>> -> memref<64x128xf32, #tpu.memory_space<vmem>>
        %dma_start3A_1657 = arith.constant 0 : i32
        %dma_start3A_1658 = tpu.memref_slice %arg3[%dma_start3A_1657, %mul3A_1650] : memref<64x1000000xf32, #tpu.memory_space<hbm>> -> memref<64x128xf32, #tpu.memory_space<hbm>>
        %dma_start3A_1659 = tpu.memref_slice %arg10[%dma_start3A_1652] : memref<8x!tpu.dma_semaphore, #tpu.memory_space<semaphore_mem>> -> memref<1x!tpu.dma_semaphore, #tpu.memory_space<semaphore_mem>>
        %dma_start3A_1660 = tpu.memref_squeeze %dma_start3A_1659 : memref<1x!tpu.dma_semaphore, #tpu.memory_space<semaphore_mem>> -> memref<!tpu.dma_semaphore, #tpu.memory_space<semaphore_mem>>
        %dma_start3A_1661 = arith.constant 0 : i32
        %dma_start3A_1662 = arith.constant 0 : i32
        %dma_start3A_1663 = tpu.memref_slice %arg7[%dma_start3A_1651, %dma_start3A_1661, %dma_start3A_1662] : memref<8x64x128xf32, #tpu.memory_space<vmem>> -> memref<1x64x128xf32, #tpu.memory_space<vmem>>
        %dma_start3A_1664 = tpu.memref_squeeze %dma_start3A_1663 : memref<1x64x128xf32, #tpu.memory_space<vmem>> -> memref<64x128xf32, #tpu.memory_space<vmem>>
        %dma_start3A_1665 = arith.constant 0 : i32
        %dma_start3A_1666 = tpu.memref_slice %arg3[%dma_start3A_1665, %mul3A_1650] : memref<64x1000000xf32, #tpu.memory_space<hbm>> -> memref<64x128xf32, #tpu.memory_space<hbm>>
        tpu.enqueue_dma source(%dma_start3A_1666 : memref<64x128xf32, #tpu.memory_space<hbm>>) target(%dma_start3A_1664 : memref<64x128xf32, #tpu.memory_space<vmem>>) target_semaphore(%dma_start3A_1660 : memref<!tpu.dma_semaphore, #tpu.memory_space<semaphore_mem>>)
      } else {
      }
    }
    %scan3A_364 = arith.constant 32 : i32
    %scan3A_365 = arith.constant 0 : i32
    %scan3A_366 = arith.constant 0 : i32
    %scan3A_367 = arith.constant 32 : i32
    %scan3A_368 = arith.addi %scan3A_366, %scan3A_367 : i32
    %scan3A_369 = arith.constant 1 : i32
    scf.for %scan3A_371 = %scan3A_366 to %scan3A_368 step %scan3A_369  : i32 {
      %mul3A_372 = arith.constant 16 : i32
      %mul3A_373 = arith.muli %scan3A_371, %mul3A_372 : i32
      %broadcast_in_dim3A = arith.constant 0.000000e+00 : f32
      %broadcast_in_dim3A_374 = vector.broadcast %broadcast_in_dim3A : f32 to vector<16xf32>
      %get3A_375 = arith.constant 0 : i32
      %get3A_376 = arith.index_cast %get3A_375 : i32 to index
      %get3A_377 = arith.index_cast %mul3A_373 : i32 to index
      %get3A_378 = tpu.vector_load %arg9[%get3A_376, %get3A_377] {strides = array<i32>} : memref<64x512xf32, #tpu.memory_space<vmem>>, vector<16xf32>,
      %mul3A_379 = arith.mulf %get3A_378, %get3A_378 : vector<16xf32>
      %add3A_380 = arith.addf %broadcast_in_dim3A_374, %mul3A_379 : vector<16xf32>
      %get3A_381 = arith.constant 1 : i32
      %get3A_382 = arith.index_cast %get3A_381 : i32 to index
      %get3A_383 = arith.index_cast %mul3A_373 : i32 to index
      %get3A_384 = tpu.vector_load %arg9[%get3A_382, %get3A_383] {strides = array<i32>} : memref<64x512xf32, #tpu.memory_space<vmem>>, vector<16xf32>,
      %mul3A_385 = arith.mulf %get3A_384, %get3A_384 : vector<16xf32>
      %add3A_386 = arith.addf %add3A_380, %mul3A_385 : vector<16xf32>
      %get3A_387 = arith.constant 2 : i32
      %get3A_388 = arith.index_cast %get3A_387 : i32 to index
      %get3A_389 = arith.index_cast %mul3A_373 : i32 to index
      %get3A_390 = tpu.vector_load %arg9[%get3A_388, %get3A_389] {strides = array<i32>} : memref<64x512xf32, #tpu.memory_space<vmem>>, vector<16xf32>,
      %mul3A_391 = arith.mulf %get3A_390, %get3A_390 : vector<16xf32>
      %add3A_392 = arith.addf %add3A_386, %mul3A_391 : vector<16xf32>
      %get3A_393 = arith.constant 3 : i32
      %get3A_394 = arith.index_cast %get3A_393 : i32 to index
      %get3A_395 = arith.index_cast %mul3A_373 : i32 to index
      %get3A_396 = tpu.vector_load %arg9[%get3A_394, %get3A_395] {strides = array<i32>} : memref<64x512xf32, #tpu.memory_space<vmem>>, vector<16xf32>,
      %mul3A_397 = arith.mulf %get3A_396, %get3A_396 : vector<16xf32>
      %add3A_398 = arith.addf %add3A_392, %mul3A_397 : vector<16xf32>
      %get3A_399 = arith.constant 4 : i32
      %get3A_400 = arith.index_cast %get3A_399 : i32 to index
      %get3A_401 = arith.index_cast %mul3A_373 : i32 to index
      %get3A_402 = tpu.vector_load %arg9[%get3A_400, %get3A_401] {strides = array<i32>} : memref<64x512xf32, #tpu.memory_space<vmem>>, vector<16xf32>,
      %mul3A_403 = arith.mulf %get3A_402, %get3A_402 : vector<16xf32>
      %add3A_404 = arith.addf %add3A_398, %mul3A_403 : vector<16xf32>
      %get3A_405 = arith.constant 5 : i32
      %get3A_406 = arith.index_cast %get3A_405 : i32 to index
      %get3A_407 = arith.index_cast %mul3A_373 : i32 to index
      %get3A_408 = tpu.vector_load %arg9[%get3A_406, %get3A_407] {strides = array<i32>} : memref<64x512xf32, #tpu.memory_space<vmem>>, vector<16xf32>,
      %mul3A_409 = arith.mulf %get3A_408, %get3A_408 : vector<16xf32>
      %add3A_410 = arith.addf %add3A_404, %mul3A_409 : vector<16xf32>
      %get3A_411 = arith.constant 6 : i32
      %get3A_412 = arith.index_cast %get3A_411 : i32 to index
      %get3A_413 = arith.index_cast %mul3A_373 : i32 to index
      %get3A_414 = tpu.vector_load %arg9[%get3A_412, %get3A_413] {strides = array<i32>} : memref<64x512xf32, #tpu.memory_space<vmem>>, vector<16xf32>,
      %mul3A_415 = arith.mulf %get3A_414, %get3A_414 : vector<16xf32>
      %add3A_416 = arith.addf %add3A_410, %mul3A_415 : vector<16xf32>
      %get3A_417 = arith.constant 7 : i32
      %get3A_418 = arith.index_cast %get3A_417 : i32 to index
      %get3A_419 = arith.index_cast %mul3A_373 : i32 to index
      %get3A_420 = tpu.vector_load %arg9[%get3A_418, %get3A_419] {strides = array<i32>} : memref<64x512xf32, #tpu.memory_space<vmem>>, vector<16xf32>,
      %mul3A_421 = arith.mulf %get3A_420, %get3A_420 : vector<16xf32>
      %add3A_422 = arith.addf %add3A_416, %mul3A_421 : vector<16xf32>
      %get3A_423 = arith.constant 8 : i32
      %get3A_424 = arith.index_cast %get3A_423 : i32 to index
      %get3A_425 = arith.index_cast %mul3A_373 : i32 to index
      %get3A_426 = tpu.vector_load %arg9[%get3A_424, %get3A_425] {strides = array<i32>} : memref<64x512xf32, #tpu.memory_space<vmem>>, vector<16xf32>,
      %mul3A_427 = arith.mulf %get3A_426, %get3A_426 : vector<16xf32>
      %add3A_428 = arith.addf %add3A_422, %mul3A_427 : vector<16xf32>
      %get3A_429 = arith.constant 9 : i32
      %get3A_430 = arith.index_cast %get3A_429 : i32 to index
      %get3A_431 = arith.index_cast %mul3A_373 : i32 to index
      %get3A_432 = tpu.vector_load %arg9[%get3A_430, %get3A_431] {strides = array<i32>} : memref<64x512xf32, #tpu.memory_space<vmem>>, vector<16xf32>,
      %mul3A_433 = arith.mulf %get3A_432, %get3A_432 : vector<16xf32>
      %add3A_434 = arith.addf %add3A_428, %mul3A_433 : vector<16xf32>
      %get3A_435 = arith.constant 10 : i32
      %get3A_436 = arith.index_cast %get3A_435 : i32 to index
      %get3A_437 = arith.index_cast %mul3A_373 : i32 to index
      %get3A_438 = tpu.vector_load %arg9[%get3A_436, %get3A_437] {strides = array<i32>} : memref<64x512xf32, #tpu.memory_space<vmem>>, vector<16xf32>,
      %mul3A_439 = arith.mulf %get3A_438, %get3A_438 : vector<16xf32>
      %add3A_440 = arith.addf %add3A_434, %mul3A_439 : vector<16xf32>
      %get3A_441 = arith.constant 11 : i32
      %get3A_442 = arith.index_cast %get3A_441 : i32 to index
      %get3A_443 = arith.index_cast %mul3A_373 : i32 to index
      %get3A_444 = tpu.vector_load %arg9[%get3A_442, %get3A_443] {strides = array<i32>} : memref<64x512xf32, #tpu.memory_space<vmem>>, vector<16xf32>,
      %mul3A_445 = arith.mulf %get3A_444, %get3A_444 : vector<16xf32>
      %add3A_446 = arith.addf %add3A_440, %mul3A_445 : vector<16xf32>
      %get3A_447 = arith.constant 12 : i32
      %get3A_448 = arith.index_cast %get3A_447 : i32 to index
      %get3A_449 = arith.index_cast %mul3A_373 : i32 to index
      %get3A_450 = tpu.vector_load %arg9[%get3A_448, %get3A_449] {strides = array<i32>} : memref<64x512xf32, #tpu.memory_space<vmem>>, vector<16xf32>,
      %mul3A_451 = arith.mulf %get3A_450, %get3A_450 : vector<16xf32>
      %add3A_452 = arith.addf %add3A_446, %mul3A_451 : vector<16xf32>
      %get3A_453 = arith.constant 13 : i32
      %get3A_454 = arith.index_cast %get3A_453 : i32 to index
      %get3A_455 = arith.index_cast %mul3A_373 : i32 to index
      %get3A_456 = tpu.vector_load %arg9[%get3A_454, %get3A_455] {strides = array<i32>} : memref<64x512xf32, #tpu.memory_space<vmem>>, vector<16xf32>,
      %mul3A_457 = arith.mulf %get3A_456, %get3A_456 : vector<16xf32>
      %add3A_458 = arith.addf %add3A_452, %mul3A_457 : vector<16xf32>
      %get3A_459 = arith.constant 14 : i32
      %get3A_460 = arith.index_cast %get3A_459 : i32 to index
      %get3A_461 = arith.index_cast %mul3A_373 : i32 to index
      %get3A_462 = tpu.vector_load %arg9[%get3A_460, %get3A_461] {strides = array<i32>} : memref<64x512xf32, #tpu.memory_space<vmem>>, vector<16xf32>,
      %mul3A_463 = arith.mulf %get3A_462, %get3A_462 : vector<16xf32>
      %add3A_464 = arith.addf %add3A_458, %mul3A_463 : vector<16xf32>
      %get3A_465 = arith.constant 15 : i32
      %get3A_466 = arith.index_cast %get3A_465 : i32 to index
      %get3A_467 = arith.index_cast %mul3A_373 : i32 to index
      %get3A_468 = tpu.vector_load %arg9[%get3A_466, %get3A_467] {strides = array<i32>} : memref<64x512xf32, #tpu.memory_space<vmem>>, vector<16xf32>,
      %mul3A_469 = arith.mulf %get3A_468, %get3A_468 : vector<16xf32>
      %add3A_470 = arith.addf %add3A_464, %mul3A_469 : vector<16xf32>
      %get3A_471 = arith.constant 16 : i32
      %get3A_472 = arith.index_cast %get3A_471 : i32 to index
      %get3A_473 = arith.index_cast %mul3A_373 : i32 to index
      %get3A_474 = tpu.vector_load %arg9[%get3A_472, %get3A_473] {strides = array<i32>} : memref<64x512xf32, #tpu.memory_space<vmem>>, vector<16xf32>,
      %mul3A_475 = arith.mulf %get3A_474, %get3A_474 : vector<16xf32>
      %add3A_476 = arith.addf %add3A_470, %mul3A_475 : vector<16xf32>
      %get3A_477 = arith.constant 17 : i32
      %get3A_478 = arith.index_cast %get3A_477 : i32 to index
      %get3A_479 = arith.index_cast %mul3A_373 : i32 to index
      %get3A_480 = tpu.vector_load %arg9[%get3A_478, %get3A_479] {strides = array<i32>} : memref<64x512xf32, #tpu.memory_space<vmem>>, vector<16xf32>,
      %mul3A_481 = arith.mulf %get3A_480, %get3A_480 : vector<16xf32>
      %add3A_482 = arith.addf %add3A_476, %mul3A_481 : vector<16xf32>
      %get3A_483 = arith.constant 18 : i32
      %get3A_484 = arith.index_cast %get3A_483 : i32 to index
      %get3A_485 = arith.index_cast %mul3A_373 : i32 to index
      %get3A_486 = tpu.vector_load %arg9[%get3A_484, %get3A_485] {strides = array<i32>} : memref<64x512xf32, #tpu.memory_space<vmem>>, vector<16xf32>,
      %mul3A_487 = arith.mulf %get3A_486, %get3A_486 : vector<16xf32>
      %add3A_488 = arith.addf %add3A_482, %mul3A_487 : vector<16xf32>
      %get3A_489 = arith.constant 19 : i32
      %get3A_490 = arith.index_cast %get3A_489 : i32 to index
      %get3A_491 = arith.index_cast %mul3A_373 : i32 to index
      %get3A_492 = tpu.vector_load %arg9[%get3A_490, %get3A_491] {strides = array<i32>} : memref<64x512xf32, #tpu.memory_space<vmem>>, vector<16xf32>,
      %mul3A_493 = arith.mulf %get3A_492, %get3A_492 : vector<16xf32>
      %add3A_494 = arith.addf %add3A_488, %mul3A_493 : vector<16xf32>
      %get3A_495 = arith.constant 20 : i32
      %get3A_496 = arith.index_cast %get3A_495 : i32 to index
      %get3A_497 = arith.index_cast %mul3A_373 : i32 to index
      %get3A_498 = tpu.vector_load %arg9[%get3A_496, %get3A_497] {strides = array<i32>} : memref<64x512xf32, #tpu.memory_space<vmem>>, vector<16xf32>,
      %mul3A_499 = arith.mulf %get3A_498, %get3A_498 : vector<16xf32>
      %add3A_500 = arith.addf %add3A_494, %mul3A_499 : vector<16xf32>
      %get3A_501 = arith.constant 21 : i32
      %get3A_502 = arith.index_cast %get3A_501 : i32 to index
      %get3A_503 = arith.index_cast %mul3A_373 : i32 to index
      %get3A_504 = tpu.vector_load %arg9[%get3A_502, %get3A_503] {strides = array<i32>} : memref<64x512xf32, #tpu.memory_space<vmem>>, vector<16xf32>,
      %mul3A_505 = arith.mulf %get3A_504, %get3A_504 : vector<16xf32>
      %add3A_506 = arith.addf %add3A_500, %mul3A_505 : vector<16xf32>
      %get3A_507 = arith.constant 22 : i32
      %get3A_508 = arith.index_cast %get3A_507 : i32 to index
      %get3A_509 = arith.index_cast %mul3A_373 : i32 to index
      %get3A_510 = tpu.vector_load %arg9[%get3A_508, %get3A_509] {strides = array<i32>} : memref<64x512xf32, #tpu.memory_space<vmem>>, vector<16xf32>,
      %mul3A_511 = arith.mulf %get3A_510, %get3A_510 : vector<16xf32>
      %add3A_512 = arith.addf %add3A_506, %mul3A_511 : vector<16xf32>
      %get3A_513 = arith.constant 23 : i32
      %get3A_514 = arith.index_cast %get3A_513 : i32 to index
      %get3A_515 = arith.index_cast %mul3A_373 : i32 to index
      %get3A_516 = tpu.vector_load %arg9[%get3A_514, %get3A_515] {strides = array<i32>} : memref<64x512xf32, #tpu.memory_space<vmem>>, vector<16xf32>,
      %mul3A_517 = arith.mulf %get3A_516, %get3A_516 : vector<16xf32>
      %add3A_518 = arith.addf %add3A_512, %mul3A_517 : vector<16xf32>
      %get3A_519 = arith.constant 24 : i32
      %get3A_520 = arith.index_cast %get3A_519 : i32 to index
      %get3A_521 = arith.index_cast %mul3A_373 : i32 to index
      %get3A_522 = tpu.vector_load %arg9[%get3A_520, %get3A_521] {strides = array<i32>} : memref<64x512xf32, #tpu.memory_space<vmem>>, vector<16xf32>,
      %mul3A_523 = arith.mulf %get3A_522, %get3A_522 : vector<16xf32>
      %add3A_524 = arith.addf %add3A_518, %mul3A_523 : vector<16xf32>
      %get3A_525 = arith.constant 25 : i32
      %get3A_526 = arith.index_cast %get3A_525 : i32 to index
      %get3A_527 = arith.index_cast %mul3A_373 : i32 to index
      %get3A_528 = tpu.vector_load %arg9[%get3A_526, %get3A_527] {strides = array<i32>} : memref<64x512xf32, #tpu.memory_space<vmem>>, vector<16xf32>,
      %mul3A_529 = arith.mulf %get3A_528, %get3A_528 : vector<16xf32>
      %add3A_530 = arith.addf %add3A_524, %mul3A_529 : vector<16xf32>
      %get3A_531 = arith.constant 26 : i32
      %get3A_532 = arith.index_cast %get3A_531 : i32 to index
      %get3A_533 = arith.index_cast %mul3A_373 : i32 to index
      %get3A_534 = tpu.vector_load %arg9[%get3A_532, %get3A_533] {strides = array<i32>} : memref<64x512xf32, #tpu.memory_space<vmem>>, vector<16xf32>,
      %mul3A_535 = arith.mulf %get3A_534, %get3A_534 : vector<16xf32>
      %add3A_536 = arith.addf %add3A_530, %mul3A_535 : vector<16xf32>
      %get3A_537 = arith.constant 27 : i32
      %get3A_538 = arith.index_cast %get3A_537 : i32 to index
      %get3A_539 = arith.index_cast %mul3A_373 : i32 to index
      %get3A_540 = tpu.vector_load %arg9[%get3A_538, %get3A_539] {strides = array<i32>} : memref<64x512xf32, #tpu.memory_space<vmem>>, vector<16xf32>,
      %mul3A_541 = arith.mulf %get3A_540, %get3A_540 : vector<16xf32>
      %add3A_542 = arith.addf %add3A_536, %mul3A_541 : vector<16xf32>
      %get3A_543 = arith.constant 28 : i32
      %get3A_544 = arith.index_cast %get3A_543 : i32 to index
      %get3A_545 = arith.index_cast %mul3A_373 : i32 to index
      %get3A_546 = tpu.vector_load %arg9[%get3A_544, %get3A_545] {strides = array<i32>} : memref<64x512xf32, #tpu.memory_space<vmem>>, vector<16xf32>,
      %mul3A_547 = arith.mulf %get3A_546, %get3A_546 : vector<16xf32>
      %add3A_548 = arith.addf %add3A_542, %mul3A_547 : vector<16xf32>
      %get3A_549 = arith.constant 29 : i32
      %get3A_550 = arith.index_cast %get3A_549 : i32 to index
      %get3A_551 = arith.index_cast %mul3A_373 : i32 to index
      %get3A_552 = tpu.vector_load %arg9[%get3A_550, %get3A_551] {strides = array<i32>} : memref<64x512xf32, #tpu.memory_space<vmem>>, vector<16xf32>,
      %mul3A_553 = arith.mulf %get3A_552, %get3A_552 : vector<16xf32>
      %add3A_554 = arith.addf %add3A_548, %mul3A_553 : vector<16xf32>
      %get3A_555 = arith.constant 30 : i32
      %get3A_556 = arith.index_cast %get3A_555 : i32 to index
      %get3A_557 = arith.index_cast %mul3A_373 : i32 to index
      %get3A_558 = tpu.vector_load %arg9[%get3A_556, %get3A_557] {strides = array<i32>} : memref<64x512xf32, #tpu.memory_space<vmem>>, vector<16xf32>,
      %mul3A_559 = arith.mulf %get3A_558, %get3A_558 : vector<16xf32>
      %add3A_560 = arith.addf %add3A_554, %mul3A_559 : vector<16xf32>
      %get3A_561 = arith.constant 31 : i32
      %get3A_562 = arith.index_cast %get3A_561 : i32 to index
      %get3A_563 = arith.index_cast %mul3A_373 : i32 to index
      %get3A_564 = tpu.vector_load %arg9[%get3A_562, %get3A_563] {strides = array<i32>} : memref<64x512xf32, #tpu.memory_space<vmem>>, vector<16xf32>,
      %mul3A_565 = arith.mulf %get3A_564, %get3A_564 : vector<16xf32>
      %add3A_566 = arith.addf %add3A_560, %mul3A_565 : vector<16xf32>
      %get3A_567 = arith.constant 32 : i32
      %get3A_568 = arith.index_cast %get3A_567 : i32 to index
      %get3A_569 = arith.index_cast %mul3A_373 : i32 to index
      %get3A_570 = tpu.vector_load %arg9[%get3A_568, %get3A_569] {strides = array<i32>} : memref<64x512xf32, #tpu.memory_space<vmem>>, vector<16xf32>,
      %mul3A_571 = arith.mulf %get3A_570, %get3A_570 : vector<16xf32>
      %add3A_572 = arith.addf %add3A_566, %mul3A_571 : vector<16xf32>
      %get3A_573 = arith.constant 33 : i32
      %get3A_574 = arith.index_cast %get3A_573 : i32 to index
      %get3A_575 = arith.index_cast %mul3A_373 : i32 to index
      %get3A_576 = tpu.vector_load %arg9[%get3A_574, %get3A_575] {strides = array<i32>} : memref<64x512xf32, #tpu.memory_space<vmem>>, vector<16xf32>,
      %mul3A_577 = arith.mulf %get3A_576, %get3A_576 : vector<16xf32>
      %add3A_578 = arith.addf %add3A_572, %mul3A_577 : vector<16xf32>
      %get3A_579 = arith.constant 34 : i32
      %get3A_580 = arith.index_cast %get3A_579 : i32 to index
      %get3A_581 = arith.index_cast %mul3A_373 : i32 to index
      %get3A_582 = tpu.vector_load %arg9[%get3A_580, %get3A_581] {strides = array<i32>} : memref<64x512xf32, #tpu.memory_space<vmem>>, vector<16xf32>,
      %mul3A_583 = arith.mulf %get3A_582, %get3A_582 : vector<16xf32>
      %add3A_584 = arith.addf %add3A_578, %mul3A_583 : vector<16xf32>
      %get3A_585 = arith.constant 35 : i32
      %get3A_586 = arith.index_cast %get3A_585 : i32 to index
      %get3A_587 = arith.index_cast %mul3A_373 : i32 to index
      %get3A_588 = tpu.vector_load %arg9[%get3A_586, %get3A_587] {strides = array<i32>} : memref<64x512xf32, #tpu.memory_space<vmem>>, vector<16xf32>,
      %mul3A_589 = arith.mulf %get3A_588, %get3A_588 : vector<16xf32>
      %add3A_590 = arith.addf %add3A_584, %mul3A_589 : vector<16xf32>
      %get3A_591 = arith.constant 36 : i32
      %get3A_592 = arith.index_cast %get3A_591 : i32 to index
      %get3A_593 = arith.index_cast %mul3A_373 : i32 to index
      %get3A_594 = tpu.vector_load %arg9[%get3A_592, %get3A_593] {strides = array<i32>} : memref<64x512xf32, #tpu.memory_space<vmem>>, vector<16xf32>,
      %mul3A_595 = arith.mulf %get3A_594, %get3A_594 : vector<16xf32>
      %add3A_596 = arith.addf %add3A_590, %mul3A_595 : vector<16xf32>
      %get3A_597 = arith.constant 37 : i32
      %get3A_598 = arith.index_cast %get3A_597 : i32 to index
      %get3A_599 = arith.index_cast %mul3A_373 : i32 to index
      %get3A_600 = tpu.vector_load %arg9[%get3A_598, %get3A_599] {strides = array<i32>} : memref<64x512xf32, #tpu.memory_space<vmem>>, vector<16xf32>,
      %mul3A_601 = arith.mulf %get3A_600, %get3A_600 : vector<16xf32>
      %add3A_602 = arith.addf %add3A_596, %mul3A_601 : vector<16xf32>
      %get3A_603 = arith.constant 38 : i32
      %get3A_604 = arith.index_cast %get3A_603 : i32 to index
      %get3A_605 = arith.index_cast %mul3A_373 : i32 to index
      %get3A_606 = tpu.vector_load %arg9[%get3A_604, %get3A_605] {strides = array<i32>} : memref<64x512xf32, #tpu.memory_space<vmem>>, vector<16xf32>,
      %mul3A_607 = arith.mulf %get3A_606, %get3A_606 : vector<16xf32>
      %add3A_608 = arith.addf %add3A_602, %mul3A_607 : vector<16xf32>
      %get3A_609 = arith.constant 39 : i32
      %get3A_610 = arith.index_cast %get3A_609 : i32 to index
      %get3A_611 = arith.index_cast %mul3A_373 : i32 to index
      %get3A_612 = tpu.vector_load %arg9[%get3A_610, %get3A_611] {strides = array<i32>} : memref<64x512xf32, #tpu.memory_space<vmem>>, vector<16xf32>,
      %mul3A_613 = arith.mulf %get3A_612, %get3A_612 : vector<16xf32>
      %add3A_614 = arith.addf %add3A_608, %mul3A_613 : vector<16xf32>
      %get3A_615 = arith.constant 40 : i32
      %get3A_616 = arith.index_cast %get3A_615 : i32 to index
      %get3A_617 = arith.index_cast %mul3A_373 : i32 to index
      %get3A_618 = tpu.vector_load %arg9[%get3A_616, %get3A_617] {strides = array<i32>} : memref<64x512xf32, #tpu.memory_space<vmem>>, vector<16xf32>,
      %mul3A_619 = arith.mulf %get3A_618, %get3A_618 : vector<16xf32>
      %add3A_620 = arith.addf %add3A_614, %mul3A_619 : vector<16xf32>
      %get3A_621 = arith.constant 41 : i32
      %get3A_622 = arith.index_cast %get3A_621 : i32 to index
      %get3A_623 = arith.index_cast %mul3A_373 : i32 to index
      %get3A_624 = tpu.vector_load %arg9[%get3A_622, %get3A_623] {strides = array<i32>} : memref<64x512xf32, #tpu.memory_space<vmem>>, vector<16xf32>,
      %mul3A_625 = arith.mulf %get3A_624, %get3A_624 : vector<16xf32>
      %add3A_626 = arith.addf %add3A_620, %mul3A_625 : vector<16xf32>
      %get3A_627 = arith.constant 42 : i32
      %get3A_628 = arith.index_cast %get3A_627 : i32 to index
      %get3A_629 = arith.index_cast %mul3A_373 : i32 to index
      %get3A_630 = tpu.vector_load %arg9[%get3A_628, %get3A_629] {strides = array<i32>} : memref<64x512xf32, #tpu.memory_space<vmem>>, vector<16xf32>,
      %mul3A_631 = arith.mulf %get3A_630, %get3A_630 : vector<16xf32>
      %add3A_632 = arith.addf %add3A_626, %mul3A_631 : vector<16xf32>
      %get3A_633 = arith.constant 43 : i32
      %get3A_634 = arith.index_cast %get3A_633 : i32 to index
      %get3A_635 = arith.index_cast %mul3A_373 : i32 to index
      %get3A_636 = tpu.vector_load %arg9[%get3A_634, %get3A_635] {strides = array<i32>} : memref<64x512xf32, #tpu.memory_space<vmem>>, vector<16xf32>,
      %mul3A_637 = arith.mulf %get3A_636, %get3A_636 : vector<16xf32>
      %add3A_638 = arith.addf %add3A_632, %mul3A_637 : vector<16xf32>
      %get3A_639 = arith.constant 44 : i32
      %get3A_640 = arith.index_cast %get3A_639 : i32 to index
      %get3A_641 = arith.index_cast %mul3A_373 : i32 to index
      %get3A_642 = tpu.vector_load %arg9[%get3A_640, %get3A_641] {strides = array<i32>} : memref<64x512xf32, #tpu.memory_space<vmem>>, vector<16xf32>,
      %mul3A_643 = arith.mulf %get3A_642, %get3A_642 : vector<16xf32>
      %add3A_644 = arith.addf %add3A_638, %mul3A_643 : vector<16xf32>
      %get3A_645 = arith.constant 45 : i32
      %get3A_646 = arith.index_cast %get3A_645 : i32 to index
      %get3A_647 = arith.index_cast %mul3A_373 : i32 to index
      %get3A_648 = tpu.vector_load %arg9[%get3A_646, %get3A_647] {strides = array<i32>} : memref<64x512xf32, #tpu.memory_space<vmem>>, vector<16xf32>,
      %mul3A_649 = arith.mulf %get3A_648, %get3A_648 : vector<16xf32>
      %add3A_650 = arith.addf %add3A_644, %mul3A_649 : vector<16xf32>
      %get3A_651 = arith.constant 46 : i32
      %get3A_652 = arith.index_cast %get3A_651 : i32 to index
      %get3A_653 = arith.index_cast %mul3A_373 : i32 to index
      %get3A_654 = tpu.vector_load %arg9[%get3A_652, %get3A_653] {strides = array<i32>} : memref<64x512xf32, #tpu.memory_space<vmem>>, vector<16xf32>,
      %mul3A_655 = arith.mulf %get3A_654, %get3A_654 : vector<16xf32>
      %add3A_656 = arith.addf %add3A_650, %mul3A_655 : vector<16xf32>
      %get3A_657 = arith.constant 47 : i32
      %get3A_658 = arith.index_cast %get3A_657 : i32 to index
      %get3A_659 = arith.index_cast %mul3A_373 : i32 to index
      %get3A_660 = tpu.vector_load %arg9[%get3A_658, %get3A_659] {strides = array<i32>} : memref<64x512xf32, #tpu.memory_space<vmem>>, vector<16xf32>,
      %mul3A_661 = arith.mulf %get3A_660, %get3A_660 : vector<16xf32>
      %add3A_662 = arith.addf %add3A_656, %mul3A_661 : vector<16xf32>
      %get3A_663 = arith.constant 48 : i32
      %get3A_664 = arith.index_cast %get3A_663 : i32 to index
      %get3A_665 = arith.index_cast %mul3A_373 : i32 to index
      %get3A_666 = tpu.vector_load %arg9[%get3A_664, %get3A_665] {strides = array<i32>} : memref<64x512xf32, #tpu.memory_space<vmem>>, vector<16xf32>,
      %mul3A_667 = arith.mulf %get3A_666, %get3A_666 : vector<16xf32>
      %add3A_668 = arith.addf %add3A_662, %mul3A_667 : vector<16xf32>
      %get3A_669 = arith.constant 49 : i32
      %get3A_670 = arith.index_cast %get3A_669 : i32 to index
      %get3A_671 = arith.index_cast %mul3A_373 : i32 to index
      %get3A_672 = tpu.vector_load %arg9[%get3A_670, %get3A_671] {strides = array<i32>} : memref<64x512xf32, #tpu.memory_space<vmem>>, vector<16xf32>,
      %mul3A_673 = arith.mulf %get3A_672, %get3A_672 : vector<16xf32>
      %add3A_674 = arith.addf %add3A_668, %mul3A_673 : vector<16xf32>
      %get3A_675 = arith.constant 50 : i32
      %get3A_676 = arith.index_cast %get3A_675 : i32 to index
      %get3A_677 = arith.index_cast %mul3A_373 : i32 to index
      %get3A_678 = tpu.vector_load %arg9[%get3A_676, %get3A_677] {strides = array<i32>} : memref<64x512xf32, #tpu.memory_space<vmem>>, vector<16xf32>,
      %mul3A_679 = arith.mulf %get3A_678, %get3A_678 : vector<16xf32>
      %add3A_680 = arith.addf %add3A_674, %mul3A_679 : vector<16xf32>
      %get3A_681 = arith.constant 51 : i32
      %get3A_682 = arith.index_cast %get3A_681 : i32 to index
      %get3A_683 = arith.index_cast %mul3A_373 : i32 to index
      %get3A_684 = tpu.vector_load %arg9[%get3A_682, %get3A_683] {strides = array<i32>} : memref<64x512xf32, #tpu.memory_space<vmem>>, vector<16xf32>,
      %mul3A_685 = arith.mulf %get3A_684, %get3A_684 : vector<16xf32>
      %add3A_686 = arith.addf %add3A_680, %mul3A_685 : vector<16xf32>
      %get3A_687 = arith.constant 52 : i32
      %get3A_688 = arith.index_cast %get3A_687 : i32 to index
      %get3A_689 = arith.index_cast %mul3A_373 : i32 to index
      %get3A_690 = tpu.vector_load %arg9[%get3A_688, %get3A_689] {strides = array<i32>} : memref<64x512xf32, #tpu.memory_space<vmem>>, vector<16xf32>,
      %mul3A_691 = arith.mulf %get3A_690, %get3A_690 : vector<16xf32>
      %add3A_692 = arith.addf %add3A_686, %mul3A_691 : vector<16xf32>
      %get3A_693 = arith.constant 53 : i32
      %get3A_694 = arith.index_cast %get3A_693 : i32 to index
      %get3A_695 = arith.index_cast %mul3A_373 : i32 to index
      %get3A_696 = tpu.vector_load %arg9[%get3A_694, %get3A_695] {strides = array<i32>} : memref<64x512xf32, #tpu.memory_space<vmem>>, vector<16xf32>,
      %mul3A_697 = arith.mulf %get3A_696, %get3A_696 : vector<16xf32>
      %add3A_698 = arith.addf %add3A_692, %mul3A_697 : vector<16xf32>
      %get3A_699 = arith.constant 54 : i32
      %get3A_700 = arith.index_cast %get3A_699 : i32 to index
      %get3A_701 = arith.index_cast %mul3A_373 : i32 to index
      %get3A_702 = tpu.vector_load %arg9[%get3A_700, %get3A_701] {strides = array<i32>} : memref<64x512xf32, #tpu.memory_space<vmem>>, vector<16xf32>,
      %mul3A_703 = arith.mulf %get3A_702, %get3A_702 : vector<16xf32>
      %add3A_704 = arith.addf %add3A_698, %mul3A_703 : vector<16xf32>
      %get3A_705 = arith.constant 55 : i32
      %get3A_706 = arith.index_cast %get3A_705 : i32 to index
      %get3A_707 = arith.index_cast %mul3A_373 : i32 to index
      %get3A_708 = tpu.vector_load %arg9[%get3A_706, %get3A_707] {strides = array<i32>} : memref<64x512xf32, #tpu.memory_space<vmem>>, vector<16xf32>,
      %mul3A_709 = arith.mulf %get3A_708, %get3A_708 : vector<16xf32>
      %add3A_710 = arith.addf %add3A_704, %mul3A_709 : vector<16xf32>
      %get3A_711 = arith.constant 56 : i32
      %get3A_712 = arith.index_cast %get3A_711 : i32 to index
      %get3A_713 = arith.index_cast %mul3A_373 : i32 to index
      %get3A_714 = tpu.vector_load %arg9[%get3A_712, %get3A_713] {strides = array<i32>} : memref<64x512xf32, #tpu.memory_space<vmem>>, vector<16xf32>,
      %mul3A_715 = arith.mulf %get3A_714, %get3A_714 : vector<16xf32>
      %add3A_716 = arith.addf %add3A_710, %mul3A_715 : vector<16xf32>
      %get3A_717 = arith.constant 57 : i32
      %get3A_718 = arith.index_cast %get3A_717 : i32 to index
      %get3A_719 = arith.index_cast %mul3A_373 : i32 to index
      %get3A_720 = tpu.vector_load %arg9[%get3A_718, %get3A_719] {strides = array<i32>} : memref<64x512xf32, #tpu.memory_space<vmem>>, vector<16xf32>,
      %mul3A_721 = arith.mulf %get3A_720, %get3A_720 : vector<16xf32>
      %add3A_722 = arith.addf %add3A_716, %mul3A_721 : vector<16xf32>
      %get3A_723 = arith.constant 58 : i32
      %get3A_724 = arith.index_cast %get3A_723 : i32 to index
      %get3A_725 = arith.index_cast %mul3A_373 : i32 to index
      %get3A_726 = tpu.vector_load %arg9[%get3A_724, %get3A_725] {strides = array<i32>} : memref<64x512xf32, #tpu.memory_space<vmem>>, vector<16xf32>,
      %mul3A_727 = arith.mulf %get3A_726, %get3A_726 : vector<16xf32>
      %add3A_728 = arith.addf %add3A_722, %mul3A_727 : vector<16xf32>
      %get3A_729 = arith.constant 59 : i32
      %get3A_730 = arith.index_cast %get3A_729 : i32 to index
      %get3A_731 = arith.index_cast %mul3A_373 : i32 to index
      %get3A_732 = tpu.vector_load %arg9[%get3A_730, %get3A_731] {strides = array<i32>} : memref<64x512xf32, #tpu.memory_space<vmem>>, vector<16xf32>,
      %mul3A_733 = arith.mulf %get3A_732, %get3A_732 : vector<16xf32>
      %add3A_734 = arith.addf %add3A_728, %mul3A_733 : vector<16xf32>
      %get3A_735 = arith.constant 60 : i32
      %get3A_736 = arith.index_cast %get3A_735 : i32 to index
      %get3A_737 = arith.index_cast %mul3A_373 : i32 to index
      %get3A_738 = tpu.vector_load %arg9[%get3A_736, %get3A_737] {strides = array<i32>} : memref<64x512xf32, #tpu.memory_space<vmem>>, vector<16xf32>,
      %mul3A_739 = arith.mulf %get3A_738, %get3A_738 : vector<16xf32>
      %add3A_740 = arith.addf %add3A_734, %mul3A_739 : vector<16xf32>
      %get3A_741 = arith.constant 61 : i32
      %get3A_742 = arith.index_cast %get3A_741 : i32 to index
      %get3A_743 = arith.index_cast %mul3A_373 : i32 to index
      %get3A_744 = tpu.vector_load %arg9[%get3A_742, %get3A_743] {strides = array<i32>} : memref<64x512xf32, #tpu.memory_space<vmem>>, vector<16xf32>,
      %mul3A_745 = arith.mulf %get3A_744, %get3A_744 : vector<16xf32>
      %add3A_746 = arith.addf %add3A_740, %mul3A_745 : vector<16xf32>
      %get3A_747 = arith.constant 62 : i32
      %get3A_748 = arith.index_cast %get3A_747 : i32 to index
      %get3A_749 = arith.index_cast %mul3A_373 : i32 to index
      %get3A_750 = tpu.vector_load %arg9[%get3A_748, %get3A_749] {strides = array<i32>} : memref<64x512xf32, #tpu.memory_space<vmem>>, vector<16xf32>,
      %mul3A_751 = arith.mulf %get3A_750, %get3A_750 : vector<16xf32>
      %add3A_752 = arith.addf %add3A_746, %mul3A_751 : vector<16xf32>
      %get3A_753 = arith.constant 63 : i32
      %get3A_754 = arith.index_cast %get3A_753 : i32 to index
      %get3A_755 = arith.index_cast %mul3A_373 : i32 to index
      %get3A_756 = tpu.vector_load %arg9[%get3A_754, %get3A_755] {strides = array<i32>} : memref<64x512xf32, #tpu.memory_space<vmem>>, vector<16xf32>,
      %mul3A_757 = arith.mulf %get3A_756, %get3A_756 : vector<16xf32>
      %add3A_758 = arith.addf %add3A_752, %mul3A_757 : vector<16xf32>
      %max3A = arith.constant 1.000000e-24 : f32
      %max3A_759 = vector.broadcast %max3A : f32 to vector<16xf32>
      %max3A_760 = arith.maximumf %add3A_758, %max3A_759 : vector<16xf32>
      %bitcast_convert_type3A = tpu.bitcast %max3A_760 : vector<16xf32> -> vector<16xi32>
      %shift_right_logical3A = arith.constant 1 : i32
      %shift_right_logical3A_761 = vector.broadcast %shift_right_logical3A : i32 to vector<16xi32>
      %shift_right_logical3A_762 = arith.shrui %bitcast_convert_type3A, %shift_right_logical3A_761 : vector<16xi32>
      %sub3A_763 = arith.constant 1597463007 : i32
      %sub3A_764 = vector.broadcast %sub3A_763 : i32 to vector<16xi32>
      %sub3A_765 = arith.subi %sub3A_764, %shift_right_logical3A_762 : vector<16xi32>
      %bitcast_convert_type3A_766 = tpu.bitcast %sub3A_765 : vector<16xi32> -> vector<16xf32>
      %mul3A_767 = arith.constant 5.000000e-01 : f32
      %mul3A_768 = vector.broadcast %mul3A_767 : f32 to vector<16xf32>
      %mul3A_769 = arith.mulf %mul3A_768, %max3A_760 : vector<16xf32>
      %mul3A_770 = arith.mulf %mul3A_769, %bitcast_convert_type3A_766 : vector<16xf32>
      %mul3A_771 = arith.mulf %mul3A_770, %bitcast_convert_type3A_766 : vector<16xf32>
      %sub3A_772 = arith.constant 1.500000e+00 : f32
      %sub3A_773 = vector.broadcast %sub3A_772 : f32 to vector<16xf32>
      %sub3A_774 = arith.subf %sub3A_773, %mul3A_771 : vector<16xf32>
      %mul3A_775 = arith.mulf %bitcast_convert_type3A_766, %sub3A_774 : vector<16xf32>
      %mul3A_776 = arith.constant 5.000000e-01 : f32
      %mul3A_777 = vector.broadcast %mul3A_776 : f32 to vector<16xf32>
      %mul3A_778 = arith.mulf %mul3A_777, %max3A_760 : vector<16xf32>
      %mul3A_779 = arith.mulf %mul3A_778, %mul3A_775 : vector<16xf32>
      %mul3A_780 = arith.mulf %mul3A_779, %mul3A_775 : vector<16xf32>
      %sub3A_781 = arith.constant 1.500000e+00 : f32
      %sub3A_782 = vector.broadcast %sub3A_781 : f32 to vector<16xf32>
      %sub3A_783 = arith.subf %sub3A_782, %mul3A_780 : vector<16xf32>
      %mul3A_784 = arith.mulf %mul3A_775, %sub3A_783 : vector<16xf32>
      %mul3A_785 = arith.constant 5.000000e-01 : f32
      %mul3A_786 = vector.broadcast %mul3A_785 : f32 to vector<16xf32>
      %mul3A_787 = arith.mulf %mul3A_786, %max3A_760 : vector<16xf32>
      %mul3A_788 = arith.mulf %mul3A_787, %mul3A_784 : vector<16xf32>
      %mul3A_789 = arith.mulf %mul3A_788, %mul3A_784 : vector<16xf32>
      %sub3A_790 = arith.constant 1.500000e+00 : f32
      %sub3A_791 = vector.broadcast %sub3A_790 : f32 to vector<16xf32>
      %sub3A_792 = arith.subf %sub3A_791, %mul3A_789 : vector<16xf32>
      %mul3A_793 = arith.mulf %mul3A_784, %sub3A_792 : vector<16xf32>
      %get3A_794 = arith.constant 0 : i32
      %get3A_795 = arith.index_cast %get3A_794 : i32 to index
      %get3A_796 = arith.index_cast %mul3A_373 : i32 to index
      %get3A_797 = tpu.vector_load %arg9[%get3A_795, %get3A_796] {strides = array<i32>} : memref<64x512xf32, #tpu.memory_space<vmem>>, vector<16xf32>,
      %mul3A_798 = arith.mulf %get3A_797, %mul3A_793 : vector<16xf32>
      %swap3A = arith.constant 0 : i32
      %swap3A_799 = arith.index_cast %swap3A : i32 to index
      %swap3A_800 = arith.index_cast %mul3A_373 : i32 to index
      %swap3A_801 = tpu.vector_load %arg9[%swap3A_799, %swap3A_800] {strides = array<i32>} : memref<64x512xf32, #tpu.memory_space<vmem>>, vector<16xf32>,
      tpu.vector_store %arg9[%swap3A_799, %swap3A_800], %mul3A_798 {strides = array<i32>} : memref<64x512xf32, #tpu.memory_space<vmem>>, vector<16xf32>,
      %get3A_802 = arith.constant 1 : i32
      %get3A_803 = arith.index_cast %get3A_802 : i32 to index
      %get3A_804 = arith.index_cast %mul3A_373 : i32 to index
      %get3A_805 = tpu.vector_load %arg9[%get3A_803, %get3A_804] {strides = array<i32>} : memref<64x512xf32, #tpu.memory_space<vmem>>, vector<16xf32>,
      %mul3A_806 = arith.mulf %get3A_805, %mul3A_793 : vector<16xf32>
      %swap3A_807 = arith.constant 1 : i32
      %swap3A_808 = arith.index_cast %swap3A_807 : i32 to index
      %swap3A_809 = arith.index_cast %mul3A_373 : i32 to index
      %swap3A_810 = tpu.vector_load %arg9[%swap3A_808, %swap3A_809] {strides = array<i32>} : memref<64x512xf32, #tpu.memory_space<vmem>>, vector<16xf32>,
      tpu.vector_store %arg9[%swap3A_808, %swap3A_809], %mul3A_806 {strides = array<i32>} : memref<64x512xf32, #tpu.memory_space<vmem>>, vector<16xf32>,
      %get3A_811 = arith.constant 2 : i32
      %get3A_812 = arith.index_cast %get3A_811 : i32 to index
      %get3A_813 = arith.index_cast %mul3A_373 : i32 to index
      %get3A_814 = tpu.vector_load %arg9[%get3A_812, %get3A_813] {strides = array<i32>} : memref<64x512xf32, #tpu.memory_space<vmem>>, vector<16xf32>,
      %mul3A_815 = arith.mulf %get3A_814, %mul3A_793 : vector<16xf32>
      %swap3A_816 = arith.constant 2 : i32
      %swap3A_817 = arith.index_cast %swap3A_816 : i32 to index
      %swap3A_818 = arith.index_cast %mul3A_373 : i32 to index
      %swap3A_819 = tpu.vector_load %arg9[%swap3A_817, %swap3A_818] {strides = array<i32>} : memref<64x512xf32, #tpu.memory_space<vmem>>, vector<16xf32>,
      tpu.vector_store %arg9[%swap3A_817, %swap3A_818], %mul3A_815 {strides = array<i32>} : memref<64x512xf32, #tpu.memory_space<vmem>>, vector<16xf32>,
      %get3A_820 = arith.constant 3 : i32
      %get3A_821 = arith.index_cast %get3A_820 : i32 to index
      %get3A_822 = arith.index_cast %mul3A_373 : i32 to index
      %get3A_823 = tpu.vector_load %arg9[%get3A_821, %get3A_822] {strides = array<i32>} : memref<64x512xf32, #tpu.memory_space<vmem>>, vector<16xf32>,
      %mul3A_824 = arith.mulf %get3A_823, %mul3A_793 : vector<16xf32>
      %swap3A_825 = arith.constant 3 : i32
      %swap3A_826 = arith.index_cast %swap3A_825 : i32 to index
      %swap3A_827 = arith.index_cast %mul3A_373 : i32 to index
      %swap3A_828 = tpu.vector_load %arg9[%swap3A_826, %swap3A_827] {strides = array<i32>} : memref<64x512xf32, #tpu.memory_space<vmem>>, vector<16xf32>,
      tpu.vector_store %arg9[%swap3A_826, %swap3A_827], %mul3A_824 {strides = array<i32>} : memref<64x512xf32, #tpu.memory_space<vmem>>, vector<16xf32>,
      %get3A_829 = arith.constant 4 : i32
      %get3A_830 = arith.index_cast %get3A_829 : i32 to index
      %get3A_831 = arith.index_cast %mul3A_373 : i32 to index
      %get3A_832 = tpu.vector_load %arg9[%get3A_830, %get3A_831] {strides = array<i32>} : memref<64x512xf32, #tpu.memory_space<vmem>>, vector<16xf32>,
      %mul3A_833 = arith.mulf %get3A_832, %mul3A_793 : vector<16xf32>
      %swap3A_834 = arith.constant 4 : i32
      %swap3A_835 = arith.index_cast %swap3A_834 : i32 to index
      %swap3A_836 = arith.index_cast %mul3A_373 : i32 to index
      %swap3A_837 = tpu.vector_load %arg9[%swap3A_835, %swap3A_836] {strides = array<i32>} : memref<64x512xf32, #tpu.memory_space<vmem>>, vector<16xf32>,
      tpu.vector_store %arg9[%swap3A_835, %swap3A_836], %mul3A_833 {strides = array<i32>} : memref<64x512xf32, #tpu.memory_space<vmem>>, vector<16xf32>,
      %get3A_838 = arith.constant 5 : i32
      %get3A_839 = arith.index_cast %get3A_838 : i32 to index
      %get3A_840 = arith.index_cast %mul3A_373 : i32 to index
      %get3A_841 = tpu.vector_load %arg9[%get3A_839, %get3A_840] {strides = array<i32>} : memref<64x512xf32, #tpu.memory_space<vmem>>, vector<16xf32>,
      %mul3A_842 = arith.mulf %get3A_841, %mul3A_793 : vector<16xf32>
      %swap3A_843 = arith.constant 5 : i32
      %swap3A_844 = arith.index_cast %swap3A_843 : i32 to index
      %swap3A_845 = arith.index_cast %mul3A_373 : i32 to index
      %swap3A_846 = tpu.vector_load %arg9[%swap3A_844, %swap3A_845] {strides = array<i32>} : memref<64x512xf32, #tpu.memory_space<vmem>>, vector<16xf32>,
      tpu.vector_store %arg9[%swap3A_844, %swap3A_845], %mul3A_842 {strides = array<i32>} : memref<64x512xf32, #tpu.memory_space<vmem>>, vector<16xf32>,
      %get3A_847 = arith.constant 6 : i32
      %get3A_848 = arith.index_cast %get3A_847 : i32 to index
      %get3A_849 = arith.index_cast %mul3A_373 : i32 to index
      %get3A_850 = tpu.vector_load %arg9[%get3A_848, %get3A_849] {strides = array<i32>} : memref<64x512xf32, #tpu.memory_space<vmem>>, vector<16xf32>,
      %mul3A_851 = arith.mulf %get3A_850, %mul3A_793 : vector<16xf32>
      %swap3A_852 = arith.constant 6 : i32
      %swap3A_853 = arith.index_cast %swap3A_852 : i32 to index
      %swap3A_854 = arith.index_cast %mul3A_373 : i32 to index
      %swap3A_855 = tpu.vector_load %arg9[%swap3A_853, %swap3A_854] {strides = array<i32>} : memref<64x512xf32, #tpu.memory_space<vmem>>, vector<16xf32>,
      tpu.vector_store %arg9[%swap3A_853, %swap3A_854], %mul3A_851 {strides = array<i32>} : memref<64x512xf32, #tpu.memory_space<vmem>>, vector<16xf32>,
      %get3A_856 = arith.constant 7 : i32
      %get3A_857 = arith.index_cast %get3A_856 : i32 to index
      %get3A_858 = arith.index_cast %mul3A_373 : i32 to index
      %get3A_859 = tpu.vector_load %arg9[%get3A_857, %get3A_858] {strides = array<i32>} : memref<64x512xf32, #tpu.memory_space<vmem>>, vector<16xf32>,
      %mul3A_860 = arith.mulf %get3A_859, %mul3A_793 : vector<16xf32>
      %swap3A_861 = arith.constant 7 : i32
      %swap3A_862 = arith.index_cast %swap3A_861 : i32 to index
      %swap3A_863 = arith.index_cast %mul3A_373 : i32 to index
      %swap3A_864 = tpu.vector_load %arg9[%swap3A_862, %swap3A_863] {strides = array<i32>} : memref<64x512xf32, #tpu.memory_space<vmem>>, vector<16xf32>,
      tpu.vector_store %arg9[%swap3A_862, %swap3A_863], %mul3A_860 {strides = array<i32>} : memref<64x512xf32, #tpu.memory_space<vmem>>, vector<16xf32>,
      %get3A_865 = arith.constant 8 : i32
      %get3A_866 = arith.index_cast %get3A_865 : i32 to index
      %get3A_867 = arith.index_cast %mul3A_373 : i32 to index
      %get3A_868 = tpu.vector_load %arg9[%get3A_866, %get3A_867] {strides = array<i32>} : memref<64x512xf32, #tpu.memory_space<vmem>>, vector<16xf32>,
      %mul3A_869 = arith.mulf %get3A_868, %mul3A_793 : vector<16xf32>
      %swap3A_870 = arith.constant 8 : i32
      %swap3A_871 = arith.index_cast %swap3A_870 : i32 to index
      %swap3A_872 = arith.index_cast %mul3A_373 : i32 to index
      %swap3A_873 = tpu.vector_load %arg9[%swap3A_871, %swap3A_872] {strides = array<i32>} : memref<64x512xf32, #tpu.memory_space<vmem>>, vector<16xf32>,
      tpu.vector_store %arg9[%swap3A_871, %swap3A_872], %mul3A_869 {strides = array<i32>} : memref<64x512xf32, #tpu.memory_space<vmem>>, vector<16xf32>,
      %get3A_874 = arith.constant 9 : i32
      %get3A_875 = arith.index_cast %get3A_874 : i32 to index
      %get3A_876 = arith.index_cast %mul3A_373 : i32 to index
      %get3A_877 = tpu.vector_load %arg9[%get3A_875, %get3A_876] {strides = array<i32>} : memref<64x512xf32, #tpu.memory_space<vmem>>, vector<16xf32>,
      %mul3A_878 = arith.mulf %get3A_877, %mul3A_793 : vector<16xf32>
      %swap3A_879 = arith.constant 9 : i32
      %swap3A_880 = arith.index_cast %swap3A_879 : i32 to index
      %swap3A_881 = arith.index_cast %mul3A_373 : i32 to index
      %swap3A_882 = tpu.vector_load %arg9[%swap3A_880, %swap3A_881] {strides = array<i32>} : memref<64x512xf32, #tpu.memory_space<vmem>>, vector<16xf32>,
      tpu.vector_store %arg9[%swap3A_880, %swap3A_881], %mul3A_878 {strides = array<i32>} : memref<64x512xf32, #tpu.memory_space<vmem>>, vector<16xf32>,
      %get3A_883 = arith.constant 10 : i32
      %get3A_884 = arith.index_cast %get3A_883 : i32 to index
      %get3A_885 = arith.index_cast %mul3A_373 : i32 to index
      %get3A_886 = tpu.vector_load %arg9[%get3A_884, %get3A_885] {strides = array<i32>} : memref<64x512xf32, #tpu.memory_space<vmem>>, vector<16xf32>,
      %mul3A_887 = arith.mulf %get3A_886, %mul3A_793 : vector<16xf32>
      %swap3A_888 = arith.constant 10 : i32
      %swap3A_889 = arith.index_cast %swap3A_888 : i32 to index
      %swap3A_890 = arith.index_cast %mul3A_373 : i32 to index
      %swap3A_891 = tpu.vector_load %arg9[%swap3A_889, %swap3A_890] {strides = array<i32>} : memref<64x512xf32, #tpu.memory_space<vmem>>, vector<16xf32>,
      tpu.vector_store %arg9[%swap3A_889, %swap3A_890], %mul3A_887 {strides = array<i32>} : memref<64x512xf32, #tpu.memory_space<vmem>>, vector<16xf32>,
      %get3A_892 = arith.constant 11 : i32
      %get3A_893 = arith.index_cast %get3A_892 : i32 to index
      %get3A_894 = arith.index_cast %mul3A_373 : i32 to index
      %get3A_895 = tpu.vector_load %arg9[%get3A_893, %get3A_894] {strides = array<i32>} : memref<64x512xf32, #tpu.memory_space<vmem>>, vector<16xf32>,
      %mul3A_896 = arith.mulf %get3A_895, %mul3A_793 : vector<16xf32>
      %swap3A_897 = arith.constant 11 : i32
      %swap3A_898 = arith.index_cast %swap3A_897 : i32 to index
      %swap3A_899 = arith.index_cast %mul3A_373 : i32 to index
      %swap3A_900 = tpu.vector_load %arg9[%swap3A_898, %swap3A_899] {strides = array<i32>} : memref<64x512xf32, #tpu.memory_space<vmem>>, vector<16xf32>,
      tpu.vector_store %arg9[%swap3A_898, %swap3A_899], %mul3A_896 {strides = array<i32>} : memref<64x512xf32, #tpu.memory_space<vmem>>, vector<16xf32>,
      %get3A_901 = arith.constant 12 : i32
      %get3A_902 = arith.index_cast %get3A_901 : i32 to index
      %get3A_903 = arith.index_cast %mul3A_373 : i32 to index
      %get3A_904 = tpu.vector_load %arg9[%get3A_902, %get3A_903] {strides = array<i32>} : memref<64x512xf32, #tpu.memory_space<vmem>>, vector<16xf32>,
      %mul3A_905 = arith.mulf %get3A_904, %mul3A_793 : vector<16xf32>
      %swap3A_906 = arith.constant 12 : i32
      %swap3A_907 = arith.index_cast %swap3A_906 : i32 to index
      %swap3A_908 = arith.index_cast %mul3A_373 : i32 to index
      %swap3A_909 = tpu.vector_load %arg9[%swap3A_907, %swap3A_908] {strides = array<i32>} : memref<64x512xf32, #tpu.memory_space<vmem>>, vector<16xf32>,
      tpu.vector_store %arg9[%swap3A_907, %swap3A_908], %mul3A_905 {strides = array<i32>} : memref<64x512xf32, #tpu.memory_space<vmem>>, vector<16xf32>,
      %get3A_910 = arith.constant 13 : i32
      %get3A_911 = arith.index_cast %get3A_910 : i32 to index
      %get3A_912 = arith.index_cast %mul3A_373 : i32 to index
      %get3A_913 = tpu.vector_load %arg9[%get3A_911, %get3A_912] {strides = array<i32>} : memref<64x512xf32, #tpu.memory_space<vmem>>, vector<16xf32>,
      %mul3A_914 = arith.mulf %get3A_913, %mul3A_793 : vector<16xf32>
      %swap3A_915 = arith.constant 13 : i32
      %swap3A_916 = arith.index_cast %swap3A_915 : i32 to index
      %swap3A_917 = arith.index_cast %mul3A_373 : i32 to index
      %swap3A_918 = tpu.vector_load %arg9[%swap3A_916, %swap3A_917] {strides = array<i32>} : memref<64x512xf32, #tpu.memory_space<vmem>>, vector<16xf32>,
      tpu.vector_store %arg9[%swap3A_916, %swap3A_917], %mul3A_914 {strides = array<i32>} : memref<64x512xf32, #tpu.memory_space<vmem>>, vector<16xf32>,
      %get3A_919 = arith.constant 14 : i32
      %get3A_920 = arith.index_cast %get3A_919 : i32 to index
      %get3A_921 = arith.index_cast %mul3A_373 : i32 to index
      %get3A_922 = tpu.vector_load %arg9[%get3A_920, %get3A_921] {strides = array<i32>} : memref<64x512xf32, #tpu.memory_space<vmem>>, vector<16xf32>,
      %mul3A_923 = arith.mulf %get3A_922, %mul3A_793 : vector<16xf32>
      %swap3A_924 = arith.constant 14 : i32
      %swap3A_925 = arith.index_cast %swap3A_924 : i32 to index
      %swap3A_926 = arith.index_cast %mul3A_373 : i32 to index
      %swap3A_927 = tpu.vector_load %arg9[%swap3A_925, %swap3A_926] {strides = array<i32>} : memref<64x512xf32, #tpu.memory_space<vmem>>, vector<16xf32>,
      tpu.vector_store %arg9[%swap3A_925, %swap3A_926], %mul3A_923 {strides = array<i32>} : memref<64x512xf32, #tpu.memory_space<vmem>>, vector<16xf32>,
      %get3A_928 = arith.constant 15 : i32
      %get3A_929 = arith.index_cast %get3A_928 : i32 to index
      %get3A_930 = arith.index_cast %mul3A_373 : i32 to index
      %get3A_931 = tpu.vector_load %arg9[%get3A_929, %get3A_930] {strides = array<i32>} : memref<64x512xf32, #tpu.memory_space<vmem>>, vector<16xf32>,
      %mul3A_932 = arith.mulf %get3A_931, %mul3A_793 : vector<16xf32>
      %swap3A_933 = arith.constant 15 : i32
      %swap3A_934 = arith.index_cast %swap3A_933 : i32 to index
      %swap3A_935 = arith.index_cast %mul3A_373 : i32 to index
      %swap3A_936 = tpu.vector_load %arg9[%swap3A_934, %swap3A_935] {strides = array<i32>} : memref<64x512xf32, #tpu.memory_space<vmem>>, vector<16xf32>,
      tpu.vector_store %arg9[%swap3A_934, %swap3A_935], %mul3A_932 {strides = array<i32>} : memref<64x512xf32, #tpu.memory_space<vmem>>, vector<16xf32>,
      %get3A_937 = arith.constant 16 : i32
      %get3A_938 = arith.index_cast %get3A_937 : i32 to index
      %get3A_939 = arith.index_cast %mul3A_373 : i32 to index
      %get3A_940 = tpu.vector_load %arg9[%get3A_938, %get3A_939] {strides = array<i32>} : memref<64x512xf32, #tpu.memory_space<vmem>>, vector<16xf32>,
      %mul3A_941 = arith.mulf %get3A_940, %mul3A_793 : vector<16xf32>
      %swap3A_942 = arith.constant 16 : i32
      %swap3A_943 = arith.index_cast %swap3A_942 : i32 to index
      %swap3A_944 = arith.index_cast %mul3A_373 : i32 to index
      %swap3A_945 = tpu.vector_load %arg9[%swap3A_943, %swap3A_944] {strides = array<i32>} : memref<64x512xf32, #tpu.memory_space<vmem>>, vector<16xf32>,
      tpu.vector_store %arg9[%swap3A_943, %swap3A_944], %mul3A_941 {strides = array<i32>} : memref<64x512xf32, #tpu.memory_space<vmem>>, vector<16xf32>,
      %get3A_946 = arith.constant 17 : i32
      %get3A_947 = arith.index_cast %get3A_946 : i32 to index
      %get3A_948 = arith.index_cast %mul3A_373 : i32 to index
      %get3A_949 = tpu.vector_load %arg9[%get3A_947, %get3A_948] {strides = array<i32>} : memref<64x512xf32, #tpu.memory_space<vmem>>, vector<16xf32>,
      %mul3A_950 = arith.mulf %get3A_949, %mul3A_793 : vector<16xf32>
      %swap3A_951 = arith.constant 17 : i32
      %swap3A_952 = arith.index_cast %swap3A_951 : i32 to index
      %swap3A_953 = arith.index_cast %mul3A_373 : i32 to index
      %swap3A_954 = tpu.vector_load %arg9[%swap3A_952, %swap3A_953] {strides = array<i32>} : memref<64x512xf32, #tpu.memory_space<vmem>>, vector<16xf32>,
      tpu.vector_store %arg9[%swap3A_952, %swap3A_953], %mul3A_950 {strides = array<i32>} : memref<64x512xf32, #tpu.memory_space<vmem>>, vector<16xf32>,
      %get3A_955 = arith.constant 18 : i32
      %get3A_956 = arith.index_cast %get3A_955 : i32 to index
      %get3A_957 = arith.index_cast %mul3A_373 : i32 to index
      %get3A_958 = tpu.vector_load %arg9[%get3A_956, %get3A_957] {strides = array<i32>} : memref<64x512xf32, #tpu.memory_space<vmem>>, vector<16xf32>,
      %mul3A_959 = arith.mulf %get3A_958, %mul3A_793 : vector<16xf32>
      %swap3A_960 = arith.constant 18 : i32
      %swap3A_961 = arith.index_cast %swap3A_960 : i32 to index
      %swap3A_962 = arith.index_cast %mul3A_373 : i32 to index
      %swap3A_963 = tpu.vector_load %arg9[%swap3A_961, %swap3A_962] {strides = array<i32>} : memref<64x512xf32, #tpu.memory_space<vmem>>, vector<16xf32>,
      tpu.vector_store %arg9[%swap3A_961, %swap3A_962], %mul3A_959 {strides = array<i32>} : memref<64x512xf32, #tpu.memory_space<vmem>>, vector<16xf32>,
      %get3A_964 = arith.constant 19 : i32
      %get3A_965 = arith.index_cast %get3A_964 : i32 to index
      %get3A_966 = arith.index_cast %mul3A_373 : i32 to index
      %get3A_967 = tpu.vector_load %arg9[%get3A_965, %get3A_966] {strides = array<i32>} : memref<64x512xf32, #tpu.memory_space<vmem>>, vector<16xf32>,
      %mul3A_968 = arith.mulf %get3A_967, %mul3A_793 : vector<16xf32>
      %swap3A_969 = arith.constant 19 : i32
      %swap3A_970 = arith.index_cast %swap3A_969 : i32 to index
      %swap3A_971 = arith.index_cast %mul3A_373 : i32 to index
      %swap3A_972 = tpu.vector_load %arg9[%swap3A_970, %swap3A_971] {strides = array<i32>} : memref<64x512xf32, #tpu.memory_space<vmem>>, vector<16xf32>,
      tpu.vector_store %arg9[%swap3A_970, %swap3A_971], %mul3A_968 {strides = array<i32>} : memref<64x512xf32, #tpu.memory_space<vmem>>, vector<16xf32>,
      %get3A_973 = arith.constant 20 : i32
      %get3A_974 = arith.index_cast %get3A_973 : i32 to index
      %get3A_975 = arith.index_cast %mul3A_373 : i32 to index
      %get3A_976 = tpu.vector_load %arg9[%get3A_974, %get3A_975] {strides = array<i32>} : memref<64x512xf32, #tpu.memory_space<vmem>>, vector<16xf32>,
      %mul3A_977 = arith.mulf %get3A_976, %mul3A_793 : vector<16xf32>
      %swap3A_978 = arith.constant 20 : i32
      %swap3A_979 = arith.index_cast %swap3A_978 : i32 to index
      %swap3A_980 = arith.index_cast %mul3A_373 : i32 to index
      %swap3A_981 = tpu.vector_load %arg9[%swap3A_979, %swap3A_980] {strides = array<i32>} : memref<64x512xf32, #tpu.memory_space<vmem>>, vector<16xf32>,
      tpu.vector_store %arg9[%swap3A_979, %swap3A_980], %mul3A_977 {strides = array<i32>} : memref<64x512xf32, #tpu.memory_space<vmem>>, vector<16xf32>,
      %get3A_982 = arith.constant 21 : i32
      %get3A_983 = arith.index_cast %get3A_982 : i32 to index
      %get3A_984 = arith.index_cast %mul3A_373 : i32 to index
      %get3A_985 = tpu.vector_load %arg9[%get3A_983, %get3A_984] {strides = array<i32>} : memref<64x512xf32, #tpu.memory_space<vmem>>, vector<16xf32>,
      %mul3A_986 = arith.mulf %get3A_985, %mul3A_793 : vector<16xf32>
      %swap3A_987 = arith.constant 21 : i32
      %swap3A_988 = arith.index_cast %swap3A_987 : i32 to index
      %swap3A_989 = arith.index_cast %mul3A_373 : i32 to index
      %swap3A_990 = tpu.vector_load %arg9[%swap3A_988, %swap3A_989] {strides = array<i32>} : memref<64x512xf32, #tpu.memory_space<vmem>>, vector<16xf32>,
      tpu.vector_store %arg9[%swap3A_988, %swap3A_989], %mul3A_986 {strides = array<i32>} : memref<64x512xf32, #tpu.memory_space<vmem>>, vector<16xf32>,
      %get3A_991 = arith.constant 22 : i32
      %get3A_992 = arith.index_cast %get3A_991 : i32 to index
      %get3A_993 = arith.index_cast %mul3A_373 : i32 to index
      %get3A_994 = tpu.vector_load %arg9[%get3A_992, %get3A_993] {strides = array<i32>} : memref<64x512xf32, #tpu.memory_space<vmem>>, vector<16xf32>,
      %mul3A_995 = arith.mulf %get3A_994, %mul3A_793 : vector<16xf32>
      %swap3A_996 = arith.constant 22 : i32
      %swap3A_997 = arith.index_cast %swap3A_996 : i32 to index
      %swap3A_998 = arith.index_cast %mul3A_373 : i32 to index
      %swap3A_999 = tpu.vector_load %arg9[%swap3A_997, %swap3A_998] {strides = array<i32>} : memref<64x512xf32, #tpu.memory_space<vmem>>, vector<16xf32>,
      tpu.vector_store %arg9[%swap3A_997, %swap3A_998], %mul3A_995 {strides = array<i32>} : memref<64x512xf32, #tpu.memory_space<vmem>>, vector<16xf32>,
      %get3A_1000 = arith.constant 23 : i32
      %get3A_1001 = arith.index_cast %get3A_1000 : i32 to index
      %get3A_1002 = arith.index_cast %mul3A_373 : i32 to index
      %get3A_1003 = tpu.vector_load %arg9[%get3A_1001, %get3A_1002] {strides = array<i32>} : memref<64x512xf32, #tpu.memory_space<vmem>>, vector<16xf32>,
      %mul3A_1004 = arith.mulf %get3A_1003, %mul3A_793 : vector<16xf32>
      %swap3A_1005 = arith.constant 23 : i32
      %swap3A_1006 = arith.index_cast %swap3A_1005 : i32 to index
      %swap3A_1007 = arith.index_cast %mul3A_373 : i32 to index
      %swap3A_1008 = tpu.vector_load %arg9[%swap3A_1006, %swap3A_1007] {strides = array<i32>} : memref<64x512xf32, #tpu.memory_space<vmem>>, vector<16xf32>,
      tpu.vector_store %arg9[%swap3A_1006, %swap3A_1007], %mul3A_1004 {strides = array<i32>} : memref<64x512xf32, #tpu.memory_space<vmem>>, vector<16xf32>,
      %get3A_1009 = arith.constant 24 : i32
      %get3A_1010 = arith.index_cast %get3A_1009 : i32 to index
      %get3A_1011 = arith.index_cast %mul3A_373 : i32 to index
      %get3A_1012 = tpu.vector_load %arg9[%get3A_1010, %get3A_1011] {strides = array<i32>} : memref<64x512xf32, #tpu.memory_space<vmem>>, vector<16xf32>,
      %mul3A_1013 = arith.mulf %get3A_1012, %mul3A_793 : vector<16xf32>
      %swap3A_1014 = arith.constant 24 : i32
      %swap3A_1015 = arith.index_cast %swap3A_1014 : i32 to index
      %swap3A_1016 = arith.index_cast %mul3A_373 : i32 to index
      %swap3A_1017 = tpu.vector_load %arg9[%swap3A_1015, %swap3A_1016] {strides = array<i32>} : memref<64x512xf32, #tpu.memory_space<vmem>>, vector<16xf32>,
      tpu.vector_store %arg9[%swap3A_1015, %swap3A_1016], %mul3A_1013 {strides = array<i32>} : memref<64x512xf32, #tpu.memory_space<vmem>>, vector<16xf32>,
      %get3A_1018 = arith.constant 25 : i32
      %get3A_1019 = arith.index_cast %get3A_1018 : i32 to index
      %get3A_1020 = arith.index_cast %mul3A_373 : i32 to index
      %get3A_1021 = tpu.vector_load %arg9[%get3A_1019, %get3A_1020] {strides = array<i32>} : memref<64x512xf32, #tpu.memory_space<vmem>>, vector<16xf32>,
      %mul3A_1022 = arith.mulf %get3A_1021, %mul3A_793 : vector<16xf32>
      %swap3A_1023 = arith.constant 25 : i32
      %swap3A_1024 = arith.index_cast %swap3A_1023 : i32 to index
      %swap3A_1025 = arith.index_cast %mul3A_373 : i32 to index
      %swap3A_1026 = tpu.vector_load %arg9[%swap3A_1024, %swap3A_1025] {strides = array<i32>} : memref<64x512xf32, #tpu.memory_space<vmem>>, vector<16xf32>,
      tpu.vector_store %arg9[%swap3A_1024, %swap3A_1025], %mul3A_1022 {strides = array<i32>} : memref<64x512xf32, #tpu.memory_space<vmem>>, vector<16xf32>,
      %get3A_1027 = arith.constant 26 : i32
      %get3A_1028 = arith.index_cast %get3A_1027 : i32 to index
      %get3A_1029 = arith.index_cast %mul3A_373 : i32 to index
      %get3A_1030 = tpu.vector_load %arg9[%get3A_1028, %get3A_1029] {strides = array<i32>} : memref<64x512xf32, #tpu.memory_space<vmem>>, vector<16xf32>,
      %mul3A_1031 = arith.mulf %get3A_1030, %mul3A_793 : vector<16xf32>
      %swap3A_1032 = arith.constant 26 : i32
      %swap3A_1033 = arith.index_cast %swap3A_1032 : i32 to index
      %swap3A_1034 = arith.index_cast %mul3A_373 : i32 to index
      %swap3A_1035 = tpu.vector_load %arg9[%swap3A_1033, %swap3A_1034] {strides = array<i32>} : memref<64x512xf32, #tpu.memory_space<vmem>>, vector<16xf32>,
      tpu.vector_store %arg9[%swap3A_1033, %swap3A_1034], %mul3A_1031 {strides = array<i32>} : memref<64x512xf32, #tpu.memory_space<vmem>>, vector<16xf32>,
      %get3A_1036 = arith.constant 27 : i32
      %get3A_1037 = arith.index_cast %get3A_1036 : i32 to index
      %get3A_1038 = arith.index_cast %mul3A_373 : i32 to index
      %get3A_1039 = tpu.vector_load %arg9[%get3A_1037, %get3A_1038] {strides = array<i32>} : memref<64x512xf32, #tpu.memory_space<vmem>>, vector<16xf32>,
      %mul3A_1040 = arith.mulf %get3A_1039, %mul3A_793 : vector<16xf32>
      %swap3A_1041 = arith.constant 27 : i32
      %swap3A_1042 = arith.index_cast %swap3A_1041 : i32 to index
      %swap3A_1043 = arith.index_cast %mul3A_373 : i32 to index
      %swap3A_1044 = tpu.vector_load %arg9[%swap3A_1042, %swap3A_1043] {strides = array<i32>} : memref<64x512xf32, #tpu.memory_space<vmem>>, vector<16xf32>,
      tpu.vector_store %arg9[%swap3A_1042, %swap3A_1043], %mul3A_1040 {strides = array<i32>} : memref<64x512xf32, #tpu.memory_space<vmem>>, vector<16xf32>,
      %get3A_1045 = arith.constant 28 : i32
      %get3A_1046 = arith.index_cast %get3A_1045 : i32 to index
      %get3A_1047 = arith.index_cast %mul3A_373 : i32 to index
      %get3A_1048 = tpu.vector_load %arg9[%get3A_1046, %get3A_1047] {strides = array<i32>} : memref<64x512xf32, #tpu.memory_space<vmem>>, vector<16xf32>,
      %mul3A_1049 = arith.mulf %get3A_1048, %mul3A_793 : vector<16xf32>
      %swap3A_1050 = arith.constant 28 : i32
      %swap3A_1051 = arith.index_cast %swap3A_1050 : i32 to index
      %swap3A_1052 = arith.index_cast %mul3A_373 : i32 to index
      %swap3A_1053 = tpu.vector_load %arg9[%swap3A_1051, %swap3A_1052] {strides = array<i32>} : memref<64x512xf32, #tpu.memory_space<vmem>>, vector<16xf32>,
      tpu.vector_store %arg9[%swap3A_1051, %swap3A_1052], %mul3A_1049 {strides = array<i32>} : memref<64x512xf32, #tpu.memory_space<vmem>>, vector<16xf32>,
      %get3A_1054 = arith.constant 29 : i32
      %get3A_1055 = arith.index_cast %get3A_1054 : i32 to index
      %get3A_1056 = arith.index_cast %mul3A_373 : i32 to index
      %get3A_1057 = tpu.vector_load %arg9[%get3A_1055, %get3A_1056] {strides = array<i32>} : memref<64x512xf32, #tpu.memory_space<vmem>>, vector<16xf32>,
      %mul3A_1058 = arith.mulf %get3A_1057, %mul3A_793 : vector<16xf32>
      %swap3A_1059 = arith.constant 29 : i32
      %swap3A_1060 = arith.index_cast %swap3A_1059 : i32 to index
      %swap3A_1061 = arith.index_cast %mul3A_373 : i32 to index
      %swap3A_1062 = tpu.vector_load %arg9[%swap3A_1060, %swap3A_1061] {strides = array<i32>} : memref<64x512xf32, #tpu.memory_space<vmem>>, vector<16xf32>,
      tpu.vector_store %arg9[%swap3A_1060, %swap3A_1061], %mul3A_1058 {strides = array<i32>} : memref<64x512xf32, #tpu.memory_space<vmem>>, vector<16xf32>,
      %get3A_1063 = arith.constant 30 : i32
      %get3A_1064 = arith.index_cast %get3A_1063 : i32 to index
      %get3A_1065 = arith.index_cast %mul3A_373 : i32 to index
      %get3A_1066 = tpu.vector_load %arg9[%get3A_1064, %get3A_1065] {strides = array<i32>} : memref<64x512xf32, #tpu.memory_space<vmem>>, vector<16xf32>,
      %mul3A_1067 = arith.mulf %get3A_1066, %mul3A_793 : vector<16xf32>
      %swap3A_1068 = arith.constant 30 : i32
      %swap3A_1069 = arith.index_cast %swap3A_1068 : i32 to index
      %swap3A_1070 = arith.index_cast %mul3A_373 : i32 to index
      %swap3A_1071 = tpu.vector_load %arg9[%swap3A_1069, %swap3A_1070] {strides = array<i32>} : memref<64x512xf32, #tpu.memory_space<vmem>>, vector<16xf32>,
      tpu.vector_store %arg9[%swap3A_1069, %swap3A_1070], %mul3A_1067 {strides = array<i32>} : memref<64x512xf32, #tpu.memory_space<vmem>>, vector<16xf32>,
      %get3A_1072 = arith.constant 31 : i32
      %get3A_1073 = arith.index_cast %get3A_1072 : i32 to index
      %get3A_1074 = arith.index_cast %mul3A_373 : i32 to index
      %get3A_1075 = tpu.vector_load %arg9[%get3A_1073, %get3A_1074] {strides = array<i32>} : memref<64x512xf32, #tpu.memory_space<vmem>>, vector<16xf32>,
      %mul3A_1076 = arith.mulf %get3A_1075, %mul3A_793 : vector<16xf32>
      %swap3A_1077 = arith.constant 31 : i32
      %swap3A_1078 = arith.index_cast %swap3A_1077 : i32 to index
      %swap3A_1079 = arith.index_cast %mul3A_373 : i32 to index
      %swap3A_1080 = tpu.vector_load %arg9[%swap3A_1078, %swap3A_1079] {strides = array<i32>} : memref<64x512xf32, #tpu.memory_space<vmem>>, vector<16xf32>,
      tpu.vector_store %arg9[%swap3A_1078, %swap3A_1079], %mul3A_1076 {strides = array<i32>} : memref<64x512xf32, #tpu.memory_space<vmem>>, vector<16xf32>,
      %get3A_1081 = arith.constant 32 : i32
      %get3A_1082 = arith.index_cast %get3A_1081 : i32 to index
      %get3A_1083 = arith.index_cast %mul3A_373 : i32 to index
      %get3A_1084 = tpu.vector_load %arg9[%get3A_1082, %get3A_1083] {strides = array<i32>} : memref<64x512xf32, #tpu.memory_space<vmem>>, vector<16xf32>,
      %mul3A_1085 = arith.mulf %get3A_1084, %mul3A_793 : vector<16xf32>
      %swap3A_1086 = arith.constant 32 : i32
      %swap3A_1087 = arith.index_cast %swap3A_1086 : i32 to index
      %swap3A_1088 = arith.index_cast %mul3A_373 : i32 to index
      %swap3A_1089 = tpu.vector_load %arg9[%swap3A_1087, %swap3A_1088] {strides = array<i32>} : memref<64x512xf32, #tpu.memory_space<vmem>>, vector<16xf32>,
      tpu.vector_store %arg9[%swap3A_1087, %swap3A_1088], %mul3A_1085 {strides = array<i32>} : memref<64x512xf32, #tpu.memory_space<vmem>>, vector<16xf32>,
      %get3A_1090 = arith.constant 33 : i32
      %get3A_1091 = arith.index_cast %get3A_1090 : i32 to index
      %get3A_1092 = arith.index_cast %mul3A_373 : i32 to index
      %get3A_1093 = tpu.vector_load %arg9[%get3A_1091, %get3A_1092] {strides = array<i32>} : memref<64x512xf32, #tpu.memory_space<vmem>>, vector<16xf32>,
      %mul3A_1094 = arith.mulf %get3A_1093, %mul3A_793 : vector<16xf32>
      %swap3A_1095 = arith.constant 33 : i32
      %swap3A_1096 = arith.index_cast %swap3A_1095 : i32 to index
      %swap3A_1097 = arith.index_cast %mul3A_373 : i32 to index
      %swap3A_1098 = tpu.vector_load %arg9[%swap3A_1096, %swap3A_1097] {strides = array<i32>} : memref<64x512xf32, #tpu.memory_space<vmem>>, vector<16xf32>,
      tpu.vector_store %arg9[%swap3A_1096, %swap3A_1097], %mul3A_1094 {strides = array<i32>} : memref<64x512xf32, #tpu.memory_space<vmem>>, vector<16xf32>,
      %get3A_1099 = arith.constant 34 : i32
      %get3A_1100 = arith.index_cast %get3A_1099 : i32 to index
      %get3A_1101 = arith.index_cast %mul3A_373 : i32 to index
      %get3A_1102 = tpu.vector_load %arg9[%get3A_1100, %get3A_1101] {strides = array<i32>} : memref<64x512xf32, #tpu.memory_space<vmem>>, vector<16xf32>,
      %mul3A_1103 = arith.mulf %get3A_1102, %mul3A_793 : vector<16xf32>
      %swap3A_1104 = arith.constant 34 : i32
      %swap3A_1105 = arith.index_cast %swap3A_1104 : i32 to index
      %swap3A_1106 = arith.index_cast %mul3A_373 : i32 to index
      %swap3A_1107 = tpu.vector_load %arg9[%swap3A_1105, %swap3A_1106] {strides = array<i32>} : memref<64x512xf32, #tpu.memory_space<vmem>>, vector<16xf32>,
      tpu.vector_store %arg9[%swap3A_1105, %swap3A_1106], %mul3A_1103 {strides = array<i32>} : memref<64x512xf32, #tpu.memory_space<vmem>>, vector<16xf32>,
      %get3A_1108 = arith.constant 35 : i32
      %get3A_1109 = arith.index_cast %get3A_1108 : i32 to index
      %get3A_1110 = arith.index_cast %mul3A_373 : i32 to index
      %get3A_1111 = tpu.vector_load %arg9[%get3A_1109, %get3A_1110] {strides = array<i32>} : memref<64x512xf32, #tpu.memory_space<vmem>>, vector<16xf32>,
      %mul3A_1112 = arith.mulf %get3A_1111, %mul3A_793 : vector<16xf32>
      %swap3A_1113 = arith.constant 35 : i32
      %swap3A_1114 = arith.index_cast %swap3A_1113 : i32 to index
      %swap3A_1115 = arith.index_cast %mul3A_373 : i32 to index
      %swap3A_1116 = tpu.vector_load %arg9[%swap3A_1114, %swap3A_1115] {strides = array<i32>} : memref<64x512xf32, #tpu.memory_space<vmem>>, vector<16xf32>,
      tpu.vector_store %arg9[%swap3A_1114, %swap3A_1115], %mul3A_1112 {strides = array<i32>} : memref<64x512xf32, #tpu.memory_space<vmem>>, vector<16xf32>,
      %get3A_1117 = arith.constant 36 : i32
      %get3A_1118 = arith.index_cast %get3A_1117 : i32 to index
      %get3A_1119 = arith.index_cast %mul3A_373 : i32 to index
      %get3A_1120 = tpu.vector_load %arg9[%get3A_1118, %get3A_1119] {strides = array<i32>} : memref<64x512xf32, #tpu.memory_space<vmem>>, vector<16xf32>,
      %mul3A_1121 = arith.mulf %get3A_1120, %mul3A_793 : vector<16xf32>
      %swap3A_1122 = arith.constant 36 : i32
      %swap3A_1123 = arith.index_cast %swap3A_1122 : i32 to index
      %swap3A_1124 = arith.index_cast %mul3A_373 : i32 to index
      %swap3A_1125 = tpu.vector_load %arg9[%swap3A_1123, %swap3A_1124] {strides = array<i32>} : memref<64x512xf32, #tpu.memory_space<vmem>>, vector<16xf32>,
      tpu.vector_store %arg9[%swap3A_1123, %swap3A_1124], %mul3A_1121 {strides = array<i32>} : memref<64x512xf32, #tpu.memory_space<vmem>>, vector<16xf32>,
      %get3A_1126 = arith.constant 37 : i32
      %get3A_1127 = arith.index_cast %get3A_1126 : i32 to index
      %get3A_1128 = arith.index_cast %mul3A_373 : i32 to index
      %get3A_1129 = tpu.vector_load %arg9[%get3A_1127, %get3A_1128] {strides = array<i32>} : memref<64x512xf32, #tpu.memory_space<vmem>>, vector<16xf32>,
      %mul3A_1130 = arith.mulf %get3A_1129, %mul3A_793 : vector<16xf32>
      %swap3A_1131 = arith.constant 37 : i32
      %swap3A_1132 = arith.index_cast %swap3A_1131 : i32 to index
      %swap3A_1133 = arith.index_cast %mul3A_373 : i32 to index
      %swap3A_1134 = tpu.vector_load %arg9[%swap3A_1132, %swap3A_1133] {strides = array<i32>} : memref<64x512xf32, #tpu.memory_space<vmem>>, vector<16xf32>,
      tpu.vector_store %arg9[%swap3A_1132, %swap3A_1133], %mul3A_1130 {strides = array<i32>} : memref<64x512xf32, #tpu.memory_space<vmem>>, vector<16xf32>,
      %get3A_1135 = arith.constant 38 : i32
      %get3A_1136 = arith.index_cast %get3A_1135 : i32 to index
      %get3A_1137 = arith.index_cast %mul3A_373 : i32 to index
      %get3A_1138 = tpu.vector_load %arg9[%get3A_1136, %get3A_1137] {strides = array<i32>} : memref<64x512xf32, #tpu.memory_space<vmem>>, vector<16xf32>,
      %mul3A_1139 = arith.mulf %get3A_1138, %mul3A_793 : vector<16xf32>
      %swap3A_1140 = arith.constant 38 : i32
      %swap3A_1141 = arith.index_cast %swap3A_1140 : i32 to index
      %swap3A_1142 = arith.index_cast %mul3A_373 : i32 to index
      %swap3A_1143 = tpu.vector_load %arg9[%swap3A_1141, %swap3A_1142] {strides = array<i32>} : memref<64x512xf32, #tpu.memory_space<vmem>>, vector<16xf32>,
      tpu.vector_store %arg9[%swap3A_1141, %swap3A_1142], %mul3A_1139 {strides = array<i32>} : memref<64x512xf32, #tpu.memory_space<vmem>>, vector<16xf32>,
      %get3A_1144 = arith.constant 39 : i32
      %get3A_1145 = arith.index_cast %get3A_1144 : i32 to index
      %get3A_1146 = arith.index_cast %mul3A_373 : i32 to index
      %get3A_1147 = tpu.vector_load %arg9[%get3A_1145, %get3A_1146] {strides = array<i32>} : memref<64x512xf32, #tpu.memory_space<vmem>>, vector<16xf32>,
      %mul3A_1148 = arith.mulf %get3A_1147, %mul3A_793 : vector<16xf32>
      %swap3A_1149 = arith.constant 39 : i32
      %swap3A_1150 = arith.index_cast %swap3A_1149 : i32 to index
      %swap3A_1151 = arith.index_cast %mul3A_373 : i32 to index
      %swap3A_1152 = tpu.vector_load %arg9[%swap3A_1150, %swap3A_1151] {strides = array<i32>} : memref<64x512xf32, #tpu.memory_space<vmem>>, vector<16xf32>,
      tpu.vector_store %arg9[%swap3A_1150, %swap3A_1151], %mul3A_1148 {strides = array<i32>} : memref<64x512xf32, #tpu.memory_space<vmem>>, vector<16xf32>,
      %get3A_1153 = arith.constant 40 : i32
      %get3A_1154 = arith.index_cast %get3A_1153 : i32 to index
      %get3A_1155 = arith.index_cast %mul3A_373 : i32 to index
      %get3A_1156 = tpu.vector_load %arg9[%get3A_1154, %get3A_1155] {strides = array<i32>} : memref<64x512xf32, #tpu.memory_space<vmem>>, vector<16xf32>,
      %mul3A_1157 = arith.mulf %get3A_1156, %mul3A_793 : vector<16xf32>
      %swap3A_1158 = arith.constant 40 : i32
      %swap3A_1159 = arith.index_cast %swap3A_1158 : i32 to index
      %swap3A_1160 = arith.index_cast %mul3A_373 : i32 to index
      %swap3A_1161 = tpu.vector_load %arg9[%swap3A_1159, %swap3A_1160] {strides = array<i32>} : memref<64x512xf32, #tpu.memory_space<vmem>>, vector<16xf32>,
      tpu.vector_store %arg9[%swap3A_1159, %swap3A_1160], %mul3A_1157 {strides = array<i32>} : memref<64x512xf32, #tpu.memory_space<vmem>>, vector<16xf32>,
      %get3A_1162 = arith.constant 41 : i32
      %get3A_1163 = arith.index_cast %get3A_1162 : i32 to index
      %get3A_1164 = arith.index_cast %mul3A_373 : i32 to index
      %get3A_1165 = tpu.vector_load %arg9[%get3A_1163, %get3A_1164] {strides = array<i32>} : memref<64x512xf32, #tpu.memory_space<vmem>>, vector<16xf32>,
      %mul3A_1166 = arith.mulf %get3A_1165, %mul3A_793 : vector<16xf32>
      %swap3A_1167 = arith.constant 41 : i32
      %swap3A_1168 = arith.index_cast %swap3A_1167 : i32 to index
      %swap3A_1169 = arith.index_cast %mul3A_373 : i32 to index
      %swap3A_1170 = tpu.vector_load %arg9[%swap3A_1168, %swap3A_1169] {strides = array<i32>} : memref<64x512xf32, #tpu.memory_space<vmem>>, vector<16xf32>,
      tpu.vector_store %arg9[%swap3A_1168, %swap3A_1169], %mul3A_1166 {strides = array<i32>} : memref<64x512xf32, #tpu.memory_space<vmem>>, vector<16xf32>,
      %get3A_1171 = arith.constant 42 : i32
      %get3A_1172 = arith.index_cast %get3A_1171 : i32 to index
      %get3A_1173 = arith.index_cast %mul3A_373 : i32 to index
      %get3A_1174 = tpu.vector_load %arg9[%get3A_1172, %get3A_1173] {strides = array<i32>} : memref<64x512xf32, #tpu.memory_space<vmem>>, vector<16xf32>,
      %mul3A_1175 = arith.mulf %get3A_1174, %mul3A_793 : vector<16xf32>
      %swap3A_1176 = arith.constant 42 : i32
      %swap3A_1177 = arith.index_cast %swap3A_1176 : i32 to index
      %swap3A_1178 = arith.index_cast %mul3A_373 : i32 to index
      %swap3A_1179 = tpu.vector_load %arg9[%swap3A_1177, %swap3A_1178] {strides = array<i32>} : memref<64x512xf32, #tpu.memory_space<vmem>>, vector<16xf32>,
      tpu.vector_store %arg9[%swap3A_1177, %swap3A_1178], %mul3A_1175 {strides = array<i32>} : memref<64x512xf32, #tpu.memory_space<vmem>>, vector<16xf32>,
      %get3A_1180 = arith.constant 43 : i32
      %get3A_1181 = arith.index_cast %get3A_1180 : i32 to index
      %get3A_1182 = arith.index_cast %mul3A_373 : i32 to index
      %get3A_1183 = tpu.vector_load %arg9[%get3A_1181, %get3A_1182] {strides = array<i32>} : memref<64x512xf32, #tpu.memory_space<vmem>>, vector<16xf32>,
      %mul3A_1184 = arith.mulf %get3A_1183, %mul3A_793 : vector<16xf32>
      %swap3A_1185 = arith.constant 43 : i32
      %swap3A_1186 = arith.index_cast %swap3A_1185 : i32 to index
      %swap3A_1187 = arith.index_cast %mul3A_373 : i32 to index
      %swap3A_1188 = tpu.vector_load %arg9[%swap3A_1186, %swap3A_1187] {strides = array<i32>} : memref<64x512xf32, #tpu.memory_space<vmem>>, vector<16xf32>,
      tpu.vector_store %arg9[%swap3A_1186, %swap3A_1187], %mul3A_1184 {strides = array<i32>} : memref<64x512xf32, #tpu.memory_space<vmem>>, vector<16xf32>,
      %get3A_1189 = arith.constant 44 : i32
      %get3A_1190 = arith.index_cast %get3A_1189 : i32 to index
      %get3A_1191 = arith.index_cast %mul3A_373 : i32 to index
      %get3A_1192 = tpu.vector_load %arg9[%get3A_1190, %get3A_1191] {strides = array<i32>} : memref<64x512xf32, #tpu.memory_space<vmem>>, vector<16xf32>,
      %mul3A_1193 = arith.mulf %get3A_1192, %mul3A_793 : vector<16xf32>
      %swap3A_1194 = arith.constant 44 : i32
      %swap3A_1195 = arith.index_cast %swap3A_1194 : i32 to index
      %swap3A_1196 = arith.index_cast %mul3A_373 : i32 to index
      %swap3A_1197 = tpu.vector_load %arg9[%swap3A_1195, %swap3A_1196] {strides = array<i32>} : memref<64x512xf32, #tpu.memory_space<vmem>>, vector<16xf32>,
      tpu.vector_store %arg9[%swap3A_1195, %swap3A_1196], %mul3A_1193 {strides = array<i32>} : memref<64x512xf32, #tpu.memory_space<vmem>>, vector<16xf32>,
      %get3A_1198 = arith.constant 45 : i32
      %get3A_1199 = arith.index_cast %get3A_1198 : i32 to index
      %get3A_1200 = arith.index_cast %mul3A_373 : i32 to index
      %get3A_1201 = tpu.vector_load %arg9[%get3A_1199, %get3A_1200] {strides = array<i32>} : memref<64x512xf32, #tpu.memory_space<vmem>>, vector<16xf32>,
      %mul3A_1202 = arith.mulf %get3A_1201, %mul3A_793 : vector<16xf32>
      %swap3A_1203 = arith.constant 45 : i32
      %swap3A_1204 = arith.index_cast %swap3A_1203 : i32 to index
      %swap3A_1205 = arith.index_cast %mul3A_373 : i32 to index
      %swap3A_1206 = tpu.vector_load %arg9[%swap3A_1204, %swap3A_1205] {strides = array<i32>} : memref<64x512xf32, #tpu.memory_space<vmem>>, vector<16xf32>,
      tpu.vector_store %arg9[%swap3A_1204, %swap3A_1205], %mul3A_1202 {strides = array<i32>} : memref<64x512xf32, #tpu.memory_space<vmem>>, vector<16xf32>,
      %get3A_1207 = arith.constant 46 : i32
      %get3A_1208 = arith.index_cast %get3A_1207 : i32 to index
      %get3A_1209 = arith.index_cast %mul3A_373 : i32 to index
      %get3A_1210 = tpu.vector_load %arg9[%get3A_1208, %get3A_1209] {strides = array<i32>} : memref<64x512xf32, #tpu.memory_space<vmem>>, vector<16xf32>,
      %mul3A_1211 = arith.mulf %get3A_1210, %mul3A_793 : vector<16xf32>
      %swap3A_1212 = arith.constant 46 : i32
      %swap3A_1213 = arith.index_cast %swap3A_1212 : i32 to index
      %swap3A_1214 = arith.index_cast %mul3A_373 : i32 to index
      %swap3A_1215 = tpu.vector_load %arg9[%swap3A_1213, %swap3A_1214] {strides = array<i32>} : memref<64x512xf32, #tpu.memory_space<vmem>>, vector<16xf32>,
      tpu.vector_store %arg9[%swap3A_1213, %swap3A_1214], %mul3A_1211 {strides = array<i32>} : memref<64x512xf32, #tpu.memory_space<vmem>>, vector<16xf32>,
      %get3A_1216 = arith.constant 47 : i32
      %get3A_1217 = arith.index_cast %get3A_1216 : i32 to index
      %get3A_1218 = arith.index_cast %mul3A_373 : i32 to index
      %get3A_1219 = tpu.vector_load %arg9[%get3A_1217, %get3A_1218] {strides = array<i32>} : memref<64x512xf32, #tpu.memory_space<vmem>>, vector<16xf32>,
      %mul3A_1220 = arith.mulf %get3A_1219, %mul3A_793 : vector<16xf32>
      %swap3A_1221 = arith.constant 47 : i32
      %swap3A_1222 = arith.index_cast %swap3A_1221 : i32 to index
      %swap3A_1223 = arith.index_cast %mul3A_373 : i32 to index
      %swap3A_1224 = tpu.vector_load %arg9[%swap3A_1222, %swap3A_1223] {strides = array<i32>} : memref<64x512xf32, #tpu.memory_space<vmem>>, vector<16xf32>,
      tpu.vector_store %arg9[%swap3A_1222, %swap3A_1223], %mul3A_1220 {strides = array<i32>} : memref<64x512xf32, #tpu.memory_space<vmem>>, vector<16xf32>,
      %get3A_1225 = arith.constant 48 : i32
      %get3A_1226 = arith.index_cast %get3A_1225 : i32 to index
      %get3A_1227 = arith.index_cast %mul3A_373 : i32 to index
      %get3A_1228 = tpu.vector_load %arg9[%get3A_1226, %get3A_1227] {strides = array<i32>} : memref<64x512xf32, #tpu.memory_space<vmem>>, vector<16xf32>,
      %mul3A_1229 = arith.mulf %get3A_1228, %mul3A_793 : vector<16xf32>
      %swap3A_1230 = arith.constant 48 : i32
      %swap3A_1231 = arith.index_cast %swap3A_1230 : i32 to index
      %swap3A_1232 = arith.index_cast %mul3A_373 : i32 to index
      %swap3A_1233 = tpu.vector_load %arg9[%swap3A_1231, %swap3A_1232] {strides = array<i32>} : memref<64x512xf32, #tpu.memory_space<vmem>>, vector<16xf32>,
      tpu.vector_store %arg9[%swap3A_1231, %swap3A_1232], %mul3A_1229 {strides = array<i32>} : memref<64x512xf32, #tpu.memory_space<vmem>>, vector<16xf32>,
      %get3A_1234 = arith.constant 49 : i32
      %get3A_1235 = arith.index_cast %get3A_1234 : i32 to index
      %get3A_1236 = arith.index_cast %mul3A_373 : i32 to index
      %get3A_1237 = tpu.vector_load %arg9[%get3A_1235, %get3A_1236] {strides = array<i32>} : memref<64x512xf32, #tpu.memory_space<vmem>>, vector<16xf32>,
      %mul3A_1238 = arith.mulf %get3A_1237, %mul3A_793 : vector<16xf32>
      %swap3A_1239 = arith.constant 49 : i32
      %swap3A_1240 = arith.index_cast %swap3A_1239 : i32 to index
      %swap3A_1241 = arith.index_cast %mul3A_373 : i32 to index
      %swap3A_1242 = tpu.vector_load %arg9[%swap3A_1240, %swap3A_1241] {strides = array<i32>} : memref<64x512xf32, #tpu.memory_space<vmem>>, vector<16xf32>,
      tpu.vector_store %arg9[%swap3A_1240, %swap3A_1241], %mul3A_1238 {strides = array<i32>} : memref<64x512xf32, #tpu.memory_space<vmem>>, vector<16xf32>,
      %get3A_1243 = arith.constant 50 : i32
      %get3A_1244 = arith.index_cast %get3A_1243 : i32 to index
      %get3A_1245 = arith.index_cast %mul3A_373 : i32 to index
      %get3A_1246 = tpu.vector_load %arg9[%get3A_1244, %get3A_1245] {strides = array<i32>} : memref<64x512xf32, #tpu.memory_space<vmem>>, vector<16xf32>,
      %mul3A_1247 = arith.mulf %get3A_1246, %mul3A_793 : vector<16xf32>
      %swap3A_1248 = arith.constant 50 : i32
      %swap3A_1249 = arith.index_cast %swap3A_1248 : i32 to index
      %swap3A_1250 = arith.index_cast %mul3A_373 : i32 to index
      %swap3A_1251 = tpu.vector_load %arg9[%swap3A_1249, %swap3A_1250] {strides = array<i32>} : memref<64x512xf32, #tpu.memory_space<vmem>>, vector<16xf32>,
      tpu.vector_store %arg9[%swap3A_1249, %swap3A_1250], %mul3A_1247 {strides = array<i32>} : memref<64x512xf32, #tpu.memory_space<vmem>>, vector<16xf32>,
      %get3A_1252 = arith.constant 51 : i32
      %get3A_1253 = arith.index_cast %get3A_1252 : i32 to index
      %get3A_1254 = arith.index_cast %mul3A_373 : i32 to index
      %get3A_1255 = tpu.vector_load %arg9[%get3A_1253, %get3A_1254] {strides = array<i32>} : memref<64x512xf32, #tpu.memory_space<vmem>>, vector<16xf32>,
      %mul3A_1256 = arith.mulf %get3A_1255, %mul3A_793 : vector<16xf32>
      %swap3A_1257 = arith.constant 51 : i32
      %swap3A_1258 = arith.index_cast %swap3A_1257 : i32 to index
      %swap3A_1259 = arith.index_cast %mul3A_373 : i32 to index
      %swap3A_1260 = tpu.vector_load %arg9[%swap3A_1258, %swap3A_1259] {strides = array<i32>} : memref<64x512xf32, #tpu.memory_space<vmem>>, vector<16xf32>,
      tpu.vector_store %arg9[%swap3A_1258, %swap3A_1259], %mul3A_1256 {strides = array<i32>} : memref<64x512xf32, #tpu.memory_space<vmem>>, vector<16xf32>,
      %get3A_1261 = arith.constant 52 : i32
      %get3A_1262 = arith.index_cast %get3A_1261 : i32 to index
      %get3A_1263 = arith.index_cast %mul3A_373 : i32 to index
      %get3A_1264 = tpu.vector_load %arg9[%get3A_1262, %get3A_1263] {strides = array<i32>} : memref<64x512xf32, #tpu.memory_space<vmem>>, vector<16xf32>,
      %mul3A_1265 = arith.mulf %get3A_1264, %mul3A_793 : vector<16xf32>
      %swap3A_1266 = arith.constant 52 : i32
      %swap3A_1267 = arith.index_cast %swap3A_1266 : i32 to index
      %swap3A_1268 = arith.index_cast %mul3A_373 : i32 to index
      %swap3A_1269 = tpu.vector_load %arg9[%swap3A_1267, %swap3A_1268] {strides = array<i32>} : memref<64x512xf32, #tpu.memory_space<vmem>>, vector<16xf32>,
      tpu.vector_store %arg9[%swap3A_1267, %swap3A_1268], %mul3A_1265 {strides = array<i32>} : memref<64x512xf32, #tpu.memory_space<vmem>>, vector<16xf32>,
      %get3A_1270 = arith.constant 53 : i32
      %get3A_1271 = arith.index_cast %get3A_1270 : i32 to index
      %get3A_1272 = arith.index_cast %mul3A_373 : i32 to index
      %get3A_1273 = tpu.vector_load %arg9[%get3A_1271, %get3A_1272] {strides = array<i32>} : memref<64x512xf32, #tpu.memory_space<vmem>>, vector<16xf32>,
      %mul3A_1274 = arith.mulf %get3A_1273, %mul3A_793 : vector<16xf32>
      %swap3A_1275 = arith.constant 53 : i32
      %swap3A_1276 = arith.index_cast %swap3A_1275 : i32 to index
      %swap3A_1277 = arith.index_cast %mul3A_373 : i32 to index
      %swap3A_1278 = tpu.vector_load %arg9[%swap3A_1276, %swap3A_1277] {strides = array<i32>} : memref<64x512xf32, #tpu.memory_space<vmem>>, vector<16xf32>,
      tpu.vector_store %arg9[%swap3A_1276, %swap3A_1277], %mul3A_1274 {strides = array<i32>} : memref<64x512xf32, #tpu.memory_space<vmem>>, vector<16xf32>,
      %get3A_1279 = arith.constant 54 : i32
      %get3A_1280 = arith.index_cast %get3A_1279 : i32 to index
      %get3A_1281 = arith.index_cast %mul3A_373 : i32 to index
      %get3A_1282 = tpu.vector_load %arg9[%get3A_1280, %get3A_1281] {strides = array<i32>} : memref<64x512xf32, #tpu.memory_space<vmem>>, vector<16xf32>,
      %mul3A_1283 = arith.mulf %get3A_1282, %mul3A_793 : vector<16xf32>
      %swap3A_1284 = arith.constant 54 : i32
      %swap3A_1285 = arith.index_cast %swap3A_1284 : i32 to index
      %swap3A_1286 = arith.index_cast %mul3A_373 : i32 to index
      %swap3A_1287 = tpu.vector_load %arg9[%swap3A_1285, %swap3A_1286] {strides = array<i32>} : memref<64x512xf32, #tpu.memory_space<vmem>>, vector<16xf32>,
      tpu.vector_store %arg9[%swap3A_1285, %swap3A_1286], %mul3A_1283 {strides = array<i32>} : memref<64x512xf32, #tpu.memory_space<vmem>>, vector<16xf32>,
      %get3A_1288 = arith.constant 55 : i32
      %get3A_1289 = arith.index_cast %get3A_1288 : i32 to index
      %get3A_1290 = arith.index_cast %mul3A_373 : i32 to index
      %get3A_1291 = tpu.vector_load %arg9[%get3A_1289, %get3A_1290] {strides = array<i32>} : memref<64x512xf32, #tpu.memory_space<vmem>>, vector<16xf32>,
      %mul3A_1292 = arith.mulf %get3A_1291, %mul3A_793 : vector<16xf32>
      %swap3A_1293 = arith.constant 55 : i32
      %swap3A_1294 = arith.index_cast %swap3A_1293 : i32 to index
      %swap3A_1295 = arith.index_cast %mul3A_373 : i32 to index
      %swap3A_1296 = tpu.vector_load %arg9[%swap3A_1294, %swap3A_1295] {strides = array<i32>} : memref<64x512xf32, #tpu.memory_space<vmem>>, vector<16xf32>,
      tpu.vector_store %arg9[%swap3A_1294, %swap3A_1295], %mul3A_1292 {strides = array<i32>} : memref<64x512xf32, #tpu.memory_space<vmem>>, vector<16xf32>,
      %get3A_1297 = arith.constant 56 : i32
      %get3A_1298 = arith.index_cast %get3A_1297 : i32 to index
      %get3A_1299 = arith.index_cast %mul3A_373 : i32 to index
      %get3A_1300 = tpu.vector_load %arg9[%get3A_1298, %get3A_1299] {strides = array<i32>} : memref<64x512xf32, #tpu.memory_space<vmem>>, vector<16xf32>,
      %mul3A_1301 = arith.mulf %get3A_1300, %mul3A_793 : vector<16xf32>
      %swap3A_1302 = arith.constant 56 : i32
      %swap3A_1303 = arith.index_cast %swap3A_1302 : i32 to index
      %swap3A_1304 = arith.index_cast %mul3A_373 : i32 to index
      %swap3A_1305 = tpu.vector_load %arg9[%swap3A_1303, %swap3A_1304] {strides = array<i32>} : memref<64x512xf32, #tpu.memory_space<vmem>>, vector<16xf32>,
      tpu.vector_store %arg9[%swap3A_1303, %swap3A_1304], %mul3A_1301 {strides = array<i32>} : memref<64x512xf32, #tpu.memory_space<vmem>>, vector<16xf32>,
      %get3A_1306 = arith.constant 57 : i32
      %get3A_1307 = arith.index_cast %get3A_1306 : i32 to index
      %get3A_1308 = arith.index_cast %mul3A_373 : i32 to index
      %get3A_1309 = tpu.vector_load %arg9[%get3A_1307, %get3A_1308] {strides = array<i32>} : memref<64x512xf32, #tpu.memory_space<vmem>>, vector<16xf32>,
      %mul3A_1310 = arith.mulf %get3A_1309, %mul3A_793 : vector<16xf32>
      %swap3A_1311 = arith.constant 57 : i32
      %swap3A_1312 = arith.index_cast %swap3A_1311 : i32 to index
      %swap3A_1313 = arith.index_cast %mul3A_373 : i32 to index
      %swap3A_1314 = tpu.vector_load %arg9[%swap3A_1312, %swap3A_1313] {strides = array<i32>} : memref<64x512xf32, #tpu.memory_space<vmem>>, vector<16xf32>,
      tpu.vector_store %arg9[%swap3A_1312, %swap3A_1313], %mul3A_1310 {strides = array<i32>} : memref<64x512xf32, #tpu.memory_space<vmem>>, vector<16xf32>,
      %get3A_1315 = arith.constant 58 : i32
      %get3A_1316 = arith.index_cast %get3A_1315 : i32 to index
      %get3A_1317 = arith.index_cast %mul3A_373 : i32 to index
      %get3A_1318 = tpu.vector_load %arg9[%get3A_1316, %get3A_1317] {strides = array<i32>} : memref<64x512xf32, #tpu.memory_space<vmem>>, vector<16xf32>,
      %mul3A_1319 = arith.mulf %get3A_1318, %mul3A_793 : vector<16xf32>
      %swap3A_1320 = arith.constant 58 : i32
      %swap3A_1321 = arith.index_cast %swap3A_1320 : i32 to index
      %swap3A_1322 = arith.index_cast %mul3A_373 : i32 to index
      %swap3A_1323 = tpu.vector_load %arg9[%swap3A_1321, %swap3A_1322] {strides = array<i32>} : memref<64x512xf32, #tpu.memory_space<vmem>>, vector<16xf32>,
      tpu.vector_store %arg9[%swap3A_1321, %swap3A_1322], %mul3A_1319 {strides = array<i32>} : memref<64x512xf32, #tpu.memory_space<vmem>>, vector<16xf32>,
      %get3A_1324 = arith.constant 59 : i32
      %get3A_1325 = arith.index_cast %get3A_1324 : i32 to index
      %get3A_1326 = arith.index_cast %mul3A_373 : i32 to index
      %get3A_1327 = tpu.vector_load %arg9[%get3A_1325, %get3A_1326] {strides = array<i32>} : memref<64x512xf32, #tpu.memory_space<vmem>>, vector<16xf32>,
      %mul3A_1328 = arith.mulf %get3A_1327, %mul3A_793 : vector<16xf32>
      %swap3A_1329 = arith.constant 59 : i32
      %swap3A_1330 = arith.index_cast %swap3A_1329 : i32 to index
      %swap3A_1331 = arith.index_cast %mul3A_373 : i32 to index
      %swap3A_1332 = tpu.vector_load %arg9[%swap3A_1330, %swap3A_1331] {strides = array<i32>} : memref<64x512xf32, #tpu.memory_space<vmem>>, vector<16xf32>,
      tpu.vector_store %arg9[%swap3A_1330, %swap3A_1331], %mul3A_1328 {strides = array<i32>} : memref<64x512xf32, #tpu.memory_space<vmem>>, vector<16xf32>,
      %get3A_1333 = arith.constant 60 : i32
      %get3A_1334 = arith.index_cast %get3A_1333 : i32 to index
      %get3A_1335 = arith.index_cast %mul3A_373 : i32 to index
      %get3A_1336 = tpu.vector_load %arg9[%get3A_1334, %get3A_1335] {strides = array<i32>} : memref<64x512xf32, #tpu.memory_space<vmem>>, vector<16xf32>,
      %mul3A_1337 = arith.mulf %get3A_1336, %mul3A_793 : vector<16xf32>
      %swap3A_1338 = arith.constant 60 : i32
      %swap3A_1339 = arith.index_cast %swap3A_1338 : i32 to index
      %swap3A_1340 = arith.index_cast %mul3A_373 : i32 to index
      %swap3A_1341 = tpu.vector_load %arg9[%swap3A_1339, %swap3A_1340] {strides = array<i32>} : memref<64x512xf32, #tpu.memory_space<vmem>>, vector<16xf32>,
      tpu.vector_store %arg9[%swap3A_1339, %swap3A_1340], %mul3A_1337 {strides = array<i32>} : memref<64x512xf32, #tpu.memory_space<vmem>>, vector<16xf32>,
      %get3A_1342 = arith.constant 61 : i32
      %get3A_1343 = arith.index_cast %get3A_1342 : i32 to index
      %get3A_1344 = arith.index_cast %mul3A_373 : i32 to index
      %get3A_1345 = tpu.vector_load %arg9[%get3A_1343, %get3A_1344] {strides = array<i32>} : memref<64x512xf32, #tpu.memory_space<vmem>>, vector<16xf32>,
      %mul3A_1346 = arith.mulf %get3A_1345, %mul3A_793 : vector<16xf32>
      %swap3A_1347 = arith.constant 61 : i32
      %swap3A_1348 = arith.index_cast %swap3A_1347 : i32 to index
      %swap3A_1349 = arith.index_cast %mul3A_373 : i32 to index
      %swap3A_1350 = tpu.vector_load %arg9[%swap3A_1348, %swap3A_1349] {strides = array<i32>} : memref<64x512xf32, #tpu.memory_space<vmem>>, vector<16xf32>,
      tpu.vector_store %arg9[%swap3A_1348, %swap3A_1349], %mul3A_1346 {strides = array<i32>} : memref<64x512xf32, #tpu.memory_space<vmem>>, vector<16xf32>,
      %get3A_1351 = arith.constant 62 : i32
      %get3A_1352 = arith.index_cast %get3A_1351 : i32 to index
      %get3A_1353 = arith.index_cast %mul3A_373 : i32 to index
      %get3A_1354 = tpu.vector_load %arg9[%get3A_1352, %get3A_1353] {strides = array<i32>} : memref<64x512xf32, #tpu.memory_space<vmem>>, vector<16xf32>,
      %mul3A_1355 = arith.mulf %get3A_1354, %mul3A_793 : vector<16xf32>
      %swap3A_1356 = arith.constant 62 : i32
      %swap3A_1357 = arith.index_cast %swap3A_1356 : i32 to index
      %swap3A_1358 = arith.index_cast %mul3A_373 : i32 to index
      %swap3A_1359 = tpu.vector_load %arg9[%swap3A_1357, %swap3A_1358] {strides = array<i32>} : memref<64x512xf32, #tpu.memory_space<vmem>>, vector<16xf32>,
      tpu.vector_store %arg9[%swap3A_1357, %swap3A_1358], %mul3A_1355 {strides = array<i32>} : memref<64x512xf32, #tpu.memory_space<vmem>>, vector<16xf32>,
      %get3A_1360 = arith.constant 63 : i32
      %get3A_1361 = arith.index_cast %get3A_1360 : i32 to index
      %get3A_1362 = arith.index_cast %mul3A_373 : i32 to index
      %get3A_1363 = tpu.vector_load %arg9[%get3A_1361, %get3A_1362] {strides = array<i32>} : memref<64x512xf32, #tpu.memory_space<vmem>>, vector<16xf32>,
      %mul3A_1364 = arith.mulf %get3A_1363, %mul3A_793 : vector<16xf32>
      %swap3A_1365 = arith.constant 63 : i32
      %swap3A_1366 = arith.index_cast %swap3A_1365 : i32 to index
      %swap3A_1367 = arith.index_cast %mul3A_373 : i32 to index
      %swap3A_1368 = tpu.vector_load %arg9[%swap3A_1366, %swap3A_1367] {strides = array<i32>} : memref<64x512xf32, #tpu.memory_space<vmem>>, vector<16xf32>,
      tpu.vector_store %arg9[%swap3A_1366, %swap3A_1367], %mul3A_1364 {strides = array<i32>} : memref<64x512xf32, #tpu.memory_space<vmem>>, vector<16xf32>,
    }
    %scan3A_370 = arith.constant 32 : i32
    "tpu.region"() ({
      %run_scoped3A = tpu.sem_alloc : memref<!tpu.dma_semaphore, #tpu.memory_space<semaphore_mem>>
      %dma_start3A_371 = arith.constant 0 : i32
      %dma_start3A_372 = tpu.memref_slice %arg5[%dma_start3A_371, %mul3A_2] : memref<64x16384xf32, #tpu.memory_space<hbm>> -> memref<64x512xf32, #tpu.memory_space<hbm>>
      %dma_start3A_373 = arith.constant 0 : i32
      %dma_start3A_374 = tpu.memref_slice %arg5[%dma_start3A_373, %mul3A_2] : memref<64x16384xf32, #tpu.memory_space<hbm>> -> memref<64x512xf32, #tpu.memory_space<hbm>>
      tpu.enqueue_dma source(%arg9 : memref<64x512xf32, #tpu.memory_space<vmem>>) target(%dma_start3A_374 : memref<64x512xf32, #tpu.memory_space<hbm>>) target_semaphore(%run_scoped3A : memref<!tpu.dma_semaphore, #tpu.memory_space<semaphore_mem>>)
      %dma_wait3A = arith.constant 0 : i32
      %dma_wait3A_375 = tpu.memref_slice %arg5[%dma_wait3A, %mul3A_2] : memref<64x16384xf32, #tpu.memory_space<hbm>> -> memref<64x512xf32, #tpu.memory_space<hbm>>
      %dma_wait3A_376 = arith.constant 0 : i32
      %dma_wait3A_377 = tpu.memref_slice %arg5[%dma_wait3A_376, %mul3A_2] : memref<64x16384xf32, #tpu.memory_space<hbm>> -> memref<64x512xf32, #tpu.memory_space<hbm>>
      tpu.wait_dma2 semaphore(%run_scoped3A : memref<!tpu.dma_semaphore, #tpu.memory_space<semaphore_mem>>) src(%arg9 : memref<64x512xf32, #tpu.memory_space<vmem>>) dst(%dma_wait3A_377 : memref<64x512xf32, #tpu.memory_space<hbm>>)
      tpu.yield
    }) : () -> ()
    return
  }
}

</mosaic_0001>

<sc_bundles>
// kernel: kernel.3.cloned.1.call-start
scs
__scs_entry_jumppad:
0x0: {  	(pc) =	sbr.rel $0x88, $3  }
0x1: {  	(tag) =	ssettag $0x0;
	lr =	simm.s32 $0x1  }
0x2: {  	[smem:$0x3F9F] =	sst lr;
	_ =	strace $0xD0000000  }
0x3: {  	_ = 	snop  }
0x4: {  	_ = 	snop  }
0x5: {  	_ = 	snop  }
0x6: {  	_ = 	snop  }
0x7: {  	_ = 	snop  }
__scs_overlays_trampoline_lowered:
0x8: {  	[smem:$0x3FAE] =	sst s0  }
0x9: {  	[smem:$0x3FAF] =	sst s1  }
0xa: {  	[smem:$0x3FB0] =	sst s2  }
0xb: {  	[smem:$0x3FB1] =	sst s3  }
0xc: {  	[smem:$0x3FB2] =	sst s4  }
0xd: {  	[smem:$0x3FB3] =	sst s5  }
0xe: {  	[smem:$0x3FB4] =	sst s6  }
0xf: {  	[smem:$0x3FB5] =	sst s7  }
0x10: {  	[smem:$0x3FB6] =	sst s8  }
0x11: {  	[smem:$0x3FB7] =	sst s9;
	s0 =	simm.s32 @!p0 $0x0  }
0x12: {  	s1 =	sld [smem:$0x3F9D];
	s0 =	simm.s32 @p0 $0x1  }
0x13: {  	[smem:$0x3FB8] =	sst s0;
	s0 =	simm.s32 @!p1 $0x0  }
0x14: {  	s2 =	sld [smem:$0x3F9C];
	s0 =	simm.s32 @p1 $0x1  }
0x15: {  	[smem:$0x3FB9] =	sst s0;
	s0 =	simm.s32 @!p2 $0x0  }
0x16: {  	s3 =	sld [smem:$0x3FDB];
	s0 =	simm.s32 @p2 $0x1  }
0x17: {  	s4 =	simm.s32 $0x1BF5;
	[smem:$0x3FBB] =	sst s0  }
0x18: {  	s0 =	sld [smem:$0x3F9E];
	_ =	swait.ge [sflag:s4], $0x0  }
0x19: {  	s7 =	sld [smem:$0x3F9F]  }
0x1a: {  	s8 =	sadd.s32 $0xFFFFE003, lr  }
0x1b: {  	s9 =	sadd.s32 $0xFFFFFEF7, lr;
	s5 =	simm.s32 $0xFFFFFFFF;
	p2 =	slt.u32 s8, $0xFFFFF086  }
0x1c: {  	p1 =	slt.u32 s9, $0xF7A;
	s5 =	simm.s32 @!p2 $0x0  }
0x1d: {  	s5 =	simm.s32 @p1 $0x1;
	p0 =	seq.s32 s7, s2  }
0x1e: {  	s7 =	smul.u32 @!p0 $0xF7A, s2;
	p2 =	seq.s32 @!p0 s5, $0x0  }
0x1f: {  	s9 =	smul.u32 $0xF7A, s1;
	s8 =	simm.s32 @!p0 $0x1BF5;
	p2 =	por !p2, p0  }
0x20: {  	[sflag:s8] =	ssyncset.s32 @!p0 $0xFFFFF086;
	s6 =	sadd.s32 @!p0 s3, s7;
	s7 =	simm.s32 @!p0 $0x108  }
0x21: {  	s3 =	sadd.s32 s3, s9;
	s6 =	sadd.s32 @!p0 $0x88, s6;
	s7 =	simm.s32 @p2 $0x1082  }
0x22: {  	[simem:s7], [sflag:s8] =	dma.local @!p0 [hbm:s6], $0xF7A  }
0x23: {  	s9 =	sor.u32 $0xD0000000, s2;
	s6 =	simm.s32 $0x108;
	_ =	swait.ge @!p0 [sflag:s8], $0x0  }
0x24: {  	s3 =	sadd.s32 $0x88, s3;
	s6 =	simm.s32 @!p1 $0x1082;
	[sflag:s4] =	ssyncset.s32 $0xFFFFF086  }
0x25: {  	[simem:s6], [sflag:s4] =	dma.local [hbm:s3], $0xF7A  }
0x26: {  	[smem:$0x3F9F] =	sst s1;
	(tag) =	ssettag s2;
	_ =	strace s9  }
0x27: {  	s1 =	sld [smem:$0x3FAF]  }
0x28: {  	s2 =	sld [smem:$0x3FB0]  }
0x29: {  	s4 =	sld [smem:$0x3FB2]  }
0x2a: {  	p0 =	seq.s32 s5, $0x0;
	s5 =	sld [smem:$0x3FB3]  }
0x2b: {  	s6 =	sld [smem:$0x3FB4]  }
0x2c: {  	s7 =	sld [smem:$0x3FB5]  }
0x2d: {  	s3 =	simm.s32 $0x108;
	s8 =	sld [smem:$0x3FB6]  }
0x2e: {  	s3 =	simm.s32 @!p0 $0x1082;
	s9 =	sld [smem:$0x3FB7]  }
0x2f: {  	lr =	sadd.s32 s0, s3;
	s0 =	sld [smem:$0x3FAE]  }
0x30: {  	s3 =	sld [smem:$0x3FB1]  }
0x31: {  	[smem:$0x3FBA] =	sst s10  }
0x32: {  	s10 =	sld [smem:$0x3FB8];
	_ =	sdelay $0x3  }
0x33: {  	p0 =	seq.s32 s10, $0x1;
	s10 =	sld [smem:$0x3FBA];
	_ =	sdelay $0x3  }
0x34: {  	[smem:$0x3FBA] =	sst s10  }
0x35: {  	s10 =	sld [smem:$0x3FB9];
	_ =	sdelay $0x3  }
0x36: {  	p1 =	seq.s32 s10, $0x1;
	s10 =	sld [smem:$0x3FBA];
	_ =	sdelay $0x3  }
0x37: {  	[smem:$0x3FBA] =	sst s10  }
0x38: {  	s10 =	sld [smem:$0x3FBB]  }
0x39: {  	_ = 	snop;
	(pc) =	sbr.ind lr, $3  }
0x3a: {  	_ = 	snop  }
0x3b: {  	_ = 	snop  }
0x3c: {  	p2 =	seq.s32 s10, $0x1;
	s10 =	sld [smem:$0x3FBA]  }
0x3d: {  	_ =	shalt  }
0x3e: {  	_ =	shalt  }
0x3f: {  	_ =	shalt  }
0x40: {  	_ =	shalt  }
0x41: {  	_ =	shalt  }
0x42: {  	_ =	shalt  }
0x43: {  	_ =	shalt  }
0x44: {  	_ =	shalt  }
0x45: {  	_ =	shalt  }
0x46: {  	_ =	shalt  }
0x47: {  	_ =	shalt  }
0x48: {  	_ =	shalt  }
0x49: {  	_ =	shalt  }
0x4a: {  	_ =	shalt  }
0x4b: {  	_ =	shalt  }
0x4c: {  	_ =	shalt  }
0x4d: {  	_ =	shalt  }
0x4e: {  	_ =	shalt  }
0x4f: {  	_ =	shalt  }
0x50: {  	_ =	shalt  }
0x51: {  	_ =	shalt  }
0x52: {  	_ =	shalt  }
0x53: {  	_ =	shalt  }
0x54: {  	_ =	shalt  }
0x55: {  	_ =	shalt  }
0x56: {  	_ =	shalt  }
0x57: {  	_ =	shalt  }
0x58: {  	_ =	shalt  }
0x59: {  	_ =	shalt  }
0x5a: {  	_ =	shalt  }
0x5b: {  	_ =	shalt  }
0x5c: {  	_ =	shalt  }
0x5d: {  	_ =	shalt  }
0x5e: {  	_ =	shalt  }
0x5f: {  	_ =	shalt  }
0x60: {  	_ =	shalt  }
0x61: {  	_ =	shalt  }
0x62: {  	_ =	shalt  }
0x63: {  	_ =	shalt  }
0x64: {  	_ =	shalt  }
0x65: {  	_ =	shalt  }
0x66: {  	_ =	shalt  }
0x67: {  	_ =	shalt  }
0x68: {  	_ =	shalt  }
0x69: {  	_ =	shalt  }
0x6a: {  	_ =	shalt  }
0x6b: {  	_ =	shalt  }
0x6c: {  	_ =	shalt  }
0x6d: {  	_ =	shalt  }
0x6e: {  	_ =	shalt  }
0x6f: {  	_ =	shalt  }
0x70: {  	_ =	shalt  }
0x71: {  	_ =	shalt  }
0x72: {  	_ =	shalt  }
0x73: {  	_ =	shalt  }
0x74: {  	_ =	shalt  }
0x75: {  	_ =	shalt  }
0x76: {  	_ =	shalt  }
0x77: {  	_ =	shalt  }
0x78: {  	_ =	shalt  }
0x79: {  	_ =	shalt  }
0x7a: {  	_ =	shalt  }
0x7b: {  	_ =	shalt  }
0x7c: {  	_ =	shalt  }
0x7d: {  	_ =	shalt  }
0x7e: {  	_ =	shalt  }
0x7f: {  	_ =	shalt  }
0x80: {  	_ =	shalt  }
0x81: {  	_ =	shalt  }
0x82: {  	_ =	shalt  }
0x83: {  	_ =	shalt  }
0x84: {  	_ =	shalt  }
0x85: {  	_ =	shalt  }
0x86: {  	_ =	shalt  }
0x87: {  	_ =	shalt  }
.Lfunc_end0:
.L_simem_size_0:
called_computation_lowered:
.L_overlay_start_0:
0x88: {  	s2 =	sld [smem:$0x3FD9]  }
0x89: {  	s3 =	sld [smem:$0x3FFE];
	_ =	sdelay $0x1  }
0x8a: {  	s1 =	srdreg.scid  }
0x8b: {  	s0 =	sand.u32 $0x1, s1  }
0x8c: {  	s17 =	sshll.u32 s0, $0xA;
	s2 =	sadd.s32 s3, s2  }
0x8d: {  	s2 =	sadd.s32 s2, s17  }
0x8e: {  	[smem:$0x3FC6] =	sst s2  }
0x8f: {  	_ = 	snop  }
0x90: {  	s2 =	sld [smem:$0x3FC9]  }
0x91: {  	s18 =	sld [smem:$0x3FC8]  }
0x92: {  	s4 =	sld [smem:$0x3FD0];
	(tm) =	ssettm $0x1  }
0x93: {  	s5 =	sld [smem:$0x3FFB];
	_ =	sdelay $0x3  }
0x94: {  	_ =	strace s5  }
0x95: {  	s5 =	sld [smem:$0x3FFC];
	_ =	sdelay $0x3  }
0x96: {  	_ =	strace s5  }
0x97: {  	s5 =	sld [smem:$0x3FFD];
	_ =	sdelay $0x3  }
0x98: {  	_ =	strace s5  }
0x99: {  	_ =	strace $0x8FFFFFFF  }
0x9a: {  	s19 =	sld [smem:$0x3FDB];
	_ =	sdelay $0x1  }
0x9b: {  	s6 =	simm.s32 $_scs_section_size  }
0x9c: {  	s7 =	simm.s32 $_size__tile_overlayer_lowered;
	s8 =	simm.s32 $_tile_overlayer_lowered  }
0x9d: {  	s22 =	simm.s32 $0x1BFF;
	s21 =	sshll.u32 s8, $0x1;
	s5 =	sadd.s32 s6, s19  }
0x9e: {  	s9 =	simm.s32 $0x0;
	s20 =	sshll.u32 s7, $0x1;
	s7 =	sadd.s32 s21, s5  }
0x9f: {  	[timem:s9], [sflag:s22] =	dma.local [hbm:s7], s20  }
0xa0: {  	_ =	swait.ge [sflag:s22], s20  }
0xa1: {  	s6 =	ssub.s32 $0x0, s20;
	[sflag:s22] =	ssyncset.done $0x0  }
0xa2: {  	[sflag:s22] =	ssyncadd.s32 s6;
	_ =	sdelay $0x1  }
0xa3: {  	s23 =	simm.s32 $0x1B8B  }
0xa4: {  	_ =	swait.ge [sflag:s23], $0x1  }
0xa5: {  	[sflag:s23] =	ssyncset.done $0x0  }
0xa6: {  	s25 =	simm.s32 $0x1B8E;
	s24 =	sld [smem:$0x3FFE];
	[sflag:s23] =	ssyncadd.s32 $0xFFFFFFFF  }
0xa7: {  	s26 =	simm.s32 $execute0_lowered;
	[smem:$0x3FD2] =	sst s25  }
0xa8: {  	s7 =	sshll.u32 s26, $0x1;
	_ =	strace $0x80000046;
	[dreg:$0x1] =	wrdreg $0xFFFFFFFF  }
0xa9: {  	s28 =	simm.s32 $_size_execute0_lowered;
	s5 =	sadd.s32 s5, s7;
	[dreg:$0x0] =	wrdreg $0x0  }
0xaa: {  	s7 =	sshll.u32 s28, $0x1;
	[dreg:$0x2] =	wrdreg s5  }
0xab: {  	[dreg:$0x3] =	wrdreg s7  }
0xac: {  	[dreg:$0x4] =	wrdreg $0xC0  }
0xad: {  	_ =	task [dreg:s9], $0x5FFFF  }
0xae: {  	[dreg:$0x1] =	wrdreg $0xFFFFFFFF  }
0xaf: {  	[dreg:$0x0] =	wrdreg $0x60  }
0xb0: {  	[dreg:$0x2] =	wrdreg s2  }
0xb1: {  	[dreg:$0x3] =	wrdreg s18  }
0xb2: {  	[dreg:$0x4] =	wrdreg s24  }
0xb3: {  	[dreg:$0x5] =	wrdreg s4  }
0xb4: {  	[dreg:$0x6] =	wrdreg $0x9  }
0xb5: {  	_ =	task.clear_ibuf [dreg:s9], $0x7FFFF;
	_ =	strace $0x90000046  }
0xb6: {  	s29 =	simm.s32 $0x9;
	_ =	strace $0x80000048  }
0xb7: {  	_ =	swait.ge [sflag:s29], $0x1  }
0xb8: {  	[sflag:s29] =	ssyncadd.s32 $0xFFFFFFFF  }
0xb9: {  	_ =	strace $0x90000048  }
0xba: {  	_ =	sfence  }
0xbb: {  	s30 =	sld [smem:$0x0];
	_ =	sdelay $0x2  }
0xbc: {  	s31 =	sshll.u32 s1, $0xD;
	s1 =	sshrl.u32 s1, $0x2  }
0xbd: {  	s3 =	sand.u32 $0x4000, s31;
	s1 =	sadd.s32 s1, s30  }
0xbe: {  	s0 =	sor.u32 s3, s0;
	s1 =	sshll.u32 s1, $0x11  }
0xbf: {  	s0 =	sor.u32 s1, s0  }
0xc0: {  	s0 =	sadd.s32 $0x8F2B, s0  }
0xc1: {  	[sflag:s0] =	ssyncadd.remote.s32 $0x1  }
0xc2: {  	_ =	sfence.sel $0xFFFF  }
0xc3: {  	[dreg:$0x0] =	wrdreg $0xFFFFFFFF;
	(pc) =	sbr.abs _section_cstart, $3  }
0xc4: {  	[dreg:$0x1] =	wrdreg $0xFFFFFFFF  }
0xc5: {  	_ =	task.clear_ibuf [dreg:s9], $0x2FFFF;
	_ =	strace $0x9FFFFFFF  }
0xc6: {  	(tm) =	ssettm $0x7FFFFFFF  }
0xc7: {  	_ =	shalt  }
tec
execute0_lowered:
.L_overlay_start_1:
0x0: {  	(tag) =	ssettag $0x1  }
0x1: {  	v0 =	vimm.s32 $0x1380;
	vm14 =	vcmask $0x300;
	vm13 =	vcmask $0x704  }
0x2: {  	vm12 =	vcmask $0xB08;
	vm11 =	vcmask $0xF0C;
	vm10 =	vcmask $0x1310  }
0x3: {  	vm9 =	vcmask $0x1714;
	vm8 =	vcmask $0x1B18;
	vm7 =	vcmask $0x1F1C  }
0x4: {  	vm6 =	vcmask $0x2320;
	vm5 =	vcmask $0x2724;
	vm4 =	vcmask $0x2B28  }
0x5: {  	vm3 =	vcmask $0x2F2C;
	v1 =	vlaneseq.u32;
	vm2 =	vcmask $0x3330  }
0x6: {  	vm1 =	vcmask $0x3734;
	vm0 =	vcmask $0x3B38;
	v3 =	vimm.s32 $0x3380  }
0x7: {  	v4 =	vimm.s32 $0x5380;
	v5 =	vimm.s32 $0x7380;
	v0 =	vsel vm14, $0x0, v0  }
0x8: {  	v3 =	vsel vm14, $0x2000, v3;
	v4 =	vsel vm14, $0x4000, v4;
	v5 =	vsel vm14, $0x6000, v5  }
0x9: {  	v0 =	vsel vm13, $0x80, v0;
	v3 =	vsel vm13, $0x2080, v3;
	v4 =	vsel vm13, $0x4080, v4  }
0xa: {  	v5 =	vsel vm13, $0x6080, v5;
	v0 =	vsel vm12, $0x100, v0;
	v3 =	vsel vm12, $0x2100, v3  }
0xb: {  	s1 =	rddreg [dreg:$0x0];
	v4 =	vsel vm12, $0x4100, v4;
	v5 =	vsel vm12, $0x6100, v5;
	v0 =	vsel vm11, $0x180, v0  }
0xc: {  	s0 =	rddreg [dreg:$0x1];
	v3 =	vsel vm11, $0x2180, v3;
	v4 =	vsel vm11, $0x4180, v4;
	v5 =	vsel vm11, $0x6180, v5  }
0xd: {  	s2 =	rddreg [dreg:$0x2];
	v0 =	vsel vm10, $0x200, v0;
	v3 =	vsel vm10, $0x2200, v3;
	v4 =	vsel vm10, $0x4200, v4  }
0xe: {  	s3 =	rddreg [dreg:$0x3];
	s5 =	simm.s32 $0x0;
	v5 =	vsel vm10, $0x6200, v5;
	v0 =	vsel vm9, $0x280, v0;
	v3 =	vsel vm9, $0x2280, v3  }
0xf: {  	s4 =	srdreg.scid;
	s6 =	stileid.u32;
	s12 =	simm.s32 $0x7A1400;
	v4 =	vsel vm9, $0x4280, v4;
	v5 =	vsel vm9, $0x6280, v5;
	v0 =	vsel vm8, $0x300, v0  }
0x10: {  	s10 =	simm.s32 $0x400;
	s13 =	simm.s32 $0x280;
	s14 =	simm.s32 $0x2280;
	v3 =	vsel vm8, $0x2300, v3;
	v4 =	vsel vm8, $0x4300, v4;
	v5 =	vsel vm8, $0x6300, v5  }
0x11: {  	s15 =	simm.s32 $0x4280;
	s16 =	simm.s32 $0x6280;
	s17 =	simm.s32 $0x8280;
	v0 =	vsel vm7, $0x380, v0;
	v3 =	vsel vm7, $0x2380, v3;
	v4 =	vsel vm7, $0x4380, v4  }
0x12: {  	s18 =	simm.s32 $0xA280;
	s19 =	simm.s32 $0xC280;
	s20 =	simm.s32 $0xE280;
	v5 =	vsel vm7, $0x6380, v5;
	v0 =	vsel vm6, $0x1000, v0;
	v3 =	vsel vm6, $0x3000, v3  }
0x13: {  	s21 =	simm.s32 $0x12280;
	s23 =	simm.s32 $0x4;
	s22 =	simm.s32 $0x5;
	v4 =	vsel vm6, $0x5000, v4;
	v5 =	vsel vm6, $0x7000, v5;
	v0 =	vsel vm5, $0x1080, v0  }
0x14: {  	s28 =	simm.s32 $0x7;
	s29 =	simm.s32 $0x8;
	[smem:$0x7FF] =	sst s5;
	v3 =	vsel vm5, $0x3080, v3;
	v4 =	vsel vm5, $0x5080, v4;
	v5 =	vsel vm5, $0x7080, v5  }
0x15: {  	s4 =	sand.u32 $0x1, s4;
	s6 =	sshll.u32 s6, $0xA;
	s2 =	sadd.s32 $0x400, s2;
	v0 =	vsel vm4, $0x1100, v0;
	v3 =	vsel vm4, $0x3100, v3;
	v4 =	vsel vm4, $0x5100, v4  }
0x16: {  	s5 =	simm.s32 $0x1;
	s24 =	ssub.s32 $0x2, s4;
	s4 =	sshll.u32 s4, $0x9;
	v5 =	vsel vm4, $0x7100, v5;
	v2 =	vsel vm3, $0x1180, v0;
	v0 =	vmul.u32 $0x80, v1  }
0x17: {  	_ =	strace $0x80000047;
	[dreg:$0x5] =	wrdreg s2;
	s7 =	sshrl.u32 s24, $0x1;
	v3 =	vsel vm3, $0x3180, v3;
	v4 =	vsel vm3, $0x5180, v4;
	v5 =	vsel vm3, $0x7180, v5  }
0x18: {  	s2 =	simm.s32 $0x0;
	s4 =	sor.u32 s4, s6;
	s25 =	ssub.s32 s24, s7;
	v1 =	vsel vm2, $0x1200, v2;
	v3 =	vsel vm2, $0x3200, v3;
	v6 =	vsel vm2, $0x5200, v4  }
0x19: {  	s26 =	sshrl.u32 s4, $0x3;
	s30 =	sadd.s32 s3, s4;
	s3 =	simm.s32 $0x9;
	v5 =	vsel vm2, $0x7200, v5;
	v1 =	vsel vm1, $0x1280, v1;
	v2 =	vor.u32 $0x800, v0  }
0x1a: {  	s7 =	simm.s32 $0x2;
	s1 =	sadd.s32 s1, s26;
	[dreg:$0x7] =	wrdreg s30;
	v3 =	vsel vm1, $0x3280, v3;
	v4 =	vor.u32 $0x1000, v0;
	v6 =	vsel vm1, $0x5280, v6  }
0x1b: {  	s24 =	simm.s32 $0x3;
	s31 =	smax.u32 s25, $0x1;
	[dreg:$0x6] =	wrdreg s1;
	v7 =	vsel vm1, $0x7280, v5;
	v1 =	vsel vm0, $0x1300, v1;
	v3 =	vsel vm0, $0x3300, v3  }
0x1c: {  	s25 =	simm.s32 $0x1;
	s26 =	simm.s32 $0x2;
	[dreg:$0x8] =	wrdreg s31;
	v5 =	vsel vm0, $0x5300, v6;
	v6 =	vor.u32 $0x1800, v0;
	v7 =	vsel vm0, $0x7300, v7  }
.LBB2_1:
0x1d: {  	[dreg:$0x9] =	wrdreg s2  }
0x1e: {  	s1 =	simm.s32 $0x0;
	s30 =	rddreg [dreg:$0x6]  }
0x1f: {  	[tilespmem:s1], [sflag:$0x9] =	stream.linear.gather [hbm4b:s30+s1], $0x200, $0x38;
	[tilespmem:$0x1A280] =	vst v63  }
0x20: {  	_ =	swait.ge [sflag:s3], $0x200  }
0x21: {  	[sflag:s3] =	ssyncset.done $0x0  }
0x22: {  	s4 =	simm.s32 $0x10280;
	s31 =	rddreg [dreg:$0x5];
	[sflag:s3] =	ssyncadd.s32 $0xFFFFFE00  }
0x23: {  	[tilespmem:s4], [sflag:$0x9] =	stream.linear.gather [hbm4b:s31+s1], $0x2000, $0x38;
	[tilespmem:$0x1A280] =	vst v63  }
0x24: {  	_ =	swait.ge [sflag:s3], $0x2000  }
0x25: {  	[sflag:s3] =	ssyncset.done $0x0  }
0x26: {  	[sflag:s3] =	ssyncadd.s32 $0xFFFFE000  }
0x27: {  	v8 =	vld [tilespmem:$0x0];
	_ =	sdelay $0x4  }
0x28: {  	(v2sf) =	vpush v8, $0x0;
	_ =	sdelay $0xc  }
0x29: {  	(v2sf) =	vpush v8, $0x1;
	_ =	sdelay $0x1  }
0x2a: {  	s1 =	spop (v2sf)  }
0x2b: {  	p0 =	slt.s32 s1, $0xF41FF  }
0x2c: {  	p1 =	slt.s32 s1, $0x1;
	s1 =	simm.s32 @!p0 $0xF41FF  }
0x2d: {  	s3 =	sand.u32 $0x7F, s1  }
0x2e: {  	s4 =	sshra.s32 s1, $0x1F;
	p2 =	sne.s32 s3, $0x0  }
0x2f: {  	s2 =	sshrl.u32 s4, $0x19;
	p0 =	por !p1, !p2  }
0x30: {  	s1 =	sadd.s32 s2, s1;
	s2 =	simm.s32 $0x1;
	p0 =	por !p0, !p0  }
0x31: {  	s1 =	sshrl.u32 s1, $0x7;
	s2 =	simm.s32 @!p0 $0x0  }
0x32: {  	s1 =	ssub.s32 s1, s2  }
0x33: {  	s1 =	sshll.u32 s1, $0x7  }
0x34: {  	s1 =	sand.u32 $0x1FFFFF80, s1  }
0x35: {  	(v2sf) =	vpush v8, $0x2;
	s1 =	sadd.s32 s0, s1  }
0x36: {  	[tilespmem:s13], [sflag:$0x1] =	stream.strided.gather [hbm4b:s1+s10], $0x2000, s12, s10, $0x38;
	[tilespmem:$0x1A280] =	vst v63  }
0x37: {  	s1 =	spop (v2sf)  }
0x38: {  	p0 =	slt.s32 s1, $0xF41FF  }
0x39: {  	p3 =	slt.s32 s1, $0x1;
	s1 =	simm.s32 @!p0 $0xF41FF  }
0x3a: {  	s6 =	sand.u32 $0x7F, s1  }
0x3b: {  	s8 =	sshra.s32 s1, $0x1F;
	p4 =	sne.s32 s6, $0x0  }
0x3c: {  	s2 =	sshrl.u32 s8, $0x19;
	p0 =	por !p3, !p4  }
0x3d: {  	s1 =	sadd.s32 s2, s1;
	s2 =	simm.s32 $0x1;
	p0 =	por !p0, !p0  }
0x3e: {  	s1 =	sshrl.u32 s1, $0x7;
	s2 =	simm.s32 @!p0 $0x0  }
0x3f: {  	s1 =	ssub.s32 s1, s2  }
0x40: {  	s1 =	sshll.u32 s1, $0x7  }
0x41: {  	s1 =	sand.u32 $0x1FFFFF80, s1  }
0x42: {  	(v2sf) =	vpush v8, $0x3;
	s1 =	sadd.s32 s0, s1  }
0x43: {  	[tilespmem:s14], [sflag:$0x2] =	stream.strided.gather [hbm4b:s1+s10], $0x2000, s12, s10, $0x38;
	[tilespmem:$0x1A280] =	vst v63  }
0x44: {  	s1 =	spop (v2sf)  }
0x45: {  	p0 =	slt.s32 s1, $0xF41FF  }
0x46: {  	p5 =	slt.s32 s1, $0x1;
	s1 =	simm.s32 @!p0 $0xF41FF  }
0x47: {  	s9 =	sand.u32 $0x7F, s1  }
0x48: {  	s11 =	sshra.s32 s1, $0x1F;
	p6 =	sne.s32 s9, $0x0  }
0x49: {  	s2 =	sshrl.u32 s11, $0x19;
	p0 =	por !p5, !p6  }
0x4a: {  	s1 =	sadd.s32 s2, s1;
	s2 =	simm.s32 $0x1;
	p0 =	por !p0, !p0  }
0x4b: {  	s1 =	sshrl.u32 s1, $0x7;
	s2 =	simm.s32 @!p0 $0x0  }
0x4c: {  	s1 =	ssub.s32 s1, s2  }
0x4d: {  	s1 =	sshll.u32 s1, $0x7  }
0x4e: {  	s1 =	sand.u32 $0x1FFFFF80, s1  }
0x4f: {  	(v2sf) =	vpush v8, $0x4;
	s1 =	sadd.s32 s0, s1  }
0x50: {  	[tilespmem:s15], [sflag:$0x3] =	stream.strided.gather [hbm4b:s1+s10], $0x2000, s12, s10, $0x38;
	[tilespmem:$0x1A280] =	vst v63  }
0x51: {  	s1 =	spop (v2sf)  }
0x52: {  	p0 =	slt.s32 s1, $0xF41FF  }
0x53: {  	p2 =	slt.s32 s1, $0x1;
	s1 =	simm.s32 @!p0 $0xF41FF  }
0x54: {  	s30 =	sand.u32 $0x7F, s1  }
0x55: {  	s31 =	sshra.s32 s1, $0x1F;
	p3 =	sne.s32 s30, $0x0  }
0x56: {  	s2 =	sshrl.u32 s31, $0x19;
	p0 =	por !p2, !p3  }
0x57: {  	s1 =	sadd.s32 s2, s1;
	s2 =	simm.s32 $0x1;
	p0 =	por !p0, !p0  }
0x58: {  	s1 =	sshrl.u32 s1, $0x7;
	s2 =	simm.s32 @!p0 $0x0  }
0x59: {  	s1 =	ssub.s32 s1, s2  }
0x5a: {  	s1 =	sshll.u32 s1, $0x7  }
0x5b: {  	s1 =	sand.u32 $0x1FFFFF80, s1  }
0x5c: {  	(v2sf) =	vpush v8, $0x5;
	s1 =	sadd.s32 s0, s1  }
0x5d: {  	[tilespmem:s16], [sflag:$0x4] =	stream.strided.gather [hbm4b:s1+s10], $0x2000, s12, s10, $0x38;
	[tilespmem:$0x1A280] =	vst v63  }
0x5e: {  	s1 =	spop (v2sf)  }
0x5f: {  	p0 =	slt.s32 s1, $0xF41FF  }
0x60: {  	p4 =	slt.s32 s1, $0x1;
	s1 =	simm.s32 @!p0 $0xF41FF  }
0x61: {  	s3 =	sand.u32 $0x7F, s1  }
0x62: {  	s4 =	sshra.s32 s1, $0x1F;
	p5 =	sne.s32 s3, $0x0  }
0x63: {  	s2 =	sshrl.u32 s4, $0x19;
	p0 =	por !p4, !p5  }
0x64: {  	(v2sf) =	vpush v8, $0x6;
	s1 =	sadd.s32 s2, s1;
	s2 =	simm.s32 $0x1;
	p0 =	por !p0, !p0  }
0x65: {  	s1 =	sshrl.u32 s1, $0x7;
	s2 =	simm.s32 @!p0 $0x0  }
0x66: {  	s1 =	ssub.s32 s1, s2  }
0x67: {  	s1 =	sshll.u32 s1, $0x7  }
0x68: {  	s1 =	sand.u32 $0x1FFFFF80, s1  }
0x69: {  	s1 =	sadd.s32 s0, s1  }
0x6a: {  	[tilespmem:s17], [sflag:$0x5] =	stream.strided.gather [hbm4b:s1+s10], $0x2000, s12, s10, $0x38;
	[tilespmem:$0x1A280] =	vst v63  }
0x6b: {  	s1 =	spop (v2sf)  }
0x6c: {  	p0 =	slt.s32 s1, $0xF41FF  }
0x6d: {  	p6 =	slt.s32 s1, $0x1;
	s1 =	simm.s32 @!p0 $0xF41FF  }
0x6e: {  	s6 =	sand.u32 $0x7F, s1  }
0x6f: {  	s8 =	sshra.s32 s1, $0x1F;
	p2 =	sne.s32 s6, $0x0  }
0x70: {  	s2 =	sshrl.u32 s8, $0x19;
	p0 =	por !p6, !p2  }
0x71: {  	s1 =	sadd.s32 s2, s1;
	s2 =	simm.s32 $0x1;
	p0 =	por !p0, !p0  }
0x72: {  	(v2sf) =	vpush v8, $0x7;
	s1 =	sshrl.u32 s1, $0x7;
	s2 =	simm.s32 @!p0 $0x0  }
0x73: {  	s1 =	ssub.s32 s1, s2;
	s2 =	spop (v2sf)  }
0x74: {  	s1 =	sshll.u32 s1, $0x7;
	p0 =	slt.s32 s2, $0xF41FF  }
0x75: {  	p3 =	slt.s32 s2, $0x1;
	s1 =	sand.u32 $0x1FFFFF80, s1;
	s2 =	simm.s32 @!p0 $0xF41FF  }
0x76: {  	s1 =	sadd.s32 s0, s1;
	s9 =	sand.u32 $0x7F, s2  }
0x77: {  	[tilespmem:s18], [sflag:$0x6] =	stream.strided.gather [hbm4b:s1+s10], $0x2000, s12, s10, $0x38;
	[tilespmem:$0x1A280] =	vst v63  }
0x78: {  	s11 =	sshra.s32 s2, $0x1F;
	p4 =	sne.s32 s9, $0x0  }
0x79: {  	s1 =	sshrl.u32 s11, $0x19;
	p0 =	por !p3, !p4  }
0x7a: {  	s1 =	sadd.s32 s1, s2;
	s2 =	simm.s32 $0x1;
	p0 =	por !p0, !p0  }
0x7b: {  	s1 =	sshrl.u32 s1, $0x7;
	s2 =	simm.s32 @!p0 $0x0  }
0x7c: {  	s1 =	ssub.s32 s1, s2  }
0x7d: {  	s1 =	sshll.u32 s1, $0x7  }
0x7e: {  	s1 =	sand.u32 $0x1FFFFF80, s1  }
0x7f: {  	s1 =	sadd.s32 s0, s1  }
0x80: {  	[tilespmem:s19], [sflag:$0x7] =	stream.strided.gather [hbm4b:s1+s10], $0x2000, s12, s10, $0x38;
	[tilespmem:$0x1A280] =	vst v63  }
0x81: {  	s1 =	spop (v2sf)  }
0x82: {  	p0 =	slt.s32 s1, $0xF41FF  }
0x83: {  	p5 =	slt.s32 s1, $0x1;
	s1 =	simm.s32 @!p0 $0xF41FF  }
0x84: {  	s30 =	sand.u32 $0x7F, s1  }
0x85: {  	s31 =	sshra.s32 s1, $0x1F;
	p6 =	sne.s32 s30, $0x0  }
0x86: {  	s2 =	sshrl.u32 s31, $0x19;
	p0 =	por !p5, !p6  }
0x87: {  	s1 =	sadd.s32 s2, s1;
	s2 =	simm.s32 $0x1;
	p0 =	por !p0, !p0  }
0x88: {  	s1 =	sshrl.u32 s1, $0x7;
	s2 =	simm.s32 @!p0 $0x0  }
0x89: {  	s1 =	ssub.s32 s1, s2  }
0x8a: {  	s1 =	sshll.u32 s1, $0x7  }
0x8b: {  	s1 =	sand.u32 $0x1FFFFF80, s1  }
0x8c: {  	s3 =	simm.s32 $0xF;
	s9 =	simm.s32 $0x10;
	s1 =	sadd.s32 s0, s1  }
0x8d: {  	[tilespmem:s20], [sflag:$0x8] =	stream.strided.gather [hbm4b:s1+s10], $0x2000, s12, s10, $0x38;
	[tilespmem:$0x1A280] =	vst v63  }
.LBB2_2:
0x8e: {  	v9 =	vld [tilespmem:s9+$0xFFFFFFF0];
	_ =	sdelay $0x4  }
0x8f: {  	(v2sf) =	vpush v9, $0x0;
	_ =	sdelay $0xe  }
0x90: {  	s1 =	spop (v2sf)  }
0x91: {  	s2 =	sshra.s32 s1, $0x1F  }
0x92: {  	s2 =	sshrl.u32 s2, $0x19  }
0x93: {  	s2 =	sadd.s32 s2, s1  }
0x94: {  	s2 =	sand.u32 $0xFFFFFF80, s2  }
0x95: {  	s2 =	ssub.s32 s1, s2  }
0x96: {  	s4 =	sadd.s32 $0xFFFFFFF1, s3;
	v10 =	vadd.s32 s2, v0  }
0x97: {  	v11 =	vmov s4  }
0x98: {  	v8 =	vld [tilespmem:s9+$0x0];
	v12 =	vshll.u32 v11, $0x3;
	_ =	swait.ge [sflag:s5], $0x2000  }
0x99: {  	v11 =	vand.u32 $0x70, v11;
	v12 =	vand.u32 $0xC00, v12;
	[sflag:s5] =	ssyncset.done $0x0  }
0x9a: {  	v11 =	vor.u32 v11, v12;
	[sflag:s5] =	ssyncadd.s32 $0xFFFFE000  }
0x9b: {  	v12 =	vor.u32 v1, v11;
	v10 =	vld.idx.msk [tilespmem:v10+s13+$0x0], $0xffff  }
0x9c: {  	v13 =	vadd.s32 s2, v2;
	_ =	sdelay $0x3  }
0x9d: {  	[tilespmem:v12+s21+$0x0] =	vst.idx.msk $0xffff, v10  }
0x9e: {  	v10 =	vld.idx.msk [tilespmem:v13+s13+$0x0], $0xffff;
	v13 =	vor.u32 v3, v11  }
0x9f: {  	v14 =	vadd.s32 s2, v4;
	_ =	sdelay $0x3  }
0xa0: {  	[tilespmem:v13+s21+$0x0] =	vst.idx.msk $0xffff, v10  }
0xa1: {  	v10 =	vld.idx.msk [tilespmem:v14+s13+$0x0], $0xffff;
	v14 =	vor.u32 v5, v11  }
0xa2: {  	v15 =	vadd.s32 s2, v6;
	_ =	sdelay $0x1  }
0xa3: {  	p0 =	slt.s32 s1, $0xF4200  }
0xa4: {  	v16 =	vlaneseq.u32 @!p0  }
0xa5: {  	[tilespmem:v14+s21+$0x0] =	vst.idx.msk $0xffff, v10;
	v10 =	vmul.u32 @!p0 $0x80, v16  }
0xa6: {  	s1 =	sadd.s32 @!p0 $0xFFF0BE00, s1;
	v11 =	vor.u32 v7, v11;
	v15 =	vld.idx.msk [tilespmem:v15+s13+$0x0], $0xffff  }
0xa7: {  	v16 =	vadd.s32 @!p0 s1, v10;
	_ =	sdelay $0x1  }
0xa8: {  	(v2sf) =	vpush v9, $0x8;
	_ =	sdelay $0x1  }
0xa9: {  	s2 =	simm.s32 @!p0 $0x10280;
	[tilespmem:v11+s21+$0x0] =	vst.idx.msk $0xffff, v15  }
0xaa: {  	v15 =	vld.idx.msk @!p0 [tilespmem:v16+s2+$0x0], $0xffff;
	v16 =	vor.u32 @!p0 $0x800, v10  }
0xab: {  	v16 =	vadd.s32 @!p0 s1, v16  }
0xac: {  	(v2sf) =	vpush v9, $0x1;
	_ =	sdelay $0x1  }
0xad: {  	s4 =	simm.s32 @!p0 $0x12280  }
0xae: {  	[tilespmem:v12+s4+$0x0] =	vst.idx.msk @!p0 $0xffff, v15  }
0xaf: {  	v15 =	vor.u32 @!p0 $0x1000, v10;
	v12 =	vld.idx.msk @!p0 [tilespmem:v16+s2+$0x0], $0xffff  }
0xb0: {  	v15 =	vadd.s32 @!p0 s1, v15;
	_ =	sdelay $0x3  }
0xb1: {  	[tilespmem:v13+s4+$0x0] =	vst.idx.msk @!p0 $0xffff, v12  }
0xb2: {  	s8 =	spop (v2sf);
	v10 =	vor.u32 @!p0 $0x1800, v10;
	v12 =	vld.idx.msk @!p0 [tilespmem:v15+s2+$0x0], $0xffff  }
0xb3: {  	p1 =	slt.s32 s8, $0xF41FF;
	v10 =	vadd.s32 @!p0 s1, v10;
	s1 =	smov.u32 s8  }
0xb4: {  	s1 =	simm.s32 @!p1 $0xF41FF  }
0xb5: {  	s11 =	sshra.s32 s1, $0x1F;
	s6 =	sand.u32 $0x7F, s1  }
0xb6: {  	p4 =	slt.s32 s8, $0x1;
	s5 =	sshrl.u32 s11, $0x19;
	p2 =	sne.s32 s6, $0x0  }
0xb7: {  	s1 =	sadd.s32 s5, s1;
	p1 =	por !p4, !p2;
	s5 =	spop (v2sf);
	[tilespmem:v14+s4+$0x0] =	vst.idx.msk @!p0 $0xffff, v12  }
0xb8: {  	p1 =	por !p1, !p1;
	s30 =	sshra.s32 s5, $0x1F;
	v10 =	vld.idx.msk @!p0 [tilespmem:v10+s2+$0x0], $0xffff;
	s2 =	simm.s32 $0x1  }
0xb9: {  	s1 =	sshrl.u32 s1, $0x7;
	s6 =	sshrl.u32 s30, $0x19;
	s2 =	simm.s32 @!p1 $0x0  }
0xba: {  	s31 =	sadd.s32 s6, s5;
	s1 =	ssub.s32 s1, s2  }
0xbb: {  	s2 =	sand.u32 $0xFFFFFF80, s31;
	s1 =	sshll.u32 s1, $0x7  }
0xbc: {  	s2 =	ssub.s32 s5, s2;
	s1 =	sand.u32 $0x1FFFFF80, s1  }
0xbd: {  	s6 =	sadd.s32 $0xFFFFFFF2, s3;
	v22 =	vadd.s32 s2, v0;
	[tilespmem:v11+s4+$0x0] =	vst.idx.msk @!p0 $0xffff, v10;
	s1 =	sadd.s32 s0, s1  }
0xbe: {  	v23 =	vmov s6;
	[tilespmem:s13], [sflag:$0x1] =	stream.strided.gather [hbm4b:s1+s10], $0x2000, s12, s10, $0x38;
	[tilespmem:$0x1A280] =	vst v63  }
0xbf: {  	v24 =	vshll.u32 v23, $0x3;
	_ =	swait.ge [sflag:s7], $0x2000  }
0xc0: {  	v12 =	vand.u32 $0xC00, v24;
	v11 =	vand.u32 $0x71, v23;
	[sflag:s7] =	ssyncset.done $0x0  }
0xc1: {  	v11 =	vor.u32 v11, v12;
	[sflag:s7] =	ssyncadd.s32 $0xFFFFE000  }
0xc2: {  	v12 =	vor.u32 v1, v11;
	v10 =	vld.idx.msk [tilespmem:v22+s14+$0x0], $0xffff  }
0xc3: {  	v25 =	vadd.s32 s2, v2;
	_ =	sdelay $0x3  }
0xc4: {  	[tilespmem:v12+s21+$0x0] =	vst.idx.msk $0xffff, v10  }
0xc5: {  	v13 =	vor.u32 v3, v11;
	v10 =	vld.idx.msk [tilespmem:v25+s14+$0x0], $0xffff  }
0xc6: {  	v26 =	vadd.s32 s2, v4;
	_ =	sdelay $0x3  }
0xc7: {  	[tilespmem:v13+s21+$0x0] =	vst.idx.msk $0xffff, v10  }
0xc8: {  	v14 =	vor.u32 v5, v11;
	v10 =	vld.idx.msk [tilespmem:v26+s14+$0x0], $0xffff  }
0xc9: {  	v27 =	vadd.s32 s2, v6;
	_ =	sdelay $0x1  }
0xca: {  	p0 =	slt.s32 s5, $0xF4200  }
0xcb: {  	v16 =	vlaneseq.u32 @!p0  }
0xcc: {  	[tilespmem:v14+s21+$0x0] =	vst.idx.msk $0xffff, v10;
	v10 =	vmul.u32 @!p0 $0x80, v16  }
0xcd: {  	s1 =	sadd.s32 @!p0 $0xFFF0BE00, s5;
	v11 =	vor.u32 v7, v11;
	v15 =	vld.idx.msk [tilespmem:v27+s14+$0x0], $0xffff  }
0xce: {  	v16 =	vadd.s32 @!p0 s1, v10;
	_ =	sdelay $0x1  }
0xcf: {  	(v2sf) =	vpush v9, $0x9;
	_ =	sdelay $0x1  }
0xd0: {  	s2 =	simm.s32 @!p0 $0x10280;
	[tilespmem:v11+s21+$0x0] =	vst.idx.msk $0xffff, v15  }
0xd1: {  	v15 =	vld.idx.msk @!p0 [tilespmem:v16+s2+$0x0], $0xffff;
	v16 =	vor.u32 @!p0 $0x800, v10  }
0xd2: {  	v16 =	vadd.s32 @!p0 s1, v16  }
0xd3: {  	(v2sf) =	vpush v9, $0x2;
	_ =	sdelay $0x1  }
0xd4: {  	s4 =	simm.s32 @!p0 $0x12280  }
0xd5: {  	[tilespmem:v12+s4+$0x0] =	vst.idx.msk @!p0 $0xffff, v15  }
0xd6: {  	v15 =	vor.u32 @!p0 $0x1000, v10;
	v12 =	vld.idx.msk @!p0 [tilespmem:v16+s2+$0x0], $0xffff  }
0xd7: {  	v15 =	vadd.s32 @!p0 s1, v15;
	_ =	sdelay $0x3  }
0xd8: {  	[tilespmem:v13+s4+$0x0] =	vst.idx.msk @!p0 $0xffff, v12  }
0xd9: {  	s31 =	spop (v2sf);
	v10 =	vor.u32 @!p0 $0x1800, v10;
	v12 =	vld.idx.msk @!p0 [tilespmem:v15+s2+$0x0], $0xffff  }
0xda: {  	p1 =	slt.s32 s31, $0xF41FF;
	v10 =	vadd.s32 @!p0 s1, v10;
	s1 =	smov.u32 s31  }
0xdb: {  	s1 =	simm.s32 @!p1 $0xF41FF  }
0xdc: {  	s7 =	sshra.s32 s1, $0x1F;
	s11 =	sand.u32 $0x7F, s1  }
0xdd: {  	p5 =	slt.s32 s31, $0x1;
	s5 =	sshrl.u32 s7, $0x19;
	p6 =	sne.s32 s11, $0x0  }
0xde: {  	s1 =	sadd.s32 s5, s1;
	p1 =	por !p5, !p6;
	s5 =	spop (v2sf);
	[tilespmem:v14+s4+$0x0] =	vst.idx.msk @!p0 $0xffff, v12  }
0xdf: {  	p1 =	por !p1, !p1;
	s30 =	sshra.s32 s5, $0x1F;
	v10 =	vld.idx.msk @!p0 [tilespmem:v10+s2+$0x0], $0xffff;
	s2 =	simm.s32 $0x1  }
0xe0: {  	s1 =	sshrl.u32 s1, $0x7;
	s6 =	sshrl.u32 s30, $0x19;
	s2 =	simm.s32 @!p1 $0x0  }
0xe1: {  	s6 =	sadd.s32 s6, s5;
	s1 =	ssub.s32 s1, s2  }
0xe2: {  	s2 =	sand.u32 $0xFFFFFF80, s6;
	s1 =	sshll.u32 s1, $0x7  }
0xe3: {  	s2 =	ssub.s32 s5, s2;
	s1 =	sand.u32 $0x1FFFFF80, s1  }
0xe4: {  	s7 =	sadd.s32 $0xFFFFFFF3, s3;
	v28 =	vadd.s32 s2, v0;
	[tilespmem:v11+s4+$0x0] =	vst.idx.msk @!p0 $0xffff, v10;
	s1 =	sadd.s32 s0, s1  }
0xe5: {  	v29 =	vmov s7;
	[tilespmem:s14], [sflag:$0x2] =	stream.strided.gather [hbm4b:s1+s10], $0x2000, s12, s10, $0x38;
	[tilespmem:$0x1A280] =	vst v63  }
0xe6: {  	v30 =	vshll.u32 v29, $0x3;
	_ =	swait.ge [sflag:s24], $0x2000  }
0xe7: {  	v12 =	vand.u32 $0xC00, v30;
	v11 =	vand.u32 $0x72, v29;
	[sflag:s24] =	ssyncset.done $0x0  }
0xe8: {  	v11 =	vor.u32 v11, v12;
	[sflag:s24] =	ssyncadd.s32 $0xFFFFE000  }
0xe9: {  	v12 =	vor.u32 v1, v11;
	v10 =	vld.idx.msk [tilespmem:v28+s15+$0x0], $0xffff  }
0xea: {  	v31 =	vadd.s32 s2, v2;
	_ =	sdelay $0x3  }
0xeb: {  	[tilespmem:v12+s21+$0x0] =	vst.idx.msk $0xffff, v10  }
0xec: {  	v13 =	vor.u32 v3, v11;
	v10 =	vld.idx.msk [tilespmem:v31+s15+$0x0], $0xffff  }
0xed: {  	v32 =	vadd.s32 s2, v4;
	_ =	sdelay $0x3  }
0xee: {  	[tilespmem:v13+s21+$0x0] =	vst.idx.msk $0xffff, v10  }
0xef: {  	v14 =	vor.u32 v5, v11;
	v10 =	vld.idx.msk [tilespmem:v32+s15+$0x0], $0xffff  }
0xf0: {  	v33 =	vadd.s32 s2, v6;
	_ =	sdelay $0x1  }
0xf1: {  	p0 =	slt.s32 s5, $0xF4200  }
0xf2: {  	v16 =	vlaneseq.u32 @!p0  }
0xf3: {  	[tilespmem:v14+s21+$0x0] =	vst.idx.msk $0xffff, v10;
	v10 =	vmul.u32 @!p0 $0x80, v16  }
0xf4: {  	s1 =	sadd.s32 @!p0 $0xFFF0BE00, s5;
	v11 =	vor.u32 v7, v11;
	v15 =	vld.idx.msk [tilespmem:v33+s15+$0x0], $0xffff  }
0xf5: {  	v16 =	vadd.s32 @!p0 s1, v10;
	_ =	sdelay $0x1  }
0xf6: {  	(v2sf) =	vpush v9, $0xA;
	_ =	sdelay $0x1  }
0xf7: {  	s4 =	simm.s32 @!p0 $0x10280;
	[tilespmem:v11+s21+$0x0] =	vst.idx.msk $0xffff, v15  }
0xf8: {  	v15 =	vld.idx.msk @!p0 [tilespmem:v16+s4+$0x0], $0xffff;
	v16 =	vor.u32 @!p0 $0x800, v10  }
0xf9: {  	v16 =	vadd.s32 @!p0 s1, v16  }
0xfa: {  	(v2sf) =	vpush v9, $0x3;
	_ =	sdelay $0x1  }
0xfb: {  	s5 =	simm.s32 @!p0 $0x12280  }
0xfc: {  	[tilespmem:v12+s5+$0x0] =	vst.idx.msk @!p0 $0xffff, v15  }
0xfd: {  	v15 =	vor.u32 @!p0 $0x1000, v10;
	v12 =	vld.idx.msk @!p0 [tilespmem:v16+s4+$0x0], $0xffff  }
0xfe: {  	v15 =	vadd.s32 @!p0 s1, v15;
	_ =	sdelay $0x3  }
0xff: {  	[tilespmem:v13+s5+$0x0] =	vst.idx.msk @!p0 $0xffff, v12  }
0x100: {  	s2 =	spop (v2sf);
	v10 =	vor.u32 @!p0 $0x1800, v10;
	v12 =	vld.idx.msk @!p0 [tilespmem:v15+s4+$0x0], $0xffff  }
0x101: {  	p1 =	slt.s32 s2, $0xF41FF;
	v10 =	vadd.s32 @!p0 s1, v10;
	s1 =	smov.u32 s2  }
0x102: {  	s1 =	simm.s32 @!p1 $0xF41FF  }
0x103: {  	s11 =	sshra.s32 s1, $0x1F;
	s24 =	sand.u32 $0x7F, s1  }
0x104: {  	p3 =	slt.s32 s2, $0x1;
	s6 =	sshrl.u32 s11, $0x19;
	p4 =	sne.s32 s24, $0x0  }
0x105: {  	s1 =	sadd.s32 s6, s1;
	p1 =	por !p3, !p4;
	s6 =	spop (v2sf);
	[tilespmem:v14+s5+$0x0] =	vst.idx.msk @!p0 $0xffff, v12  }
0x106: {  	p1 =	por !p1, !p1;
	s30 =	sshra.s32 s6, $0x1F;
	v10 =	vld.idx.msk @!p0 [tilespmem:v10+s4+$0x0], $0xffff;
	s4 =	simm.s32 $0x1  }
0x107: {  	s1 =	sshrl.u32 s1, $0x7;
	s7 =	sshrl.u32 s30, $0x19;
	s4 =	simm.s32 @!p1 $0x0  }
0x108: {  	s7 =	sadd.s32 s7, s6;
	s1 =	ssub.s32 s1, s4  }
0x109: {  	s4 =	sand.u32 $0xFFFFFF80, s7;
	s1 =	sshll.u32 s1, $0x7  }
0x10a: {  	s4 =	ssub.s32 s6, s4;
	s1 =	sand.u32 $0x1FFFFF80, s1  }
0x10b: {  	s11 =	sadd.s32 $0xFFFFFFF4, s3;
	v34 =	vadd.s32 s4, v0;
	[tilespmem:v11+s5+$0x0] =	vst.idx.msk @!p0 $0xffff, v10;
	s1 =	sadd.s32 s0, s1  }
0x10c: {  	v35 =	vmov s11;
	[tilespmem:s15], [sflag:$0x3] =	stream.strided.gather [hbm4b:s1+s10], $0x2000, s12, s10, $0x38;
	[tilespmem:$0x1A280] =	vst v63  }
0x10d: {  	v36 =	vshll.u32 v35, $0x3;
	_ =	swait.ge [sflag:s23], $0x2000  }
0x10e: {  	v12 =	vand.u32 $0xC00, v36;
	v11 =	vand.u32 $0x73, v35;
	[sflag:s23] =	ssyncset.done $0x0  }
0x10f: {  	v11 =	vor.u32 v11, v12;
	[sflag:s23] =	ssyncadd.s32 $0xFFFFE000  }
0x110: {  	v12 =	vor.u32 v1, v11;
	v10 =	vld.idx.msk [tilespmem:v34+s16+$0x0], $0xffff  }
0x111: {  	v37 =	vadd.s32 s4, v2;
	_ =	sdelay $0x3  }
0x112: {  	[tilespmem:v12+s21+$0x0] =	vst.idx.msk $0xffff, v10  }
0x113: {  	v13 =	vor.u32 v3, v11;
	v10 =	vld.idx.msk [tilespmem:v37+s16+$0x0], $0xffff  }
0x114: {  	v38 =	vadd.s32 s4, v4;
	_ =	sdelay $0x3  }
0x115: {  	[tilespmem:v13+s21+$0x0] =	vst.idx.msk $0xffff, v10  }
0x116: {  	v14 =	vor.u32 v5, v11;
	v10 =	vld.idx.msk [tilespmem:v38+s16+$0x0], $0xffff  }
0x117: {  	v39 =	vadd.s32 s4, v6;
	_ =	sdelay $0x1  }
0x118: {  	p0 =	slt.s32 s6, $0xF4200  }
0x119: {  	v16 =	vlaneseq.u32 @!p0  }
0x11a: {  	[tilespmem:v14+s21+$0x0] =	vst.idx.msk $0xffff, v10;
	v10 =	vmul.u32 @!p0 $0x80, v16  }
0x11b: {  	s1 =	sadd.s32 @!p0 $0xFFF0BE00, s6;
	v11 =	vor.u32 v7, v11;
	v15 =	vld.idx.msk [tilespmem:v39+s16+$0x0], $0xffff  }
0x11c: {  	v16 =	vadd.s32 @!p0 s1, v10;
	_ =	sdelay $0x1  }
0x11d: {  	(v2sf) =	vpush v9, $0xB;
	_ =	sdelay $0x1  }
0x11e: {  	s5 =	simm.s32 @!p0 $0x10280;
	[tilespmem:v11+s21+$0x0] =	vst.idx.msk $0xffff, v15  }
0x11f: {  	v15 =	vld.idx.msk @!p0 [tilespmem:v16+s5+$0x0], $0xffff;
	v16 =	vor.u32 @!p0 $0x800, v10  }
0x120: {  	v16 =	vadd.s32 @!p0 s1, v16  }
0x121: {  	(v2sf) =	vpush v9, $0x4;
	_ =	sdelay $0x1  }
0x122: {  	s6 =	simm.s32 @!p0 $0x12280  }
0x123: {  	[tilespmem:v12+s6+$0x0] =	vst.idx.msk @!p0 $0xffff, v15  }
0x124: {  	v15 =	vor.u32 @!p0 $0x1000, v10;
	v12 =	vld.idx.msk @!p0 [tilespmem:v16+s5+$0x0], $0xffff  }
0x125: {  	v15 =	vadd.s32 @!p0 s1, v15;
	_ =	sdelay $0x3  }
0x126: {  	[tilespmem:v13+s6+$0x0] =	vst.idx.msk @!p0 $0xffff, v12  }
0x127: {  	s4 =	spop (v2sf);
	v10 =	vor.u32 @!p0 $0x1800, v10;
	v12 =	vld.idx.msk @!p0 [tilespmem:v15+s5+$0x0], $0xffff  }
0x128: {  	p1 =	slt.s32 s4, $0xF41FF;
	v10 =	vadd.s32 @!p0 s1, v10;
	s1 =	smov.u32 s4  }
0x129: {  	s1 =	simm.s32 @!p1 $0xF41FF  }
0x12a: {  	s23 =	sshra.s32 s1, $0x1F;
	s30 =	sand.u32 $0x7F, s1  }
0x12b: {  	p5 =	slt.s32 s4, $0x1;
	s7 =	sshrl.u32 s23, $0x19;
	p6 =	sne.s32 s30, $0x0  }
0x12c: {  	s1 =	sadd.s32 s7, s1;
	p1 =	por !p5, !p6;
	s7 =	spop (v2sf);
	[tilespmem:v14+s6+$0x0] =	vst.idx.msk @!p0 $0xffff, v12  }
0x12d: {  	p1 =	por !p1, !p1;
	s24 =	sshra.s32 s7, $0x1F;
	v10 =	vld.idx.msk @!p0 [tilespmem:v10+s5+$0x0], $0xffff;
	s5 =	simm.s32 $0x1  }
0x12e: {  	s1 =	sshrl.u32 s1, $0x7;
	s30 =	sshrl.u32 s24, $0x19;
	s5 =	simm.s32 @!p1 $0x0  }
0x12f: {  	s11 =	sadd.s32 s30, s7;
	s1 =	ssub.s32 s1, s5  }
0x130: {  	s5 =	sand.u32 $0xFFFFFF80, s11;
	s1 =	sshll.u32 s1, $0x7  }
0x131: {  	s5 =	ssub.s32 s7, s5;
	s1 =	sand.u32 $0x1FFFFF80, s1  }
0x132: {  	s23 =	sadd.s32 $0xFFFFFFF5, s3;
	v40 =	vadd.s32 s5, v0;
	[tilespmem:v11+s6+$0x0] =	vst.idx.msk @!p0 $0xffff, v10;
	s1 =	sadd.s32 s0, s1  }
0x133: {  	v41 =	vmov s23;
	[tilespmem:s16], [sflag:$0x4] =	stream.strided.gather [hbm4b:s1+s10], $0x2000, s12, s10, $0x38;
	[tilespmem:$0x1A280] =	vst v63  }
0x134: {  	v42 =	vshll.u32 v41, $0x3;
	_ =	swait.ge [sflag:s22], $0x2000  }
0x135: {  	v12 =	vand.u32 $0xC00, v42;
	v11 =	vand.u32 $0x74, v41;
	[sflag:s22] =	ssyncset.done $0x0  }
0x136: {  	v11 =	vor.u32 v11, v12;
	[sflag:s22] =	ssyncadd.s32 $0xFFFFE000  }
0x137: {  	v12 =	vor.u32 v1, v11;
	v10 =	vld.idx.msk [tilespmem:v40+s17+$0x0], $0xffff  }
0x138: {  	v43 =	vadd.s32 s5, v2;
	_ =	sdelay $0x3  }
0x139: {  	[tilespmem:v12+s21+$0x0] =	vst.idx.msk $0xffff, v10  }
0x13a: {  	v13 =	vor.u32 v3, v11;
	v10 =	vld.idx.msk [tilespmem:v43+s17+$0x0], $0xffff  }
0x13b: {  	v44 =	vadd.s32 s5, v4;
	_ =	sdelay $0x3  }
0x13c: {  	[tilespmem:v13+s21+$0x0] =	vst.idx.msk $0xffff, v10  }
0x13d: {  	v14 =	vor.u32 v5, v11;
	v10 =	vld.idx.msk [tilespmem:v44+s17+$0x0], $0xffff  }
0x13e: {  	v45 =	vadd.s32 s5, v6;
	_ =	sdelay $0x1  }
0x13f: {  	p0 =	slt.s32 s7, $0xF4200  }
0x140: {  	v16 =	vlaneseq.u32 @!p0  }
0x141: {  	[tilespmem:v14+s21+$0x0] =	vst.idx.msk $0xffff, v10;
	v10 =	vmul.u32 @!p0 $0x80, v16  }
0x142: {  	s1 =	sadd.s32 @!p0 $0xFFF0BE00, s7;
	v11 =	vor.u32 v7, v11;
	v15 =	vld.idx.msk [tilespmem:v45+s17+$0x0], $0xffff  }
0x143: {  	v16 =	vadd.s32 @!p0 s1, v10;
	_ =	sdelay $0x1  }
0x144: {  	(v2sf) =	vpush v9, $0xC;
	_ =	sdelay $0x1  }
0x145: {  	s6 =	simm.s32 @!p0 $0x10280;
	[tilespmem:v11+s21+$0x0] =	vst.idx.msk $0xffff, v15  }
0x146: {  	v15 =	vld.idx.msk @!p0 [tilespmem:v16+s6+$0x0], $0xffff;
	v16 =	vor.u32 @!p0 $0x800, v10  }
0x147: {  	v16 =	vadd.s32 @!p0 s1, v16  }
0x148: {  	(v2sf) =	vpush v9, $0x5;
	_ =	sdelay $0x1  }
0x149: {  	s7 =	simm.s32 @!p0 $0x12280  }
0x14a: {  	[tilespmem:v12+s7+$0x0] =	vst.idx.msk @!p0 $0xffff, v15  }
0x14b: {  	v15 =	vor.u32 @!p0 $0x1000, v10;
	v12 =	vld.idx.msk @!p0 [tilespmem:v16+s6+$0x0], $0xffff  }
0x14c: {  	v15 =	vadd.s32 @!p0 s1, v15;
	_ =	sdelay $0x3  }
0x14d: {  	[tilespmem:v13+s7+$0x0] =	vst.idx.msk @!p0 $0xffff, v12  }
0x14e: {  	s5 =	spop (v2sf);
	v10 =	vor.u32 @!p0 $0x1800, v10;
	v12 =	vld.idx.msk @!p0 [tilespmem:v15+s6+$0x0], $0xffff  }
0x14f: {  	p1 =	slt.s32 s5, $0xF41FF;
	v10 =	vadd.s32 @!p0 s1, v10;
	s1 =	smov.u32 s5  }
0x150: {  	s1 =	simm.s32 @!p1 $0xF41FF  }
0x151: {  	s24 =	sshra.s32 s1, $0x1F;
	s11 =	sand.u32 $0x7F, s1  }
0x152: {  	p3 =	slt.s32 s5, $0x1;
	s30 =	sshrl.u32 s24, $0x19;
	p4 =	sne.s32 s11, $0x0  }
0x153: {  	s11 =	spop (v2sf);
	s1 =	sadd.s32 s30, s1;
	p1 =	por !p3, !p4;
	[tilespmem:v14+s7+$0x0] =	vst.idx.msk @!p0 $0xffff, v12  }
0x154: {  	s23 =	sshra.s32 s11, $0x1F;
	p1 =	por !p1, !p1;
	v10 =	vld.idx.msk @!p0 [tilespmem:v10+s6+$0x0], $0xffff;
	s6 =	simm.s32 $0x1  }
0x155: {  	s1 =	sshrl.u32 s1, $0x7;
	s30 =	sshrl.u32 s23, $0x19;
	s6 =	simm.s32 @!p1 $0x0  }
0x156: {  	s24 =	sadd.s32 s30, s11;
	s1 =	ssub.s32 s1, s6  }
0x157: {  	s6 =	sand.u32 $0xFFFFFF80, s24;
	s1 =	sshll.u32 s1, $0x7  }
0x158: {  	s6 =	ssub.s32 s11, s6;
	s1 =	sand.u32 $0x1FFFFF80, s1  }
0x159: {  	s22 =	simm.s32 $0x6;
	s30 =	sadd.s32 $0xFFFFFFF6, s3;
	v46 =	vadd.s32 s6, v0;
	[tilespmem:v11+s7+$0x0] =	vst.idx.msk @!p0 $0xffff, v10;
	s1 =	sadd.s32 s0, s1  }
0x15a: {  	v47 =	vmov s30;
	[tilespmem:s17], [sflag:$0x5] =	stream.strided.gather [hbm4b:s1+s10], $0x2000, s12, s10, $0x38;
	[tilespmem:$0x1A280] =	vst v63  }
0x15b: {  	v48 =	vshll.u32 v47, $0x3;
	_ =	swait.ge [sflag:s22], $0x2000  }
0x15c: {  	v12 =	vand.u32 $0xC00, v48;
	v11 =	vand.u32 $0x75, v47;
	[sflag:s22] =	ssyncset.done $0x0  }
0x15d: {  	v11 =	vor.u32 v11, v12;
	[sflag:s22] =	ssyncadd.s32 $0xFFFFE000  }
0x15e: {  	v12 =	vor.u32 v1, v11;
	v10 =	vld.idx.msk [tilespmem:v46+s18+$0x0], $0xffff  }
0x15f: {  	v49 =	vadd.s32 s6, v2;
	_ =	sdelay $0x3  }
0x160: {  	[tilespmem:v12+s21+$0x0] =	vst.idx.msk $0xffff, v10  }
0x161: {  	v13 =	vor.u32 v3, v11;
	v10 =	vld.idx.msk [tilespmem:v49+s18+$0x0], $0xffff  }
0x162: {  	v50 =	vadd.s32 s6, v4;
	_ =	sdelay $0x3  }
0x163: {  	[tilespmem:v13+s21+$0x0] =	vst.idx.msk $0xffff, v10  }
0x164: {  	v14 =	vor.u32 v5, v11;
	v10 =	vld.idx.msk [tilespmem:v50+s18+$0x0], $0xffff  }
0x165: {  	v51 =	vadd.s32 s6, v6;
	_ =	sdelay $0x1  }
0x166: {  	p0 =	slt.s32 s11, $0xF4200  }
0x167: {  	v16 =	vlaneseq.u32 @!p0  }
0x168: {  	[tilespmem:v14+s21+$0x0] =	vst.idx.msk $0xffff, v10;
	v10 =	vmul.u32 @!p0 $0x80, v16  }
0x169: {  	s1 =	sadd.s32 @!p0 $0xFFF0BE00, s11;
	v11 =	vor.u32 v7, v11;
	v15 =	vld.idx.msk [tilespmem:v51+s18+$0x0], $0xffff  }
0x16a: {  	v16 =	vadd.s32 @!p0 s1, v10;
	_ =	sdelay $0x1  }
0x16b: {  	(v2sf) =	vpush v9, $0xD;
	_ =	sdelay $0x1  }
0x16c: {  	s7 =	simm.s32 @!p0 $0x10280;
	[tilespmem:v11+s21+$0x0] =	vst.idx.msk $0xffff, v15  }
0x16d: {  	v15 =	vld.idx.msk @!p0 [tilespmem:v16+s7+$0x0], $0xffff;
	v16 =	vor.u32 @!p0 $0x800, v10  }
0x16e: {  	(v2sf) =	vpush v9, $0x6;
	v16 =	vadd.s32 @!p0 s1, v16;
	_ =	sdelay $0x2  }
0x16f: {  	s11 =	simm.s32 @!p0 $0x12280  }
0x170: {  	[tilespmem:v12+s11+$0x0] =	vst.idx.msk @!p0 $0xffff, v15  }
0x171: {  	v15 =	vor.u32 @!p0 $0x1000, v10;
	v12 =	vld.idx.msk @!p0 [tilespmem:v16+s7+$0x0], $0xffff  }
0x172: {  	v15 =	vadd.s32 @!p0 s1, v15;
	_ =	sdelay $0x3  }
0x173: {  	[tilespmem:v13+s11+$0x0] =	vst.idx.msk @!p0 $0xffff, v12  }
0x174: {  	s6 =	spop (v2sf);
	v10 =	vor.u32 @!p0 $0x1800, v10;
	v12 =	vld.idx.msk @!p0 [tilespmem:v15+s7+$0x0], $0xffff  }
0x175: {  	p1 =	slt.s32 s6, $0xF41FF;
	v10 =	vadd.s32 @!p0 s1, v10;
	s1 =	smov.u32 s6  }
0x176: {  	s1 =	simm.s32 @!p1 $0xF41FF  }
0x177: {  	p5 =	slt.s32 s6, $0x1;
	s24 =	sand.u32 $0x7F, s1  }
0x178: {  	s22 =	spop (v2sf);
	s23 =	sshra.s32 s1, $0x1F;
	p6 =	sne.s32 s24, $0x0  }
0x179: {  	s30 =	sshrl.u32 s23, $0x19;
	s23 =	sshra.s32 s22, $0x1F;
	p1 =	por !p5, !p6;
	[tilespmem:v14+s11+$0x0] =	vst.idx.msk @!p0 $0xffff, v12  }
0x17a: {  	s1 =	sadd.s32 s30, s1;
	p1 =	por !p1, !p1;
	v10 =	vld.idx.msk @!p0 [tilespmem:v10+s7+$0x0], $0xffff;
	s7 =	simm.s32 $0x1  }
0x17b: {  	s30 =	sshrl.u32 s23, $0x19;
	s1 =	sshrl.u32 s1, $0x7;
	s7 =	simm.s32 @!p1 $0x0  }
0x17c: {  	s24 =	sadd.s32 s30, s22;
	s1 =	ssub.s32 s1, s7  }
0x17d: {  	s7 =	sand.u32 $0xFFFFFF80, s24;
	s1 =	sshll.u32 s1, $0x7  }
0x17e: {  	s7 =	ssub.s32 s22, s7;
	s1 =	sand.u32 $0x1FFFFF80, s1  }
0x17f: {  	s30 =	sadd.s32 $0xFFFFFFF7, s3;
	v52 =	vadd.s32 s7, v0;
	[tilespmem:v11+s11+$0x0] =	vst.idx.msk @!p0 $0xffff, v10;
	s1 =	sadd.s32 s0, s1  }
0x180: {  	v53 =	vmov s30;
	[tilespmem:s18], [sflag:$0x6] =	stream.strided.gather [hbm4b:s1+s10], $0x2000, s12, s10, $0x38;
	[tilespmem:$0x1A280] =	vst v63  }
0x181: {  	v54 =	vshll.u32 v53, $0x3;
	_ =	swait.ge [sflag:s28], $0x2000  }
0x182: {  	v12 =	vand.u32 $0xC00, v54;
	v11 =	vand.u32 $0x76, v53;
	[sflag:s28] =	ssyncset.done $0x0  }
0x183: {  	v11 =	vor.u32 v11, v12;
	[sflag:s28] =	ssyncadd.s32 $0xFFFFE000  }
0x184: {  	v12 =	vor.u32 v1, v11;
	v10 =	vld.idx.msk [tilespmem:v52+s19+$0x0], $0xffff  }
0x185: {  	v55 =	vadd.s32 s7, v2;
	_ =	sdelay $0x3  }
0x186: {  	[tilespmem:v12+s21+$0x0] =	vst.idx.msk $0xffff, v10  }
0x187: {  	v13 =	vor.u32 v3, v11;
	v10 =	vld.idx.msk [tilespmem:v55+s19+$0x0], $0xffff  }
0x188: {  	v56 =	vadd.s32 s7, v4;
	_ =	sdelay $0x3  }
0x189: {  	[tilespmem:v13+s21+$0x0] =	vst.idx.msk $0xffff, v10  }
0x18a: {  	v14 =	vor.u32 v5, v11;
	v10 =	vld.idx.msk [tilespmem:v56+s19+$0x0], $0xffff  }
0x18b: {  	v57 =	vadd.s32 s7, v6;
	_ =	sdelay $0x1  }
0x18c: {  	p0 =	slt.s32 s22, $0xF4200  }
0x18d: {  	v16 =	vlaneseq.u32 @!p0  }
0x18e: {  	[tilespmem:v14+s21+$0x0] =	vst.idx.msk $0xffff, v10;
	v10 =	vmul.u32 @!p0 $0x80, v16  }
0x18f: {  	s1 =	sadd.s32 @!p0 $0xFFF0BE00, s22;
	v11 =	vor.u32 v7, v11;
	v15 =	vld.idx.msk [tilespmem:v57+s19+$0x0], $0xffff  }
0x190: {  	v16 =	vadd.s32 @!p0 s1, v10;
	_ =	sdelay $0x1  }
0x191: {  	(v2sf) =	vpush v9, $0xE;
	_ =	sdelay $0x1  }
0x192: {  	s7 =	simm.s32 @!p0 $0x10280;
	[tilespmem:v11+s21+$0x0] =	vst.idx.msk $0xffff, v15  }
0x193: {  	v15 =	vld.idx.msk @!p0 [tilespmem:v16+s7+$0x0], $0xffff;
	v16 =	vor.u32 @!p0 $0x800, v10  }
0x194: {  	v16 =	vadd.s32 @!p0 s1, v16  }
0x195: {  	(v2sf) =	vpush v9, $0x7;
	_ =	sdelay $0x1  }
0x196: {  	s11 =	simm.s32 @!p0 $0x12280  }
0x197: {  	[tilespmem:v12+s11+$0x0] =	vst.idx.msk @!p0 $0xffff, v15  }
0x198: {  	v15 =	vor.u32 @!p0 $0x1000, v10;
	v12 =	vld.idx.msk @!p0 [tilespmem:v16+s7+$0x0], $0xffff  }
0x199: {  	v15 =	vadd.s32 @!p0 s1, v15;
	_ =	sdelay $0x3  }
0x19a: {  	[tilespmem:v13+s11+$0x0] =	vst.idx.msk @!p0 $0xffff, v12  }
0x19b: {  	s30 =	spop (v2sf);
	v10 =	vor.u32 @!p0 $0x1800, v10;
	v12 =	vld.idx.msk @!p0 [tilespmem:v15+s7+$0x0], $0xffff  }
0x19c: {  	p1 =	slt.s32 s30, $0xF41FF;
	v10 =	vadd.s32 @!p0 s1, v10;
	s1 =	smov.u32 s30  }
0x19d: {  	s1 =	simm.s32 @!p1 $0xF41FF  }
0x19e: {  	s23 =	sshra.s32 s1, $0x1F;
	s24 =	sand.u32 $0x7F, s1  }
0x19f: {  	p3 =	slt.s32 s30, $0x1;
	s22 =	sshrl.u32 s23, $0x19;
	p4 =	sne.s32 s24, $0x0  }
0x1a0: {  	s1 =	sadd.s32 s22, s1;
	p1 =	por !p3, !p4;
	s22 =	spop (v2sf);
	[tilespmem:v14+s11+$0x0] =	vst.idx.msk @!p0 $0xffff, v12  }
0x1a1: {  	p1 =	por !p1, !p1;
	s24 =	sshra.s32 s22, $0x1F;
	v10 =	vld.idx.msk @!p0 [tilespmem:v10+s7+$0x0], $0xffff;
	s7 =	simm.s32 $0x1  }
0x1a2: {  	s1 =	sshrl.u32 s1, $0x7;
	s23 =	sshrl.u32 s24, $0x19;
	s7 =	simm.s32 @!p1 $0x0  }
0x1a3: {  	s24 =	sadd.s32 s23, s22;
	s1 =	ssub.s32 s1, s7  }
0x1a4: {  	s7 =	sand.u32 $0xFFFFFF80, s24;
	s1 =	sshll.u32 s1, $0x7  }
0x1a5: {  	s7 =	ssub.s32 s22, s7;
	s1 =	sand.u32 $0x1FFFFF80, s1  }
0x1a6: {  	s23 =	sadd.s32 $0xFFFFFFF8, s3;
	v58 =	vadd.s32 s7, v0;
	[tilespmem:v11+s11+$0x0] =	vst.idx.msk @!p0 $0xffff, v10;
	s1 =	sadd.s32 s0, s1  }
0x1a7: {  	v59 =	vmov s23;
	[tilespmem:s19], [sflag:$0x7] =	stream.strided.gather [hbm4b:s1+s10], $0x2000, s12, s10, $0x38;
	[tilespmem:$0x1A280] =	vst v63  }
0x1a8: {  	v60 =	vshll.u32 v59, $0x3;
	_ =	swait.ge [sflag:s29], $0x2000  }
0x1a9: {  	v12 =	vand.u32 $0xC00, v60;
	v11 =	vand.u32 $0x77, v59;
	[sflag:s29] =	ssyncset.done $0x0  }
0x1aa: {  	v11 =	vor.u32 v11, v12;
	[sflag:s29] =	ssyncadd.s32 $0xFFFFE000  }
0x1ab: {  	v12 =	vor.u32 v1, v11;
	v10 =	vld.idx.msk [tilespmem:v58+s20+$0x0], $0xffff  }
0x1ac: {  	v61 =	vadd.s32 s7, v2;
	_ =	sdelay $0x3  }
0x1ad: {  	[tilespmem:v12+s21+$0x0] =	vst.idx.msk $0xffff, v10  }
0x1ae: {  	v13 =	vor.u32 v3, v11;
	v10 =	vld.idx.msk [tilespmem:v61+s20+$0x0], $0xffff  }
0x1af: {  	v62 =	vadd.s32 s7, v4;
	_ =	sdelay $0x3  }
0x1b0: {  	[tilespmem:v13+s21+$0x0] =	vst.idx.msk $0xffff, v10  }
0x1b1: {  	v14 =	vor.u32 v5, v11;
	v10 =	vld.idx.msk [tilespmem:v62+s20+$0x0], $0xffff  }
0x1b2: {  	v63 =	vadd.s32 s7, v6;
	_ =	sdelay $0x1  }
0x1b3: {  	p0 =	slt.s32 s22, $0xF4200  }
0x1b4: {  	v16 =	vlaneseq.u32 @!p0  }
0x1b5: {  	[tilespmem:v14+s21+$0x0] =	vst.idx.msk $0xffff, v10;
	v10 =	vmul.u32 @!p0 $0x80, v16  }
0x1b6: {  	s1 =	sadd.s32 @!p0 $0xFFF0BE00, s22;
	v11 =	vor.u32 v7, v11;
	v15 =	vld.idx.msk [tilespmem:v63+s20+$0x0], $0xffff  }
0x1b7: {  	v16 =	vadd.s32 @!p0 s1, v10;
	_ =	sdelay $0x1  }
0x1b8: {  	(v2sf) =	vpush v9, $0xF;
	_ =	sdelay $0x1  }
0x1b9: {  	s11 =	simm.s32 @!p0 $0x10280;
	[tilespmem:v11+s21+$0x0] =	vst.idx.msk $0xffff, v15  }
0x1ba: {  	v15 =	vor.u32 @!p0 $0x800, v10;
	v9 =	vld.idx.msk @!p0 [tilespmem:v16+s11+$0x0], $0xffff  }
0x1bb: {  	v15 =	vadd.s32 @!p0 s1, v15;
	_ =	sdelay $0x2  }
0x1bc: {  	s22 =	simm.s32 @!p0 $0x12280  }
0x1bd: {  	[tilespmem:v12+s22+$0x0] =	vst.idx.msk @!p0 $0xffff, v9  }
0x1be: {  	v12 =	vor.u32 @!p0 $0x1000, v10;
	v9 =	vld.idx.msk @!p0 [tilespmem:v15+s11+$0x0], $0xffff  }
0x1bf: {  	v12 =	vadd.s32 @!p0 s1, v12;
	_ =	sdelay $0x3  }
0x1c0: {  	[tilespmem:v13+s22+$0x0] =	vst.idx.msk @!p0 $0xffff, v9  }
0x1c1: {  	s7 =	spop (v2sf);
	v10 =	vor.u32 @!p0 $0x1800, v10;
	v9 =	vld.idx.msk @!p0 [tilespmem:v12+s11+$0x0], $0xffff  }
0x1c2: {  	p1 =	slt.s32 s7, $0xF41FF;
	v10 =	vadd.s32 @!p0 s1, v10;
	s1 =	smov.u32 s7  }
0x1c3: {  	s1 =	simm.s32 @!p1 $0xF41FF  }
0x1c4: {  	s24 =	sand.u32 $0x7F, s1  }
0x1c5: {  	p5 =	slt.s32 s7, $0x1;
	s23 =	sshra.s32 s1, $0x1F;
	p6 =	sne.s32 s24, $0x0  }
0x1c6: {  	s23 =	sshrl.u32 s23, $0x19;
	s24 =	sshra.s32 s8, $0x1F;
	p1 =	por !p5, !p6;
	[tilespmem:v14+s22+$0x0] =	vst.idx.msk @!p0 $0xffff, v9  }
0x1c7: {  	s1 =	sadd.s32 s23, s1;
	p1 =	por !p1, !p1;
	v9 =	vld.idx.msk @!p0 [tilespmem:v10+s11+$0x0], $0xffff;
	s11 =	simm.s32 $0x1  }
0x1c8: {  	s23 =	sshrl.u32 s24, $0x19;
	s1 =	sshrl.u32 s1, $0x7;
	s11 =	simm.s32 @!p1 $0x0  }
0x1c9: {  	s23 =	sadd.s32 s23, s8;
	s1 =	ssub.s32 s1, s11  }
0x1ca: {  	s11 =	sand.u32 $0xFFFFFF80, s23;
	s1 =	sshll.u32 s1, $0x7  }
0x1cb: {  	s11 =	ssub.s32 s8, s11;
	s1 =	sand.u32 $0x1FFFFF80, s1  }
0x1cc: {  	s24 =	sadd.s32 $0xFFFFFFF9, s3;
	v16 =	vadd.s32 s11, v0;
	[tilespmem:v11+s22+$0x0] =	vst.idx.msk @!p0 $0xffff, v9;
	s1 =	sadd.s32 s0, s1  }
0x1cd: {  	v17 =	vmov s24;
	[tilespmem:s20], [sflag:$0x8] =	stream.strided.gather [hbm4b:s1+s10], $0x2000, s12, s10, $0x38;
	[tilespmem:$0x1A280] =	vst v63  }
0x1ce: {  	v18 =	vshll.u32 v17, $0x3;
	_ =	swait.ge [sflag:s25], $0x2000  }
0x1cf: {  	v10 =	vand.u32 $0x78, v17;
	v11 =	vand.u32 $0xC00, v18;
	[sflag:s25] =	ssyncset.done $0x0  }
0x1d0: {  	v10 =	vor.u32 v10, v11;
	[sflag:s25] =	ssyncadd.s32 $0xFFFFE000  }
0x1d1: {  	v11 =	vor.u32 v1, v10;
	v9 =	vld.idx.msk [tilespmem:v16+s13+$0x0], $0xffff  }
0x1d2: {  	v19 =	vadd.s32 s11, v2;
	_ =	sdelay $0x3  }
0x1d3: {  	[tilespmem:v11+s21+$0x0] =	vst.idx.msk $0xffff, v9  }
0x1d4: {  	v12 =	vor.u32 v3, v10;
	v9 =	vld.idx.msk [tilespmem:v19+s13+$0x0], $0xffff  }
0x1d5: {  	v20 =	vadd.s32 s11, v4;
	_ =	sdelay $0x3  }
0x1d6: {  	[tilespmem:v12+s21+$0x0] =	vst.idx.msk $0xffff, v9  }
0x1d7: {  	v13 =	vor.u32 v5, v10;
	v9 =	vld.idx.msk [tilespmem:v20+s13+$0x0], $0xffff  }
0x1d8: {  	v21 =	vadd.s32 s11, v6;
	_ =	sdelay $0x1  }
0x1d9: {  	p1 =	slt.s32 s8, $0xF4200  }
0x1da: {  	v15 =	vlaneseq.u32 @!p1  }
0x1db: {  	p0 =	seq.s32 s3, $0x1FF;
	[tilespmem:v13+s21+$0x0] =	vst.idx.msk $0xffff, v9;
	v9 =	vmul.u32 @!p1 $0x80, v15  }
0x1dc: {  	s1 =	sadd.s32 @!p1 $0xFFF0BE00, s8;
	v10 =	vor.u32 v7, v10;
	(v2sf) =	vpush @!p0 v8, $0x0;
	v14 =	vld.idx.msk [tilespmem:v21+s13+$0x0], $0xffff  }
0x1dd: {  	v15 =	vadd.s32 @!p1 s1, v9;
	_ =	sdelay $0x3  }
0x1de: {  	s8 =	simm.s32 @!p1 $0x10280;
	[tilespmem:v10+s21+$0x0] =	vst.idx.msk $0xffff, v14  }
0x1df: {  	v14 =	vld.idx.msk @!p1 [tilespmem:v15+s8+$0x0], $0xffff;
	v15 =	vor.u32 @!p1 $0x800, v9  }
0x1e0: {  	v15 =	vadd.s32 @!p1 s1, v15;
	_ =	sdelay $0x2  }
0x1e1: {  	s11 =	simm.s32 @!p1 $0x12280  }
0x1e2: {  	[tilespmem:v11+s11+$0x0] =	vst.idx.msk @!p1 $0xffff, v14  }
0x1e3: {  	v14 =	vor.u32 @!p1 $0x1000, v9;
	v11 =	vld.idx.msk @!p1 [tilespmem:v15+s8+$0x0], $0xffff  }
0x1e4: {  	v14 =	vadd.s32 @!p1 s1, v14;
	_ =	sdelay $0x1  }
0x1e5: {  	s22 =	spop @!p0 (v2sf)  }
0x1e6: {  	p2 =	slt.s32 @!p0 s22, $0xF41FF  }
0x1e7: {  	p2 =	por !p2, p0;
	[tilespmem:v12+s11+$0x0] =	vst.idx.msk @!p1 $0xffff, v11  }
0x1e8: {  	p3 =	slt.s32 @!p0 s22, $0x1;
	s22 =	simm.s32 @p2 $0xF41FF;
	v9 =	vor.u32 @!p1 $0x1800, v9;
	v11 =	vld.idx.msk @!p1 [tilespmem:v14+s8+$0x0], $0xffff  }
0x1e9: {  	v9 =	vadd.s32 @!p1 s1, v9;
	s1 =	sand.u32 @!p0 $0x7F, s22  }
0x1ea: {  	p2 =	sne.s32 @!p0 s1, $0x0  }
0x1eb: {  	s1 =	sshra.s32 @!p0 s22, $0x1F;
	p2 =	por @!p0 !p3, !p2  }
0x1ec: {  	s1 =	sshrl.u32 @!p0 s1, $0x19;
	p2 =	por @!p0 !p2, !p2  }
0x1ed: {  	s1 =	sadd.s32 @!p0 s1, s22;
	s22 =	simm.s32 @!p0 $0x1;
	p2 =	por !p2, p0;
	[tilespmem:v13+s11+$0x0] =	vst.idx.msk @!p1 $0xffff, v11  }
0x1ee: {  	s24 =	sshra.s32 s31, $0x1F;
	s1 =	sshrl.u32 @!p0 s1, $0x7;
	s22 =	simm.s32 @p2 $0x0;
	v9 =	vld.idx.msk @!p1 [tilespmem:v9+s8+$0x0], $0xffff  }
0x1ef: {  	s1 =	ssub.s32 @!p0 s1, s22;
	s8 =	sshrl.u32 s24, $0x19  }
0x1f0: {  	s1 =	sshll.u32 @!p0 s1, $0x7;
	s8 =	sadd.s32 s8, s31  }
0x1f1: {  	s1 =	sand.u32 @!p0 $0x1FFFFF80, s1;
	s8 =	sand.u32 $0xFFFFFF80, s8  }
0x1f2: {  	s22 =	sadd.s32 $0xFFFFFFFA, s3;
	s23 =	sadd.s32 @!p0 s0, s1;
	s24 =	ssub.s32 s31, s8  }
0x1f3: {  	s1 =	simm.s32 @!p0 $0x7A1400;
	s8 =	simm.s32 @!p0 $0x400;
	v22 =	vadd.s32 s24, v0;
	[tilespmem:v10+s11+$0x0] =	vst.idx.msk @!p1 $0xffff, v9;
	s11 =	simm.s32 @!p0 $0x280  }
0x1f4: {  	v23 =	vmov s22;
	[tilespmem:s11], [sflag:$0x1] =	stream.strided.gather @!p0 [hbm4b:s23+s8], $0x2000, s1, s8, $0x38;
	[tilespmem:$0x1A280] =	vst v63  }
0x1f5: {  	v24 =	vshll.u32 v23, $0x3;
	_ =	swait.ge [sflag:s26], $0x2000  }
0x1f6: {  	v11 =	vand.u32 $0xC00, v24;
	v10 =	vand.u32 $0x79, v23;
	[sflag:s26] =	ssyncset.done $0x0  }
0x1f7: {  	v10 =	vor.u32 v10, v11;
	[sflag:s26] =	ssyncadd.s32 $0xFFFFE000  }
0x1f8: {  	v11 =	vor.u32 v1, v10;
	v9 =	vld.idx.msk [tilespmem:v22+s14+$0x0], $0xffff  }
0x1f9: {  	v25 =	vadd.s32 s24, v2;
	_ =	sdelay $0x3  }
0x1fa: {  	[tilespmem:v11+s21+$0x0] =	vst.idx.msk $0xffff, v9  }
0x1fb: {  	v12 =	vor.u32 v3, v10;
	v9 =	vld.idx.msk [tilespmem:v25+s14+$0x0], $0xffff  }
0x1fc: {  	v26 =	vadd.s32 s24, v4;
	_ =	sdelay $0x3  }
0x1fd: {  	[tilespmem:v12+s21+$0x0] =	vst.idx.msk $0xffff, v9  }
0x1fe: {  	v13 =	vor.u32 v5, v10;
	v9 =	vld.idx.msk [tilespmem:v26+s14+$0x0], $0xffff  }
0x1ff: {  	v27 =	vadd.s32 s24, v6;
	_ =	sdelay $0x1  }
0x200: {  	p1 =	slt.s32 s31, $0xF4200  }
0x201: {  	v15 =	vlaneseq.u32 @!p1  }
0x202: {  	[tilespmem:v13+s21+$0x0] =	vst.idx.msk $0xffff, v9;
	v9 =	vmul.u32 @!p1 $0x80, v15  }
0x203: {  	s11 =	sadd.s32 @!p1 $0xFFF0BE00, s31;
	v10 =	vor.u32 v7, v10;
	v14 =	vld.idx.msk [tilespmem:v27+s14+$0x0], $0xffff  }
0x204: {  	(v2sf) =	vpush @!p0 v8, $0x1;
	v15 =	vadd.s32 @!p1 s11, v9;
	_ =	sdelay $0x3  }
0x205: {  	s22 =	simm.s32 @!p1 $0x10280;
	[tilespmem:v10+s21+$0x0] =	vst.idx.msk $0xffff, v14  }
0x206: {  	v14 =	vld.idx.msk @!p1 [tilespmem:v15+s22+$0x0], $0xffff;
	v15 =	vor.u32 @!p1 $0x800, v9  }
0x207: {  	v15 =	vadd.s32 @!p1 s11, v15;
	_ =	sdelay $0x2  }
0x208: {  	s23 =	simm.s32 @!p1 $0x12280  }
0x209: {  	[tilespmem:v11+s23+$0x0] =	vst.idx.msk @!p1 $0xffff, v14  }
0x20a: {  	v14 =	vor.u32 @!p1 $0x1000, v9;
	v11 =	vld.idx.msk @!p1 [tilespmem:v15+s22+$0x0], $0xffff  }
0x20b: {  	v14 =	vadd.s32 @!p1 s11, v14;
	_ =	sdelay $0x2  }
0x20c: {  	s24 =	spop @!p0 (v2sf)  }
0x20d: {  	p2 =	slt.s32 @!p0 s24, $0xF41FF;
	[tilespmem:v12+s23+$0x0] =	vst.idx.msk @!p1 $0xffff, v11  }
0x20e: {  	p2 =	por !p2, p0;
	v9 =	vor.u32 @!p1 $0x1800, v9;
	v11 =	vld.idx.msk @!p1 [tilespmem:v14+s22+$0x0], $0xffff  }
0x20f: {  	p3 =	slt.s32 @!p0 s24, $0x1;
	s24 =	simm.s32 @p2 $0xF41FF;
	v9 =	vadd.s32 @!p1 s11, v9  }
0x210: {  	s11 =	sand.u32 @!p0 $0x7F, s24  }
0x211: {  	p2 =	sne.s32 @!p0 s11, $0x0  }
0x212: {  	s11 =	sshra.s32 @!p0 s24, $0x1F;
	p2 =	por @!p0 !p3, !p2  }
0x213: {  	s31 =	sshra.s32 s2, $0x1F;
	s11 =	sshrl.u32 @!p0 s11, $0x19;
	p2 =	por @!p0 !p2, !p2;
	[tilespmem:v13+s23+$0x0] =	vst.idx.msk @!p1 $0xffff, v11  }
0x214: {  	s11 =	sadd.s32 @!p0 s11, s24;
	p2 =	por !p2, p0;
	v9 =	vld.idx.msk @!p1 [tilespmem:v9+s22+$0x0], $0xffff;
	s22 =	simm.s32 @!p0 $0x1  }
0x215: {  	s24 =	sshrl.u32 s31, $0x19;
	s11 =	sshrl.u32 @!p0 s11, $0x7;
	s22 =	simm.s32 @p2 $0x0  }
0x216: {  	s24 =	sadd.s32 s24, s2;
	s11 =	ssub.s32 @!p0 s11, s22  }
0x217: {  	s22 =	sand.u32 $0xFFFFFF80, s24;
	s11 =	sshll.u32 @!p0 s11, $0x7  }
0x218: {  	s31 =	sadd.s32 $0xFFFFFFFB, s3;
	s22 =	ssub.s32 s2, s22;
	s11 =	sand.u32 @!p0 $0x1FFFFF80, s11  }
0x219: {  	s24 =	simm.s32 $0x3;
	v28 =	vadd.s32 s22, v0;
	[tilespmem:v10+s23+$0x0] =	vst.idx.msk @!p1 $0xffff, v9;
	s11 =	sadd.s32 @!p0 s0, s11;
	s23 =	simm.s32 @!p0 $0x2280  }
0x21a: {  	v29 =	vmov s31;
	[tilespmem:s23], [sflag:$0x2] =	stream.strided.gather @!p0 [hbm4b:s11+s8], $0x2000, s1, s8, $0x38;
	[tilespmem:$0x1A280] =	vst v63  }
0x21b: {  	v30 =	vshll.u32 v29, $0x3;
	_ =	swait.ge [sflag:s24], $0x2000  }
0x21c: {  	v11 =	vand.u32 $0xC00, v30;
	v10 =	vand.u32 $0x7A, v29;
	[sflag:s24] =	ssyncset.done $0x0  }
0x21d: {  	v10 =	vor.u32 v10, v11;
	[sflag:s24] =	ssyncadd.s32 $0xFFFFE000  }
0x21e: {  	v11 =	vor.u32 v1, v10;
	v9 =	vld.idx.msk [tilespmem:v28+s15+$0x0], $0xffff  }
0x21f: {  	v31 =	vadd.s32 s22, v2;
	_ =	sdelay $0x3  }
0x220: {  	[tilespmem:v11+s21+$0x0] =	vst.idx.msk $0xffff, v9  }
0x221: {  	v12 =	vor.u32 v3, v10;
	v9 =	vld.idx.msk [tilespmem:v31+s15+$0x0], $0xffff  }
0x222: {  	v32 =	vadd.s32 s22, v4;
	_ =	sdelay $0x3  }
0x223: {  	[tilespmem:v12+s21+$0x0] =	vst.idx.msk $0xffff, v9  }
0x224: {  	v13 =	vor.u32 v5, v10;
	v9 =	vld.idx.msk [tilespmem:v32+s15+$0x0], $0xffff  }
0x225: {  	v33 =	vadd.s32 s22, v6;
	_ =	sdelay $0x1  }
0x226: {  	p1 =	slt.s32 s2, $0xF4200  }
0x227: {  	v15 =	vlaneseq.u32 @!p1  }
0x228: {  	[tilespmem:v13+s21+$0x0] =	vst.idx.msk $0xffff, v9;
	v9 =	vmul.u32 @!p1 $0x80, v15  }
0x229: {  	s2 =	sadd.s32 @!p1 $0xFFF0BE00, s2;
	v10 =	vor.u32 v7, v10;
	v14 =	vld.idx.msk [tilespmem:v33+s15+$0x0], $0xffff  }
0x22a: {  	(v2sf) =	vpush @!p0 v8, $0x2;
	v15 =	vadd.s32 @!p1 s2, v9;
	_ =	sdelay $0x3  }
0x22b: {  	s11 =	simm.s32 @!p1 $0x10280;
	[tilespmem:v10+s21+$0x0] =	vst.idx.msk $0xffff, v14  }
0x22c: {  	v14 =	vld.idx.msk @!p1 [tilespmem:v15+s11+$0x0], $0xffff;
	v15 =	vor.u32 @!p1 $0x800, v9  }
0x22d: {  	v15 =	vadd.s32 @!p1 s2, v15;
	_ =	sdelay $0x2  }
0x22e: {  	s22 =	simm.s32 @!p1 $0x12280  }
0x22f: {  	[tilespmem:v11+s22+$0x0] =	vst.idx.msk @!p1 $0xffff, v14  }
0x230: {  	v14 =	vor.u32 @!p1 $0x1000, v9;
	v11 =	vld.idx.msk @!p1 [tilespmem:v15+s11+$0x0], $0xffff  }
0x231: {  	v14 =	vadd.s32 @!p1 s2, v14;
	_ =	sdelay $0x2  }
0x232: {  	s23 =	spop @!p0 (v2sf)  }
0x233: {  	p2 =	slt.s32 @!p0 s23, $0xF41FF;
	[tilespmem:v12+s22+$0x0] =	vst.idx.msk @!p1 $0xffff, v11  }
0x234: {  	p2 =	por !p2, p0;
	v9 =	vor.u32 @!p1 $0x1800, v9;
	v11 =	vld.idx.msk @!p1 [tilespmem:v14+s11+$0x0], $0xffff  }
0x235: {  	p3 =	slt.s32 @!p0 s23, $0x1;
	s23 =	simm.s32 @p2 $0xF41FF;
	v9 =	vadd.s32 @!p1 s2, v9  }
0x236: {  	s2 =	sand.u32 @!p0 $0x7F, s23  }
0x237: {  	p2 =	sne.s32 @!p0 s2, $0x0  }
0x238: {  	s2 =	sshra.s32 @!p0 s23, $0x1F;
	p2 =	por @!p0 !p3, !p2  }
0x239: {  	s31 =	sshra.s32 s4, $0x1F;
	s2 =	sshrl.u32 @!p0 s2, $0x19;
	p2 =	por @!p0 !p2, !p2;
	[tilespmem:v13+s22+$0x0] =	vst.idx.msk @!p1 $0xffff, v11  }
0x23a: {  	s2 =	sadd.s32 @!p0 s2, s23;
	p2 =	por !p2, p0;
	v9 =	vld.idx.msk @!p1 [tilespmem:v9+s11+$0x0], $0xffff;
	s11 =	simm.s32 @!p0 $0x1  }
0x23b: {  	s23 =	sshrl.u32 s31, $0x19;
	s2 =	sshrl.u32 @!p0 s2, $0x7;
	s11 =	simm.s32 @p2 $0x0  }
0x23c: {  	s23 =	sadd.s32 s23, s4;
	s2 =	ssub.s32 @!p0 s2, s11  }
0x23d: {  	s11 =	sand.u32 $0xFFFFFF80, s23;
	s2 =	sshll.u32 @!p0 s2, $0x7  }
0x23e: {  	s31 =	sadd.s32 $0xFFFFFFFC, s3;
	s11 =	ssub.s32 s4, s11;
	s2 =	sand.u32 @!p0 $0x1FFFFF80, s2  }
0x23f: {  	s23 =	simm.s32 $0x4;
	v34 =	vadd.s32 s11, v0;
	[tilespmem:v10+s22+$0x0] =	vst.idx.msk @!p1 $0xffff, v9;
	s2 =	sadd.s32 @!p0 s0, s2;
	s22 =	simm.s32 @!p0 $0x4280  }
0x240: {  	v35 =	vmov s31;
	[tilespmem:s22], [sflag:$0x3] =	stream.strided.gather @!p0 [hbm4b:s2+s8], $0x2000, s1, s8, $0x38;
	[tilespmem:$0x1A280] =	vst v63  }
0x241: {  	v36 =	vshll.u32 v35, $0x3;
	_ =	swait.ge [sflag:s23], $0x2000  }
0x242: {  	v11 =	vand.u32 $0xC00, v36;
	v10 =	vand.u32 $0x7B, v35;
	[sflag:s23] =	ssyncset.done $0x0  }
0x243: {  	v10 =	vor.u32 v10, v11;
	[sflag:s23] =	ssyncadd.s32 $0xFFFFE000  }
0x244: {  	v11 =	vor.u32 v1, v10;
	v9 =	vld.idx.msk [tilespmem:v34+s16+$0x0], $0xffff  }
0x245: {  	v37 =	vadd.s32 s11, v2;
	_ =	sdelay $0x3  }
0x246: {  	[tilespmem:v11+s21+$0x0] =	vst.idx.msk $0xffff, v9  }
0x247: {  	v12 =	vor.u32 v3, v10;
	v9 =	vld.idx.msk [tilespmem:v37+s16+$0x0], $0xffff  }
0x248: {  	v38 =	vadd.s32 s11, v4;
	_ =	sdelay $0x3  }
0x249: {  	[tilespmem:v12+s21+$0x0] =	vst.idx.msk $0xffff, v9  }
0x24a: {  	v13 =	vor.u32 v5, v10;
	v9 =	vld.idx.msk [tilespmem:v38+s16+$0x0], $0xffff  }
0x24b: {  	v39 =	vadd.s32 s11, v6;
	_ =	sdelay $0x1  }
0x24c: {  	p1 =	slt.s32 s4, $0xF4200  }
0x24d: {  	v15 =	vlaneseq.u32 @!p1  }
0x24e: {  	[tilespmem:v13+s21+$0x0] =	vst.idx.msk $0xffff, v9;
	v9 =	vmul.u32 @!p1 $0x80, v15  }
0x24f: {  	s2 =	sadd.s32 @!p1 $0xFFF0BE00, s4;
	v10 =	vor.u32 v7, v10;
	v14 =	vld.idx.msk [tilespmem:v39+s16+$0x0], $0xffff  }
0x250: {  	(v2sf) =	vpush @!p0 v8, $0x3;
	v15 =	vadd.s32 @!p1 s2, v9;
	_ =	sdelay $0x3  }
0x251: {  	s4 =	simm.s32 @!p1 $0x10280;
	[tilespmem:v10+s21+$0x0] =	vst.idx.msk $0xffff, v14  }
0x252: {  	v14 =	vld.idx.msk @!p1 [tilespmem:v15+s4+$0x0], $0xffff;
	v15 =	vor.u32 @!p1 $0x800, v9  }
0x253: {  	v15 =	vadd.s32 @!p1 s2, v15;
	_ =	sdelay $0x2  }
0x254: {  	s11 =	simm.s32 @!p1 $0x12280  }
0x255: {  	[tilespmem:v11+s11+$0x0] =	vst.idx.msk @!p1 $0xffff, v14  }
0x256: {  	v14 =	vor.u32 @!p1 $0x1000, v9;
	v11 =	vld.idx.msk @!p1 [tilespmem:v15+s4+$0x0], $0xffff  }
0x257: {  	v14 =	vadd.s32 @!p1 s2, v14;
	_ =	sdelay $0x2  }
0x258: {  	s22 =	spop @!p0 (v2sf)  }
0x259: {  	p2 =	slt.s32 @!p0 s22, $0xF41FF;
	[tilespmem:v12+s11+$0x0] =	vst.idx.msk @!p1 $0xffff, v11  }
0x25a: {  	p2 =	por !p2, p0;
	v9 =	vor.u32 @!p1 $0x1800, v9;
	v11 =	vld.idx.msk @!p1 [tilespmem:v14+s4+$0x0], $0xffff  }
0x25b: {  	p3 =	slt.s32 @!p0 s22, $0x1;
	s22 =	simm.s32 @p2 $0xF41FF;
	v9 =	vadd.s32 @!p1 s2, v9  }
0x25c: {  	s2 =	sand.u32 @!p0 $0x7F, s22  }
0x25d: {  	p2 =	sne.s32 @!p0 s2, $0x0  }
0x25e: {  	s2 =	sshra.s32 @!p0 s22, $0x1F;
	p2 =	por @!p0 !p3, !p2  }
0x25f: {  	s31 =	sshra.s32 s5, $0x1F;
	s2 =	sshrl.u32 @!p0 s2, $0x19;
	p2 =	por @!p0 !p2, !p2;
	[tilespmem:v13+s11+$0x0] =	vst.idx.msk @!p1 $0xffff, v11  }
0x260: {  	s2 =	sadd.s32 @!p0 s2, s22;
	p2 =	por !p2, p0;
	v9 =	vld.idx.msk @!p1 [tilespmem:v9+s4+$0x0], $0xffff;
	s4 =	simm.s32 @!p0 $0x1  }
0x261: {  	s22 =	sshrl.u32 s31, $0x19;
	s2 =	sshrl.u32 @!p0 s2, $0x7;
	s4 =	simm.s32 @p2 $0x0  }
0x262: {  	s22 =	sadd.s32 s22, s5;
	s2 =	ssub.s32 @!p0 s2, s4  }
0x263: {  	s4 =	sand.u32 $0xFFFFFF80, s22;
	s2 =	sshll.u32 @!p0 s2, $0x7  }
0x264: {  	s31 =	sadd.s32 $0xFFFFFFFD, s3;
	s4 =	ssub.s32 s5, s4;
	s2 =	sand.u32 @!p0 $0x1FFFFF80, s2  }
0x265: {  	s22 =	simm.s32 $0x5;
	v40 =	vadd.s32 s4, v0;
	[tilespmem:v10+s11+$0x0] =	vst.idx.msk @!p1 $0xffff, v9;
	s2 =	sadd.s32 @!p0 s0, s2;
	s11 =	simm.s32 @!p0 $0x6280  }
0x266: {  	v41 =	vmov s31;
	[tilespmem:s11], [sflag:$0x4] =	stream.strided.gather @!p0 [hbm4b:s2+s8], $0x2000, s1, s8, $0x38;
	[tilespmem:$0x1A280] =	vst v63  }
0x267: {  	v42 =	vshll.u32 v41, $0x3;
	_ =	swait.ge [sflag:s22], $0x2000  }
0x268: {  	v11 =	vand.u32 $0xC00, v42;
	v10 =	vand.u32 $0x7C, v41;
	[sflag:s22] =	ssyncset.done $0x0  }
0x269: {  	v10 =	vor.u32 v10, v11;
	[sflag:s22] =	ssyncadd.s32 $0xFFFFE000  }
0x26a: {  	v11 =	vor.u32 v1, v10;
	v9 =	vld.idx.msk [tilespmem:v40+s17+$0x0], $0xffff  }
0x26b: {  	v43 =	vadd.s32 s4, v2;
	_ =	sdelay $0x3  }
0x26c: {  	[tilespmem:v11+s21+$0x0] =	vst.idx.msk $0xffff, v9  }
0x26d: {  	v12 =	vor.u32 v3, v10;
	v9 =	vld.idx.msk [tilespmem:v43+s17+$0x0], $0xffff  }
0x26e: {  	v44 =	vadd.s32 s4, v4;
	_ =	sdelay $0x3  }
0x26f: {  	[tilespmem:v12+s21+$0x0] =	vst.idx.msk $0xffff, v9  }
0x270: {  	v13 =	vor.u32 v5, v10;
	v9 =	vld.idx.msk [tilespmem:v44+s17+$0x0], $0xffff  }
0x271: {  	v45 =	vadd.s32 s4, v6;
	_ =	sdelay $0x1  }
0x272: {  	p1 =	slt.s32 s5, $0xF4200  }
0x273: {  	v15 =	vlaneseq.u32 @!p1  }
0x274: {  	[tilespmem:v13+s21+$0x0] =	vst.idx.msk $0xffff, v9;
	v9 =	vmul.u32 @!p1 $0x80, v15  }
0x275: {  	s2 =	sadd.s32 @!p1 $0xFFF0BE00, s5;
	v10 =	vor.u32 v7, v10;
	v14 =	vld.idx.msk [tilespmem:v45+s17+$0x0], $0xffff  }
0x276: {  	(v2sf) =	vpush @!p0 v8, $0x4;
	v15 =	vadd.s32 @!p1 s2, v9;
	_ =	sdelay $0x3  }
0x277: {  	s4 =	simm.s32 @!p1 $0x10280;
	[tilespmem:v10+s21+$0x0] =	vst.idx.msk $0xffff, v14  }
0x278: {  	v14 =	vld.idx.msk @!p1 [tilespmem:v15+s4+$0x0], $0xffff;
	v15 =	vor.u32 @!p1 $0x800, v9  }
0x279: {  	v15 =	vadd.s32 @!p1 s2, v15;
	_ =	sdelay $0x2  }
0x27a: {  	s5 =	simm.s32 @!p1 $0x12280  }
0x27b: {  	[tilespmem:v11+s5+$0x0] =	vst.idx.msk @!p1 $0xffff, v14  }
0x27c: {  	v14 =	vor.u32 @!p1 $0x1000, v9;
	v11 =	vld.idx.msk @!p1 [tilespmem:v15+s4+$0x0], $0xffff  }
0x27d: {  	v14 =	vadd.s32 @!p1 s2, v14;
	_ =	sdelay $0x2  }
0x27e: {  	s11 =	spop @!p0 (v2sf)  }
0x27f: {  	p2 =	slt.s32 @!p0 s11, $0xF41FF;
	[tilespmem:v12+s5+$0x0] =	vst.idx.msk @!p1 $0xffff, v11  }
0x280: {  	p2 =	por !p2, p0;
	v9 =	vor.u32 @!p1 $0x1800, v9;
	v11 =	vld.idx.msk @!p1 [tilespmem:v14+s4+$0x0], $0xffff  }
0x281: {  	p3 =	slt.s32 @!p0 s11, $0x1;
	s11 =	simm.s32 @p2 $0xF41FF;
	v9 =	vadd.s32 @!p1 s2, v9  }
0x282: {  	s2 =	sand.u32 @!p0 $0x7F, s11  }
0x283: {  	p2 =	sne.s32 @!p0 s2, $0x0  }
0x284: {  	s2 =	sshra.s32 @!p0 s11, $0x1F;
	p2 =	por @!p0 !p3, !p2  }
0x285: {  	s31 =	sshra.s32 s6, $0x1F;
	s2 =	sshrl.u32 @!p0 s2, $0x19;
	p2 =	por @!p0 !p2, !p2;
	[tilespmem:v13+s5+$0x0] =	vst.idx.msk @!p1 $0xffff, v11  }
0x286: {  	s2 =	sadd.s32 @!p0 s2, s11;
	p2 =	por !p2, p0;
	v9 =	vld.idx.msk @!p1 [tilespmem:v9+s4+$0x0], $0xffff;
	s4 =	simm.s32 @!p0 $0x1  }
0x287: {  	s11 =	sshrl.u32 s31, $0x19;
	s2 =	sshrl.u32 @!p0 s2, $0x7;
	s4 =	simm.s32 @p2 $0x0  }
0x288: {  	s11 =	sadd.s32 s11, s6;
	s2 =	ssub.s32 @!p0 s2, s4  }
0x289: {  	s4 =	sand.u32 $0xFFFFFF80, s11;
	s2 =	sshll.u32 @!p0 s2, $0x7  }
0x28a: {  	s31 =	sadd.s32 $0xFFFFFFFE, s3;
	s4 =	ssub.s32 s6, s4;
	s2 =	sand.u32 @!p0 $0x1FFFFF80, s2  }
0x28b: {  	s11 =	simm.s32 $0x6;
	v46 =	vadd.s32 s4, v0;
	[tilespmem:v10+s5+$0x0] =	vst.idx.msk @!p1 $0xffff, v9;
	s2 =	sadd.s32 @!p0 s0, s2;
	s5 =	simm.s32 @!p0 $0x8280  }
0x28c: {  	v47 =	vmov s31;
	[tilespmem:s5], [sflag:$0x5] =	stream.strided.gather @!p0 [hbm4b:s2+s8], $0x2000, s1, s8, $0x38;
	[tilespmem:$0x1A280] =	vst v63  }
0x28d: {  	v48 =	vshll.u32 v47, $0x3;
	_ =	swait.ge [sflag:s11], $0x2000  }
0x28e: {  	v11 =	vand.u32 $0xC00, v48;
	v10 =	vand.u32 $0x7D, v47;
	[sflag:s11] =	ssyncset.done $0x0  }
0x28f: {  	v10 =	vor.u32 v10, v11;
	[sflag:s11] =	ssyncadd.s32 $0xFFFFE000  }
0x290: {  	v11 =	vor.u32 v1, v10;
	v9 =	vld.idx.msk [tilespmem:v46+s18+$0x0], $0xffff  }
0x291: {  	v49 =	vadd.s32 s4, v2;
	_ =	sdelay $0x3  }
0x292: {  	[tilespmem:v11+s21+$0x0] =	vst.idx.msk $0xffff, v9  }
0x293: {  	v12 =	vor.u32 v3, v10;
	v9 =	vld.idx.msk [tilespmem:v49+s18+$0x0], $0xffff  }
0x294: {  	v50 =	vadd.s32 s4, v4;
	_ =	sdelay $0x3  }
0x295: {  	[tilespmem:v12+s21+$0x0] =	vst.idx.msk $0xffff, v9  }
0x296: {  	v13 =	vor.u32 v5, v10;
	v9 =	vld.idx.msk [tilespmem:v50+s18+$0x0], $0xffff  }
0x297: {  	v51 =	vadd.s32 s4, v6;
	_ =	sdelay $0x1  }
0x298: {  	p1 =	slt.s32 s6, $0xF4200  }
0x299: {  	v15 =	vlaneseq.u32 @!p1  }
0x29a: {  	[tilespmem:v13+s21+$0x0] =	vst.idx.msk $0xffff, v9;
	v9 =	vmul.u32 @!p1 $0x80, v15  }
0x29b: {  	s2 =	sadd.s32 @!p1 $0xFFF0BE00, s6;
	v10 =	vor.u32 v7, v10;
	v14 =	vld.idx.msk [tilespmem:v51+s18+$0x0], $0xffff  }
0x29c: {  	(v2sf) =	vpush @!p0 v8, $0x5;
	v15 =	vadd.s32 @!p1 s2, v9;
	_ =	sdelay $0x3  }
0x29d: {  	s4 =	simm.s32 @!p1 $0x10280;
	[tilespmem:v10+s21+$0x0] =	vst.idx.msk $0xffff, v14  }
0x29e: {  	v14 =	vld.idx.msk @!p1 [tilespmem:v15+s4+$0x0], $0xffff;
	v15 =	vor.u32 @!p1 $0x800, v9  }
0x29f: {  	v15 =	vadd.s32 @!p1 s2, v15;
	_ =	sdelay $0x2  }
0x2a0: {  	s5 =	simm.s32 @!p1 $0x12280  }
0x2a1: {  	[tilespmem:v11+s5+$0x0] =	vst.idx.msk @!p1 $0xffff, v14  }
0x2a2: {  	v14 =	vor.u32 @!p1 $0x1000, v9;
	v11 =	vld.idx.msk @!p1 [tilespmem:v15+s4+$0x0], $0xffff  }
0x2a3: {  	v14 =	vadd.s32 @!p1 s2, v14;
	_ =	sdelay $0x2  }
0x2a4: {  	s6 =	spop @!p0 (v2sf)  }
0x2a5: {  	p2 =	slt.s32 @!p0 s6, $0xF41FF;
	[tilespmem:v12+s5+$0x0] =	vst.idx.msk @!p1 $0xffff, v11  }
0x2a6: {  	p2 =	por !p2, p0;
	v9 =	vor.u32 @!p1 $0x1800, v9;
	v11 =	vld.idx.msk @!p1 [tilespmem:v14+s4+$0x0], $0xffff  }
0x2a7: {  	p3 =	slt.s32 @!p0 s6, $0x1;
	s6 =	simm.s32 @p2 $0xF41FF;
	v9 =	vadd.s32 @!p1 s2, v9  }
0x2a8: {  	s2 =	sand.u32 @!p0 $0x7F, s6  }
0x2a9: {  	p2 =	sne.s32 @!p0 s2, $0x0  }
0x2aa: {  	s2 =	sshra.s32 @!p0 s6, $0x1F;
	p2 =	por @!p0 !p3, !p2  }
0x2ab: {  	s31 =	sshra.s32 s30, $0x1F;
	s2 =	sshrl.u32 @!p0 s2, $0x19;
	p2 =	por @!p0 !p2, !p2;
	[tilespmem:v13+s5+$0x0] =	vst.idx.msk @!p1 $0xffff, v11  }
0x2ac: {  	s2 =	sadd.s32 @!p0 s2, s6;
	p2 =	por !p2, p0;
	v9 =	vld.idx.msk @!p1 [tilespmem:v9+s4+$0x0], $0xffff;
	s4 =	simm.s32 @!p0 $0x1  }
0x2ad: {  	s6 =	sshrl.u32 s31, $0x19;
	s2 =	sshrl.u32 @!p0 s2, $0x7;
	s4 =	simm.s32 @p2 $0x0  }
0x2ae: {  	s6 =	sadd.s32 s6, s30;
	s2 =	ssub.s32 @!p0 s2, s4  }
0x2af: {  	s4 =	sand.u32 $0xFFFFFF80, s6;
	s2 =	sshll.u32 @!p0 s2, $0x7  }
0x2b0: {  	s4 =	ssub.s32 s30, s4;
	s2 =	sand.u32 @!p0 $0x1FFFFF80, s2  }
0x2b1: {  	s11 =	sadd.s32 $0xFFFFFFFF, s3;
	v52 =	vadd.s32 s4, v0;
	[tilespmem:v10+s5+$0x0] =	vst.idx.msk @!p1 $0xffff, v9;
	s2 =	sadd.s32 @!p0 s0, s2;
	s5 =	simm.s32 @!p0 $0xA280  }
0x2b2: {  	v53 =	vmov s11;
	[tilespmem:s5], [sflag:$0x6] =	stream.strided.gather @!p0 [hbm4b:s2+s8], $0x2000, s1, s8, $0x38;
	[tilespmem:$0x1A280] =	vst v63  }
0x2b3: {  	v54 =	vshll.u32 v53, $0x3;
	_ =	swait.ge [sflag:s28], $0x2000  }
0x2b4: {  	v11 =	vand.u32 $0xC00, v54;
	v10 =	vand.u32 $0x7E, v53;
	[sflag:s28] =	ssyncset.done $0x0  }
0x2b5: {  	v10 =	vor.u32 v10, v11;
	[sflag:s28] =	ssyncadd.s32 $0xFFFFE000  }
0x2b6: {  	v11 =	vor.u32 v1, v10;
	v9 =	vld.idx.msk [tilespmem:v52+s19+$0x0], $0xffff  }
0x2b7: {  	v55 =	vadd.s32 s4, v2;
	_ =	sdelay $0x3  }
0x2b8: {  	[tilespmem:v11+s21+$0x0] =	vst.idx.msk $0xffff, v9  }
0x2b9: {  	v12 =	vor.u32 v3, v10;
	v9 =	vld.idx.msk [tilespmem:v55+s19+$0x0], $0xffff  }
0x2ba: {  	v56 =	vadd.s32 s4, v4;
	_ =	sdelay $0x3  }
0x2bb: {  	[tilespmem:v12+s21+$0x0] =	vst.idx.msk $0xffff, v9  }
0x2bc: {  	v13 =	vor.u32 v5, v10;
	v9 =	vld.idx.msk [tilespmem:v56+s19+$0x0], $0xffff  }
0x2bd: {  	v57 =	vadd.s32 s4, v6;
	_ =	sdelay $0x1  }
0x2be: {  	p1 =	slt.s32 s30, $0xF4200  }
0x2bf: {  	v15 =	vlaneseq.u32 @!p1  }
0x2c0: {  	[tilespmem:v13+s21+$0x0] =	vst.idx.msk $0xffff, v9;
	v9 =	vmul.u32 @!p1 $0x80, v15  }
0x2c1: {  	s2 =	sadd.s32 @!p1 $0xFFF0BE00, s30;
	v10 =	vor.u32 v7, v10;
	v14 =	vld.idx.msk [tilespmem:v57+s19+$0x0], $0xffff  }
0x2c2: {  	(v2sf) =	vpush @!p0 v8, $0x6;
	v15 =	vadd.s32 @!p1 s2, v9;
	_ =	sdelay $0x3  }
0x2c3: {  	s4 =	simm.s32 @!p1 $0x10280;
	[tilespmem:v10+s21+$0x0] =	vst.idx.msk $0xffff, v14  }
0x2c4: {  	v14 =	vld.idx.msk @!p1 [tilespmem:v15+s4+$0x0], $0xffff;
	v15 =	vor.u32 @!p1 $0x800, v9  }
0x2c5: {  	v15 =	vadd.s32 @!p1 s2, v15;
	_ =	sdelay $0x2  }
0x2c6: {  	s5 =	simm.s32 @!p1 $0x12280  }
0x2c7: {  	[tilespmem:v11+s5+$0x0] =	vst.idx.msk @!p1 $0xffff, v14  }
0x2c8: {  	v14 =	vor.u32 @!p1 $0x1000, v9;
	v11 =	vld.idx.msk @!p1 [tilespmem:v15+s4+$0x0], $0xffff  }
0x2c9: {  	v14 =	vadd.s32 @!p1 s2, v14;
	_ =	sdelay $0x2  }
0x2ca: {  	s6 =	spop @!p0 (v2sf)  }
0x2cb: {  	p2 =	slt.s32 @!p0 s6, $0xF41FF;
	[tilespmem:v12+s5+$0x0] =	vst.idx.msk @!p1 $0xffff, v11  }
0x2cc: {  	p2 =	por !p2, p0;
	v9 =	vor.u32 @!p1 $0x1800, v9;
	v11 =	vld.idx.msk @!p1 [tilespmem:v14+s4+$0x0], $0xffff  }
0x2cd: {  	p3 =	slt.s32 @!p0 s6, $0x1;
	s6 =	simm.s32 @p2 $0xF41FF;
	v9 =	vadd.s32 @!p1 s2, v9  }
0x2ce: {  	s2 =	sand.u32 @!p0 $0x7F, s6  }
0x2cf: {  	p2 =	sne.s32 @!p0 s2, $0x0  }
0x2d0: {  	s2 =	sshra.s32 @!p0 s6, $0x1F;
	p2 =	por @!p0 !p3, !p2  }
0x2d1: {  	s30 =	sshra.s32 s7, $0x1F;
	s2 =	sshrl.u32 @!p0 s2, $0x19;
	p2 =	por @!p0 !p2, !p2;
	[tilespmem:v13+s5+$0x0] =	vst.idx.msk @!p1 $0xffff, v11  }
0x2d2: {  	s2 =	sadd.s32 @!p0 s2, s6;
	p2 =	por !p2, p0;
	v9 =	vld.idx.msk @!p1 [tilespmem:v9+s4+$0x0], $0xffff;
	s4 =	simm.s32 @!p0 $0x1  }
0x2d3: {  	s6 =	sshrl.u32 s30, $0x19;
	s2 =	sshrl.u32 @!p0 s2, $0x7;
	s4 =	simm.s32 @p2 $0x0  }
0x2d4: {  	s31 =	sadd.s32 s6, s7;
	s2 =	ssub.s32 @!p0 s2, s4  }
0x2d5: {  	s4 =	sand.u32 $0xFFFFFF80, s31;
	s2 =	sshll.u32 @!p0 s2, $0x7  }
0x2d6: {  	s4 =	ssub.s32 s7, s4;
	s2 =	sand.u32 @!p0 $0x1FFFFF80, s2  }
0x2d7: {  	v58 =	vadd.s32 s4, v0;
	[tilespmem:v10+s5+$0x0] =	vst.idx.msk @!p1 $0xffff, v9;
	s2 =	sadd.s32 @!p0 s0, s2;
	s5 =	simm.s32 @!p0 $0xC280  }
0x2d8: {  	v59 =	vmov s3;
	[tilespmem:s5], [sflag:$0x7] =	stream.strided.gather @!p0 [hbm4b:s2+s8], $0x2000, s1, s8, $0x38;
	[tilespmem:$0x1A280] =	vst v63  }
0x2d9: {  	v60 =	vshll.u32 v59, $0x3;
	_ =	swait.ge [sflag:s29], $0x2000  }
0x2da: {  	v11 =	vand.u32 $0xC00, v60;
	v10 =	vand.u32 $0x7F, v59;
	[sflag:s29] =	ssyncset.done $0x0  }
0x2db: {  	v10 =	vor.u32 v10, v11;
	[sflag:s29] =	ssyncadd.s32 $0xFFFFE000  }
0x2dc: {  	v11 =	vor.u32 v1, v10;
	v9 =	vld.idx.msk [tilespmem:v58+s20+$0x0], $0xffff  }
0x2dd: {  	v61 =	vadd.s32 s4, v2;
	_ =	sdelay $0x3  }
0x2de: {  	[tilespmem:v11+s21+$0x0] =	vst.idx.msk $0xffff, v9  }
0x2df: {  	v12 =	vor.u32 v3, v10;
	v9 =	vld.idx.msk [tilespmem:v61+s20+$0x0], $0xffff  }
0x2e0: {  	v62 =	vadd.s32 s4, v4;
	_ =	sdelay $0x3  }
0x2e1: {  	[tilespmem:v12+s21+$0x0] =	vst.idx.msk $0xffff, v9  }
0x2e2: {  	v13 =	vor.u32 v5, v10;
	v9 =	vld.idx.msk [tilespmem:v62+s20+$0x0], $0xffff  }
0x2e3: {  	v63 =	vadd.s32 s4, v6;
	_ =	sdelay $0x1  }
0x2e4: {  	p1 =	slt.s32 s7, $0xF4200  }
0x2e5: {  	v15 =	vlaneseq.u32 @!p1  }
0x2e6: {  	[tilespmem:v13+s21+$0x0] =	vst.idx.msk $0xffff, v9;
	v9 =	vmul.u32 @!p1 $0x80, v15  }
0x2e7: {  	s2 =	sadd.s32 @!p1 $0xFFF0BE00, s7;
	v10 =	vor.u32 v7, v10;
	v14 =	vld.idx.msk [tilespmem:v63+s20+$0x0], $0xffff  }
0x2e8: {  	v15 =	vadd.s32 @!p1 s2, v9;
	_ =	sdelay $0x3  }
0x2e9: {  	s4 =	simm.s32 @!p1 $0x10280;
	[tilespmem:v10+s21+$0x0] =	vst.idx.msk $0xffff, v14  }
0x2ea: {  	(v2sf) =	vpush @!p0 v8, $0x7;
	v14 =	vor.u32 @!p1 $0x800, v9;
	v8 =	vld.idx.msk @!p1 [tilespmem:v15+s4+$0x0], $0xffff  }
0x2eb: {  	v14 =	vadd.s32 @!p1 s2, v14;
	_ =	sdelay $0x2  }
0x2ec: {  	s5 =	simm.s32 @!p1 $0x12280  }
0x2ed: {  	[tilespmem:v11+s5+$0x0] =	vst.idx.msk @!p1 $0xffff, v8  }
0x2ee: {  	v11 =	vor.u32 @!p1 $0x1000, v9;
	v8 =	vld.idx.msk @!p1 [tilespmem:v14+s4+$0x0], $0xffff  }
0x2ef: {  	v11 =	vadd.s32 @!p1 s2, v11;
	_ =	sdelay $0x3  }
0x2f0: {  	[tilespmem:v12+s5+$0x0] =	vst.idx.msk @!p1 $0xffff, v8  }
0x2f1: {  	v9 =	vor.u32 @!p1 $0x1800, v9;
	v8 =	vld.idx.msk @!p1 [tilespmem:v11+s4+$0x0], $0xffff  }
0x2f2: {  	v9 =	vadd.s32 @!p1 s2, v9;
	_ =	sdelay $0x1  }
0x2f3: {  	s6 =	spop @!p0 (v2sf)  }
0x2f4: {  	p2 =	slt.s32 @!p0 s6, $0xF41FF  }
0x2f5: {  	p2 =	por !p2, p0;
	[tilespmem:v13+s5+$0x0] =	vst.idx.msk @!p1 $0xffff, v8  }
0x2f6: {  	p3 =	slt.s32 @!p0 s6, $0x1;
	s6 =	simm.s32 @p2 $0xF41FF;
	v8 =	vld.idx.msk @!p1 [tilespmem:v9+s4+$0x0], $0xffff  }
0x2f7: {  	s2 =	sand.u32 @!p0 $0x7F, s6  }
0x2f8: {  	p2 =	sne.s32 @!p0 s2, $0x0;
	s2 =	sshra.s32 @!p0 s6, $0x1F  }
0x2f9: {  	p2 =	por @!p0 !p3, !p2;
	s2 =	sshrl.u32 @!p0 s2, $0x19  }
0x2fa: {  	s3 =	sadd.s32 @!p0 $0x10, s3;
	p2 =	por @!p0 !p2, !p2;
	s2 =	sadd.s32 @!p0 s2, s6  }
0x2fb: {  	p2 =	por !p2, p0;
	s4 =	simm.s32 @!p0 $0x1;
	[tilespmem:v10+s5+$0x0] =	vst.idx.msk @!p1 $0xffff, v8;
	p1 =	sne.s32 @!p0 s3, $0x20F  }
0x2fc: {  	s2 =	sshrl.u32 @!p0 s2, $0x7;
	s4 =	simm.s32 @p2 $0x0;
	p1 =	por p0, !p1  }
.Ltmp0:
0x2fd: {  	s2 =	ssub.s32 @!p0 s2, s4;
	(pc) =	sbr.rel @!p1 .LBB2_2-.Ltmp0, $4  }
0x2fe: {  	s2 =	sshll.u32 @!p0 s2, $0x7  }
0x2ff: {  	s9 =	sadd.s32 @!p0 $0x10, s9;
	s7 =	simm.s32 $0x2;
	s2 =	sand.u32 @!p0 $0x1FFFFF80, s2  }
0x300: {  	s4 =	simm.s32 @!p0 $0xE280;
	s5 =	simm.s32 $0x1;
	s2 =	sadd.s32 @!p0 s0, s2  }
0x301: {  	[tilespmem:s4], [sflag:$0x8] =	stream.strided.gather @!p0 [hbm4b:s2+s8], $0x2000, s1, s8, $0x38;
	[tilespmem:$0x1A280] =	vst v63  }
0x302: {  	s1 =	simm.s32 $0x0;
	s2 =	simm.s32 $0x0  }
.LBB2_4:
0x303: {  	s3 =	sand.u32 $0x70, s2;
	s4 =	sand.u32 $0xC00, s1  }
0x304: {  	s3 =	sor.u32 s3, s4  }
0x305: {  	v11 =	vld [tilespmem:s3+$0x12280]  }
0x306: {  	v12 =	vld [tilespmem:s3+$0x12300];
	_ =	sdelay $0x1  }
0x307: {  	v9 =	vld [tilespmem:s3+$0x12380];
	_ =	sdelay $0x1  }
0x308: {  	v8 =	vld [tilespmem:s3+$0x12400]  }
0x309: {  	v13 =	vmul.f32 v11, v11;
	v14 =	vmul.f32 v12, v12  }
0x30a: {  	v10 =	vld [tilespmem:s3+$0x12480]  }
0x30b: {  	v15 =	vmul.f32 v9, v9;
	v14 =	vadd.f32 v14, v13  }
0x30c: {  	v13 =	vld [tilespmem:s3+$0x12500]  }
0x30d: {  	v16 =	vmul.f32 v8, v8;
	v15 =	vadd.f32 v15, v14  }
0x30e: {  	s31 =	sor.u32 s1, s2;
	v14 =	vld [tilespmem:s3+$0x12580]  }
0x30f: {  	s4 =	sor.u32 $0x380, s31;
	v41 =	vmul.f32 v10, v10;
	v15 =	vadd.f32 v16, v15  }
0x310: {  	v17 =	vld [tilespmem:s4+$0x12280]  }
0x311: {  	v42 =	vmul.f32 v13, v13;
	v15 =	vadd.f32 v41, v15  }
0x312: {  	v18 =	vld [tilespmem:s3+$0x13280]  }
0x313: {  	v43 =	vmul.f32 v14, v14;
	v15 =	vadd.f32 v42, v15  }
0x314: {  	v19 =	vld [tilespmem:s3+$0x13300]  }
0x315: {  	v44 =	vmul.f32 v17, v17;
	v15 =	vadd.f32 v43, v15  }
0x316: {  	v45 =	vld [tilespmem:s3+$0x13380]  }
0x317: {  	v46 =	vmul.f32 v18, v18;
	v15 =	vadd.f32 v44, v15  }
0x318: {  	v47 =	vld [tilespmem:s3+$0x13400]  }
0x319: {  	v48 =	vmul.f32 v19, v19;
	v15 =	vadd.f32 v46, v15  }
0x31a: {  	v49 =	vld [tilespmem:s3+$0x13480]  }
0x31b: {  	v50 =	vmul.f32 v45, v45;
	v15 =	vadd.f32 v48, v15  }
0x31c: {  	v51 =	vld [tilespmem:s3+$0x13500]  }
0x31d: {  	v52 =	vmul.f32 v47, v47;
	v15 =	vadd.f32 v50, v15  }
0x31e: {  	v53 =	vld [tilespmem:s3+$0x13580]  }
0x31f: {  	v54 =	vmul.f32 v49, v49;
	v15 =	vadd.f32 v52, v15  }
0x320: {  	v55 =	vld [tilespmem:s3+$0x13600]  }
0x321: {  	v56 =	vmul.f32 v51, v51;
	v15 =	vadd.f32 v54, v15  }
0x322: {  	v57 =	vld [tilespmem:s3+$0x14280]  }
0x323: {  	v58 =	vmul.f32 v53, v53;
	v15 =	vadd.f32 v56, v15  }
0x324: {  	v59 =	vld [tilespmem:s3+$0x14300]  }
0x325: {  	v60 =	vmul.f32 v55, v55;
	v15 =	vadd.f32 v58, v15  }
0x326: {  	v61 =	vld [tilespmem:s3+$0x14380]  }
0x327: {  	v62 =	vmul.f32 v57, v57;
	v15 =	vadd.f32 v60, v15  }
0x328: {  	v63 =	vld [tilespmem:s3+$0x14400]  }
0x329: {  	v21 =	vmul.f32 v59, v59;
	v15 =	vadd.f32 v62, v15  }
0x32a: {  	v22 =	vld [tilespmem:s3+$0x14480]  }
0x32b: {  	v23 =	vmul.f32 v61, v61;
	v15 =	vadd.f32 v21, v15  }
0x32c: {  	v24 =	vld [tilespmem:s3+$0x14500]  }
0x32d: {  	v25 =	vmul.f32 v63, v63;
	v15 =	vadd.f32 v23, v15  }
0x32e: {  	v26 =	vld [tilespmem:s3+$0x14580]  }
0x32f: {  	v27 =	vmul.f32 v22, v22;
	v15 =	vadd.f32 v25, v15  }
0x330: {  	v28 =	vld [tilespmem:s3+$0x14600]  }
0x331: {  	v29 =	vmul.f32 v24, v24;
	v15 =	vadd.f32 v27, v15  }
0x332: {  	v30 =	vld [tilespmem:s3+$0x15280]  }
0x333: {  	v31 =	vmul.f32 v26, v26;
	v15 =	vadd.f32 v29, v15  }
0x334: {  	v32 =	vld [tilespmem:s3+$0x15300]  }
0x335: {  	v33 =	vmul.f32 v28, v28;
	v15 =	vadd.f32 v31, v15  }
0x336: {  	v34 =	vld [tilespmem:s3+$0x15380]  }
0x337: {  	v35 =	vmul.f32 v30, v30;
	v15 =	vadd.f32 v33, v15  }
0x338: {  	v36 =	vld [tilespmem:s3+$0x15400]  }
0x339: {  	v37 =	vmul.f32 v32, v32;
	v15 =	vadd.f32 v35, v15  }
0x33a: {  	v38 =	vld [tilespmem:s3+$0x15480]  }
0x33b: {  	v39 =	vmul.f32 v34, v34;
	v15 =	vadd.f32 v37, v15  }
0x33c: {  	v40 =	vld [tilespmem:s3+$0x15500]  }
0x33d: {  	v41 =	vmul.f32 v36, v36;
	v15 =	vadd.f32 v39, v15  }
0x33e: {  	v42 =	vld [tilespmem:s3+$0x15580]  }
0x33f: {  	v43 =	vmul.f32 v38, v38;
	v15 =	vadd.f32 v41, v15  }
0x340: {  	v44 =	vld [tilespmem:s3+$0x15600]  }
0x341: {  	v45 =	vmul.f32 v40, v40;
	v15 =	vadd.f32 v43, v15  }
0x342: {  	v46 =	vld [tilespmem:s3+$0x16280]  }
0x343: {  	v47 =	vmul.f32 v42, v42;
	v15 =	vadd.f32 v45, v15  }
0x344: {  	v48 =	vld [tilespmem:s3+$0x16300]  }
0x345: {  	v49 =	vmul.f32 v44, v44;
	v15 =	vadd.f32 v47, v15  }
0x346: {  	v50 =	vld [tilespmem:s3+$0x16380]  }
0x347: {  	v51 =	vmul.f32 v46, v46;
	v15 =	vadd.f32 v49, v15  }
0x348: {  	v52 =	vld [tilespmem:s3+$0x16400]  }
0x349: {  	v53 =	vmul.f32 v48, v48;
	v15 =	vadd.f32 v51, v15  }
0x34a: {  	v54 =	vld [tilespmem:s3+$0x16480]  }
0x34b: {  	v55 =	vmul.f32 v50, v50;
	v15 =	vadd.f32 v53, v15  }
0x34c: {  	v56 =	vld [tilespmem:s3+$0x16500]  }
0x34d: {  	v57 =	vmul.f32 v52, v52;
	v15 =	vadd.f32 v55, v15  }
0x34e: {  	v58 =	vld [tilespmem:s3+$0x16580]  }
0x34f: {  	v59 =	vmul.f32 v54, v54;
	v15 =	vadd.f32 v57, v15  }
0x350: {  	v60 =	vld [tilespmem:s3+$0x16600]  }
0x351: {  	v61 =	vmul.f32 v56, v56;
	v15 =	vadd.f32 v59, v15  }
0x352: {  	v62 =	vld [tilespmem:s3+$0x17280]  }
0x353: {  	v63 =	vmul.f32 v58, v58;
	v15 =	vadd.f32 v61, v15  }
0x354: {  	v21 =	vld [tilespmem:s3+$0x17300]  }
0x355: {  	v22 =	vmul.f32 v60, v60;
	v15 =	vadd.f32 v63, v15  }
0x356: {  	v23 =	vld [tilespmem:s3+$0x17380]  }
0x357: {  	v24 =	vmul.f32 v62, v62;
	v15 =	vadd.f32 v22, v15  }
0x358: {  	v25 =	vld [tilespmem:s3+$0x17400]  }
0x359: {  	v26 =	vmul.f32 v21, v21;
	v15 =	vadd.f32 v24, v15  }
0x35a: {  	v27 =	vld [tilespmem:s3+$0x17480]  }
0x35b: {  	v28 =	vmul.f32 v23, v23;
	v15 =	vadd.f32 v26, v15  }
0x35c: {  	v29 =	vld [tilespmem:s3+$0x17500]  }
0x35d: {  	v30 =	vmul.f32 v25, v25;
	v15 =	vadd.f32 v28, v15  }
0x35e: {  	v31 =	vld [tilespmem:s3+$0x17580]  }
0x35f: {  	v32 =	vmul.f32 v27, v27;
	v15 =	vadd.f32 v30, v15  }
0x360: {  	v33 =	vld [tilespmem:s3+$0x17600]  }
0x361: {  	v34 =	vmul.f32 v29, v29;
	v15 =	vadd.f32 v32, v15  }
0x362: {  	v35 =	vld [tilespmem:s3+$0x18280]  }
0x363: {  	v36 =	vmul.f32 v31, v31;
	v15 =	vadd.f32 v34, v15  }
0x364: {  	v37 =	vld [tilespmem:s3+$0x18300]  }
0x365: {  	v38 =	vmul.f32 v33, v33;
	v15 =	vadd.f32 v36, v15  }
0x366: {  	v39 =	vld [tilespmem:s3+$0x18380]  }
0x367: {  	v40 =	vmul.f32 v35, v35;
	v15 =	vadd.f32 v38, v15  }
0x368: {  	v41 =	vld [tilespmem:s3+$0x18400]  }
0x369: {  	v42 =	vmul.f32 v37, v37;
	v15 =	vadd.f32 v40, v15  }
0x36a: {  	v43 =	vld [tilespmem:s3+$0x18480]  }
0x36b: {  	v44 =	vmul.f32 v39, v39;
	v15 =	vadd.f32 v42, v15  }
0x36c: {  	v45 =	vld [tilespmem:s3+$0x18500]  }
0x36d: {  	v46 =	vmul.f32 v41, v41;
	v15 =	vadd.f32 v44, v15  }
0x36e: {  	v47 =	vld [tilespmem:s3+$0x18580]  }
0x36f: {  	v48 =	vmul.f32 v43, v43;
	v15 =	vadd.f32 v46, v15  }
0x370: {  	v49 =	vld [tilespmem:s3+$0x18600]  }
0x371: {  	v50 =	vmul.f32 v45, v45;
	v15 =	vadd.f32 v48, v15  }
0x372: {  	v51 =	vld [tilespmem:s3+$0x19280]  }
0x373: {  	v52 =	vmul.f32 v47, v47;
	v15 =	vadd.f32 v50, v15  }
0x374: {  	v53 =	vld [tilespmem:s3+$0x19300]  }
0x375: {  	v54 =	vmul.f32 v49, v49;
	v15 =	vadd.f32 v52, v15  }
0x376: {  	v55 =	vld [tilespmem:s3+$0x19380]  }
0x377: {  	v56 =	vmul.f32 v51, v51;
	v15 =	vadd.f32 v54, v15  }
0x378: {  	v57 =	vld [tilespmem:s3+$0x19400]  }
0x379: {  	v58 =	vmul.f32 v53, v53;
	v15 =	vadd.f32 v56, v15  }
0x37a: {  	v59 =	vld [tilespmem:s3+$0x19480]  }
0x37b: {  	v60 =	vmul.f32 v55, v55;
	v15 =	vadd.f32 v58, v15  }
0x37c: {  	v61 =	vld [tilespmem:s3+$0x19500]  }
0x37d: {  	v62 =	vmul.f32 v57, v57;
	v15 =	vadd.f32 v60, v15  }
0x37e: {  	v63 =	vld [tilespmem:s3+$0x19580]  }
0x37f: {  	v21 =	vmul.f32 v59, v59;
	v15 =	vadd.f32 v62, v15  }
0x380: {  	v22 =	vld [tilespmem:s3+$0x19600]  }
0x381: {  	v23 =	vmul.f32 v61, v61;
	v15 =	vadd.f32 v21, v15;
	_ =	sdelay $0x1  }
0x382: {  	v24 =	vmul.f32 v63, v63;
	v15 =	vadd.f32 v23, v15;
	_ =	sdelay $0x1  }
0x383: {  	v25 =	vmul.f32 v22, v22;
	v15 =	vadd.f32 v24, v15;
	_ =	sdelay $0x1  }
0x384: {  	v15 =	vadd.f32 v25, v15;
	_ =	sdelay $0x1  }
0x385: {  	v15 =	vmax.f32 v15, $1.000000020e-24  }
0x386: {  	v26 =	vshrl.u32 v15, $0x1;
	v15 =	vmul.f32 $5.000000000e-01, v15  }
0x387: {  	v16 =	vsub.s32 $0x5F3759DF, v26  }
0x388: {  	v27 =	vmul.f32 v16, v15;
	_ =	sdelay $0x1  }
0x389: {  	v17 =	vmul.f32 v16, v27;
	_ =	sdelay $0x1  }
0x38a: {  	v17 =	vsub.f32 $1.500000000e+00, v17;
	_ =	sdelay $0x1  }
0x38b: {  	v16 =	vmul.f32 v16, v17;
	_ =	sdelay $0x1  }
0x38c: {  	v17 =	vmul.f32 v16, v15;
	_ =	sdelay $0x1  }
0x38d: {  	v17 =	vmul.f32 v17, v16;
	_ =	sdelay $0x1  }
0x38e: {  	v17 =	vsub.f32 $1.500000000e+00, v17;
	_ =	sdelay $0x1  }
0x38f: {  	v16 =	vmul.f32 v17, v16;
	_ =	sdelay $0x1  }
0x390: {  	v15 =	vmul.f32 v16, v15;
	_ =	sdelay $0x1  }
0x391: {  	v15 =	vmul.f32 v15, v16;
	_ =	sdelay $0x1  }
0x392: {  	v15 =	vsub.f32 $1.500000000e+00, v15;
	_ =	sdelay $0x1  }
0x393: {  	v15 =	vmul.f32 v15, v16;
	_ =	sdelay $0x1  }
0x394: {  	v11 =	vmul.f32 v15, v11  }
0x395: {  	v12 =	vmul.f32 v15, v12  }
0x396: {  	v9 =	vmul.f32 v15, v9;
	[tilespmem:s3+$0x12280] =	vst v11  }
0x397: {  	v8 =	vmul.f32 v15, v8;
	[tilespmem:s3+$0x12300] =	vst v12  }
0x398: {  	v28 =	vmul.f32 v15, v10;
	[tilespmem:s3+$0x12380] =	vst v9  }
0x399: {  	v29 =	vmul.f32 v15, v14;
	[tilespmem:s3+$0x12400] =	vst v8  }
0x39a: {  	v8 =	vmul.f32 v15, v13;
	[tilespmem:s3+$0x12480] =	vst v28  }
0x39b: {  	[tilespmem:s3+$0x12580] =	vst v29  }
0x39c: {  	[tilespmem:s3+$0x12500] =	vst v8  }
0x39d: {  	v8 =	vld [tilespmem:s4+$0x12280];
	_ =	sdelay $0x4  }
0x39e: {  	v8 =	vmul.f32 v15, v8;
	_ =	sdelay $0x1  }
0x39f: {  	[tilespmem:s4+$0x12280] =	vst v8  }
0x3a0: {  	v8 =	vld [tilespmem:s3+$0x13280]  }
0x3a1: {  	v30 =	vld [tilespmem:s3+$0x13300]  }
0x3a2: {  	v32 =	vld [tilespmem:s3+$0x13400]  }
0x3a3: {  	v31 =	vld [tilespmem:s3+$0x13380]  }
0x3a4: {  	v34 =	vld [tilespmem:s3+$0x13500]  }
0x3a5: {  	v33 =	vld [tilespmem:s3+$0x13480];
	v8 =	vmul.f32 v15, v8  }
0x3a6: {  	v36 =	vld [tilespmem:s3+$0x13600];
	v9 =	vmul.f32 v15, v30  }
0x3a7: {  	v35 =	vld [tilespmem:s3+$0x13580];
	v37 =	vmul.f32 v15, v32;
	[tilespmem:s3+$0x13280] =	vst v8  }
0x3a8: {  	v39 =	vld [tilespmem:s3+$0x14300];
	v8 =	vmul.f32 v15, v31;
	[tilespmem:s3+$0x13300] =	vst v9  }
0x3a9: {  	v38 =	vld [tilespmem:s3+$0x14280];
	v40 =	vmul.f32 v34, v15;
	[tilespmem:s3+$0x13400] =	vst v37  }
0x3aa: {  	v42 =	vld [tilespmem:s3+$0x14400];
	[tilespmem:s3+$0x13380] =	vst v8;
	v8 =	vmul.f32 v15, v33  }
0x3ab: {  	v41 =	vld [tilespmem:s3+$0x14380];
	v43 =	vmul.f32 v36, v15;
	[tilespmem:s3+$0x13500] =	vst v40  }
0x3ac: {  	v45 =	vld [tilespmem:s3+$0x14500];
	[tilespmem:s3+$0x13480] =	vst v8;
	v8 =	vmul.f32 v35, v15  }
0x3ad: {  	v44 =	vld [tilespmem:s3+$0x14480];
	v46 =	vmul.f32 v39, v15;
	[tilespmem:s3+$0x13600] =	vst v43  }
0x3ae: {  	v48 =	vld [tilespmem:s3+$0x14600];
	[tilespmem:s3+$0x13580] =	vst v8;
	v8 =	vmul.f32 v38, v15  }
0x3af: {  	v47 =	vld [tilespmem:s3+$0x14580];
	v49 =	vmul.f32 v42, v15;
	[tilespmem:s3+$0x14300] =	vst v46  }
0x3b0: {  	v51 =	vld [tilespmem:s3+$0x15300];
	[tilespmem:s3+$0x14280] =	vst v8;
	v8 =	vmul.f32 v41, v15  }
0x3b1: {  	v50 =	vld [tilespmem:s3+$0x15280];
	v52 =	vmul.f32 v45, v15;
	[tilespmem:s3+$0x14400] =	vst v49  }
0x3b2: {  	v54 =	vld [tilespmem:s3+$0x15400];
	[tilespmem:s3+$0x14380] =	vst v8;
	v8 =	vmul.f32 v44, v15  }
0x3b3: {  	v53 =	vld [tilespmem:s3+$0x15380];
	v55 =	vmul.f32 v48, v15;
	[tilespmem:s3+$0x14500] =	vst v52  }
0x3b4: {  	v57 =	vld [tilespmem:s3+$0x15500];
	[tilespmem:s3+$0x14480] =	vst v8;
	v8 =	vmul.f32 v47, v15  }
0x3b5: {  	v56 =	vld [tilespmem:s3+$0x15480];
	v58 =	vmul.f32 v51, v15;
	[tilespmem:s3+$0x14600] =	vst v55  }
0x3b6: {  	v60 =	vld [tilespmem:s3+$0x15600];
	[tilespmem:s3+$0x14580] =	vst v8;
	v8 =	vmul.f32 v50, v15  }
0x3b7: {  	v59 =	vld [tilespmem:s3+$0x15580];
	v61 =	vmul.f32 v54, v15;
	[tilespmem:s3+$0x15300] =	vst v58  }
0x3b8: {  	v63 =	vld [tilespmem:s3+$0x16300];
	[tilespmem:s3+$0x15280] =	vst v8;
	v8 =	vmul.f32 v53, v15  }
0x3b9: {  	v62 =	vld [tilespmem:s3+$0x16280];
	v16 =	vmul.f32 v57, v15;
	[tilespmem:s3+$0x15400] =	vst v61  }
0x3ba: {  	v18 =	vld [tilespmem:s3+$0x16400];
	[tilespmem:s3+$0x15380] =	vst v8;
	v8 =	vmul.f32 v56, v15  }
0x3bb: {  	v17 =	vld [tilespmem:s3+$0x16380];
	v19 =	vmul.f32 v60, v15;
	[tilespmem:s3+$0x15500] =	vst v16  }
0x3bc: {  	v21 =	vld [tilespmem:s3+$0x16500];
	[tilespmem:s3+$0x15480] =	vst v8;
	v8 =	vmul.f32 v59, v15  }
0x3bd: {  	v20 =	vld [tilespmem:s3+$0x16480];
	v22 =	vmul.f32 v63, v15;
	[tilespmem:s3+$0x15600] =	vst v19  }
0x3be: {  	v27 =	vld [tilespmem:s3+$0x17300];
	[tilespmem:s3+$0x15580] =	vst v8;
	v8 =	vmul.f32 v62, v15  }
0x3bf: {  	v23 =	vld [tilespmem:s3+$0x16580];
	v25 =	vmul.f32 v18, v15;
	[tilespmem:s3+$0x16300] =	vst v22  }
0x3c0: {  	v24 =	vld [tilespmem:s3+$0x16600];
	[tilespmem:s3+$0x16280] =	vst v8;
	v8 =	vmul.f32 v17, v15  }
0x3c1: {  	v26 =	vld [tilespmem:s3+$0x17280];
	v28 =	vmul.f32 v21, v15;
	[tilespmem:s3+$0x16400] =	vst v25  }
0x3c2: {  	v30 =	vld [tilespmem:s3+$0x17400];
	[tilespmem:s3+$0x16380] =	vst v8;
	v8 =	vmul.f32 v20, v15  }
0x3c3: {  	v29 =	vld [tilespmem:s3+$0x17380];
	v34 =	vmul.f32 v27, v15;
	[tilespmem:s3+$0x16500] =	vst v28  }
0x3c4: {  	v36 =	vld [tilespmem:s3+$0x17600];
	[tilespmem:s3+$0x16480] =	vst v8;
	v8 =	vmul.f32 v23, v15  }
0x3c5: {  	v32 =	vld [tilespmem:s3+$0x17480];
	v31 =	vmul.f32 v24, v15;
	[tilespmem:s3+$0x17300] =	vst v34  }
0x3c6: {  	v39 =	vld [tilespmem:s3+$0x18300];
	[tilespmem:s3+$0x16580] =	vst v8;
	v8 =	vmul.f32 v26, v15  }
0x3c7: {  	[tilespmem:s3+$0x16600] =	vst v31;
	v37 =	vmul.f32 v30, v15;
	v35 =	vld [tilespmem:s3+$0x17580]  }
0x3c8: {  	v42 =	vld [tilespmem:s3+$0x18400];
	[tilespmem:s3+$0x17280] =	vst v8;
	v8 =	vmul.f32 v29, v15  }
0x3c9: {  	v43 =	vmul.f32 v36, v15;
	[tilespmem:s3+$0x17400] =	vst v37;
	v38 =	vld [tilespmem:s3+$0x18280]  }
0x3ca: {  	v45 =	vld [tilespmem:s3+$0x18500];
	[tilespmem:s3+$0x17380] =	vst v8;
	v8 =	vmul.f32 v32, v15  }
0x3cb: {  	v46 =	vmul.f32 v39, v15;
	[tilespmem:s3+$0x17600] =	vst v43;
	v41 =	vld [tilespmem:s3+$0x18380]  }
0x3cc: {  	v48 =	vld [tilespmem:s3+$0x18600];
	[tilespmem:s3+$0x17480] =	vst v8;
	v8 =	vmul.f32 v35, v15  }
0x3cd: {  	v49 =	vmul.f32 v42, v15;
	[tilespmem:s3+$0x18300] =	vst v46;
	v44 =	vld [tilespmem:s3+$0x18480]  }
0x3ce: {  	v51 =	vld [tilespmem:s3+$0x19300];
	[tilespmem:s3+$0x17580] =	vst v8;
	v8 =	vmul.f32 v38, v15  }
0x3cf: {  	v52 =	vmul.f32 v45, v15;
	[tilespmem:s3+$0x18400] =	vst v49;
	v47 =	vld [tilespmem:s3+$0x18580]  }
0x3d0: {  	v54 =	vld [tilespmem:s3+$0x19400];
	[tilespmem:s3+$0x18280] =	vst v8;
	v8 =	vmul.f32 v41, v15  }
0x3d1: {  	v55 =	vmul.f32 v48, v15;
	[tilespmem:s3+$0x18500] =	vst v52;
	v50 =	vld [tilespmem:s3+$0x19280]  }
0x3d2: {  	v60 =	vld [tilespmem:s3+$0x19600];
	[tilespmem:s3+$0x18380] =	vst v8;
	v8 =	vmul.f32 v44, v15  }
0x3d3: {  	v58 =	vmul.f32 v51, v15;
	[tilespmem:s3+$0x18600] =	vst v55;
	v53 =	vld [tilespmem:s3+$0x19380]  }
0x3d4: {  	v33 =	vld [tilespmem:s3+$0x17500];
	[tilespmem:s3+$0x18480] =	vst v8;
	v8 =	vmul.f32 v47, v15  }
0x3d5: {  	v61 =	vmul.f32 v54, v15;
	[tilespmem:s3+$0x19300] =	vst v58;
	v56 =	vld [tilespmem:s3+$0x19480]  }
0x3d6: {  	v57 =	vld [tilespmem:s3+$0x19500];
	[tilespmem:s3+$0x18580] =	vst v8;
	v8 =	vmul.f32 v50, v15  }
0x3d7: {  	v63 =	vmul.f32 v60, v15;
	[tilespmem:s3+$0x19400] =	vst v61;
	v59 =	vld [tilespmem:s3+$0x19580]  }
0x3d8: {  	[tilespmem:s3+$0x19280] =	vst v8;
	v8 =	vmul.f32 v53, v15  }
0x3d9: {  	p0 =	sne.s32 s2, $0x1F0;
	[tilespmem:s3+$0x19600] =	vst v63;
	v40 =	vmul.f32 v33, v15  }
.Ltmp1:
0x3da: {  	[tilespmem:s3+$0x19380] =	vst v8;
	v8 =	vmul.f32 v56, v15;
	(pc) =	sbr.rel @p0 .LBB2_4-.Ltmp1, $4  }
0x3db: {  	[tilespmem:s3+$0x17500] =	vst v40;
	v62 =	vmul.f32 v57, v15  }
0x3dc: {  	[tilespmem:s3+$0x19480] =	vst v8;
	v8 =	vmul.f32 v59, v15  }
0x3dd: {  	[tilespmem:s3+$0x19500] =	vst v62  }
0x3de: {  	s1 =	sadd.s32 $0x80, s1;
	s2 =	sadd.s32 $0x10, s2;
	[tilespmem:s3+$0x19580] =	vst v8  }
0x3df: {  	s1 =	rddreg [dreg:$0x7];
	s2 =	simm.s32 $0x1000;
	s3 =	simm.s32 $0x20000  }
0x3e0: {  	[hbm4b:s1+s2] =	stream.strided.scatter [tilespmem:s21], [sflag:$0x9], $0x8000, s3, s2, $0x38;
	[tilespmem:$0x1A280] =	vst v63  }
0x3e1: {  	s3 =	simm.s32 $0x9  }
0x3e2: {  	_ =	swait.ge [sflag:s3], $0x8000  }
0x3e3: {  	s30 =	rddreg [dreg:$0x9]  }
0x3e4: {  	s31 =	rddreg [dreg:$0x8];
	s2 =	sadd.s32 $0x1, s30  }
0x3e5: {  	p0 =	sne.s32 s2, s31  }
.Ltmp2:
0x3e6: {  	_ = 	snop;
	(pc) =	sbr.rel @p0 .LBB2_1-.Ltmp2, $3  }
0x3e7: {  	_ =	sdelay $0x1  }
0x3e8: {  	[sflag:s3] =	ssyncset.done $0x0  }
0x3e9: {  	[sflag:s3] =	ssyncadd.s32 $0xFFFF8000  }
0x3ea: {  	_ =	sfence.sel $0x180000  }
0x3eb: {  	[bflag:$0x0] =	sbarrier.arrive $0xFFFF  }
0x3ec: {  	_ =	strace $0x90000047  }
0x3ed: {  	s0 =	stileid.u32;
	[bflag:$0x2] =	sbarrier.arrive $0xFFFF  }
0x3ee: {  	p0 =	sne.s32 s0, $0x0;
	s0 =	rddreg [dreg:$0x4]  }
0x3ef: {  	s0 =	sadd.s32 @!p0 $0x100000, s0  }
0x3f0: {  	[sflag:s0] =	ssyncadd.tile.s32 @!p0 $0x1;
	_ =	shalt  }
.Lfunc_end2:
_tile_overlayer_lowered:
.L_overlay_start_2:
0x3f1: {  	(tag) =	ssettag $0x2  }
0x3f2: {  	s0 =	rddreg [dreg:$0x0];
	s2 =	stileid.u32  }
0x3f3: {  	s1 =	rddreg [dreg:$0x1];
	p0 =	sne.s32 s2, $0x0  }
0x3f4: {  	s3 =	rddreg [dreg:$0x2];
	[bflag:$0x3] =	sbarrier.arrive $0xFFFF;
	s2 =	simm.s32 @!p0 $0x1C09  }
0x3f5: {  	[timem:s3], [sflag:s2] =	dma.local @!p0 [hbm:s0], s1  }
0x3f6: {  	s0 =	simm.s32 @!p0 $0x9  }
0x3f7: {  	_ =	swait.ge @!p0 [sflag:s0], s1  }
0x3f8: {  	s1 =	ssub.s32 @!p0 $0x0, s1;
	[sflag:s0] =	ssyncset.done @!p0 $0x0  }
0x3f9: {  	[sflag:s0] =	ssyncadd.s32 @!p0 s1  }
0x3fa: {  	[bflag:$0x3] =	sbarrier.arrive $0xFFFF  }
0x3fb: {  	_ =	shalt  }

</sc_bundles>
